<compile_context>
chip_gen: v7x
topology: tpu7x:2x2x1
jax: 0.10.2.dev20260603
libtpu: 0.0.44.dev20260713+nightly
codegen_flags: <defaults>
</compile_context>

<pallas_src>
import functools

import jax
import jax.numpy as jnp
from jax import lax
from jax.experimental import pallas as pl
from jax.experimental.pallas import tpu as pltpu
from jax.experimental.pallas import tpu_sc as plsc

NC = 2
NS = 16
NW = NC * NS

NUM_EMB = 1_000_000
D = 32
BATCH = 16384
HIST = 50
B = BATCH * HIST
BB = 128
NBT = BATCH // BB
BPW = NBT // NW


NTC = 7812
TAIL = NUM_EMB - NTC * BB
CW = 2 * BB
NU = NTC * BB // CW
KPW = NU // NW + 1


def _make_convert():
    mesh = plsc.VectorSubcoreMesh(
        core_axis_name="c", subcore_axis_name="s", num_cores=NC,
        num_subcores=NS)

    @functools.partial(
        pl.kernel,
        out_type=jax.ShapeDtypeStruct((NUM_EMB * D,), jnp.float32),
        mesh=mesh,
        scratch_types=[
            pltpu.VMEM((D, CW), jnp.float32),
            pltpu.VMEM((D, CW), jnp.float32),
            pltpu.VMEM((CW * D,), jnp.float32),
            pltpu.VMEM((CW * D,), jnp.float32),
            pltpu.VMEM((TAIL * D,), jnp.float32),
            pltpu.SemaphoreType.DMA,
            pltpu.SemaphoreType.DMA,
        ],
        compiler_params=pltpu.CompilerParams(needs_layout_passes=False),
    )
    def convert_kernel(wt_hbm, tail_hbm, out_hbm, in_a, in_b, out_a, out_b,
                       tail_v, isem, osem):
        wid = lax.axis_index("s") * NC + lax.axis_index("c")
        lanes = lax.iota(jnp.int32, 16)
        nk = jnp.where(wid < NU - (KPW - 1) * NW, KPW, KPW - 1)

        pltpu.async_copy(wt_hbm.at[:, pl.ds(wid * CW, CW)], in_a, isem)

        def unit(k, in_cur, out_cur, in_nxt):
            u = wid + k * NW

            @pl.when(u < NU)
            def _():
                @pl.when(k + 1 < nk)
                def _():
                    pltpu.async_copy(
                        wt_hbm.at[:, pl.ds((u + NW) * CW, CW)], in_nxt,
                        isem)

                pltpu.make_async_copy(
                    wt_hbm.at[:, pl.ds(u * CW, CW)], in_cur, isem).wait()

                @pl.when(k >= 2)
                def _():
                    pltpu.make_async_copy(
                        out_cur,
                        out_hbm.at[pl.ds((u - 2 * NW) * CW * D, CW * D)],
                        osem).wait()

                @pl.loop(0, D, unroll=4)
                def _(d0):
                    dvec = (d0 + lanes) & (D - 1)
                    for g in range(CW // 16):
                        cvec = lanes + g * 16
                        x = plsc.load_gather(in_cur, [dvec, cvec])
                        plsc.store_scatter(out_cur, [cvec * D + dvec], x)

                pltpu.async_copy(
                    out_cur, out_hbm.at[pl.ds(u * CW * D, CW * D)], osem)

        @pl.loop(0, KPW)
        def _(k):
            par = lax.rem(k, 2)

            @pl.when(par == 0)
            def _():
                unit(k, in_a, out_a, in_b)

            @pl.when(par == 1)
            def _():
                unit(k, in_b, out_b, in_a)

        for t in (2, 1):
            k = nk - t
            u = wid + k * NW
            pltpu.make_async_copy(
                out_a, out_hbm.at[pl.ds(u * CW * D, CW * D)], osem).wait()

        @pl.when(wid == 0)
        def _():
            pltpu.sync_copy(tail_hbm, tail_v)
            pltpu.sync_copy(
                tail_v, out_hbm.at[pl.ds(NTC * BB * D, TAIL * D)])

    return convert_kernel


def _make_gather():
    mesh = plsc.VectorSubcoreMesh(
        core_axis_name="c", subcore_axis_name="s", num_cores=NC,
        num_subcores=NS)

    @functools.partial(
        pl.kernel,
        out_type=jax.ShapeDtypeStruct((HIST, D // 8, NBT, 8, BB),
                                      jnp.float32),
        mesh=mesh,
        scratch_types=[
            pltpu.VMEM((BB * HIST,), jnp.int32),
            pltpu.VMEM((HIST, BB), jnp.int32),
            pltpu.VMEM((3, BB, D), jnp.float32),
            pltpu.VMEM((2, D // 8, 8, BB), jnp.float32),
            pltpu.SemaphoreType.DMA,
            pltpu.SemaphoreType.DMA,
        ],
        compiler_params=pltpu.CompilerParams(
            use_tc_tiling_on_sc=False, needs_layout_passes=False),
    )
    def gather_kernel(idx_hbm, table_hbm, out_hbm, idx_blk, idx_t, rows_v,
                      out_blk, gsem, osem):
        wid = lax.axis_index("s") * NC + lax.axis_index("c")
        lanes = lax.iota(jnp.int32, 16)

        @pl.loop(0, BPW)
        def _(bt_i):
            bt = wid * BPW + bt_i
            pltpu.sync_copy(idx_hbm.at[pl.ds(bt * BB * HIST, BB * HIST)],
                            idx_blk)

            @pl.loop(0, HIST)
            def _(h):
                for g in range(BB // 16):
                    vec = lanes * HIST + (g * 16 * HIST + h)
                    idx_t[h, pl.ds(g * 16, 16)] = plsc.load_gather(
                        idx_blk, [vec])

            pltpu.async_copy(
                table_hbm.at[idx_t.at[0]], rows_v.at[0], gsem)
            pltpu.async_copy(
                table_hbm.at[idx_t.at[1]], rows_v.at[1], gsem)

            @pl.loop(0, HIST)
            def _(h):
                b = lax.rem(h, 3)
                b2 = lax.rem(h, 2)

                @pl.when(h + 2 < HIST)
                def _():
                    pltpu.async_copy(
                        table_hbm.at[idx_t.at[h + 2]],
                        rows_v.at[lax.rem(h + 2, 3)], gsem)

                pltpu.make_async_copy(
                    table_hbm.at[idx_t.at[h]], rows_v.at[b], gsem).wait()

                @pl.when(h >= 2)
                def _():
                    pltpu.make_async_copy(
                        out_blk.at[b2], out_hbm.at[h - 2, :, bt],
                        osem).wait()

                @pl.loop(0, D, unroll=4)
                def _(d0):
                    dvec = (d0 + lanes) & (D - 1)
                    dt_v = dvec >> 3
                    ds_v = dvec & 7
                    for g in range(BB // 16):
                        rvec = lanes + g * 16
                        x = plsc.load_gather(rows_v.at[b], [rvec, dvec])
                        plsc.store_scatter(
                            out_blk.at[b2], [dt_v, ds_v, rvec], x)

                pltpu.async_copy(
                    out_blk.at[b2], out_hbm.at[h, :, bt], osem)

            for h in (HIST - 2, HIST - 1):
                pltpu.make_async_copy(
                    out_blk.at[h % 2], out_hbm.at[h, :, bt], osem).wait()

    return gather_kernel


_convert = _make_convert()
_gather = _make_gather()


@jax.jit
def kernel(resids_positional_encoded, embedder_weight):
    idx = resids_positional_encoded.astype(jnp.int32).reshape(-1)
    tail = embedder_weight[NTC * BB:].reshape(-1)
    table_lin = _convert(embedder_weight.T, tail)
    out = _gather(idx, table_lin.reshape(NUM_EMB, D))
    return out.transpose(2, 4, 0, 1, 3).reshape(BATCH, HIST, D)

# --- scband reference (transcript-rebuilt; emitter-appended) ---
"""Pipeline reference for scband-posit-tcrencoder-49134425866496 (READ-ONLY COPY).

The authoritative reference and input builder live on the scoring server;
editing this copy changes nothing except your own understanding.
"""

import jax, jax.numpy as jnp
import numpy as np

NUM_EMBEDDINGS = 1000000
EMBED_DIM = 32
BATCH = 16384
HIST_LEN = 50


def setup_inputs(seed: int = 0) -> dict:
    key = jax.random.key(seed)
    k1, k2 = jax.random.split(key)
    resids_positional_encoded = jax.random.randint(
        k1, (BATCH, HIST_LEN), 0, NUM_EMBEDDINGS
    )
    embedder_weight = jax.random.normal(
        k2, (NUM_EMBEDDINGS, EMBED_DIM), dtype=jnp.float32
    ) * 0.02
    return {
        "resids_positional_encoded": resids_positional_encoded,
        "embedder_weight": embedder_weight,
    }


def reference(resids_positional_encoded, embedder_weight):
    # nn.Embedding forward: row gather from the embedding table
    x = jnp.take(embedder_weight, resids_positional_encoded, axis=0)
    return x

if __name__ == "__main__":
    import jax
    _d = setup_inputs()
    print(jax.jit(kernel)(*tuple(_d.values())))

</pallas_src>

<mosaic_0001>
#map = affine_map<(d0, d1) -> (0, 0)>
#map1 = affine_map<(d0, d1) -> (0)>
module attributes {stable_mosaic.version = 14 : i64} {
  func.func @convert_kernel(%arg0: i32, %arg1: i32, %arg2: memref<32x1000000xf32, #tpu.memory_space<hbm>>, %arg3: memref<2048xf32, #tpu.memory_space<hbm>>, %arg4: memref<32000000xf32, #tpu.memory_space<hbm>>, %arg5: memref<32x256xf32, #tpu.memory_space<vmem>>, %arg6: memref<32x256xf32, #tpu.memory_space<vmem>>, %arg7: memref<8192xf32, #tpu.memory_space<vmem>>, %arg8: memref<8192xf32, #tpu.memory_space<vmem>>, %arg9: memref<2048xf32, #tpu.memory_space<vmem>>, %arg10: memref<!tpu.dma_semaphore, #tpu.memory_space<semaphore_mem>>, %arg11: memref<!tpu.dma_semaphore, #tpu.memory_space<semaphore_mem>>) attributes {dimension_semantics = [#tpu.dimension_semantics<core_parallel>, #tpu.dimension_semantics<subcore_parallel>], iteration_bounds = array<i64: 2, 16>, scalar_prefetch = 0 : i64, scratch_operands = 7 : i64, tpu.core_type = #tpu.core_type<sc_vector_subcore>, window_params = [{transform_indices = #map}, {transform_indices = #map1}, {transform_indices = #map1}]} {
    %mul3A = arith.constant 2 : i32
    %mul3A_0 = arith.muli %arg1, %mul3A : i32
    %add3A = arith.addi %mul3A_0, %arg0 : i32
    %iota3A = tpu.iota {dimensions = array<i32: 0>} : vector<16xi32>
    %lt3A = arith.constant 2 : i32
    %lt3A_1 = arith.cmpi slt, %add3A, %lt3A : i32
    %jit3A = arith.constant 123 : i32
    %jit3A_2 = arith.constant 122 : i32
    %select_n3A = arith.select %lt3A_1, %jit3A, %jit3A_2 : i32
    %mul3A_3 = arith.constant 256 : i32
    %mul3A_4 = arith.muli %add3A, %mul3A_3 : i32
    %dma_start3A = arith.constant 0 : i32
    %dma_start3A_5 = tpu.memref_slice %arg2[%dma_start3A, %mul3A_4] : memref<32x1000000xf32, #tpu.memory_space<hbm>> -> memref<32x256xf32, #tpu.memory_space<hbm>>
    %dma_start3A_6 = arith.constant 0 : i32
    %dma_start3A_7 = tpu.memref_slice %arg2[%dma_start3A_6, %mul3A_4] : memref<32x1000000xf32, #tpu.memory_space<hbm>> -> memref<32x256xf32, #tpu.memory_space<hbm>>
    tpu.enqueue_dma source(%dma_start3A_7 : memref<32x256xf32, #tpu.memory_space<hbm>>) target(%arg5 : memref<32x256xf32, #tpu.memory_space<vmem>>) target_semaphore(%arg10 : memref<!tpu.dma_semaphore, #tpu.memory_space<semaphore_mem>>)
    %scan3A = arith.constant 0 : i32
    %scan3A_8 = arith.constant 123 : i32
    %scan3A_9 = arith.addi %scan3A, %scan3A_8 : i32
    %scan3A_10 = arith.constant 1 : i32
    scf.for %scan3A_34 = %scan3A to %scan3A_9 step %scan3A_10  : i32 {
      %mul3A_35 = arith.constant 1 : i32
      %mul3A_36 = arith.muli %scan3A_34, %mul3A_35 : i32
      %add3A_37 = arith.constant 0 : i32
      %add3A_38 = arith.addi %add3A_37, %mul3A_36 : i32
      %rem3A = arith.constant 2 : i32
      %rem3A_39 = arith.remsi %add3A_38, %rem3A : i32
      %eq3A_40 = arith.constant 0 : i32
      %eq3A_41 = arith.cmpi eq, %rem3A_39, %eq3A_40 : i32
      %convert_element_type3A_42 = arith.extui %eq3A_41 : i1 to i32
      %cond3A_43 = arith.constant 0 : i32
      %cond3A_44 = arith.cmpi ne, %convert_element_type3A_42, %cond3A_43 : i32
      scf.if %cond3A_44 {
        %mul3A_50 = arith.constant 32 : i32
        %mul3A_51 = arith.muli %add3A_38, %mul3A_50 : i32
        %add3A_52 = arith.addi %add3A, %mul3A_51 : i32
        %lt3A_53 = arith.constant 3906 : i32
        %lt3A_54 = arith.cmpi slt, %add3A_52, %lt3A_53 : i32
        %convert_element_type3A_55 = arith.extui %lt3A_54 : i1 to i32
        %cond3A_56 = arith.constant 0 : i32
        %cond3A_57 = arith.cmpi ne, %convert_element_type3A_55, %cond3A_56 : i32
        scf.if %cond3A_57 {
          %add3A_58 = arith.constant 1 : i32
          %add3A_59 = arith.addi %add3A_38, %add3A_58 : i32
          %lt3A_60 = arith.cmpi slt, %add3A_59, %select_n3A : i32
          %convert_element_type3A_61 = arith.extui %lt3A_60 : i1 to i32
          %cond3A_62 = arith.constant 0 : i32
          %cond3A_63 = arith.cmpi ne, %convert_element_type3A_61, %cond3A_62 : i32
          scf.if %cond3A_63 {
            %add3A_85 = arith.constant 32 : i32
            %add3A_86 = arith.addi %add3A_52, %add3A_85 : i32
            %mul3A_87 = arith.constant 256 : i32
            %mul3A_88 = arith.muli %add3A_86, %mul3A_87 : i32
            %dma_start3A_89 = arith.constant 0 : i32
            %dma_start3A_90 = tpu.memref_slice %arg2[%dma_start3A_89, %mul3A_88] : memref<32x1000000xf32, #tpu.memory_space<hbm>> -> memref<32x256xf32, #tpu.memory_space<hbm>>
            %dma_start3A_91 = arith.constant 0 : i32
            %dma_start3A_92 = tpu.memref_slice %arg2[%dma_start3A_91, %mul3A_88] : memref<32x1000000xf32, #tpu.memory_space<hbm>> -> memref<32x256xf32, #tpu.memory_space<hbm>>
            tpu.enqueue_dma source(%dma_start3A_92 : memref<32x256xf32, #tpu.memory_space<hbm>>) target(%arg6 : memref<32x256xf32, #tpu.memory_space<vmem>>) target_semaphore(%arg10 : memref<!tpu.dma_semaphore, #tpu.memory_space<semaphore_mem>>)
          } else {
          }
          %mul3A_64 = arith.constant 256 : i32
          %mul3A_65 = arith.muli %add3A_52, %mul3A_64 : i32
          %dma_wait3A_66 = arith.constant 0 : i32
          %dma_wait3A_67 = tpu.memref_slice %arg2[%dma_wait3A_66, %mul3A_65] : memref<32x1000000xf32, #tpu.memory_space<hbm>> -> memref<32x256xf32, #tpu.memory_space<hbm>>
          %dma_wait3A_68 = arith.constant 0 : i32
          %dma_wait3A_69 = tpu.memref_slice %arg2[%dma_wait3A_68, %mul3A_65] : memref<32x1000000xf32, #tpu.memory_space<hbm>> -> memref<32x256xf32, #tpu.memory_space<hbm>>
          tpu.wait_dma2 semaphore(%arg10 : memref<!tpu.dma_semaphore, #tpu.memory_space<semaphore_mem>>) src(%dma_wait3A_69 : memref<32x256xf32, #tpu.memory_space<hbm>>) dst(%arg5 : memref<32x256xf32, #tpu.memory_space<vmem>>)
          %ge3A = arith.constant 2 : i32
          %ge3A_70 = arith.cmpi sge, %add3A_38, %ge3A : i32
          %convert_element_type3A_71 = arith.extui %ge3A_70 : i1 to i32
          %cond3A_72 = arith.constant 0 : i32
          %cond3A_73 = arith.cmpi ne, %convert_element_type3A_71, %cond3A_72 : i32
          scf.if %cond3A_73 {
            %sub3A_85 = arith.constant 64 : i32
            %sub3A_86 = arith.subi %add3A_52, %sub3A_85 : i32
            %mul3A_87 = arith.constant 256 : i32
            %mul3A_88 = arith.muli %sub3A_86, %mul3A_87 : i32
            %mul3A_89 = arith.constant 32 : i32
            %mul3A_90 = arith.muli %mul3A_88, %mul3A_89 : i32
            %dma_wait3A_91 = tpu.memref_slice %arg4[%mul3A_90] : memref<32000000xf32, #tpu.memory_space<hbm>> -> memref<8192xf32, #tpu.memory_space<hbm>>
            %dma_wait3A_92 = tpu.memref_slice %arg4[%mul3A_90] : memref<32000000xf32, #tpu.memory_space<hbm>> -> memref<8192xf32, #tpu.memory_space<hbm>>
            tpu.wait_dma2 semaphore(%arg11 : memref<!tpu.dma_semaphore, #tpu.memory_space<semaphore_mem>>) src(%arg7 : memref<8192xf32, #tpu.memory_space<vmem>>) dst(%dma_wait3A_92 : memref<8192xf32, #tpu.memory_space<hbm>>)
          } else {
          }
          %scan3A_74 = arith.constant 0 : i32
          %scan3A_75 = arith.constant 32 : i32
          %scan3A_76 = arith.addi %scan3A_74, %scan3A_75 : i32
          %scan3A_77 = arith.constant 4 : i32
          scf.for %scan3A_85 = %scan3A_74 to %scan3A_76 step %scan3A_77  : i32 {
            %mul3A_86 = arith.constant 1 : i32
            %mul3A_87 = arith.muli %scan3A_85, %mul3A_86 : i32
            %add3A_88 = arith.constant 0 : i32
            %add3A_89 = arith.addi %add3A_88, %mul3A_87 : i32
            %add3A_90 = vector.broadcast %add3A_89 : i32 to vector<16xi32>
            %add3A_91 = arith.addi %add3A_90, %iota3A : vector<16xi32>
            %and3A = arith.constant 31 : i32
            %and3A_92 = vector.broadcast %and3A : i32 to vector<16xi32>
            %and3A_93 = arith.andi %add3A_91, %and3A_92 : vector<16xi32>
            %add3A_94 = arith.constant 0 : i32
            %add3A_95 = vector.broadcast %add3A_94 : i32 to vector<16xi32>
            %add3A_96 = arith.addi %iota3A, %add3A_95 : vector<16xi32>
            %gather3A = tpu.vector_load_idx %arg5[%and3A_93, %add3A_96] : memref<32x256xf32, #tpu.memory_space<vmem>>[vector<16xi32>, vector<16xi32>], vector<16xf32>,
            %mul3A_97 = arith.constant 32 : i32
            %mul3A_98 = vector.broadcast %mul3A_97 : i32 to vector<16xi32>
            %mul3A_99 = arith.muli %add3A_96, %mul3A_98 : vector<16xi32>
            %add3A_100 = arith.addi %mul3A_99, %and3A_93 : vector<16xi32>
            tpu.vector_store_idx %arg7[%add3A_100], %gather3A : memref<8192xf32, #tpu.memory_space<vmem>>[vector<16xi32>], vector<16xf32>,
            %add3A_101 = arith.constant 16 : i32
            %add3A_102 = vector.broadcast %add3A_101 : i32 to vector<16xi32>
            %add3A_103 = arith.addi %iota3A, %add3A_102 : vector<16xi32>
            %gather3A_104 = tpu.vector_load_idx %arg5[%and3A_93, %add3A_103] : memref<32x256xf32, #tpu.memory_space<vmem>>[vector<16xi32>, vector<16xi32>], vector<16xf32>,
            %mul3A_105 = arith.constant 32 : i32
            %mul3A_106 = vector.broadcast %mul3A_105 : i32 to vector<16xi32>
            %mul3A_107 = arith.muli %add3A_103, %mul3A_106 : vector<16xi32>
            %add3A_108 = arith.addi %mul3A_107, %and3A_93 : vector<16xi32>
            tpu.vector_store_idx %arg7[%add3A_108], %gather3A_104 : memref<8192xf32, #tpu.memory_space<vmem>>[vector<16xi32>], vector<16xf32>,
            %add3A_109 = arith.constant 32 : i32
            %add3A_110 = vector.broadcast %add3A_109 : i32 to vector<16xi32>
            %add3A_111 = arith.addi %iota3A, %add3A_110 : vector<16xi32>
            %gather3A_112 = tpu.vector_load_idx %arg5[%and3A_93, %add3A_111] : memref<32x256xf32, #tpu.memory_space<vmem>>[vector<16xi32>, vector<16xi32>], vector<16xf32>,
            %mul3A_113 = arith.constant 32 : i32
            %mul3A_114 = vector.broadcast %mul3A_113 : i32 to vector<16xi32>
            %mul3A_115 = arith.muli %add3A_111, %mul3A_114 : vector<16xi32>
            %add3A_116 = arith.addi %mul3A_115, %and3A_93 : vector<16xi32>
            tpu.vector_store_idx %arg7[%add3A_116], %gather3A_112 : memref<8192xf32, #tpu.memory_space<vmem>>[vector<16xi32>], vector<16xf32>,
            %add3A_117 = arith.constant 48 : i32
            %add3A_118 = vector.broadcast %add3A_117 : i32 to vector<16xi32>
            %add3A_119 = arith.addi %iota3A, %add3A_118 : vector<16xi32>
            %gather3A_120 = tpu.vector_load_idx %arg5[%and3A_93, %add3A_119] : memref<32x256xf32, #tpu.memory_space<vmem>>[vector<16xi32>, vector<16xi32>], vector<16xf32>,
            %mul3A_121 = arith.constant 32 : i32
            %mul3A_122 = vector.broadcast %mul3A_121 : i32 to vector<16xi32>
            %mul3A_123 = arith.muli %add3A_119, %mul3A_122 : vector<16xi32>
            %add3A_124 = arith.addi %mul3A_123, %and3A_93 : vector<16xi32>
            tpu.vector_store_idx %arg7[%add3A_124], %gather3A_120 : memref<8192xf32, #tpu.memory_space<vmem>>[vector<16xi32>], vector<16xf32>,
            %add3A_125 = arith.constant 64 : i32
            %add3A_126 = vector.broadcast %add3A_125 : i32 to vector<16xi32>
            %add3A_127 = arith.addi %iota3A, %add3A_126 : vector<16xi32>
            %gather3A_128 = tpu.vector_load_idx %arg5[%and3A_93, %add3A_127] : memref<32x256xf32, #tpu.memory_space<vmem>>[vector<16xi32>, vector<16xi32>], vector<16xf32>,
            %mul3A_129 = arith.constant 32 : i32
            %mul3A_130 = vector.broadcast %mul3A_129 : i32 to vector<16xi32>
            %mul3A_131 = arith.muli %add3A_127, %mul3A_130 : vector<16xi32>
            %add3A_132 = arith.addi %mul3A_131, %and3A_93 : vector<16xi32>
            tpu.vector_store_idx %arg7[%add3A_132], %gather3A_128 : memref<8192xf32, #tpu.memory_space<vmem>>[vector<16xi32>], vector<16xf32>,
            %add3A_133 = arith.constant 80 : i32
            %add3A_134 = vector.broadcast %add3A_133 : i32 to vector<16xi32>
            %add3A_135 = arith.addi %iota3A, %add3A_134 : vector<16xi32>
            %gather3A_136 = tpu.vector_load_idx %arg5[%and3A_93, %add3A_135] : memref<32x256xf32, #tpu.memory_space<vmem>>[vector<16xi32>, vector<16xi32>], vector<16xf32>,
            %mul3A_137 = arith.constant 32 : i32
            %mul3A_138 = vector.broadcast %mul3A_137 : i32 to vector<16xi32>
            %mul3A_139 = arith.muli %add3A_135, %mul3A_138 : vector<16xi32>
            %add3A_140 = arith.addi %mul3A_139, %and3A_93 : vector<16xi32>
            tpu.vector_store_idx %arg7[%add3A_140], %gather3A_136 : memref<8192xf32, #tpu.memory_space<vmem>>[vector<16xi32>], vector<16xf32>,
            %add3A_141 = arith.constant 96 : i32
            %add3A_142 = vector.broadcast %add3A_141 : i32 to vector<16xi32>
            %add3A_143 = arith.addi %iota3A, %add3A_142 : vector<16xi32>
            %gather3A_144 = tpu.vector_load_idx %arg5[%and3A_93, %add3A_143] : memref<32x256xf32, #tpu.memory_space<vmem>>[vector<16xi32>, vector<16xi32>], vector<16xf32>,
            %mul3A_145 = arith.constant 32 : i32
            %mul3A_146 = vector.broadcast %mul3A_145 : i32 to vector<16xi32>
            %mul3A_147 = arith.muli %add3A_143, %mul3A_146 : vector<16xi32>
            %add3A_148 = arith.addi %mul3A_147, %and3A_93 : vector<16xi32>
            tpu.vector_store_idx %arg7[%add3A_148], %gather3A_144 : memref<8192xf32, #tpu.memory_space<vmem>>[vector<16xi32>], vector<16xf32>,
            %add3A_149 = arith.constant 112 : i32
            %add3A_150 = vector.broadcast %add3A_149 : i32 to vector<16xi32>
            %add3A_151 = arith.addi %iota3A, %add3A_150 : vector<16xi32>
            %gather3A_152 = tpu.vector_load_idx %arg5[%and3A_93, %add3A_151] : memref<32x256xf32, #tpu.memory_space<vmem>>[vector<16xi32>, vector<16xi32>], vector<16xf32>,
            %mul3A_153 = arith.constant 32 : i32
            %mul3A_154 = vector.broadcast %mul3A_153 : i32 to vector<16xi32>
            %mul3A_155 = arith.muli %add3A_151, %mul3A_154 : vector<16xi32>
            %add3A_156 = arith.addi %mul3A_155, %and3A_93 : vector<16xi32>
            tpu.vector_store_idx %arg7[%add3A_156], %gather3A_152 : memref<8192xf32, #tpu.memory_space<vmem>>[vector<16xi32>], vector<16xf32>,
            %add3A_157 = arith.constant 128 : i32
            %add3A_158 = vector.broadcast %add3A_157 : i32 to vector<16xi32>
            %add3A_159 = arith.addi %iota3A, %add3A_158 : vector<16xi32>
            %gather3A_160 = tpu.vector_load_idx %arg5[%and3A_93, %add3A_159] : memref<32x256xf32, #tpu.memory_space<vmem>>[vector<16xi32>, vector<16xi32>], vector<16xf32>,
            %mul3A_161 = arith.constant 32 : i32
            %mul3A_162 = vector.broadcast %mul3A_161 : i32 to vector<16xi32>
            %mul3A_163 = arith.muli %add3A_159, %mul3A_162 : vector<16xi32>
            %add3A_164 = arith.addi %mul3A_163, %and3A_93 : vector<16xi32>
            tpu.vector_store_idx %arg7[%add3A_164], %gather3A_160 : memref<8192xf32, #tpu.memory_space<vmem>>[vector<16xi32>], vector<16xf32>,
            %add3A_165 = arith.constant 144 : i32
            %add3A_166 = vector.broadcast %add3A_165 : i32 to vector<16xi32>
            %add3A_167 = arith.addi %iota3A, %add3A_166 : vector<16xi32>
            %gather3A_168 = tpu.vector_load_idx %arg5[%and3A_93, %add3A_167] : memref<32x256xf32, #tpu.memory_space<vmem>>[vector<16xi32>, vector<16xi32>], vector<16xf32>,
            %mul3A_169 = arith.constant 32 : i32
            %mul3A_170 = vector.broadcast %mul3A_169 : i32 to vector<16xi32>
            %mul3A_171 = arith.muli %add3A_167, %mul3A_170 : vector<16xi32>
            %add3A_172 = arith.addi %mul3A_171, %and3A_93 : vector<16xi32>
            tpu.vector_store_idx %arg7[%add3A_172], %gather3A_168 : memref<8192xf32, #tpu.memory_space<vmem>>[vector<16xi32>], vector<16xf32>,
            %add3A_173 = arith.constant 160 : i32
            %add3A_174 = vector.broadcast %add3A_173 : i32 to vector<16xi32>
            %add3A_175 = arith.addi %iota3A, %add3A_174 : vector<16xi32>
            %gather3A_176 = tpu.vector_load_idx %arg5[%and3A_93, %add3A_175] : memref<32x256xf32, #tpu.memory_space<vmem>>[vector<16xi32>, vector<16xi32>], vector<16xf32>,
            %mul3A_177 = arith.constant 32 : i32
            %mul3A_178 = vector.broadcast %mul3A_177 : i32 to vector<16xi32>
            %mul3A_179 = arith.muli %add3A_175, %mul3A_178 : vector<16xi32>
            %add3A_180 = arith.addi %mul3A_179, %and3A_93 : vector<16xi32>
            tpu.vector_store_idx %arg7[%add3A_180], %gather3A_176 : memref<8192xf32, #tpu.memory_space<vmem>>[vector<16xi32>], vector<16xf32>,
            %add3A_181 = arith.constant 176 : i32
            %add3A_182 = vector.broadcast %add3A_181 : i32 to vector<16xi32>
            %add3A_183 = arith.addi %iota3A, %add3A_182 : vector<16xi32>
            %gather3A_184 = tpu.vector_load_idx %arg5[%and3A_93, %add3A_183] : memref<32x256xf32, #tpu.memory_space<vmem>>[vector<16xi32>, vector<16xi32>], vector<16xf32>,
            %mul3A_185 = arith.constant 32 : i32
            %mul3A_186 = vector.broadcast %mul3A_185 : i32 to vector<16xi32>
            %mul3A_187 = arith.muli %add3A_183, %mul3A_186 : vector<16xi32>
            %add3A_188 = arith.addi %mul3A_187, %and3A_93 : vector<16xi32>
            tpu.vector_store_idx %arg7[%add3A_188], %gather3A_184 : memref<8192xf32, #tpu.memory_space<vmem>>[vector<16xi32>], vector<16xf32>,
            %add3A_189 = arith.constant 192 : i32
            %add3A_190 = vector.broadcast %add3A_189 : i32 to vector<16xi32>
            %add3A_191 = arith.addi %iota3A, %add3A_190 : vector<16xi32>
            %gather3A_192 = tpu.vector_load_idx %arg5[%and3A_93, %add3A_191] : memref<32x256xf32, #tpu.memory_space<vmem>>[vector<16xi32>, vector<16xi32>], vector<16xf32>,
            %mul3A_193 = arith.constant 32 : i32
            %mul3A_194 = vector.broadcast %mul3A_193 : i32 to vector<16xi32>
            %mul3A_195 = arith.muli %add3A_191, %mul3A_194 : vector<16xi32>
            %add3A_196 = arith.addi %mul3A_195, %and3A_93 : vector<16xi32>
            tpu.vector_store_idx %arg7[%add3A_196], %gather3A_192 : memref<8192xf32, #tpu.memory_space<vmem>>[vector<16xi32>], vector<16xf32>,
            %add3A_197 = arith.constant 208 : i32
            %add3A_198 = vector.broadcast %add3A_197 : i32 to vector<16xi32>
            %add3A_199 = arith.addi %iota3A, %add3A_198 : vector<16xi32>
            %gather3A_200 = tpu.vector_load_idx %arg5[%and3A_93, %add3A_199] : memref<32x256xf32, #tpu.memory_space<vmem>>[vector<16xi32>, vector<16xi32>], vector<16xf32>,
            %mul3A_201 = arith.constant 32 : i32
            %mul3A_202 = vector.broadcast %mul3A_201 : i32 to vector<16xi32>
            %mul3A_203 = arith.muli %add3A_199, %mul3A_202 : vector<16xi32>
            %add3A_204 = arith.addi %mul3A_203, %and3A_93 : vector<16xi32>
            tpu.vector_store_idx %arg7[%add3A_204], %gather3A_200 : memref<8192xf32, #tpu.memory_space<vmem>>[vector<16xi32>], vector<16xf32>,
            %add3A_205 = arith.constant 224 : i32
            %add3A_206 = vector.broadcast %add3A_205 : i32 to vector<16xi32>
            %add3A_207 = arith.addi %iota3A, %add3A_206 : vector<16xi32>
            %gather3A_208 = tpu.vector_load_idx %arg5[%and3A_93, %add3A_207] : memref<32x256xf32, #tpu.memory_space<vmem>>[vector<16xi32>, vector<16xi32>], vector<16xf32>,
            %mul3A_209 = arith.constant 32 : i32
            %mul3A_210 = vector.broadcast %mul3A_209 : i32 to vector<16xi32>
            %mul3A_211 = arith.muli %add3A_207, %mul3A_210 : vector<16xi32>
            %add3A_212 = arith.addi %mul3A_211, %and3A_93 : vector<16xi32>
            tpu.vector_store_idx %arg7[%add3A_212], %gather3A_208 : memref<8192xf32, #tpu.memory_space<vmem>>[vector<16xi32>], vector<16xf32>,
            %add3A_213 = arith.constant 240 : i32
            %add3A_214 = vector.broadcast %add3A_213 : i32 to vector<16xi32>
            %add3A_215 = arith.addi %iota3A, %add3A_214 : vector<16xi32>
            %gather3A_216 = tpu.vector_load_idx %arg5[%and3A_93, %add3A_215] : memref<32x256xf32, #tpu.memory_space<vmem>>[vector<16xi32>, vector<16xi32>], vector<16xf32>,
            %mul3A_217 = arith.constant 32 : i32
            %mul3A_218 = vector.broadcast %mul3A_217 : i32 to vector<16xi32>
            %mul3A_219 = arith.muli %add3A_215, %mul3A_218 : vector<16xi32>
            %add3A_220 = arith.addi %mul3A_219, %and3A_93 : vector<16xi32>
            tpu.vector_store_idx %arg7[%add3A_220], %gather3A_216 : memref<8192xf32, #tpu.memory_space<vmem>>[vector<16xi32>], vector<16xf32>,
            %scan3A_221 = arith.constant 1 : i32
            %scan3A_222 = arith.addi %scan3A_85, %scan3A_221 : i32
            %mul3A_223 = arith.constant 1 : i32
            %mul3A_224 = arith.muli %scan3A_222, %mul3A_223 : i32
            %add3A_225 = arith.constant 0 : i32
            %add3A_226 = arith.addi %add3A_225, %mul3A_224 : i32
            %add3A_227 = vector.broadcast %add3A_226 : i32 to vector<16xi32>
            %add3A_228 = arith.addi %add3A_227, %iota3A : vector<16xi32>
            %and3A_229 = arith.constant 31 : i32
            %and3A_230 = vector.broadcast %and3A_229 : i32 to vector<16xi32>
            %and3A_231 = arith.andi %add3A_228, %and3A_230 : vector<16xi32>
            %add3A_232 = arith.constant 0 : i32
            %add3A_233 = vector.broadcast %add3A_232 : i32 to vector<16xi32>
            %add3A_234 = arith.addi %iota3A, %add3A_233 : vector<16xi32>
            %gather3A_235 = tpu.vector_load_idx %arg5[%and3A_231, %add3A_234] : memref<32x256xf32, #tpu.memory_space<vmem>>[vector<16xi32>, vector<16xi32>], vector<16xf32>,
            %mul3A_236 = arith.constant 32 : i32
            %mul3A_237 = vector.broadcast %mul3A_236 : i32 to vector<16xi32>
            %mul3A_238 = arith.muli %add3A_234, %mul3A_237 : vector<16xi32>
            %add3A_239 = arith.addi %mul3A_238, %and3A_231 : vector<16xi32>
            tpu.vector_store_idx %arg7[%add3A_239], %gather3A_235 : memref<8192xf32, #tpu.memory_space<vmem>>[vector<16xi32>], vector<16xf32>,
            %add3A_240 = arith.constant 16 : i32
            %add3A_241 = vector.broadcast %add3A_240 : i32 to vector<16xi32>
            %add3A_242 = arith.addi %iota3A, %add3A_241 : vector<16xi32>
            %gather3A_243 = tpu.vector_load_idx %arg5[%and3A_231, %add3A_242] : memref<32x256xf32, #tpu.memory_space<vmem>>[vector<16xi32>, vector<16xi32>], vector<16xf32>,
            %mul3A_244 = arith.constant 32 : i32
            %mul3A_245 = vector.broadcast %mul3A_244 : i32 to vector<16xi32>
            %mul3A_246 = arith.muli %add3A_242, %mul3A_245 : vector<16xi32>
            %add3A_247 = arith.addi %mul3A_246, %and3A_231 : vector<16xi32>
            tpu.vector_store_idx %arg7[%add3A_247], %gather3A_243 : memref<8192xf32, #tpu.memory_space<vmem>>[vector<16xi32>], vector<16xf32>,
            %add3A_248 = arith.constant 32 : i32
            %add3A_249 = vector.broadcast %add3A_248 : i32 to vector<16xi32>
            %add3A_250 = arith.addi %iota3A, %add3A_249 : vector<16xi32>
            %gather3A_251 = tpu.vector_load_idx %arg5[%and3A_231, %add3A_250] : memref<32x256xf32, #tpu.memory_space<vmem>>[vector<16xi32>, vector<16xi32>], vector<16xf32>,
            %mul3A_252 = arith.constant 32 : i32
            %mul3A_253 = vector.broadcast %mul3A_252 : i32 to vector<16xi32>
            %mul3A_254 = arith.muli %add3A_250, %mul3A_253 : vector<16xi32>
            %add3A_255 = arith.addi %mul3A_254, %and3A_231 : vector<16xi32>
            tpu.vector_store_idx %arg7[%add3A_255], %gather3A_251 : memref<8192xf32, #tpu.memory_space<vmem>>[vector<16xi32>], vector<16xf32>,
            %add3A_256 = arith.constant 48 : i32
            %add3A_257 = vector.broadcast %add3A_256 : i32 to vector<16xi32>
            %add3A_258 = arith.addi %iota3A, %add3A_257 : vector<16xi32>
            %gather3A_259 = tpu.vector_load_idx %arg5[%and3A_231, %add3A_258] : memref<32x256xf32, #tpu.memory_space<vmem>>[vector<16xi32>, vector<16xi32>], vector<16xf32>,
            %mul3A_260 = arith.constant 32 : i32
            %mul3A_261 = vector.broadcast %mul3A_260 : i32 to vector<16xi32>
            %mul3A_262 = arith.muli %add3A_258, %mul3A_261 : vector<16xi32>
            %add3A_263 = arith.addi %mul3A_262, %and3A_231 : vector<16xi32>
            tpu.vector_store_idx %arg7[%add3A_263], %gather3A_259 : memref<8192xf32, #tpu.memory_space<vmem>>[vector<16xi32>], vector<16xf32>,
            %add3A_264 = arith.constant 64 : i32
            %add3A_265 = vector.broadcast %add3A_264 : i32 to vector<16xi32>
            %add3A_266 = arith.addi %iota3A, %add3A_265 : vector<16xi32>
            %gather3A_267 = tpu.vector_load_idx %arg5[%and3A_231, %add3A_266] : memref<32x256xf32, #tpu.memory_space<vmem>>[vector<16xi32>, vector<16xi32>], vector<16xf32>,
            %mul3A_268 = arith.constant 32 : i32
            %mul3A_269 = vector.broadcast %mul3A_268 : i32 to vector<16xi32>
            %mul3A_270 = arith.muli %add3A_266, %mul3A_269 : vector<16xi32>
            %add3A_271 = arith.addi %mul3A_270, %and3A_231 : vector<16xi32>
            tpu.vector_store_idx %arg7[%add3A_271], %gather3A_267 : memref<8192xf32, #tpu.memory_space<vmem>>[vector<16xi32>], vector<16xf32>,
            %add3A_272 = arith.constant 80 : i32
            %add3A_273 = vector.broadcast %add3A_272 : i32 to vector<16xi32>
            %add3A_274 = arith.addi %iota3A, %add3A_273 : vector<16xi32>
            %gather3A_275 = tpu.vector_load_idx %arg5[%and3A_231, %add3A_274] : memref<32x256xf32, #tpu.memory_space<vmem>>[vector<16xi32>, vector<16xi32>], vector<16xf32>,
            %mul3A_276 = arith.constant 32 : i32
            %mul3A_277 = vector.broadcast %mul3A_276 : i32 to vector<16xi32>
            %mul3A_278 = arith.muli %add3A_274, %mul3A_277 : vector<16xi32>
            %add3A_279 = arith.addi %mul3A_278, %and3A_231 : vector<16xi32>
            tpu.vector_store_idx %arg7[%add3A_279], %gather3A_275 : memref<8192xf32, #tpu.memory_space<vmem>>[vector<16xi32>], vector<16xf32>,
            %add3A_280 = arith.constant 96 : i32
            %add3A_281 = vector.broadcast %add3A_280 : i32 to vector<16xi32>
            %add3A_282 = arith.addi %iota3A, %add3A_281 : vector<16xi32>
            %gather3A_283 = tpu.vector_load_idx %arg5[%and3A_231, %add3A_282] : memref<32x256xf32, #tpu.memory_space<vmem>>[vector<16xi32>, vector<16xi32>], vector<16xf32>,
            %mul3A_284 = arith.constant 32 : i32
            %mul3A_285 = vector.broadcast %mul3A_284 : i32 to vector<16xi32>
            %mul3A_286 = arith.muli %add3A_282, %mul3A_285 : vector<16xi32>
            %add3A_287 = arith.addi %mul3A_286, %and3A_231 : vector<16xi32>
            tpu.vector_store_idx %arg7[%add3A_287], %gather3A_283 : memref<8192xf32, #tpu.memory_space<vmem>>[vector<16xi32>], vector<16xf32>,
            %add3A_288 = arith.constant 112 : i32
            %add3A_289 = vector.broadcast %add3A_288 : i32 to vector<16xi32>
            %add3A_290 = arith.addi %iota3A, %add3A_289 : vector<16xi32>
            %gather3A_291 = tpu.vector_load_idx %arg5[%and3A_231, %add3A_290] : memref<32x256xf32, #tpu.memory_space<vmem>>[vector<16xi32>, vector<16xi32>], vector<16xf32>,
            %mul3A_292 = arith.constant 32 : i32
            %mul3A_293 = vector.broadcast %mul3A_292 : i32 to vector<16xi32>
            %mul3A_294 = arith.muli %add3A_290, %mul3A_293 : vector<16xi32>
            %add3A_295 = arith.addi %mul3A_294, %and3A_231 : vector<16xi32>
            tpu.vector_store_idx %arg7[%add3A_295], %gather3A_291 : memref<8192xf32, #tpu.memory_space<vmem>>[vector<16xi32>], vector<16xf32>,
            %add3A_296 = arith.constant 128 : i32
            %add3A_297 = vector.broadcast %add3A_296 : i32 to vector<16xi32>
            %add3A_298 = arith.addi %iota3A, %add3A_297 : vector<16xi32>
            %gather3A_299 = tpu.vector_load_idx %arg5[%and3A_231, %add3A_298] : memref<32x256xf32, #tpu.memory_space<vmem>>[vector<16xi32>, vector<16xi32>], vector<16xf32>,
            %mul3A_300 = arith.constant 32 : i32
            %mul3A_301 = vector.broadcast %mul3A_300 : i32 to vector<16xi32>
            %mul3A_302 = arith.muli %add3A_298, %mul3A_301 : vector<16xi32>
            %add3A_303 = arith.addi %mul3A_302, %and3A_231 : vector<16xi32>
            tpu.vector_store_idx %arg7[%add3A_303], %gather3A_299 : memref<8192xf32, #tpu.memory_space<vmem>>[vector<16xi32>], vector<16xf32>,
            %add3A_304 = arith.constant 144 : i32
            %add3A_305 = vector.broadcast %add3A_304 : i32 to vector<16xi32>
            %add3A_306 = arith.addi %iota3A, %add3A_305 : vector<16xi32>
            %gather3A_307 = tpu.vector_load_idx %arg5[%and3A_231, %add3A_306] : memref<32x256xf32, #tpu.memory_space<vmem>>[vector<16xi32>, vector<16xi32>], vector<16xf32>,
            %mul3A_308 = arith.constant 32 : i32
            %mul3A_309 = vector.broadcast %mul3A_308 : i32 to vector<16xi32>
            %mul3A_310 = arith.muli %add3A_306, %mul3A_309 : vector<16xi32>
            %add3A_311 = arith.addi %mul3A_310, %and3A_231 : vector<16xi32>
            tpu.vector_store_idx %arg7[%add3A_311], %gather3A_307 : memref<8192xf32, #tpu.memory_space<vmem>>[vector<16xi32>], vector<16xf32>,
            %add3A_312 = arith.constant 160 : i32
            %add3A_313 = vector.broadcast %add3A_312 : i32 to vector<16xi32>
            %add3A_314 = arith.addi %iota3A, %add3A_313 : vector<16xi32>
            %gather3A_315 = tpu.vector_load_idx %arg5[%and3A_231, %add3A_314] : memref<32x256xf32, #tpu.memory_space<vmem>>[vector<16xi32>, vector<16xi32>], vector<16xf32>,
            %mul3A_316 = arith.constant 32 : i32
            %mul3A_317 = vector.broadcast %mul3A_316 : i32 to vector<16xi32>
            %mul3A_318 = arith.muli %add3A_314, %mul3A_317 : vector<16xi32>
            %add3A_319 = arith.addi %mul3A_318, %and3A_231 : vector<16xi32>
            tpu.vector_store_idx %arg7[%add3A_319], %gather3A_315 : memref<8192xf32, #tpu.memory_space<vmem>>[vector<16xi32>], vector<16xf32>,
            %add3A_320 = arith.constant 176 : i32
            %add3A_321 = vector.broadcast %add3A_320 : i32 to vector<16xi32>
            %add3A_322 = arith.addi %iota3A, %add3A_321 : vector<16xi32>
            %gather3A_323 = tpu.vector_load_idx %arg5[%and3A_231, %add3A_322] : memref<32x256xf32, #tpu.memory_space<vmem>>[vector<16xi32>, vector<16xi32>], vector<16xf32>,
            %mul3A_324 = arith.constant 32 : i32
            %mul3A_325 = vector.broadcast %mul3A_324 : i32 to vector<16xi32>
            %mul3A_326 = arith.muli %add3A_322, %mul3A_325 : vector<16xi32>
            %add3A_327 = arith.addi %mul3A_326, %and3A_231 : vector<16xi32>
            tpu.vector_store_idx %arg7[%add3A_327], %gather3A_323 : memref<8192xf32, #tpu.memory_space<vmem>>[vector<16xi32>], vector<16xf32>,
            %add3A_328 = arith.constant 192 : i32
            %add3A_329 = vector.broadcast %add3A_328 : i32 to vector<16xi32>
            %add3A_330 = arith.addi %iota3A, %add3A_329 : vector<16xi32>
            %gather3A_331 = tpu.vector_load_idx %arg5[%and3A_231, %add3A_330] : memref<32x256xf32, #tpu.memory_space<vmem>>[vector<16xi32>, vector<16xi32>], vector<16xf32>,
            %mul3A_332 = arith.constant 32 : i32
            %mul3A_333 = vector.broadcast %mul3A_332 : i32 to vector<16xi32>
            %mul3A_334 = arith.muli %add3A_330, %mul3A_333 : vector<16xi32>
            %add3A_335 = arith.addi %mul3A_334, %and3A_231 : vector<16xi32>
            tpu.vector_store_idx %arg7[%add3A_335], %gather3A_331 : memref<8192xf32, #tpu.memory_space<vmem>>[vector<16xi32>], vector<16xf32>,
            %add3A_336 = arith.constant 208 : i32
            %add3A_337 = vector.broadcast %add3A_336 : i32 to vector<16xi32>
            %add3A_338 = arith.addi %iota3A, %add3A_337 : vector<16xi32>
            %gather3A_339 = tpu.vector_load_idx %arg5[%and3A_231, %add3A_338] : memref<32x256xf32, #tpu.memory_space<vmem>>[vector<16xi32>, vector<16xi32>], vector<16xf32>,
            %mul3A_340 = arith.constant 32 : i32
            %mul3A_341 = vector.broadcast %mul3A_340 : i32 to vector<16xi32>
            %mul3A_342 = arith.muli %add3A_338, %mul3A_341 : vector<16xi32>
            %add3A_343 = arith.addi %mul3A_342, %and3A_231 : vector<16xi32>
            tpu.vector_store_idx %arg7[%add3A_343], %gather3A_339 : memref<8192xf32, #tpu.memory_space<vmem>>[vector<16xi32>], vector<16xf32>,
            %add3A_344 = arith.constant 224 : i32
            %add3A_345 = vector.broadcast %add3A_344 : i32 to vector<16xi32>
            %add3A_346 = arith.addi %iota3A, %add3A_345 : vector<16xi32>
            %gather3A_347 = tpu.vector_load_idx %arg5[%and3A_231, %add3A_346] : memref<32x256xf32, #tpu.memory_space<vmem>>[vector<16xi32>, vector<16xi32>], vector<16xf32>,
            %mul3A_348 = arith.constant 32 : i32
            %mul3A_349 = vector.broadcast %mul3A_348 : i32 to vector<16xi32>
            %mul3A_350 = arith.muli %add3A_346, %mul3A_349 : vector<16xi32>
            %add3A_351 = arith.addi %mul3A_350, %and3A_231 : vector<16xi32>
            tpu.vector_store_idx %arg7[%add3A_351], %gather3A_347 : memref<8192xf32, #tpu.memory_space<vmem>>[vector<16xi32>], vector<16xf32>,
            %add3A_352 = arith.constant 240 : i32
            %add3A_353 = vector.broadcast %add3A_352 : i32 to vector<16xi32>
            %add3A_354 = arith.addi %iota3A, %add3A_353 : vector<16xi32>
            %gather3A_355 = tpu.vector_load_idx %arg5[%and3A_231, %add3A_354] : memref<32x256xf32, #tpu.memory_space<vmem>>[vector<16xi32>, vector<16xi32>], vector<16xf32>,
            %mul3A_356 = arith.constant 32 : i32
            %mul3A_357 = vector.broadcast %mul3A_356 : i32 to vector<16xi32>
            %mul3A_358 = arith.muli %add3A_354, %mul3A_357 : vector<16xi32>
            %add3A_359 = arith.addi %mul3A_358, %and3A_231 : vector<16xi32>
            tpu.vector_store_idx %arg7[%add3A_359], %gather3A_355 : memref<8192xf32, #tpu.memory_space<vmem>>[vector<16xi32>], vector<16xf32>,
            %scan3A_360 = arith.constant 2 : i32
            %scan3A_361 = arith.addi %scan3A_85, %scan3A_360 : i32
            %mul3A_362 = arith.constant 1 : i32
            %mul3A_363 = arith.muli %scan3A_361, %mul3A_362 : i32
            %add3A_364 = arith.constant 0 : i32
            %add3A_365 = arith.addi %add3A_364, %mul3A_363 : i32
            %add3A_366 = vector.broadcast %add3A_365 : i32 to vector<16xi32>
            %add3A_367 = arith.addi %add3A_366, %iota3A : vector<16xi32>
            %and3A_368 = arith.constant 31 : i32
            %and3A_369 = vector.broadcast %and3A_368 : i32 to vector<16xi32>
            %and3A_370 = arith.andi %add3A_367, %and3A_369 : vector<16xi32>
            %add3A_371 = arith.constant 0 : i32
            %add3A_372 = vector.broadcast %add3A_371 : i32 to vector<16xi32>
            %add3A_373 = arith.addi %iota3A, %add3A_372 : vector<16xi32>
            %gather3A_374 = tpu.vector_load_idx %arg5[%and3A_370, %add3A_373] : memref<32x256xf32, #tpu.memory_space<vmem>>[vector<16xi32>, vector<16xi32>], vector<16xf32>,
            %mul3A_375 = arith.constant 32 : i32
            %mul3A_376 = vector.broadcast %mul3A_375 : i32 to vector<16xi32>
            %mul3A_377 = arith.muli %add3A_373, %mul3A_376 : vector<16xi32>
            %add3A_378 = arith.addi %mul3A_377, %and3A_370 : vector<16xi32>
            tpu.vector_store_idx %arg7[%add3A_378], %gather3A_374 : memref<8192xf32, #tpu.memory_space<vmem>>[vector<16xi32>], vector<16xf32>,
            %add3A_379 = arith.constant 16 : i32
            %add3A_380 = vector.broadcast %add3A_379 : i32 to vector<16xi32>
            %add3A_381 = arith.addi %iota3A, %add3A_380 : vector<16xi32>
            %gather3A_382 = tpu.vector_load_idx %arg5[%and3A_370, %add3A_381] : memref<32x256xf32, #tpu.memory_space<vmem>>[vector<16xi32>, vector<16xi32>], vector<16xf32>,
            %mul3A_383 = arith.constant 32 : i32
            %mul3A_384 = vector.broadcast %mul3A_383 : i32 to vector<16xi32>
            %mul3A_385 = arith.muli %add3A_381, %mul3A_384 : vector<16xi32>
            %add3A_386 = arith.addi %mul3A_385, %and3A_370 : vector<16xi32>
            tpu.vector_store_idx %arg7[%add3A_386], %gather3A_382 : memref<8192xf32, #tpu.memory_space<vmem>>[vector<16xi32>], vector<16xf32>,
            %add3A_387 = arith.constant 32 : i32
            %add3A_388 = vector.broadcast %add3A_387 : i32 to vector<16xi32>
            %add3A_389 = arith.addi %iota3A, %add3A_388 : vector<16xi32>
            %gather3A_390 = tpu.vector_load_idx %arg5[%and3A_370, %add3A_389] : memref<32x256xf32, #tpu.memory_space<vmem>>[vector<16xi32>, vector<16xi32>], vector<16xf32>,
            %mul3A_391 = arith.constant 32 : i32
            %mul3A_392 = vector.broadcast %mul3A_391 : i32 to vector<16xi32>
            %mul3A_393 = arith.muli %add3A_389, %mul3A_392 : vector<16xi32>
            %add3A_394 = arith.addi %mul3A_393, %and3A_370 : vector<16xi32>
            tpu.vector_store_idx %arg7[%add3A_394], %gather3A_390 : memref<8192xf32, #tpu.memory_space<vmem>>[vector<16xi32>], vector<16xf32>,
            %add3A_395 = arith.constant 48 : i32
            %add3A_396 = vector.broadcast %add3A_395 : i32 to vector<16xi32>
            %add3A_397 = arith.addi %iota3A, %add3A_396 : vector<16xi32>
            %gather3A_398 = tpu.vector_load_idx %arg5[%and3A_370, %add3A_397] : memref<32x256xf32, #tpu.memory_space<vmem>>[vector<16xi32>, vector<16xi32>], vector<16xf32>,
            %mul3A_399 = arith.constant 32 : i32
            %mul3A_400 = vector.broadcast %mul3A_399 : i32 to vector<16xi32>
            %mul3A_401 = arith.muli %add3A_397, %mul3A_400 : vector<16xi32>
            %add3A_402 = arith.addi %mul3A_401, %and3A_370 : vector<16xi32>
            tpu.vector_store_idx %arg7[%add3A_402], %gather3A_398 : memref<8192xf32, #tpu.memory_space<vmem>>[vector<16xi32>], vector<16xf32>,
            %add3A_403 = arith.constant 64 : i32
            %add3A_404 = vector.broadcast %add3A_403 : i32 to vector<16xi32>
            %add3A_405 = arith.addi %iota3A, %add3A_404 : vector<16xi32>
            %gather3A_406 = tpu.vector_load_idx %arg5[%and3A_370, %add3A_405] : memref<32x256xf32, #tpu.memory_space<vmem>>[vector<16xi32>, vector<16xi32>], vector<16xf32>,
            %mul3A_407 = arith.constant 32 : i32
            %mul3A_408 = vector.broadcast %mul3A_407 : i32 to vector<16xi32>
            %mul3A_409 = arith.muli %add3A_405, %mul3A_408 : vector<16xi32>
            %add3A_410 = arith.addi %mul3A_409, %and3A_370 : vector<16xi32>
            tpu.vector_store_idx %arg7[%add3A_410], %gather3A_406 : memref<8192xf32, #tpu.memory_space<vmem>>[vector<16xi32>], vector<16xf32>,
            %add3A_411 = arith.constant 80 : i32
            %add3A_412 = vector.broadcast %add3A_411 : i32 to vector<16xi32>
            %add3A_413 = arith.addi %iota3A, %add3A_412 : vector<16xi32>
            %gather3A_414 = tpu.vector_load_idx %arg5[%and3A_370, %add3A_413] : memref<32x256xf32, #tpu.memory_space<vmem>>[vector<16xi32>, vector<16xi32>], vector<16xf32>,
            %mul3A_415 = arith.constant 32 : i32
            %mul3A_416 = vector.broadcast %mul3A_415 : i32 to vector<16xi32>
            %mul3A_417 = arith.muli %add3A_413, %mul3A_416 : vector<16xi32>
            %add3A_418 = arith.addi %mul3A_417, %and3A_370 : vector<16xi32>
            tpu.vector_store_idx %arg7[%add3A_418], %gather3A_414 : memref<8192xf32, #tpu.memory_space<vmem>>[vector<16xi32>], vector<16xf32>,
            %add3A_419 = arith.constant 96 : i32
            %add3A_420 = vector.broadcast %add3A_419 : i32 to vector<16xi32>
            %add3A_421 = arith.addi %iota3A, %add3A_420 : vector<16xi32>
            %gather3A_422 = tpu.vector_load_idx %arg5[%and3A_370, %add3A_421] : memref<32x256xf32, #tpu.memory_space<vmem>>[vector<16xi32>, vector<16xi32>], vector<16xf32>,
            %mul3A_423 = arith.constant 32 : i32
            %mul3A_424 = vector.broadcast %mul3A_423 : i32 to vector<16xi32>
            %mul3A_425 = arith.muli %add3A_421, %mul3A_424 : vector<16xi32>
            %add3A_426 = arith.addi %mul3A_425, %and3A_370 : vector<16xi32>
            tpu.vector_store_idx %arg7[%add3A_426], %gather3A_422 : memref<8192xf32, #tpu.memory_space<vmem>>[vector<16xi32>], vector<16xf32>,
            %add3A_427 = arith.constant 112 : i32
            %add3A_428 = vector.broadcast %add3A_427 : i32 to vector<16xi32>
            %add3A_429 = arith.addi %iota3A, %add3A_428 : vector<16xi32>
            %gather3A_430 = tpu.vector_load_idx %arg5[%and3A_370, %add3A_429] : memref<32x256xf32, #tpu.memory_space<vmem>>[vector<16xi32>, vector<16xi32>], vector<16xf32>,
            %mul3A_431 = arith.constant 32 : i32
            %mul3A_432 = vector.broadcast %mul3A_431 : i32 to vector<16xi32>
            %mul3A_433 = arith.muli %add3A_429, %mul3A_432 : vector<16xi32>
            %add3A_434 = arith.addi %mul3A_433, %and3A_370 : vector<16xi32>
            tpu.vector_store_idx %arg7[%add3A_434], %gather3A_430 : memref<8192xf32, #tpu.memory_space<vmem>>[vector<16xi32>], vector<16xf32>,
            %add3A_435 = arith.constant 128 : i32
            %add3A_436 = vector.broadcast %add3A_435 : i32 to vector<16xi32>
            %add3A_437 = arith.addi %iota3A, %add3A_436 : vector<16xi32>
            %gather3A_438 = tpu.vector_load_idx %arg5[%and3A_370, %add3A_437] : memref<32x256xf32, #tpu.memory_space<vmem>>[vector<16xi32>, vector<16xi32>], vector<16xf32>,
            %mul3A_439 = arith.constant 32 : i32
            %mul3A_440 = vector.broadcast %mul3A_439 : i32 to vector<16xi32>
            %mul3A_441 = arith.muli %add3A_437, %mul3A_440 : vector<16xi32>
            %add3A_442 = arith.addi %mul3A_441, %and3A_370 : vector<16xi32>
            tpu.vector_store_idx %arg7[%add3A_442], %gather3A_438 : memref<8192xf32, #tpu.memory_space<vmem>>[vector<16xi32>], vector<16xf32>,
            %add3A_443 = arith.constant 144 : i32
            %add3A_444 = vector.broadcast %add3A_443 : i32 to vector<16xi32>
            %add3A_445 = arith.addi %iota3A, %add3A_444 : vector<16xi32>
            %gather3A_446 = tpu.vector_load_idx %arg5[%and3A_370, %add3A_445] : memref<32x256xf32, #tpu.memory_space<vmem>>[vector<16xi32>, vector<16xi32>], vector<16xf32>,
            %mul3A_447 = arith.constant 32 : i32
            %mul3A_448 = vector.broadcast %mul3A_447 : i32 to vector<16xi32>
            %mul3A_449 = arith.muli %add3A_445, %mul3A_448 : vector<16xi32>
            %add3A_450 = arith.addi %mul3A_449, %and3A_370 : vector<16xi32>
            tpu.vector_store_idx %arg7[%add3A_450], %gather3A_446 : memref<8192xf32, #tpu.memory_space<vmem>>[vector<16xi32>], vector<16xf32>,
            %add3A_451 = arith.constant 160 : i32
            %add3A_452 = vector.broadcast %add3A_451 : i32 to vector<16xi32>
            %add3A_453 = arith.addi %iota3A, %add3A_452 : vector<16xi32>
            %gather3A_454 = tpu.vector_load_idx %arg5[%and3A_370, %add3A_453] : memref<32x256xf32, #tpu.memory_space<vmem>>[vector<16xi32>, vector<16xi32>], vector<16xf32>,
            %mul3A_455 = arith.constant 32 : i32
            %mul3A_456 = vector.broadcast %mul3A_455 : i32 to vector<16xi32>
            %mul3A_457 = arith.muli %add3A_453, %mul3A_456 : vector<16xi32>
            %add3A_458 = arith.addi %mul3A_457, %and3A_370 : vector<16xi32>
            tpu.vector_store_idx %arg7[%add3A_458], %gather3A_454 : memref<8192xf32, #tpu.memory_space<vmem>>[vector<16xi32>], vector<16xf32>,
            %add3A_459 = arith.constant 176 : i32
            %add3A_460 = vector.broadcast %add3A_459 : i32 to vector<16xi32>
            %add3A_461 = arith.addi %iota3A, %add3A_460 : vector<16xi32>
            %gather3A_462 = tpu.vector_load_idx %arg5[%and3A_370, %add3A_461] : memref<32x256xf32, #tpu.memory_space<vmem>>[vector<16xi32>, vector<16xi32>], vector<16xf32>,
            %mul3A_463 = arith.constant 32 : i32
            %mul3A_464 = vector.broadcast %mul3A_463 : i32 to vector<16xi32>
            %mul3A_465 = arith.muli %add3A_461, %mul3A_464 : vector<16xi32>
            %add3A_466 = arith.addi %mul3A_465, %and3A_370 : vector<16xi32>
            tpu.vector_store_idx %arg7[%add3A_466], %gather3A_462 : memref<8192xf32, #tpu.memory_space<vmem>>[vector<16xi32>], vector<16xf32>,
            %add3A_467 = arith.constant 192 : i32
            %add3A_468 = vector.broadcast %add3A_467 : i32 to vector<16xi32>
            %add3A_469 = arith.addi %iota3A, %add3A_468 : vector<16xi32>
            %gather3A_470 = tpu.vector_load_idx %arg5[%and3A_370, %add3A_469] : memref<32x256xf32, #tpu.memory_space<vmem>>[vector<16xi32>, vector<16xi32>], vector<16xf32>,
            %mul3A_471 = arith.constant 32 : i32
            %mul3A_472 = vector.broadcast %mul3A_471 : i32 to vector<16xi32>
            %mul3A_473 = arith.muli %add3A_469, %mul3A_472 : vector<16xi32>
            %add3A_474 = arith.addi %mul3A_473, %and3A_370 : vector<16xi32>
            tpu.vector_store_idx %arg7[%add3A_474], %gather3A_470 : memref<8192xf32, #tpu.memory_space<vmem>>[vector<16xi32>], vector<16xf32>,
            %add3A_475 = arith.constant 208 : i32
            %add3A_476 = vector.broadcast %add3A_475 : i32 to vector<16xi32>
            %add3A_477 = arith.addi %iota3A, %add3A_476 : vector<16xi32>
            %gather3A_478 = tpu.vector_load_idx %arg5[%and3A_370, %add3A_477] : memref<32x256xf32, #tpu.memory_space<vmem>>[vector<16xi32>, vector<16xi32>], vector<16xf32>,
            %mul3A_479 = arith.constant 32 : i32
            %mul3A_480 = vector.broadcast %mul3A_479 : i32 to vector<16xi32>
            %mul3A_481 = arith.muli %add3A_477, %mul3A_480 : vector<16xi32>
            %add3A_482 = arith.addi %mul3A_481, %and3A_370 : vector<16xi32>
            tpu.vector_store_idx %arg7[%add3A_482], %gather3A_478 : memref<8192xf32, #tpu.memory_space<vmem>>[vector<16xi32>], vector<16xf32>,
            %add3A_483 = arith.constant 224 : i32
            %add3A_484 = vector.broadcast %add3A_483 : i32 to vector<16xi32>
            %add3A_485 = arith.addi %iota3A, %add3A_484 : vector<16xi32>
            %gather3A_486 = tpu.vector_load_idx %arg5[%and3A_370, %add3A_485] : memref<32x256xf32, #tpu.memory_space<vmem>>[vector<16xi32>, vector<16xi32>], vector<16xf32>,
            %mul3A_487 = arith.constant 32 : i32
            %mul3A_488 = vector.broadcast %mul3A_487 : i32 to vector<16xi32>
            %mul3A_489 = arith.muli %add3A_485, %mul3A_488 : vector<16xi32>
            %add3A_490 = arith.addi %mul3A_489, %and3A_370 : vector<16xi32>
            tpu.vector_store_idx %arg7[%add3A_490], %gather3A_486 : memref<8192xf32, #tpu.memory_space<vmem>>[vector<16xi32>], vector<16xf32>,
            %add3A_491 = arith.constant 240 : i32
            %add3A_492 = vector.broadcast %add3A_491 : i32 to vector<16xi32>
            %add3A_493 = arith.addi %iota3A, %add3A_492 : vector<16xi32>
            %gather3A_494 = tpu.vector_load_idx %arg5[%and3A_370, %add3A_493] : memref<32x256xf32, #tpu.memory_space<vmem>>[vector<16xi32>, vector<16xi32>], vector<16xf32>,
            %mul3A_495 = arith.constant 32 : i32
            %mul3A_496 = vector.broadcast %mul3A_495 : i32 to vector<16xi32>
            %mul3A_497 = arith.muli %add3A_493, %mul3A_496 : vector<16xi32>
            %add3A_498 = arith.addi %mul3A_497, %and3A_370 : vector<16xi32>
            tpu.vector_store_idx %arg7[%add3A_498], %gather3A_494 : memref<8192xf32, #tpu.memory_space<vmem>>[vector<16xi32>], vector<16xf32>,
            %scan3A_499 = arith.constant 3 : i32
            %scan3A_500 = arith.addi %scan3A_85, %scan3A_499 : i32
            %mul3A_501 = arith.constant 1 : i32
            %mul3A_502 = arith.muli %scan3A_500, %mul3A_501 : i32
            %add3A_503 = arith.constant 0 : i32
            %add3A_504 = arith.addi %add3A_503, %mul3A_502 : i32
            %add3A_505 = vector.broadcast %add3A_504 : i32 to vector<16xi32>
            %add3A_506 = arith.addi %add3A_505, %iota3A : vector<16xi32>
            %and3A_507 = arith.constant 31 : i32
            %and3A_508 = vector.broadcast %and3A_507 : i32 to vector<16xi32>
            %and3A_509 = arith.andi %add3A_506, %and3A_508 : vector<16xi32>
            %add3A_510 = arith.constant 0 : i32
            %add3A_511 = vector.broadcast %add3A_510 : i32 to vector<16xi32>
            %add3A_512 = arith.addi %iota3A, %add3A_511 : vector<16xi32>
            %gather3A_513 = tpu.vector_load_idx %arg5[%and3A_509, %add3A_512] : memref<32x256xf32, #tpu.memory_space<vmem>>[vector<16xi32>, vector<16xi32>], vector<16xf32>,
            %mul3A_514 = arith.constant 32 : i32
            %mul3A_515 = vector.broadcast %mul3A_514 : i32 to vector<16xi32>
            %mul3A_516 = arith.muli %add3A_512, %mul3A_515 : vector<16xi32>
            %add3A_517 = arith.addi %mul3A_516, %and3A_509 : vector<16xi32>
            tpu.vector_store_idx %arg7[%add3A_517], %gather3A_513 : memref<8192xf32, #tpu.memory_space<vmem>>[vector<16xi32>], vector<16xf32>,
            %add3A_518 = arith.constant 16 : i32
            %add3A_519 = vector.broadcast %add3A_518 : i32 to vector<16xi32>
            %add3A_520 = arith.addi %iota3A, %add3A_519 : vector<16xi32>
            %gather3A_521 = tpu.vector_load_idx %arg5[%and3A_509, %add3A_520] : memref<32x256xf32, #tpu.memory_space<vmem>>[vector<16xi32>, vector<16xi32>], vector<16xf32>,
            %mul3A_522 = arith.constant 32 : i32
            %mul3A_523 = vector.broadcast %mul3A_522 : i32 to vector<16xi32>
            %mul3A_524 = arith.muli %add3A_520, %mul3A_523 : vector<16xi32>
            %add3A_525 = arith.addi %mul3A_524, %and3A_509 : vector<16xi32>
            tpu.vector_store_idx %arg7[%add3A_525], %gather3A_521 : memref<8192xf32, #tpu.memory_space<vmem>>[vector<16xi32>], vector<16xf32>,
            %add3A_526 = arith.constant 32 : i32
            %add3A_527 = vector.broadcast %add3A_526 : i32 to vector<16xi32>
            %add3A_528 = arith.addi %iota3A, %add3A_527 : vector<16xi32>
            %gather3A_529 = tpu.vector_load_idx %arg5[%and3A_509, %add3A_528] : memref<32x256xf32, #tpu.memory_space<vmem>>[vector<16xi32>, vector<16xi32>], vector<16xf32>,
            %mul3A_530 = arith.constant 32 : i32
            %mul3A_531 = vector.broadcast %mul3A_530 : i32 to vector<16xi32>
            %mul3A_532 = arith.muli %add3A_528, %mul3A_531 : vector<16xi32>
            %add3A_533 = arith.addi %mul3A_532, %and3A_509 : vector<16xi32>
            tpu.vector_store_idx %arg7[%add3A_533], %gather3A_529 : memref<8192xf32, #tpu.memory_space<vmem>>[vector<16xi32>], vector<16xf32>,
            %add3A_534 = arith.constant 48 : i32
            %add3A_535 = vector.broadcast %add3A_534 : i32 to vector<16xi32>
            %add3A_536 = arith.addi %iota3A, %add3A_535 : vector<16xi32>
            %gather3A_537 = tpu.vector_load_idx %arg5[%and3A_509, %add3A_536] : memref<32x256xf32, #tpu.memory_space<vmem>>[vector<16xi32>, vector<16xi32>], vector<16xf32>,
            %mul3A_538 = arith.constant 32 : i32
            %mul3A_539 = vector.broadcast %mul3A_538 : i32 to vector<16xi32>
            %mul3A_540 = arith.muli %add3A_536, %mul3A_539 : vector<16xi32>
            %add3A_541 = arith.addi %mul3A_540, %and3A_509 : vector<16xi32>
            tpu.vector_store_idx %arg7[%add3A_541], %gather3A_537 : memref<8192xf32, #tpu.memory_space<vmem>>[vector<16xi32>], vector<16xf32>,
            %add3A_542 = arith.constant 64 : i32
            %add3A_543 = vector.broadcast %add3A_542 : i32 to vector<16xi32>
            %add3A_544 = arith.addi %iota3A, %add3A_543 : vector<16xi32>
            %gather3A_545 = tpu.vector_load_idx %arg5[%and3A_509, %add3A_544] : memref<32x256xf32, #tpu.memory_space<vmem>>[vector<16xi32>, vector<16xi32>], vector<16xf32>,
            %mul3A_546 = arith.constant 32 : i32
            %mul3A_547 = vector.broadcast %mul3A_546 : i32 to vector<16xi32>
            %mul3A_548 = arith.muli %add3A_544, %mul3A_547 : vector<16xi32>
            %add3A_549 = arith.addi %mul3A_548, %and3A_509 : vector<16xi32>
            tpu.vector_store_idx %arg7[%add3A_549], %gather3A_545 : memref<8192xf32, #tpu.memory_space<vmem>>[vector<16xi32>], vector<16xf32>,
            %add3A_550 = arith.constant 80 : i32
            %add3A_551 = vector.broadcast %add3A_550 : i32 to vector<16xi32>
            %add3A_552 = arith.addi %iota3A, %add3A_551 : vector<16xi32>
            %gather3A_553 = tpu.vector_load_idx %arg5[%and3A_509, %add3A_552] : memref<32x256xf32, #tpu.memory_space<vmem>>[vector<16xi32>, vector<16xi32>], vector<16xf32>,
            %mul3A_554 = arith.constant 32 : i32
            %mul3A_555 = vector.broadcast %mul3A_554 : i32 to vector<16xi32>
            %mul3A_556 = arith.muli %add3A_552, %mul3A_555 : vector<16xi32>
            %add3A_557 = arith.addi %mul3A_556, %and3A_509 : vector<16xi32>
            tpu.vector_store_idx %arg7[%add3A_557], %gather3A_553 : memref<8192xf32, #tpu.memory_space<vmem>>[vector<16xi32>], vector<16xf32>,
            %add3A_558 = arith.constant 96 : i32
            %add3A_559 = vector.broadcast %add3A_558 : i32 to vector<16xi32>
            %add3A_560 = arith.addi %iota3A, %add3A_559 : vector<16xi32>
            %gather3A_561 = tpu.vector_load_idx %arg5[%and3A_509, %add3A_560] : memref<32x256xf32, #tpu.memory_space<vmem>>[vector<16xi32>, vector<16xi32>], vector<16xf32>,
            %mul3A_562 = arith.constant 32 : i32
            %mul3A_563 = vector.broadcast %mul3A_562 : i32 to vector<16xi32>
            %mul3A_564 = arith.muli %add3A_560, %mul3A_563 : vector<16xi32>
            %add3A_565 = arith.addi %mul3A_564, %and3A_509 : vector<16xi32>
            tpu.vector_store_idx %arg7[%add3A_565], %gather3A_561 : memref<8192xf32, #tpu.memory_space<vmem>>[vector<16xi32>], vector<16xf32>,
            %add3A_566 = arith.constant 112 : i32
            %add3A_567 = vector.broadcast %add3A_566 : i32 to vector<16xi32>
            %add3A_568 = arith.addi %iota3A, %add3A_567 : vector<16xi32>
            %gather3A_569 = tpu.vector_load_idx %arg5[%and3A_509, %add3A_568] : memref<32x256xf32, #tpu.memory_space<vmem>>[vector<16xi32>, vector<16xi32>], vector<16xf32>,
            %mul3A_570 = arith.constant 32 : i32
            %mul3A_571 = vector.broadcast %mul3A_570 : i32 to vector<16xi32>
            %mul3A_572 = arith.muli %add3A_568, %mul3A_571 : vector<16xi32>
            %add3A_573 = arith.addi %mul3A_572, %and3A_509 : vector<16xi32>
            tpu.vector_store_idx %arg7[%add3A_573], %gather3A_569 : memref<8192xf32, #tpu.memory_space<vmem>>[vector<16xi32>], vector<16xf32>,
            %add3A_574 = arith.constant 128 : i32
            %add3A_575 = vector.broadcast %add3A_574 : i32 to vector<16xi32>
            %add3A_576 = arith.addi %iota3A, %add3A_575 : vector<16xi32>
            %gather3A_577 = tpu.vector_load_idx %arg5[%and3A_509, %add3A_576] : memref<32x256xf32, #tpu.memory_space<vmem>>[vector<16xi32>, vector<16xi32>], vector<16xf32>,
            %mul3A_578 = arith.constant 32 : i32
            %mul3A_579 = vector.broadcast %mul3A_578 : i32 to vector<16xi32>
            %mul3A_580 = arith.muli %add3A_576, %mul3A_579 : vector<16xi32>
            %add3A_581 = arith.addi %mul3A_580, %and3A_509 : vector<16xi32>
            tpu.vector_store_idx %arg7[%add3A_581], %gather3A_577 : memref<8192xf32, #tpu.memory_space<vmem>>[vector<16xi32>], vector<16xf32>,
            %add3A_582 = arith.constant 144 : i32
            %add3A_583 = vector.broadcast %add3A_582 : i32 to vector<16xi32>
            %add3A_584 = arith.addi %iota3A, %add3A_583 : vector<16xi32>
            %gather3A_585 = tpu.vector_load_idx %arg5[%and3A_509, %add3A_584] : memref<32x256xf32, #tpu.memory_space<vmem>>[vector<16xi32>, vector<16xi32>], vector<16xf32>,
            %mul3A_586 = arith.constant 32 : i32
            %mul3A_587 = vector.broadcast %mul3A_586 : i32 to vector<16xi32>
            %mul3A_588 = arith.muli %add3A_584, %mul3A_587 : vector<16xi32>
            %add3A_589 = arith.addi %mul3A_588, %and3A_509 : vector<16xi32>
            tpu.vector_store_idx %arg7[%add3A_589], %gather3A_585 : memref<8192xf32, #tpu.memory_space<vmem>>[vector<16xi32>], vector<16xf32>,
            %add3A_590 = arith.constant 160 : i32
            %add3A_591 = vector.broadcast %add3A_590 : i32 to vector<16xi32>
            %add3A_592 = arith.addi %iota3A, %add3A_591 : vector<16xi32>
            %gather3A_593 = tpu.vector_load_idx %arg5[%and3A_509, %add3A_592] : memref<32x256xf32, #tpu.memory_space<vmem>>[vector<16xi32>, vector<16xi32>], vector<16xf32>,
            %mul3A_594 = arith.constant 32 : i32
            %mul3A_595 = vector.broadcast %mul3A_594 : i32 to vector<16xi32>
            %mul3A_596 = arith.muli %add3A_592, %mul3A_595 : vector<16xi32>
            %add3A_597 = arith.addi %mul3A_596, %and3A_509 : vector<16xi32>
            tpu.vector_store_idx %arg7[%add3A_597], %gather3A_593 : memref<8192xf32, #tpu.memory_space<vmem>>[vector<16xi32>], vector<16xf32>,
            %add3A_598 = arith.constant 176 : i32
            %add3A_599 = vector.broadcast %add3A_598 : i32 to vector<16xi32>
            %add3A_600 = arith.addi %iota3A, %add3A_599 : vector<16xi32>
            %gather3A_601 = tpu.vector_load_idx %arg5[%and3A_509, %add3A_600] : memref<32x256xf32, #tpu.memory_space<vmem>>[vector<16xi32>, vector<16xi32>], vector<16xf32>,
            %mul3A_602 = arith.constant 32 : i32
            %mul3A_603 = vector.broadcast %mul3A_602 : i32 to vector<16xi32>
            %mul3A_604 = arith.muli %add3A_600, %mul3A_603 : vector<16xi32>
            %add3A_605 = arith.addi %mul3A_604, %and3A_509 : vector<16xi32>
            tpu.vector_store_idx %arg7[%add3A_605], %gather3A_601 : memref<8192xf32, #tpu.memory_space<vmem>>[vector<16xi32>], vector<16xf32>,
            %add3A_606 = arith.constant 192 : i32
            %add3A_607 = vector.broadcast %add3A_606 : i32 to vector<16xi32>
            %add3A_608 = arith.addi %iota3A, %add3A_607 : vector<16xi32>
            %gather3A_609 = tpu.vector_load_idx %arg5[%and3A_509, %add3A_608] : memref<32x256xf32, #tpu.memory_space<vmem>>[vector<16xi32>, vector<16xi32>], vector<16xf32>,
            %mul3A_610 = arith.constant 32 : i32
            %mul3A_611 = vector.broadcast %mul3A_610 : i32 to vector<16xi32>
            %mul3A_612 = arith.muli %add3A_608, %mul3A_611 : vector<16xi32>
            %add3A_613 = arith.addi %mul3A_612, %and3A_509 : vector<16xi32>
            tpu.vector_store_idx %arg7[%add3A_613], %gather3A_609 : memref<8192xf32, #tpu.memory_space<vmem>>[vector<16xi32>], vector<16xf32>,
            %add3A_614 = arith.constant 208 : i32
            %add3A_615 = vector.broadcast %add3A_614 : i32 to vector<16xi32>
            %add3A_616 = arith.addi %iota3A, %add3A_615 : vector<16xi32>
            %gather3A_617 = tpu.vector_load_idx %arg5[%and3A_509, %add3A_616] : memref<32x256xf32, #tpu.memory_space<vmem>>[vector<16xi32>, vector<16xi32>], vector<16xf32>,
            %mul3A_618 = arith.constant 32 : i32
            %mul3A_619 = vector.broadcast %mul3A_618 : i32 to vector<16xi32>
            %mul3A_620 = arith.muli %add3A_616, %mul3A_619 : vector<16xi32>
            %add3A_621 = arith.addi %mul3A_620, %and3A_509 : vector<16xi32>
            tpu.vector_store_idx %arg7[%add3A_621], %gather3A_617 : memref<8192xf32, #tpu.memory_space<vmem>>[vector<16xi32>], vector<16xf32>,
            %add3A_622 = arith.constant 224 : i32
            %add3A_623 = vector.broadcast %add3A_622 : i32 to vector<16xi32>
            %add3A_624 = arith.addi %iota3A, %add3A_623 : vector<16xi32>
            %gather3A_625 = tpu.vector_load_idx %arg5[%and3A_509, %add3A_624] : memref<32x256xf32, #tpu.memory_space<vmem>>[vector<16xi32>, vector<16xi32>], vector<16xf32>,
            %mul3A_626 = arith.constant 32 : i32
            %mul3A_627 = vector.broadcast %mul3A_626 : i32 to vector<16xi32>
            %mul3A_628 = arith.muli %add3A_624, %mul3A_627 : vector<16xi32>
            %add3A_629 = arith.addi %mul3A_628, %and3A_509 : vector<16xi32>
            tpu.vector_store_idx %arg7[%add3A_629], %gather3A_625 : memref<8192xf32, #tpu.memory_space<vmem>>[vector<16xi32>], vector<16xf32>,
            %add3A_630 = arith.constant 240 : i32
            %add3A_631 = vector.broadcast %add3A_630 : i32 to vector<16xi32>
            %add3A_632 = arith.addi %iota3A, %add3A_631 : vector<16xi32>
            %gather3A_633 = tpu.vector_load_idx %arg5[%and3A_509, %add3A_632] : memref<32x256xf32, #tpu.memory_space<vmem>>[vector<16xi32>, vector<16xi32>], vector<16xf32>,
            %mul3A_634 = arith.constant 32 : i32
            %mul3A_635 = vector.broadcast %mul3A_634 : i32 to vector<16xi32>
            %mul3A_636 = arith.muli %add3A_632, %mul3A_635 : vector<16xi32>
            %add3A_637 = arith.addi %mul3A_636, %and3A_509 : vector<16xi32>
            tpu.vector_store_idx %arg7[%add3A_637], %gather3A_633 : memref<8192xf32, #tpu.memory_space<vmem>>[vector<16xi32>], vector<16xf32>,
          }
          %scan3A_78 = arith.constant 32 : i32
          %mul3A_79 = arith.constant 256 : i32
          %mul3A_80 = arith.muli %add3A_52, %mul3A_79 : i32
          %mul3A_81 = arith.constant 32 : i32
          %mul3A_82 = arith.muli %mul3A_80, %mul3A_81 : i32
          %dma_start3A_83 = tpu.memref_slice %arg4[%mul3A_82] : memref<32000000xf32, #tpu.memory_space<hbm>> -> memref<8192xf32, #tpu.memory_space<hbm>>
          %dma_start3A_84 = tpu.memref_slice %arg4[%mul3A_82] : memref<32000000xf32, #tpu.memory_space<hbm>> -> memref<8192xf32, #tpu.memory_space<hbm>>
          tpu.enqueue_dma source(%arg7 : memref<8192xf32, #tpu.memory_space<vmem>>) target(%dma_start3A_84 : memref<8192xf32, #tpu.memory_space<hbm>>) target_semaphore(%arg11 : memref<!tpu.dma_semaphore, #tpu.memory_space<semaphore_mem>>)
        } else {
        }
      } else {
      }
      %eq3A_45 = arith.constant 1 : i32
      %eq3A_46 = arith.cmpi eq, %rem3A_39, %eq3A_45 : i32
      %convert_element_type3A_47 = arith.extui %eq3A_46 : i1 to i32
      %cond3A_48 = arith.constant 0 : i32
      %cond3A_49 = arith.cmpi ne, %convert_element_type3A_47, %cond3A_48 : i32
      scf.if %cond3A_49 {
        %mul3A_50 = arith.constant 32 : i32
        %mul3A_51 = arith.muli %add3A_38, %mul3A_50 : i32
        %add3A_52 = arith.addi %add3A, %mul3A_51 : i32
        %lt3A_53 = arith.constant 3906 : i32
        %lt3A_54 = arith.cmpi slt, %add3A_52, %lt3A_53 : i32
        %convert_element_type3A_55 = arith.extui %lt3A_54 : i1 to i32
        %cond3A_56 = arith.constant 0 : i32
        %cond3A_57 = arith.cmpi ne, %convert_element_type3A_55, %cond3A_56 : i32
        scf.if %cond3A_57 {
          %add3A_58 = arith.constant 1 : i32
          %add3A_59 = arith.addi %add3A_38, %add3A_58 : i32
          %lt3A_60 = arith.cmpi slt, %add3A_59, %select_n3A : i32
          %convert_element_type3A_61 = arith.extui %lt3A_60 : i1 to i32
          %cond3A_62 = arith.constant 0 : i32
          %cond3A_63 = arith.cmpi ne, %convert_element_type3A_61, %cond3A_62 : i32
          scf.if %cond3A_63 {
            %add3A_85 = arith.constant 32 : i32
            %add3A_86 = arith.addi %add3A_52, %add3A_85 : i32
            %mul3A_87 = arith.constant 256 : i32
            %mul3A_88 = arith.muli %add3A_86, %mul3A_87 : i32
            %dma_start3A_89 = arith.constant 0 : i32
            %dma_start3A_90 = tpu.memref_slice %arg2[%dma_start3A_89, %mul3A_88] : memref<32x1000000xf32, #tpu.memory_space<hbm>> -> memref<32x256xf32, #tpu.memory_space<hbm>>
            %dma_start3A_91 = arith.constant 0 : i32
            %dma_start3A_92 = tpu.memref_slice %arg2[%dma_start3A_91, %mul3A_88] : memref<32x1000000xf32, #tpu.memory_space<hbm>> -> memref<32x256xf32, #tpu.memory_space<hbm>>
            tpu.enqueue_dma source(%dma_start3A_92 : memref<32x256xf32, #tpu.memory_space<hbm>>) target(%arg5 : memref<32x256xf32, #tpu.memory_space<vmem>>) target_semaphore(%arg10 : memref<!tpu.dma_semaphore, #tpu.memory_space<semaphore_mem>>)
          } else {
          }
          %mul3A_64 = arith.constant 256 : i32
          %mul3A_65 = arith.muli %add3A_52, %mul3A_64 : i32
          %dma_wait3A_66 = arith.constant 0 : i32
          %dma_wait3A_67 = tpu.memref_slice %arg2[%dma_wait3A_66, %mul3A_65] : memref<32x1000000xf32, #tpu.memory_space<hbm>> -> memref<32x256xf32, #tpu.memory_space<hbm>>
          %dma_wait3A_68 = arith.constant 0 : i32
          %dma_wait3A_69 = tpu.memref_slice %arg2[%dma_wait3A_68, %mul3A_65] : memref<32x1000000xf32, #tpu.memory_space<hbm>> -> memref<32x256xf32, #tpu.memory_space<hbm>>
          tpu.wait_dma2 semaphore(%arg10 : memref<!tpu.dma_semaphore, #tpu.memory_space<semaphore_mem>>) src(%dma_wait3A_69 : memref<32x256xf32, #tpu.memory_space<hbm>>) dst(%arg6 : memref<32x256xf32, #tpu.memory_space<vmem>>)
          %ge3A = arith.constant 2 : i32
          %ge3A_70 = arith.cmpi sge, %add3A_38, %ge3A : i32
          %convert_element_type3A_71 = arith.extui %ge3A_70 : i1 to i32
          %cond3A_72 = arith.constant 0 : i32
          %cond3A_73 = arith.cmpi ne, %convert_element_type3A_71, %cond3A_72 : i32
          scf.if %cond3A_73 {
            %sub3A_85 = arith.constant 64 : i32
            %sub3A_86 = arith.subi %add3A_52, %sub3A_85 : i32
            %mul3A_87 = arith.constant 256 : i32
            %mul3A_88 = arith.muli %sub3A_86, %mul3A_87 : i32
            %mul3A_89 = arith.constant 32 : i32
            %mul3A_90 = arith.muli %mul3A_88, %mul3A_89 : i32
            %dma_wait3A_91 = tpu.memref_slice %arg4[%mul3A_90] : memref<32000000xf32, #tpu.memory_space<hbm>> -> memref<8192xf32, #tpu.memory_space<hbm>>
            %dma_wait3A_92 = tpu.memref_slice %arg4[%mul3A_90] : memref<32000000xf32, #tpu.memory_space<hbm>> -> memref<8192xf32, #tpu.memory_space<hbm>>
            tpu.wait_dma2 semaphore(%arg11 : memref<!tpu.dma_semaphore, #tpu.memory_space<semaphore_mem>>) src(%arg8 : memref<8192xf32, #tpu.memory_space<vmem>>) dst(%dma_wait3A_92 : memref<8192xf32, #tpu.memory_space<hbm>>)
          } else {
          }
          %scan3A_74 = arith.constant 0 : i32
          %scan3A_75 = arith.constant 32 : i32
          %scan3A_76 = arith.addi %scan3A_74, %scan3A_75 : i32
          %scan3A_77 = arith.constant 4 : i32
          scf.for %scan3A_85 = %scan3A_74 to %scan3A_76 step %scan3A_77  : i32 {
            %mul3A_86 = arith.constant 1 : i32
            %mul3A_87 = arith.muli %scan3A_85, %mul3A_86 : i32
            %add3A_88 = arith.constant 0 : i32
            %add3A_89 = arith.addi %add3A_88, %mul3A_87 : i32
            %add3A_90 = vector.broadcast %add3A_89 : i32 to vector<16xi32>
            %add3A_91 = arith.addi %add3A_90, %iota3A : vector<16xi32>
            %and3A = arith.constant 31 : i32
            %and3A_92 = vector.broadcast %and3A : i32 to vector<16xi32>
            %and3A_93 = arith.andi %add3A_91, %and3A_92 : vector<16xi32>
            %add3A_94 = arith.constant 0 : i32
            %add3A_95 = vector.broadcast %add3A_94 : i32 to vector<16xi32>
            %add3A_96 = arith.addi %iota3A, %add3A_95 : vector<16xi32>
            %gather3A = tpu.vector_load_idx %arg6[%and3A_93, %add3A_96] : memref<32x256xf32, #tpu.memory_space<vmem>>[vector<16xi32>, vector<16xi32>], vector<16xf32>,
            %mul3A_97 = arith.constant 32 : i32
            %mul3A_98 = vector.broadcast %mul3A_97 : i32 to vector<16xi32>
            %mul3A_99 = arith.muli %add3A_96, %mul3A_98 : vector<16xi32>
            %add3A_100 = arith.addi %mul3A_99, %and3A_93 : vector<16xi32>
            tpu.vector_store_idx %arg8[%add3A_100], %gather3A : memref<8192xf32, #tpu.memory_space<vmem>>[vector<16xi32>], vector<16xf32>,
            %add3A_101 = arith.constant 16 : i32
            %add3A_102 = vector.broadcast %add3A_101 : i32 to vector<16xi32>
            %add3A_103 = arith.addi %iota3A, %add3A_102 : vector<16xi32>
            %gather3A_104 = tpu.vector_load_idx %arg6[%and3A_93, %add3A_103] : memref<32x256xf32, #tpu.memory_space<vmem>>[vector<16xi32>, vector<16xi32>], vector<16xf32>,
            %mul3A_105 = arith.constant 32 : i32
            %mul3A_106 = vector.broadcast %mul3A_105 : i32 to vector<16xi32>
            %mul3A_107 = arith.muli %add3A_103, %mul3A_106 : vector<16xi32>
            %add3A_108 = arith.addi %mul3A_107, %and3A_93 : vector<16xi32>
            tpu.vector_store_idx %arg8[%add3A_108], %gather3A_104 : memref<8192xf32, #tpu.memory_space<vmem>>[vector<16xi32>], vector<16xf32>,
            %add3A_109 = arith.constant 32 : i32
            %add3A_110 = vector.broadcast %add3A_109 : i32 to vector<16xi32>
            %add3A_111 = arith.addi %iota3A, %add3A_110 : vector<16xi32>
            %gather3A_112 = tpu.vector_load_idx %arg6[%and3A_93, %add3A_111] : memref<32x256xf32, #tpu.memory_space<vmem>>[vector<16xi32>, vector<16xi32>], vector<16xf32>,
            %mul3A_113 = arith.constant 32 : i32
            %mul3A_114 = vector.broadcast %mul3A_113 : i32 to vector<16xi32>
            %mul3A_115 = arith.muli %add3A_111, %mul3A_114 : vector<16xi32>
            %add3A_116 = arith.addi %mul3A_115, %and3A_93 : vector<16xi32>
            tpu.vector_store_idx %arg8[%add3A_116], %gather3A_112 : memref<8192xf32, #tpu.memory_space<vmem>>[vector<16xi32>], vector<16xf32>,
            %add3A_117 = arith.constant 48 : i32
            %add3A_118 = vector.broadcast %add3A_117 : i32 to vector<16xi32>
            %add3A_119 = arith.addi %iota3A, %add3A_118 : vector<16xi32>
            %gather3A_120 = tpu.vector_load_idx %arg6[%and3A_93, %add3A_119] : memref<32x256xf32, #tpu.memory_space<vmem>>[vector<16xi32>, vector<16xi32>], vector<16xf32>,
            %mul3A_121 = arith.constant 32 : i32
            %mul3A_122 = vector.broadcast %mul3A_121 : i32 to vector<16xi32>
            %mul3A_123 = arith.muli %add3A_119, %mul3A_122 : vector<16xi32>
            %add3A_124 = arith.addi %mul3A_123, %and3A_93 : vector<16xi32>
            tpu.vector_store_idx %arg8[%add3A_124], %gather3A_120 : memref<8192xf32, #tpu.memory_space<vmem>>[vector<16xi32>], vector<16xf32>,
            %add3A_125 = arith.constant 64 : i32
            %add3A_126 = vector.broadcast %add3A_125 : i32 to vector<16xi32>
            %add3A_127 = arith.addi %iota3A, %add3A_126 : vector<16xi32>
            %gather3A_128 = tpu.vector_load_idx %arg6[%and3A_93, %add3A_127] : memref<32x256xf32, #tpu.memory_space<vmem>>[vector<16xi32>, vector<16xi32>], vector<16xf32>,
            %mul3A_129 = arith.constant 32 : i32
            %mul3A_130 = vector.broadcast %mul3A_129 : i32 to vector<16xi32>
            %mul3A_131 = arith.muli %add3A_127, %mul3A_130 : vector<16xi32>
            %add3A_132 = arith.addi %mul3A_131, %and3A_93 : vector<16xi32>
            tpu.vector_store_idx %arg8[%add3A_132], %gather3A_128 : memref<8192xf32, #tpu.memory_space<vmem>>[vector<16xi32>], vector<16xf32>,
            %add3A_133 = arith.constant 80 : i32
            %add3A_134 = vector.broadcast %add3A_133 : i32 to vector<16xi32>
            %add3A_135 = arith.addi %iota3A, %add3A_134 : vector<16xi32>
            %gather3A_136 = tpu.vector_load_idx %arg6[%and3A_93, %add3A_135] : memref<32x256xf32, #tpu.memory_space<vmem>>[vector<16xi32>, vector<16xi32>], vector<16xf32>,
            %mul3A_137 = arith.constant 32 : i32
            %mul3A_138 = vector.broadcast %mul3A_137 : i32 to vector<16xi32>
            %mul3A_139 = arith.muli %add3A_135, %mul3A_138 : vector<16xi32>
            %add3A_140 = arith.addi %mul3A_139, %and3A_93 : vector<16xi32>
            tpu.vector_store_idx %arg8[%add3A_140], %gather3A_136 : memref<8192xf32, #tpu.memory_space<vmem>>[vector<16xi32>], vector<16xf32>,
            %add3A_141 = arith.constant 96 : i32
            %add3A_142 = vector.broadcast %add3A_141 : i32 to vector<16xi32>
            %add3A_143 = arith.addi %iota3A, %add3A_142 : vector<16xi32>
            %gather3A_144 = tpu.vector_load_idx %arg6[%and3A_93, %add3A_143] : memref<32x256xf32, #tpu.memory_space<vmem>>[vector<16xi32>, vector<16xi32>], vector<16xf32>,
            %mul3A_145 = arith.constant 32 : i32
            %mul3A_146 = vector.broadcast %mul3A_145 : i32 to vector<16xi32>
            %mul3A_147 = arith.muli %add3A_143, %mul3A_146 : vector<16xi32>
            %add3A_148 = arith.addi %mul3A_147, %and3A_93 : vector<16xi32>
            tpu.vector_store_idx %arg8[%add3A_148], %gather3A_144 : memref<8192xf32, #tpu.memory_space<vmem>>[vector<16xi32>], vector<16xf32>,
            %add3A_149 = arith.constant 112 : i32
            %add3A_150 = vector.broadcast %add3A_149 : i32 to vector<16xi32>
            %add3A_151 = arith.addi %iota3A, %add3A_150 : vector<16xi32>
            %gather3A_152 = tpu.vector_load_idx %arg6[%and3A_93, %add3A_151] : memref<32x256xf32, #tpu.memory_space<vmem>>[vector<16xi32>, vector<16xi32>], vector<16xf32>,
            %mul3A_153 = arith.constant 32 : i32
            %mul3A_154 = vector.broadcast %mul3A_153 : i32 to vector<16xi32>
            %mul3A_155 = arith.muli %add3A_151, %mul3A_154 : vector<16xi32>
            %add3A_156 = arith.addi %mul3A_155, %and3A_93 : vector<16xi32>
            tpu.vector_store_idx %arg8[%add3A_156], %gather3A_152 : memref<8192xf32, #tpu.memory_space<vmem>>[vector<16xi32>], vector<16xf32>,
            %add3A_157 = arith.constant 128 : i32
            %add3A_158 = vector.broadcast %add3A_157 : i32 to vector<16xi32>
            %add3A_159 = arith.addi %iota3A, %add3A_158 : vector<16xi32>
            %gather3A_160 = tpu.vector_load_idx %arg6[%and3A_93, %add3A_159] : memref<32x256xf32, #tpu.memory_space<vmem>>[vector<16xi32>, vector<16xi32>], vector<16xf32>,
            %mul3A_161 = arith.constant 32 : i32
            %mul3A_162 = vector.broadcast %mul3A_161 : i32 to vector<16xi32>
            %mul3A_163 = arith.muli %add3A_159, %mul3A_162 : vector<16xi32>
            %add3A_164 = arith.addi %mul3A_163, %and3A_93 : vector<16xi32>
            tpu.vector_store_idx %arg8[%add3A_164], %gather3A_160 : memref<8192xf32, #tpu.memory_space<vmem>>[vector<16xi32>], vector<16xf32>,
            %add3A_165 = arith.constant 144 : i32
            %add3A_166 = vector.broadcast %add3A_165 : i32 to vector<16xi32>
            %add3A_167 = arith.addi %iota3A, %add3A_166 : vector<16xi32>
            %gather3A_168 = tpu.vector_load_idx %arg6[%and3A_93, %add3A_167] : memref<32x256xf32, #tpu.memory_space<vmem>>[vector<16xi32>, vector<16xi32>], vector<16xf32>,
            %mul3A_169 = arith.constant 32 : i32
            %mul3A_170 = vector.broadcast %mul3A_169 : i32 to vector<16xi32>
            %mul3A_171 = arith.muli %add3A_167, %mul3A_170 : vector<16xi32>
            %add3A_172 = arith.addi %mul3A_171, %and3A_93 : vector<16xi32>
            tpu.vector_store_idx %arg8[%add3A_172], %gather3A_168 : memref<8192xf32, #tpu.memory_space<vmem>>[vector<16xi32>], vector<16xf32>,
            %add3A_173 = arith.constant 160 : i32
            %add3A_174 = vector.broadcast %add3A_173 : i32 to vector<16xi32>
            %add3A_175 = arith.addi %iota3A, %add3A_174 : vector<16xi32>
            %gather3A_176 = tpu.vector_load_idx %arg6[%and3A_93, %add3A_175] : memref<32x256xf32, #tpu.memory_space<vmem>>[vector<16xi32>, vector<16xi32>], vector<16xf32>,
            %mul3A_177 = arith.constant 32 : i32
            %mul3A_178 = vector.broadcast %mul3A_177 : i32 to vector<16xi32>
            %mul3A_179 = arith.muli %add3A_175, %mul3A_178 : vector<16xi32>
            %add3A_180 = arith.addi %mul3A_179, %and3A_93 : vector<16xi32>
            tpu.vector_store_idx %arg8[%add3A_180], %gather3A_176 : memref<8192xf32, #tpu.memory_space<vmem>>[vector<16xi32>], vector<16xf32>,
            %add3A_181 = arith.constant 176 : i32
            %add3A_182 = vector.broadcast %add3A_181 : i32 to vector<16xi32>
            %add3A_183 = arith.addi %iota3A, %add3A_182 : vector<16xi32>
            %gather3A_184 = tpu.vector_load_idx %arg6[%and3A_93, %add3A_183] : memref<32x256xf32, #tpu.memory_space<vmem>>[vector<16xi32>, vector<16xi32>], vector<16xf32>,
            %mul3A_185 = arith.constant 32 : i32
            %mul3A_186 = vector.broadcast %mul3A_185 : i32 to vector<16xi32>
            %mul3A_187 = arith.muli %add3A_183, %mul3A_186 : vector<16xi32>
            %add3A_188 = arith.addi %mul3A_187, %and3A_93 : vector<16xi32>
            tpu.vector_store_idx %arg8[%add3A_188], %gather3A_184 : memref<8192xf32, #tpu.memory_space<vmem>>[vector<16xi32>], vector<16xf32>,
            %add3A_189 = arith.constant 192 : i32
            %add3A_190 = vector.broadcast %add3A_189 : i32 to vector<16xi32>
            %add3A_191 = arith.addi %iota3A, %add3A_190 : vector<16xi32>
            %gather3A_192 = tpu.vector_load_idx %arg6[%and3A_93, %add3A_191] : memref<32x256xf32, #tpu.memory_space<vmem>>[vector<16xi32>, vector<16xi32>], vector<16xf32>,
            %mul3A_193 = arith.constant 32 : i32
            %mul3A_194 = vector.broadcast %mul3A_193 : i32 to vector<16xi32>
            %mul3A_195 = arith.muli %add3A_191, %mul3A_194 : vector<16xi32>
            %add3A_196 = arith.addi %mul3A_195, %and3A_93 : vector<16xi32>
            tpu.vector_store_idx %arg8[%add3A_196], %gather3A_192 : memref<8192xf32, #tpu.memory_space<vmem>>[vector<16xi32>], vector<16xf32>,
            %add3A_197 = arith.constant 208 : i32
            %add3A_198 = vector.broadcast %add3A_197 : i32 to vector<16xi32>
            %add3A_199 = arith.addi %iota3A, %add3A_198 : vector<16xi32>
            %gather3A_200 = tpu.vector_load_idx %arg6[%and3A_93, %add3A_199] : memref<32x256xf32, #tpu.memory_space<vmem>>[vector<16xi32>, vector<16xi32>], vector<16xf32>,
            %mul3A_201 = arith.constant 32 : i32
            %mul3A_202 = vector.broadcast %mul3A_201 : i32 to vector<16xi32>
            %mul3A_203 = arith.muli %add3A_199, %mul3A_202 : vector<16xi32>
            %add3A_204 = arith.addi %mul3A_203, %and3A_93 : vector<16xi32>
            tpu.vector_store_idx %arg8[%add3A_204], %gather3A_200 : memref<8192xf32, #tpu.memory_space<vmem>>[vector<16xi32>], vector<16xf32>,
            %add3A_205 = arith.constant 224 : i32
            %add3A_206 = vector.broadcast %add3A_205 : i32 to vector<16xi32>
            %add3A_207 = arith.addi %iota3A, %add3A_206 : vector<16xi32>
            %gather3A_208 = tpu.vector_load_idx %arg6[%and3A_93, %add3A_207] : memref<32x256xf32, #tpu.memory_space<vmem>>[vector<16xi32>, vector<16xi32>], vector<16xf32>,
            %mul3A_209 = arith.constant 32 : i32
            %mul3A_210 = vector.broadcast %mul3A_209 : i32 to vector<16xi32>
            %mul3A_211 = arith.muli %add3A_207, %mul3A_210 : vector<16xi32>
            %add3A_212 = arith.addi %mul3A_211, %and3A_93 : vector<16xi32>
            tpu.vector_store_idx %arg8[%add3A_212], %gather3A_208 : memref<8192xf32, #tpu.memory_space<vmem>>[vector<16xi32>], vector<16xf32>,
            %add3A_213 = arith.constant 240 : i32
            %add3A_214 = vector.broadcast %add3A_213 : i32 to vector<16xi32>
            %add3A_215 = arith.addi %iota3A, %add3A_214 : vector<16xi32>
            %gather3A_216 = tpu.vector_load_idx %arg6[%and3A_93, %add3A_215] : memref<32x256xf32, #tpu.memory_space<vmem>>[vector<16xi32>, vector<16xi32>], vector<16xf32>,
            %mul3A_217 = arith.constant 32 : i32
            %mul3A_218 = vector.broadcast %mul3A_217 : i32 to vector<16xi32>
            %mul3A_219 = arith.muli %add3A_215, %mul3A_218 : vector<16xi32>
            %add3A_220 = arith.addi %mul3A_219, %and3A_93 : vector<16xi32>
            tpu.vector_store_idx %arg8[%add3A_220], %gather3A_216 : memref<8192xf32, #tpu.memory_space<vmem>>[vector<16xi32>], vector<16xf32>,
            %scan3A_221 = arith.constant 1 : i32
            %scan3A_222 = arith.addi %scan3A_85, %scan3A_221 : i32
            %mul3A_223 = arith.constant 1 : i32
            %mul3A_224 = arith.muli %scan3A_222, %mul3A_223 : i32
            %add3A_225 = arith.constant 0 : i32
            %add3A_226 = arith.addi %add3A_225, %mul3A_224 : i32
            %add3A_227 = vector.broadcast %add3A_226 : i32 to vector<16xi32>
            %add3A_228 = arith.addi %add3A_227, %iota3A : vector<16xi32>
            %and3A_229 = arith.constant 31 : i32
            %and3A_230 = vector.broadcast %and3A_229 : i32 to vector<16xi32>
            %and3A_231 = arith.andi %add3A_228, %and3A_230 : vector<16xi32>
            %add3A_232 = arith.constant 0 : i32
            %add3A_233 = vector.broadcast %add3A_232 : i32 to vector<16xi32>
            %add3A_234 = arith.addi %iota3A, %add3A_233 : vector<16xi32>
            %gather3A_235 = tpu.vector_load_idx %arg6[%and3A_231, %add3A_234] : memref<32x256xf32, #tpu.memory_space<vmem>>[vector<16xi32>, vector<16xi32>], vector<16xf32>,
            %mul3A_236 = arith.constant 32 : i32
            %mul3A_237 = vector.broadcast %mul3A_236 : i32 to vector<16xi32>
            %mul3A_238 = arith.muli %add3A_234, %mul3A_237 : vector<16xi32>
            %add3A_239 = arith.addi %mul3A_238, %and3A_231 : vector<16xi32>
            tpu.vector_store_idx %arg8[%add3A_239], %gather3A_235 : memref<8192xf32, #tpu.memory_space<vmem>>[vector<16xi32>], vector<16xf32>,
            %add3A_240 = arith.constant 16 : i32
            %add3A_241 = vector.broadcast %add3A_240 : i32 to vector<16xi32>
            %add3A_242 = arith.addi %iota3A, %add3A_241 : vector<16xi32>
            %gather3A_243 = tpu.vector_load_idx %arg6[%and3A_231, %add3A_242] : memref<32x256xf32, #tpu.memory_space<vmem>>[vector<16xi32>, vector<16xi32>], vector<16xf32>,
            %mul3A_244 = arith.constant 32 : i32
            %mul3A_245 = vector.broadcast %mul3A_244 : i32 to vector<16xi32>
            %mul3A_246 = arith.muli %add3A_242, %mul3A_245 : vector<16xi32>
            %add3A_247 = arith.addi %mul3A_246, %and3A_231 : vector<16xi32>
            tpu.vector_store_idx %arg8[%add3A_247], %gather3A_243 : memref<8192xf32, #tpu.memory_space<vmem>>[vector<16xi32>], vector<16xf32>,
            %add3A_248 = arith.constant 32 : i32
            %add3A_249 = vector.broadcast %add3A_248 : i32 to vector<16xi32>
            %add3A_250 = arith.addi %iota3A, %add3A_249 : vector<16xi32>
            %gather3A_251 = tpu.vector_load_idx %arg6[%and3A_231, %add3A_250] : memref<32x256xf32, #tpu.memory_space<vmem>>[vector<16xi32>, vector<16xi32>], vector<16xf32>,
            %mul3A_252 = arith.constant 32 : i32
            %mul3A_253 = vector.broadcast %mul3A_252 : i32 to vector<16xi32>
            %mul3A_254 = arith.muli %add3A_250, %mul3A_253 : vector<16xi32>
            %add3A_255 = arith.addi %mul3A_254, %and3A_231 : vector<16xi32>
            tpu.vector_store_idx %arg8[%add3A_255], %gather3A_251 : memref<8192xf32, #tpu.memory_space<vmem>>[vector<16xi32>], vector<16xf32>,
            %add3A_256 = arith.constant 48 : i32
            %add3A_257 = vector.broadcast %add3A_256 : i32 to vector<16xi32>
            %add3A_258 = arith.addi %iota3A, %add3A_257 : vector<16xi32>
            %gather3A_259 = tpu.vector_load_idx %arg6[%and3A_231, %add3A_258] : memref<32x256xf32, #tpu.memory_space<vmem>>[vector<16xi32>, vector<16xi32>], vector<16xf32>,
            %mul3A_260 = arith.constant 32 : i32
            %mul3A_261 = vector.broadcast %mul3A_260 : i32 to vector<16xi32>
            %mul3A_262 = arith.muli %add3A_258, %mul3A_261 : vector<16xi32>
            %add3A_263 = arith.addi %mul3A_262, %and3A_231 : vector<16xi32>
            tpu.vector_store_idx %arg8[%add3A_263], %gather3A_259 : memref<8192xf32, #tpu.memory_space<vmem>>[vector<16xi32>], vector<16xf32>,
            %add3A_264 = arith.constant 64 : i32
            %add3A_265 = vector.broadcast %add3A_264 : i32 to vector<16xi32>
            %add3A_266 = arith.addi %iota3A, %add3A_265 : vector<16xi32>
            %gather3A_267 = tpu.vector_load_idx %arg6[%and3A_231, %add3A_266] : memref<32x256xf32, #tpu.memory_space<vmem>>[vector<16xi32>, vector<16xi32>], vector<16xf32>,
            %mul3A_268 = arith.constant 32 : i32
            %mul3A_269 = vector.broadcast %mul3A_268 : i32 to vector<16xi32>
            %mul3A_270 = arith.muli %add3A_266, %mul3A_269 : vector<16xi32>
            %add3A_271 = arith.addi %mul3A_270, %and3A_231 : vector<16xi32>
            tpu.vector_store_idx %arg8[%add3A_271], %gather3A_267 : memref<8192xf32, #tpu.memory_space<vmem>>[vector<16xi32>], vector<16xf32>,
            %add3A_272 = arith.constant 80 : i32
            %add3A_273 = vector.broadcast %add3A_272 : i32 to vector<16xi32>
            %add3A_274 = arith.addi %iota3A, %add3A_273 : vector<16xi32>
            %gather3A_275 = tpu.vector_load_idx %arg6[%and3A_231, %add3A_274] : memref<32x256xf32, #tpu.memory_space<vmem>>[vector<16xi32>, vector<16xi32>], vector<16xf32>,
            %mul3A_276 = arith.constant 32 : i32
            %mul3A_277 = vector.broadcast %mul3A_276 : i32 to vector<16xi32>
            %mul3A_278 = arith.muli %add3A_274, %mul3A_277 : vector<16xi32>
            %add3A_279 = arith.addi %mul3A_278, %and3A_231 : vector<16xi32>
            tpu.vector_store_idx %arg8[%add3A_279], %gather3A_275 : memref<8192xf32, #tpu.memory_space<vmem>>[vector<16xi32>], vector<16xf32>,
            %add3A_280 = arith.constant 96 : i32
            %add3A_281 = vector.broadcast %add3A_280 : i32 to vector<16xi32>
            %add3A_282 = arith.addi %iota3A, %add3A_281 : vector<16xi32>
            %gather3A_283 = tpu.vector_load_idx %arg6[%and3A_231, %add3A_282] : memref<32x256xf32, #tpu.memory_space<vmem>>[vector<16xi32>, vector<16xi32>], vector<16xf32>,
            %mul3A_284 = arith.constant 32 : i32
            %mul3A_285 = vector.broadcast %mul3A_284 : i32 to vector<16xi32>
            %mul3A_286 = arith.muli %add3A_282, %mul3A_285 : vector<16xi32>
            %add3A_287 = arith.addi %mul3A_286, %and3A_231 : vector<16xi32>
            tpu.vector_store_idx %arg8[%add3A_287], %gather3A_283 : memref<8192xf32, #tpu.memory_space<vmem>>[vector<16xi32>], vector<16xf32>,
            %add3A_288 = arith.constant 112 : i32
            %add3A_289 = vector.broadcast %add3A_288 : i32 to vector<16xi32>
            %add3A_290 = arith.addi %iota3A, %add3A_289 : vector<16xi32>
            %gather3A_291 = tpu.vector_load_idx %arg6[%and3A_231, %add3A_290] : memref<32x256xf32, #tpu.memory_space<vmem>>[vector<16xi32>, vector<16xi32>], vector<16xf32>,
            %mul3A_292 = arith.constant 32 : i32
            %mul3A_293 = vector.broadcast %mul3A_292 : i32 to vector<16xi32>
            %mul3A_294 = arith.muli %add3A_290, %mul3A_293 : vector<16xi32>
            %add3A_295 = arith.addi %mul3A_294, %and3A_231 : vector<16xi32>
            tpu.vector_store_idx %arg8[%add3A_295], %gather3A_291 : memref<8192xf32, #tpu.memory_space<vmem>>[vector<16xi32>], vector<16xf32>,
            %add3A_296 = arith.constant 128 : i32
            %add3A_297 = vector.broadcast %add3A_296 : i32 to vector<16xi32>
            %add3A_298 = arith.addi %iota3A, %add3A_297 : vector<16xi32>
            %gather3A_299 = tpu.vector_load_idx %arg6[%and3A_231, %add3A_298] : memref<32x256xf32, #tpu.memory_space<vmem>>[vector<16xi32>, vector<16xi32>], vector<16xf32>,
            %mul3A_300 = arith.constant 32 : i32
            %mul3A_301 = vector.broadcast %mul3A_300 : i32 to vector<16xi32>
            %mul3A_302 = arith.muli %add3A_298, %mul3A_301 : vector<16xi32>
            %add3A_303 = arith.addi %mul3A_302, %and3A_231 : vector<16xi32>
            tpu.vector_store_idx %arg8[%add3A_303], %gather3A_299 : memref<8192xf32, #tpu.memory_space<vmem>>[vector<16xi32>], vector<16xf32>,
            %add3A_304 = arith.constant 144 : i32
            %add3A_305 = vector.broadcast %add3A_304 : i32 to vector<16xi32>
            %add3A_306 = arith.addi %iota3A, %add3A_305 : vector<16xi32>
            %gather3A_307 = tpu.vector_load_idx %arg6[%and3A_231, %add3A_306] : memref<32x256xf32, #tpu.memory_space<vmem>>[vector<16xi32>, vector<16xi32>], vector<16xf32>,
            %mul3A_308 = arith.constant 32 : i32
            %mul3A_309 = vector.broadcast %mul3A_308 : i32 to vector<16xi32>
            %mul3A_310 = arith.muli %add3A_306, %mul3A_309 : vector<16xi32>
            %add3A_311 = arith.addi %mul3A_310, %and3A_231 : vector<16xi32>
            tpu.vector_store_idx %arg8[%add3A_311], %gather3A_307 : memref<8192xf32, #tpu.memory_space<vmem>>[vector<16xi32>], vector<16xf32>,
            %add3A_312 = arith.constant 160 : i32
            %add3A_313 = vector.broadcast %add3A_312 : i32 to vector<16xi32>
            %add3A_314 = arith.addi %iota3A, %add3A_313 : vector<16xi32>
            %gather3A_315 = tpu.vector_load_idx %arg6[%and3A_231, %add3A_314] : memref<32x256xf32, #tpu.memory_space<vmem>>[vector<16xi32>, vector<16xi32>], vector<16xf32>,
            %mul3A_316 = arith.constant 32 : i32
            %mul3A_317 = vector.broadcast %mul3A_316 : i32 to vector<16xi32>
            %mul3A_318 = arith.muli %add3A_314, %mul3A_317 : vector<16xi32>
            %add3A_319 = arith.addi %mul3A_318, %and3A_231 : vector<16xi32>
            tpu.vector_store_idx %arg8[%add3A_319], %gather3A_315 : memref<8192xf32, #tpu.memory_space<vmem>>[vector<16xi32>], vector<16xf32>,
            %add3A_320 = arith.constant 176 : i32
            %add3A_321 = vector.broadcast %add3A_320 : i32 to vector<16xi32>
            %add3A_322 = arith.addi %iota3A, %add3A_321 : vector<16xi32>
            %gather3A_323 = tpu.vector_load_idx %arg6[%and3A_231, %add3A_322] : memref<32x256xf32, #tpu.memory_space<vmem>>[vector<16xi32>, vector<16xi32>], vector<16xf32>,
            %mul3A_324 = arith.constant 32 : i32
            %mul3A_325 = vector.broadcast %mul3A_324 : i32 to vector<16xi32>
            %mul3A_326 = arith.muli %add3A_322, %mul3A_325 : vector<16xi32>
            %add3A_327 = arith.addi %mul3A_326, %and3A_231 : vector<16xi32>
            tpu.vector_store_idx %arg8[%add3A_327], %gather3A_323 : memref<8192xf32, #tpu.memory_space<vmem>>[vector<16xi32>], vector<16xf32>,
            %add3A_328 = arith.constant 192 : i32
            %add3A_329 = vector.broadcast %add3A_328 : i32 to vector<16xi32>
            %add3A_330 = arith.addi %iota3A, %add3A_329 : vector<16xi32>
            %gather3A_331 = tpu.vector_load_idx %arg6[%and3A_231, %add3A_330] : memref<32x256xf32, #tpu.memory_space<vmem>>[vector<16xi32>, vector<16xi32>], vector<16xf32>,
            %mul3A_332 = arith.constant 32 : i32
            %mul3A_333 = vector.broadcast %mul3A_332 : i32 to vector<16xi32>
            %mul3A_334 = arith.muli %add3A_330, %mul3A_333 : vector<16xi32>
            %add3A_335 = arith.addi %mul3A_334, %and3A_231 : vector<16xi32>
            tpu.vector_store_idx %arg8[%add3A_335], %gather3A_331 : memref<8192xf32, #tpu.memory_space<vmem>>[vector<16xi32>], vector<16xf32>,
            %add3A_336 = arith.constant 208 : i32
            %add3A_337 = vector.broadcast %add3A_336 : i32 to vector<16xi32>
            %add3A_338 = arith.addi %iota3A, %add3A_337 : vector<16xi32>
            %gather3A_339 = tpu.vector_load_idx %arg6[%and3A_231, %add3A_338] : memref<32x256xf32, #tpu.memory_space<vmem>>[vector<16xi32>, vector<16xi32>], vector<16xf32>,
            %mul3A_340 = arith.constant 32 : i32
            %mul3A_341 = vector.broadcast %mul3A_340 : i32 to vector<16xi32>
            %mul3A_342 = arith.muli %add3A_338, %mul3A_341 : vector<16xi32>
            %add3A_343 = arith.addi %mul3A_342, %and3A_231 : vector<16xi32>
            tpu.vector_store_idx %arg8[%add3A_343], %gather3A_339 : memref<8192xf32, #tpu.memory_space<vmem>>[vector<16xi32>], vector<16xf32>,
            %add3A_344 = arith.constant 224 : i32
            %add3A_345 = vector.broadcast %add3A_344 : i32 to vector<16xi32>
            %add3A_346 = arith.addi %iota3A, %add3A_345 : vector<16xi32>
            %gather3A_347 = tpu.vector_load_idx %arg6[%and3A_231, %add3A_346] : memref<32x256xf32, #tpu.memory_space<vmem>>[vector<16xi32>, vector<16xi32>], vector<16xf32>,
            %mul3A_348 = arith.constant 32 : i32
            %mul3A_349 = vector.broadcast %mul3A_348 : i32 to vector<16xi32>
            %mul3A_350 = arith.muli %add3A_346, %mul3A_349 : vector<16xi32>
            %add3A_351 = arith.addi %mul3A_350, %and3A_231 : vector<16xi32>
            tpu.vector_store_idx %arg8[%add3A_351], %gather3A_347 : memref<8192xf32, #tpu.memory_space<vmem>>[vector<16xi32>], vector<16xf32>,
            %add3A_352 = arith.constant 240 : i32
            %add3A_353 = vector.broadcast %add3A_352 : i32 to vector<16xi32>
            %add3A_354 = arith.addi %iota3A, %add3A_353 : vector<16xi32>
            %gather3A_355 = tpu.vector_load_idx %arg6[%and3A_231, %add3A_354] : memref<32x256xf32, #tpu.memory_space<vmem>>[vector<16xi32>, vector<16xi32>], vector<16xf32>,
            %mul3A_356 = arith.constant 32 : i32
            %mul3A_357 = vector.broadcast %mul3A_356 : i32 to vector<16xi32>
            %mul3A_358 = arith.muli %add3A_354, %mul3A_357 : vector<16xi32>
            %add3A_359 = arith.addi %mul3A_358, %and3A_231 : vector<16xi32>
            tpu.vector_store_idx %arg8[%add3A_359], %gather3A_355 : memref<8192xf32, #tpu.memory_space<vmem>>[vector<16xi32>], vector<16xf32>,
            %scan3A_360 = arith.constant 2 : i32
            %scan3A_361 = arith.addi %scan3A_85, %scan3A_360 : i32
            %mul3A_362 = arith.constant 1 : i32
            %mul3A_363 = arith.muli %scan3A_361, %mul3A_362 : i32
            %add3A_364 = arith.constant 0 : i32
            %add3A_365 = arith.addi %add3A_364, %mul3A_363 : i32
            %add3A_366 = vector.broadcast %add3A_365 : i32 to vector<16xi32>
            %add3A_367 = arith.addi %add3A_366, %iota3A : vector<16xi32>
            %and3A_368 = arith.constant 31 : i32
            %and3A_369 = vector.broadcast %and3A_368 : i32 to vector<16xi32>
            %and3A_370 = arith.andi %add3A_367, %and3A_369 : vector<16xi32>
            %add3A_371 = arith.constant 0 : i32
            %add3A_372 = vector.broadcast %add3A_371 : i32 to vector<16xi32>
            %add3A_373 = arith.addi %iota3A, %add3A_372 : vector<16xi32>
            %gather3A_374 = tpu.vector_load_idx %arg6[%and3A_370, %add3A_373] : memref<32x256xf32, #tpu.memory_space<vmem>>[vector<16xi32>, vector<16xi32>], vector<16xf32>,
            %mul3A_375 = arith.constant 32 : i32
            %mul3A_376 = vector.broadcast %mul3A_375 : i32 to vector<16xi32>
            %mul3A_377 = arith.muli %add3A_373, %mul3A_376 : vector<16xi32>
            %add3A_378 = arith.addi %mul3A_377, %and3A_370 : vector<16xi32>
            tpu.vector_store_idx %arg8[%add3A_378], %gather3A_374 : memref<8192xf32, #tpu.memory_space<vmem>>[vector<16xi32>], vector<16xf32>,
            %add3A_379 = arith.constant 16 : i32
            %add3A_380 = vector.broadcast %add3A_379 : i32 to vector<16xi32>
            %add3A_381 = arith.addi %iota3A, %add3A_380 : vector<16xi32>
            %gather3A_382 = tpu.vector_load_idx %arg6[%and3A_370, %add3A_381] : memref<32x256xf32, #tpu.memory_space<vmem>>[vector<16xi32>, vector<16xi32>], vector<16xf32>,
            %mul3A_383 = arith.constant 32 : i32
            %mul3A_384 = vector.broadcast %mul3A_383 : i32 to vector<16xi32>
            %mul3A_385 = arith.muli %add3A_381, %mul3A_384 : vector<16xi32>
            %add3A_386 = arith.addi %mul3A_385, %and3A_370 : vector<16xi32>
            tpu.vector_store_idx %arg8[%add3A_386], %gather3A_382 : memref<8192xf32, #tpu.memory_space<vmem>>[vector<16xi32>], vector<16xf32>,
            %add3A_387 = arith.constant 32 : i32
            %add3A_388 = vector.broadcast %add3A_387 : i32 to vector<16xi32>
            %add3A_389 = arith.addi %iota3A, %add3A_388 : vector<16xi32>
            %gather3A_390 = tpu.vector_load_idx %arg6[%and3A_370, %add3A_389] : memref<32x256xf32, #tpu.memory_space<vmem>>[vector<16xi32>, vector<16xi32>], vector<16xf32>,
            %mul3A_391 = arith.constant 32 : i32
            %mul3A_392 = vector.broadcast %mul3A_391 : i32 to vector<16xi32>
            %mul3A_393 = arith.muli %add3A_389, %mul3A_392 : vector<16xi32>
            %add3A_394 = arith.addi %mul3A_393, %and3A_370 : vector<16xi32>
            tpu.vector_store_idx %arg8[%add3A_394], %gather3A_390 : memref<8192xf32, #tpu.memory_space<vmem>>[vector<16xi32>], vector<16xf32>,
            %add3A_395 = arith.constant 48 : i32
            %add3A_396 = vector.broadcast %add3A_395 : i32 to vector<16xi32>
            %add3A_397 = arith.addi %iota3A, %add3A_396 : vector<16xi32>
            %gather3A_398 = tpu.vector_load_idx %arg6[%and3A_370, %add3A_397] : memref<32x256xf32, #tpu.memory_space<vmem>>[vector<16xi32>, vector<16xi32>], vector<16xf32>,
            %mul3A_399 = arith.constant 32 : i32
            %mul3A_400 = vector.broadcast %mul3A_399 : i32 to vector<16xi32>
            %mul3A_401 = arith.muli %add3A_397, %mul3A_400 : vector<16xi32>
            %add3A_402 = arith.addi %mul3A_401, %and3A_370 : vector<16xi32>
            tpu.vector_store_idx %arg8[%add3A_402], %gather3A_398 : memref<8192xf32, #tpu.memory_space<vmem>>[vector<16xi32>], vector<16xf32>,
            %add3A_403 = arith.constant 64 : i32
            %add3A_404 = vector.broadcast %add3A_403 : i32 to vector<16xi32>
            %add3A_405 = arith.addi %iota3A, %add3A_404 : vector<16xi32>
            %gather3A_406 = tpu.vector_load_idx %arg6[%and3A_370, %add3A_405] : memref<32x256xf32, #tpu.memory_space<vmem>>[vector<16xi32>, vector<16xi32>], vector<16xf32>,
            %mul3A_407 = arith.constant 32 : i32
            %mul3A_408 = vector.broadcast %mul3A_407 : i32 to vector<16xi32>
            %mul3A_409 = arith.muli %add3A_405, %mul3A_408 : vector<16xi32>
            %add3A_410 = arith.addi %mul3A_409, %and3A_370 : vector<16xi32>
            tpu.vector_store_idx %arg8[%add3A_410], %gather3A_406 : memref<8192xf32, #tpu.memory_space<vmem>>[vector<16xi32>], vector<16xf32>,
            %add3A_411 = arith.constant 80 : i32
            %add3A_412 = vector.broadcast %add3A_411 : i32 to vector<16xi32>
            %add3A_413 = arith.addi %iota3A, %add3A_412 : vector<16xi32>
            %gather3A_414 = tpu.vector_load_idx %arg6[%and3A_370, %add3A_413] : memref<32x256xf32, #tpu.memory_space<vmem>>[vector<16xi32>, vector<16xi32>], vector<16xf32>,
            %mul3A_415 = arith.constant 32 : i32
            %mul3A_416 = vector.broadcast %mul3A_415 : i32 to vector<16xi32>
            %mul3A_417 = arith.muli %add3A_413, %mul3A_416 : vector<16xi32>
            %add3A_418 = arith.addi %mul3A_417, %and3A_370 : vector<16xi32>
            tpu.vector_store_idx %arg8[%add3A_418], %gather3A_414 : memref<8192xf32, #tpu.memory_space<vmem>>[vector<16xi32>], vector<16xf32>,
            %add3A_419 = arith.constant 96 : i32
            %add3A_420 = vector.broadcast %add3A_419 : i32 to vector<16xi32>
            %add3A_421 = arith.addi %iota3A, %add3A_420 : vector<16xi32>
            %gather3A_422 = tpu.vector_load_idx %arg6[%and3A_370, %add3A_421] : memref<32x256xf32, #tpu.memory_space<vmem>>[vector<16xi32>, vector<16xi32>], vector<16xf32>,
            %mul3A_423 = arith.constant 32 : i32
            %mul3A_424 = vector.broadcast %mul3A_423 : i32 to vector<16xi32>
            %mul3A_425 = arith.muli %add3A_421, %mul3A_424 : vector<16xi32>
            %add3A_426 = arith.addi %mul3A_425, %and3A_370 : vector<16xi32>
            tpu.vector_store_idx %arg8[%add3A_426], %gather3A_422 : memref<8192xf32, #tpu.memory_space<vmem>>[vector<16xi32>], vector<16xf32>,
            %add3A_427 = arith.constant 112 : i32
            %add3A_428 = vector.broadcast %add3A_427 : i32 to vector<16xi32>
            %add3A_429 = arith.addi %iota3A, %add3A_428 : vector<16xi32>
            %gather3A_430 = tpu.vector_load_idx %arg6[%and3A_370, %add3A_429] : memref<32x256xf32, #tpu.memory_space<vmem>>[vector<16xi32>, vector<16xi32>], vector<16xf32>,
            %mul3A_431 = arith.constant 32 : i32
            %mul3A_432 = vector.broadcast %mul3A_431 : i32 to vector<16xi32>
            %mul3A_433 = arith.muli %add3A_429, %mul3A_432 : vector<16xi32>
            %add3A_434 = arith.addi %mul3A_433, %and3A_370 : vector<16xi32>
            tpu.vector_store_idx %arg8[%add3A_434], %gather3A_430 : memref<8192xf32, #tpu.memory_space<vmem>>[vector<16xi32>], vector<16xf32>,
            %add3A_435 = arith.constant 128 : i32
            %add3A_436 = vector.broadcast %add3A_435 : i32 to vector<16xi32>
            %add3A_437 = arith.addi %iota3A, %add3A_436 : vector<16xi32>
            %gather3A_438 = tpu.vector_load_idx %arg6[%and3A_370, %add3A_437] : memref<32x256xf32, #tpu.memory_space<vmem>>[vector<16xi32>, vector<16xi32>], vector<16xf32>,
            %mul3A_439 = arith.constant 32 : i32
            %mul3A_440 = vector.broadcast %mul3A_439 : i32 to vector<16xi32>
            %mul3A_441 = arith.muli %add3A_437, %mul3A_440 : vector<16xi32>
            %add3A_442 = arith.addi %mul3A_441, %and3A_370 : vector<16xi32>
            tpu.vector_store_idx %arg8[%add3A_442], %gather3A_438 : memref<8192xf32, #tpu.memory_space<vmem>>[vector<16xi32>], vector<16xf32>,
            %add3A_443 = arith.constant 144 : i32
            %add3A_444 = vector.broadcast %add3A_443 : i32 to vector<16xi32>
            %add3A_445 = arith.addi %iota3A, %add3A_444 : vector<16xi32>
            %gather3A_446 = tpu.vector_load_idx %arg6[%and3A_370, %add3A_445] : memref<32x256xf32, #tpu.memory_space<vmem>>[vector<16xi32>, vector<16xi32>], vector<16xf32>,
            %mul3A_447 = arith.constant 32 : i32
            %mul3A_448 = vector.broadcast %mul3A_447 : i32 to vector<16xi32>
            %mul3A_449 = arith.muli %add3A_445, %mul3A_448 : vector<16xi32>
            %add3A_450 = arith.addi %mul3A_449, %and3A_370 : vector<16xi32>
            tpu.vector_store_idx %arg8[%add3A_450], %gather3A_446 : memref<8192xf32, #tpu.memory_space<vmem>>[vector<16xi32>], vector<16xf32>,
            %add3A_451 = arith.constant 160 : i32
            %add3A_452 = vector.broadcast %add3A_451 : i32 to vector<16xi32>
            %add3A_453 = arith.addi %iota3A, %add3A_452 : vector<16xi32>
            %gather3A_454 = tpu.vector_load_idx %arg6[%and3A_370, %add3A_453] : memref<32x256xf32, #tpu.memory_space<vmem>>[vector<16xi32>, vector<16xi32>], vector<16xf32>,
            %mul3A_455 = arith.constant 32 : i32
            %mul3A_456 = vector.broadcast %mul3A_455 : i32 to vector<16xi32>
            %mul3A_457 = arith.muli %add3A_453, %mul3A_456 : vector<16xi32>
            %add3A_458 = arith.addi %mul3A_457, %and3A_370 : vector<16xi32>
            tpu.vector_store_idx %arg8[%add3A_458], %gather3A_454 : memref<8192xf32, #tpu.memory_space<vmem>>[vector<16xi32>], vector<16xf32>,
            %add3A_459 = arith.constant 176 : i32
            %add3A_460 = vector.broadcast %add3A_459 : i32 to vector<16xi32>
            %add3A_461 = arith.addi %iota3A, %add3A_460 : vector<16xi32>
            %gather3A_462 = tpu.vector_load_idx %arg6[%and3A_370, %add3A_461] : memref<32x256xf32, #tpu.memory_space<vmem>>[vector<16xi32>, vector<16xi32>], vector<16xf32>,
            %mul3A_463 = arith.constant 32 : i32
            %mul3A_464 = vector.broadcast %mul3A_463 : i32 to vector<16xi32>
            %mul3A_465 = arith.muli %add3A_461, %mul3A_464 : vector<16xi32>
            %add3A_466 = arith.addi %mul3A_465, %and3A_370 : vector<16xi32>
            tpu.vector_store_idx %arg8[%add3A_466], %gather3A_462 : memref<8192xf32, #tpu.memory_space<vmem>>[vector<16xi32>], vector<16xf32>,
            %add3A_467 = arith.constant 192 : i32
            %add3A_468 = vector.broadcast %add3A_467 : i32 to vector<16xi32>
            %add3A_469 = arith.addi %iota3A, %add3A_468 : vector<16xi32>
            %gather3A_470 = tpu.vector_load_idx %arg6[%and3A_370, %add3A_469] : memref<32x256xf32, #tpu.memory_space<vmem>>[vector<16xi32>, vector<16xi32>], vector<16xf32>,
            %mul3A_471 = arith.constant 32 : i32
            %mul3A_472 = vector.broadcast %mul3A_471 : i32 to vector<16xi32>
            %mul3A_473 = arith.muli %add3A_469, %mul3A_472 : vector<16xi32>
            %add3A_474 = arith.addi %mul3A_473, %and3A_370 : vector<16xi32>
            tpu.vector_store_idx %arg8[%add3A_474], %gather3A_470 : memref<8192xf32, #tpu.memory_space<vmem>>[vector<16xi32>], vector<16xf32>,
            %add3A_475 = arith.constant 208 : i32
            %add3A_476 = vector.broadcast %add3A_475 : i32 to vector<16xi32>
            %add3A_477 = arith.addi %iota3A, %add3A_476 : vector<16xi32>
            %gather3A_478 = tpu.vector_load_idx %arg6[%and3A_370, %add3A_477] : memref<32x256xf32, #tpu.memory_space<vmem>>[vector<16xi32>, vector<16xi32>], vector<16xf32>,
            %mul3A_479 = arith.constant 32 : i32
            %mul3A_480 = vector.broadcast %mul3A_479 : i32 to vector<16xi32>
            %mul3A_481 = arith.muli %add3A_477, %mul3A_480 : vector<16xi32>
            %add3A_482 = arith.addi %mul3A_481, %and3A_370 : vector<16xi32>
            tpu.vector_store_idx %arg8[%add3A_482], %gather3A_478 : memref<8192xf32, #tpu.memory_space<vmem>>[vector<16xi32>], vector<16xf32>,
            %add3A_483 = arith.constant 224 : i32
            %add3A_484 = vector.broadcast %add3A_483 : i32 to vector<16xi32>
            %add3A_485 = arith.addi %iota3A, %add3A_484 : vector<16xi32>
            %gather3A_486 = tpu.vector_load_idx %arg6[%and3A_370, %add3A_485] : memref<32x256xf32, #tpu.memory_space<vmem>>[vector<16xi32>, vector<16xi32>], vector<16xf32>,
            %mul3A_487 = arith.constant 32 : i32
            %mul3A_488 = vector.broadcast %mul3A_487 : i32 to vector<16xi32>
            %mul3A_489 = arith.muli %add3A_485, %mul3A_488 : vector<16xi32>
            %add3A_490 = arith.addi %mul3A_489, %and3A_370 : vector<16xi32>
            tpu.vector_store_idx %arg8[%add3A_490], %gather3A_486 : memref<8192xf32, #tpu.memory_space<vmem>>[vector<16xi32>], vector<16xf32>,
            %add3A_491 = arith.constant 240 : i32
            %add3A_492 = vector.broadcast %add3A_491 : i32 to vector<16xi32>
            %add3A_493 = arith.addi %iota3A, %add3A_492 : vector<16xi32>
            %gather3A_494 = tpu.vector_load_idx %arg6[%and3A_370, %add3A_493] : memref<32x256xf32, #tpu.memory_space<vmem>>[vector<16xi32>, vector<16xi32>], vector<16xf32>,
            %mul3A_495 = arith.constant 32 : i32
            %mul3A_496 = vector.broadcast %mul3A_495 : i32 to vector<16xi32>
            %mul3A_497 = arith.muli %add3A_493, %mul3A_496 : vector<16xi32>
            %add3A_498 = arith.addi %mul3A_497, %and3A_370 : vector<16xi32>
            tpu.vector_store_idx %arg8[%add3A_498], %gather3A_494 : memref<8192xf32, #tpu.memory_space<vmem>>[vector<16xi32>], vector<16xf32>,
            %scan3A_499 = arith.constant 3 : i32
            %scan3A_500 = arith.addi %scan3A_85, %scan3A_499 : i32
            %mul3A_501 = arith.constant 1 : i32
            %mul3A_502 = arith.muli %scan3A_500, %mul3A_501 : i32
            %add3A_503 = arith.constant 0 : i32
            %add3A_504 = arith.addi %add3A_503, %mul3A_502 : i32
            %add3A_505 = vector.broadcast %add3A_504 : i32 to vector<16xi32>
            %add3A_506 = arith.addi %add3A_505, %iota3A : vector<16xi32>
            %and3A_507 = arith.constant 31 : i32
            %and3A_508 = vector.broadcast %and3A_507 : i32 to vector<16xi32>
            %and3A_509 = arith.andi %add3A_506, %and3A_508 : vector<16xi32>
            %add3A_510 = arith.constant 0 : i32
            %add3A_511 = vector.broadcast %add3A_510 : i32 to vector<16xi32>
            %add3A_512 = arith.addi %iota3A, %add3A_511 : vector<16xi32>
            %gather3A_513 = tpu.vector_load_idx %arg6[%and3A_509, %add3A_512] : memref<32x256xf32, #tpu.memory_space<vmem>>[vector<16xi32>, vector<16xi32>], vector<16xf32>,
            %mul3A_514 = arith.constant 32 : i32
            %mul3A_515 = vector.broadcast %mul3A_514 : i32 to vector<16xi32>
            %mul3A_516 = arith.muli %add3A_512, %mul3A_515 : vector<16xi32>
            %add3A_517 = arith.addi %mul3A_516, %and3A_509 : vector<16xi32>
            tpu.vector_store_idx %arg8[%add3A_517], %gather3A_513 : memref<8192xf32, #tpu.memory_space<vmem>>[vector<16xi32>], vector<16xf32>,
            %add3A_518 = arith.constant 16 : i32
            %add3A_519 = vector.broadcast %add3A_518 : i32 to vector<16xi32>
            %add3A_520 = arith.addi %iota3A, %add3A_519 : vector<16xi32>
            %gather3A_521 = tpu.vector_load_idx %arg6[%and3A_509, %add3A_520] : memref<32x256xf32, #tpu.memory_space<vmem>>[vector<16xi32>, vector<16xi32>], vector<16xf32>,
            %mul3A_522 = arith.constant 32 : i32
            %mul3A_523 = vector.broadcast %mul3A_522 : i32 to vector<16xi32>
            %mul3A_524 = arith.muli %add3A_520, %mul3A_523 : vector<16xi32>
            %add3A_525 = arith.addi %mul3A_524, %and3A_509 : vector<16xi32>
            tpu.vector_store_idx %arg8[%add3A_525], %gather3A_521 : memref<8192xf32, #tpu.memory_space<vmem>>[vector<16xi32>], vector<16xf32>,
            %add3A_526 = arith.constant 32 : i32
            %add3A_527 = vector.broadcast %add3A_526 : i32 to vector<16xi32>
            %add3A_528 = arith.addi %iota3A, %add3A_527 : vector<16xi32>
            %gather3A_529 = tpu.vector_load_idx %arg6[%and3A_509, %add3A_528] : memref<32x256xf32, #tpu.memory_space<vmem>>[vector<16xi32>, vector<16xi32>], vector<16xf32>,
            %mul3A_530 = arith.constant 32 : i32
            %mul3A_531 = vector.broadcast %mul3A_530 : i32 to vector<16xi32>
            %mul3A_532 = arith.muli %add3A_528, %mul3A_531 : vector<16xi32>
            %add3A_533 = arith.addi %mul3A_532, %and3A_509 : vector<16xi32>
            tpu.vector_store_idx %arg8[%add3A_533], %gather3A_529 : memref<8192xf32, #tpu.memory_space<vmem>>[vector<16xi32>], vector<16xf32>,
            %add3A_534 = arith.constant 48 : i32
            %add3A_535 = vector.broadcast %add3A_534 : i32 to vector<16xi32>
            %add3A_536 = arith.addi %iota3A, %add3A_535 : vector<16xi32>
            %gather3A_537 = tpu.vector_load_idx %arg6[%and3A_509, %add3A_536] : memref<32x256xf32, #tpu.memory_space<vmem>>[vector<16xi32>, vector<16xi32>], vector<16xf32>,
            %mul3A_538 = arith.constant 32 : i32
            %mul3A_539 = vector.broadcast %mul3A_538 : i32 to vector<16xi32>
            %mul3A_540 = arith.muli %add3A_536, %mul3A_539 : vector<16xi32>
            %add3A_541 = arith.addi %mul3A_540, %and3A_509 : vector<16xi32>
            tpu.vector_store_idx %arg8[%add3A_541], %gather3A_537 : memref<8192xf32, #tpu.memory_space<vmem>>[vector<16xi32>], vector<16xf32>,
            %add3A_542 = arith.constant 64 : i32
            %add3A_543 = vector.broadcast %add3A_542 : i32 to vector<16xi32>
            %add3A_544 = arith.addi %iota3A, %add3A_543 : vector<16xi32>
            %gather3A_545 = tpu.vector_load_idx %arg6[%and3A_509, %add3A_544] : memref<32x256xf32, #tpu.memory_space<vmem>>[vector<16xi32>, vector<16xi32>], vector<16xf32>,
            %mul3A_546 = arith.constant 32 : i32
            %mul3A_547 = vector.broadcast %mul3A_546 : i32 to vector<16xi32>
            %mul3A_548 = arith.muli %add3A_544, %mul3A_547 : vector<16xi32>
            %add3A_549 = arith.addi %mul3A_548, %and3A_509 : vector<16xi32>
            tpu.vector_store_idx %arg8[%add3A_549], %gather3A_545 : memref<8192xf32, #tpu.memory_space<vmem>>[vector<16xi32>], vector<16xf32>,
            %add3A_550 = arith.constant 80 : i32
            %add3A_551 = vector.broadcast %add3A_550 : i32 to vector<16xi32>
            %add3A_552 = arith.addi %iota3A, %add3A_551 : vector<16xi32>
            %gather3A_553 = tpu.vector_load_idx %arg6[%and3A_509, %add3A_552] : memref<32x256xf32, #tpu.memory_space<vmem>>[vector<16xi32>, vector<16xi32>], vector<16xf32>,
            %mul3A_554 = arith.constant 32 : i32
            %mul3A_555 = vector.broadcast %mul3A_554 : i32 to vector<16xi32>
            %mul3A_556 = arith.muli %add3A_552, %mul3A_555 : vector<16xi32>
            %add3A_557 = arith.addi %mul3A_556, %and3A_509 : vector<16xi32>
            tpu.vector_store_idx %arg8[%add3A_557], %gather3A_553 : memref<8192xf32, #tpu.memory_space<vmem>>[vector<16xi32>], vector<16xf32>,
            %add3A_558 = arith.constant 96 : i32
            %add3A_559 = vector.broadcast %add3A_558 : i32 to vector<16xi32>
            %add3A_560 = arith.addi %iota3A, %add3A_559 : vector<16xi32>
            %gather3A_561 = tpu.vector_load_idx %arg6[%and3A_509, %add3A_560] : memref<32x256xf32, #tpu.memory_space<vmem>>[vector<16xi32>, vector<16xi32>], vector<16xf32>,
            %mul3A_562 = arith.constant 32 : i32
            %mul3A_563 = vector.broadcast %mul3A_562 : i32 to vector<16xi32>
            %mul3A_564 = arith.muli %add3A_560, %mul3A_563 : vector<16xi32>
            %add3A_565 = arith.addi %mul3A_564, %and3A_509 : vector<16xi32>
            tpu.vector_store_idx %arg8[%add3A_565], %gather3A_561 : memref<8192xf32, #tpu.memory_space<vmem>>[vector<16xi32>], vector<16xf32>,
            %add3A_566 = arith.constant 112 : i32
            %add3A_567 = vector.broadcast %add3A_566 : i32 to vector<16xi32>
            %add3A_568 = arith.addi %iota3A, %add3A_567 : vector<16xi32>
            %gather3A_569 = tpu.vector_load_idx %arg6[%and3A_509, %add3A_568] : memref<32x256xf32, #tpu.memory_space<vmem>>[vector<16xi32>, vector<16xi32>], vector<16xf32>,
            %mul3A_570 = arith.constant 32 : i32
            %mul3A_571 = vector.broadcast %mul3A_570 : i32 to vector<16xi32>
            %mul3A_572 = arith.muli %add3A_568, %mul3A_571 : vector<16xi32>
            %add3A_573 = arith.addi %mul3A_572, %and3A_509 : vector<16xi32>
            tpu.vector_store_idx %arg8[%add3A_573], %gather3A_569 : memref<8192xf32, #tpu.memory_space<vmem>>[vector<16xi32>], vector<16xf32>,
            %add3A_574 = arith.constant 128 : i32
            %add3A_575 = vector.broadcast %add3A_574 : i32 to vector<16xi32>
            %add3A_576 = arith.addi %iota3A, %add3A_575 : vector<16xi32>
            %gather3A_577 = tpu.vector_load_idx %arg6[%and3A_509, %add3A_576] : memref<32x256xf32, #tpu.memory_space<vmem>>[vector<16xi32>, vector<16xi32>], vector<16xf32>,
            %mul3A_578 = arith.constant 32 : i32
            %mul3A_579 = vector.broadcast %mul3A_578 : i32 to vector<16xi32>
            %mul3A_580 = arith.muli %add3A_576, %mul3A_579 : vector<16xi32>
            %add3A_581 = arith.addi %mul3A_580, %and3A_509 : vector<16xi32>
            tpu.vector_store_idx %arg8[%add3A_581], %gather3A_577 : memref<8192xf32, #tpu.memory_space<vmem>>[vector<16xi32>], vector<16xf32>,
            %add3A_582 = arith.constant 144 : i32
            %add3A_583 = vector.broadcast %add3A_582 : i32 to vector<16xi32>
            %add3A_584 = arith.addi %iota3A, %add3A_583 : vector<16xi32>
            %gather3A_585 = tpu.vector_load_idx %arg6[%and3A_509, %add3A_584] : memref<32x256xf32, #tpu.memory_space<vmem>>[vector<16xi32>, vector<16xi32>], vector<16xf32>,
            %mul3A_586 = arith.constant 32 : i32
            %mul3A_587 = vector.broadcast %mul3A_586 : i32 to vector<16xi32>
            %mul3A_588 = arith.muli %add3A_584, %mul3A_587 : vector<16xi32>
            %add3A_589 = arith.addi %mul3A_588, %and3A_509 : vector<16xi32>
            tpu.vector_store_idx %arg8[%add3A_589], %gather3A_585 : memref<8192xf32, #tpu.memory_space<vmem>>[vector<16xi32>], vector<16xf32>,
            %add3A_590 = arith.constant 160 : i32
            %add3A_591 = vector.broadcast %add3A_590 : i32 to vector<16xi32>
            %add3A_592 = arith.addi %iota3A, %add3A_591 : vector<16xi32>
            %gather3A_593 = tpu.vector_load_idx %arg6[%and3A_509, %add3A_592] : memref<32x256xf32, #tpu.memory_space<vmem>>[vector<16xi32>, vector<16xi32>], vector<16xf32>,
            %mul3A_594 = arith.constant 32 : i32
            %mul3A_595 = vector.broadcast %mul3A_594 : i32 to vector<16xi32>
            %mul3A_596 = arith.muli %add3A_592, %mul3A_595 : vector<16xi32>
            %add3A_597 = arith.addi %mul3A_596, %and3A_509 : vector<16xi32>
            tpu.vector_store_idx %arg8[%add3A_597], %gather3A_593 : memref<8192xf32, #tpu.memory_space<vmem>>[vector<16xi32>], vector<16xf32>,
            %add3A_598 = arith.constant 176 : i32
            %add3A_599 = vector.broadcast %add3A_598 : i32 to vector<16xi32>
            %add3A_600 = arith.addi %iota3A, %add3A_599 : vector<16xi32>
            %gather3A_601 = tpu.vector_load_idx %arg6[%and3A_509, %add3A_600] : memref<32x256xf32, #tpu.memory_space<vmem>>[vector<16xi32>, vector<16xi32>], vector<16xf32>,
            %mul3A_602 = arith.constant 32 : i32
            %mul3A_603 = vector.broadcast %mul3A_602 : i32 to vector<16xi32>
            %mul3A_604 = arith.muli %add3A_600, %mul3A_603 : vector<16xi32>
            %add3A_605 = arith.addi %mul3A_604, %and3A_509 : vector<16xi32>
            tpu.vector_store_idx %arg8[%add3A_605], %gather3A_601 : memref<8192xf32, #tpu.memory_space<vmem>>[vector<16xi32>], vector<16xf32>,
            %add3A_606 = arith.constant 192 : i32
            %add3A_607 = vector.broadcast %add3A_606 : i32 to vector<16xi32>
            %add3A_608 = arith.addi %iota3A, %add3A_607 : vector<16xi32>
            %gather3A_609 = tpu.vector_load_idx %arg6[%and3A_509, %add3A_608] : memref<32x256xf32, #tpu.memory_space<vmem>>[vector<16xi32>, vector<16xi32>], vector<16xf32>,
            %mul3A_610 = arith.constant 32 : i32
            %mul3A_611 = vector.broadcast %mul3A_610 : i32 to vector<16xi32>
            %mul3A_612 = arith.muli %add3A_608, %mul3A_611 : vector<16xi32>
            %add3A_613 = arith.addi %mul3A_612, %and3A_509 : vector<16xi32>
            tpu.vector_store_idx %arg8[%add3A_613], %gather3A_609 : memref<8192xf32, #tpu.memory_space<vmem>>[vector<16xi32>], vector<16xf32>,
            %add3A_614 = arith.constant 208 : i32
            %add3A_615 = vector.broadcast %add3A_614 : i32 to vector<16xi32>
            %add3A_616 = arith.addi %iota3A, %add3A_615 : vector<16xi32>
            %gather3A_617 = tpu.vector_load_idx %arg6[%and3A_509, %add3A_616] : memref<32x256xf32, #tpu.memory_space<vmem>>[vector<16xi32>, vector<16xi32>], vector<16xf32>,
            %mul3A_618 = arith.constant 32 : i32
            %mul3A_619 = vector.broadcast %mul3A_618 : i32 to vector<16xi32>
            %mul3A_620 = arith.muli %add3A_616, %mul3A_619 : vector<16xi32>
            %add3A_621 = arith.addi %mul3A_620, %and3A_509 : vector<16xi32>
            tpu.vector_store_idx %arg8[%add3A_621], %gather3A_617 : memref<8192xf32, #tpu.memory_space<vmem>>[vector<16xi32>], vector<16xf32>,
            %add3A_622 = arith.constant 224 : i32
            %add3A_623 = vector.broadcast %add3A_622 : i32 to vector<16xi32>
            %add3A_624 = arith.addi %iota3A, %add3A_623 : vector<16xi32>
            %gather3A_625 = tpu.vector_load_idx %arg6[%and3A_509, %add3A_624] : memref<32x256xf32, #tpu.memory_space<vmem>>[vector<16xi32>, vector<16xi32>], vector<16xf32>,
            %mul3A_626 = arith.constant 32 : i32
            %mul3A_627 = vector.broadcast %mul3A_626 : i32 to vector<16xi32>
            %mul3A_628 = arith.muli %add3A_624, %mul3A_627 : vector<16xi32>
            %add3A_629 = arith.addi %mul3A_628, %and3A_509 : vector<16xi32>
            tpu.vector_store_idx %arg8[%add3A_629], %gather3A_625 : memref<8192xf32, #tpu.memory_space<vmem>>[vector<16xi32>], vector<16xf32>,
            %add3A_630 = arith.constant 240 : i32
            %add3A_631 = vector.broadcast %add3A_630 : i32 to vector<16xi32>
            %add3A_632 = arith.addi %iota3A, %add3A_631 : vector<16xi32>
            %gather3A_633 = tpu.vector_load_idx %arg6[%and3A_509, %add3A_632] : memref<32x256xf32, #tpu.memory_space<vmem>>[vector<16xi32>, vector<16xi32>], vector<16xf32>,
            %mul3A_634 = arith.constant 32 : i32
            %mul3A_635 = vector.broadcast %mul3A_634 : i32 to vector<16xi32>
            %mul3A_636 = arith.muli %add3A_632, %mul3A_635 : vector<16xi32>
            %add3A_637 = arith.addi %mul3A_636, %and3A_509 : vector<16xi32>
            tpu.vector_store_idx %arg8[%add3A_637], %gather3A_633 : memref<8192xf32, #tpu.memory_space<vmem>>[vector<16xi32>], vector<16xf32>,
          }
          %scan3A_78 = arith.constant 32 : i32
          %mul3A_79 = arith.constant 256 : i32
          %mul3A_80 = arith.muli %add3A_52, %mul3A_79 : i32
          %mul3A_81 = arith.constant 32 : i32
          %mul3A_82 = arith.muli %mul3A_80, %mul3A_81 : i32
          %dma_start3A_83 = tpu.memref_slice %arg4[%mul3A_82] : memref<32000000xf32, #tpu.memory_space<hbm>> -> memref<8192xf32, #tpu.memory_space<hbm>>
          %dma_start3A_84 = tpu.memref_slice %arg4[%mul3A_82] : memref<32000000xf32, #tpu.memory_space<hbm>> -> memref<8192xf32, #tpu.memory_space<hbm>>
          tpu.enqueue_dma source(%arg8 : memref<8192xf32, #tpu.memory_space<vmem>>) target(%dma_start3A_84 : memref<8192xf32, #tpu.memory_space<hbm>>) target_semaphore(%arg11 : memref<!tpu.dma_semaphore, #tpu.memory_space<semaphore_mem>>)
        } else {
        }
      } else {
      }
    }
    %scan3A_11 = arith.constant 123 : i32
    %sub3A = arith.constant 2 : i32
    %sub3A_12 = arith.subi %select_n3A, %sub3A : i32
    %mul3A_13 = arith.constant 32 : i32
    %mul3A_14 = arith.muli %sub3A_12, %mul3A_13 : i32
    %add3A_15 = arith.addi %add3A, %mul3A_14 : i32
    %mul3A_16 = arith.constant 256 : i32
    %mul3A_17 = arith.muli %add3A_15, %mul3A_16 : i32
    %mul3A_18 = arith.constant 32 : i32
    %mul3A_19 = arith.muli %mul3A_17, %mul3A_18 : i32
    %dma_wait3A = tpu.memref_slice %arg4[%mul3A_19] : memref<32000000xf32, #tpu.memory_space<hbm>> -> memref<8192xf32, #tpu.memory_space<hbm>>
    %dma_wait3A_20 = tpu.memref_slice %arg4[%mul3A_19] : memref<32000000xf32, #tpu.memory_space<hbm>> -> memref<8192xf32, #tpu.memory_space<hbm>>
    tpu.wait_dma2 semaphore(%arg11 : memref<!tpu.dma_semaphore, #tpu.memory_space<semaphore_mem>>) src(%arg7 : memref<8192xf32, #tpu.memory_space<vmem>>) dst(%dma_wait3A_20 : memref<8192xf32, #tpu.memory_space<hbm>>)
    %sub3A_21 = arith.constant 1 : i32
    %sub3A_22 = arith.subi %select_n3A, %sub3A_21 : i32
    %mul3A_23 = arith.constant 32 : i32
    %mul3A_24 = arith.muli %sub3A_22, %mul3A_23 : i32
    %add3A_25 = arith.addi %add3A, %mul3A_24 : i32
    %mul3A_26 = arith.constant 256 : i32
    %mul3A_27 = arith.muli %add3A_25, %mul3A_26 : i32
    %mul3A_28 = arith.constant 32 : i32
    %mul3A_29 = arith.muli %mul3A_27, %mul3A_28 : i32
    %dma_wait3A_30 = tpu.memref_slice %arg4[%mul3A_29] : memref<32000000xf32, #tpu.memory_space<hbm>> -> memref<8192xf32, #tpu.memory_space<hbm>>
    %dma_wait3A_31 = tpu.memref_slice %arg4[%mul3A_29] : memref<32000000xf32, #tpu.memory_space<hbm>> -> memref<8192xf32, #tpu.memory_space<hbm>>
    tpu.wait_dma2 semaphore(%arg11 : memref<!tpu.dma_semaphore, #tpu.memory_space<semaphore_mem>>) src(%arg7 : memref<8192xf32, #tpu.memory_space<vmem>>) dst(%dma_wait3A_31 : memref<8192xf32, #tpu.memory_space<hbm>>)
    %eq3A = arith.constant 0 : i32
    %eq3A_32 = arith.cmpi eq, %add3A, %eq3A : i32
    %convert_element_type3A = arith.extui %eq3A_32 : i1 to i32
    %cond3A = arith.constant 0 : i32
    %cond3A_33 = arith.cmpi ne, %convert_element_type3A, %cond3A : i32
    scf.if %cond3A_33 {
      "tpu.region"() ({
        %run_scoped3A = tpu.sem_alloc : memref<!tpu.dma_semaphore, #tpu.memory_space<semaphore_mem>>
        tpu.enqueue_dma source(%arg3 : memref<2048xf32, #tpu.memory_space<hbm>>) target(%arg9 : memref<2048xf32, #tpu.memory_space<vmem>>) target_semaphore(%run_scoped3A : memref<!tpu.dma_semaphore, #tpu.memory_space<semaphore_mem>>)
        tpu.wait_dma2 semaphore(%run_scoped3A : memref<!tpu.dma_semaphore, #tpu.memory_space<semaphore_mem>>) src(%arg3 : memref<2048xf32, #tpu.memory_space<hbm>>) dst(%arg9 : memref<2048xf32, #tpu.memory_space<vmem>>)
        tpu.yield
      }) : () -> ()
      "tpu.region"() ({
        %run_scoped3A = tpu.sem_alloc : memref<!tpu.dma_semaphore, #tpu.memory_space<semaphore_mem>>
        %dma_start3A_34 = arith.constant 31997952 : i32
        %dma_start3A_35 = tpu.memref_slice %arg4[%dma_start3A_34] : memref<32000000xf32, #tpu.memory_space<hbm>> -> memref<2048xf32, #tpu.memory_space<hbm>>
        %dma_start3A_36 = arith.constant 31997952 : i32
        %dma_start3A_37 = tpu.memref_slice %arg4[%dma_start3A_36] : memref<32000000xf32, #tpu.memory_space<hbm>> -> memref<2048xf32, #tpu.memory_space<hbm>>
        tpu.enqueue_dma source(%arg9 : memref<2048xf32, #tpu.memory_space<vmem>>) target(%dma_start3A_37 : memref<2048xf32, #tpu.memory_space<hbm>>) target_semaphore(%run_scoped3A : memref<!tpu.dma_semaphore, #tpu.memory_space<semaphore_mem>>)
        %dma_wait3A_38 = arith.constant 31997952 : i32
        %dma_wait3A_39 = tpu.memref_slice %arg4[%dma_wait3A_38] : memref<32000000xf32, #tpu.memory_space<hbm>> -> memref<2048xf32, #tpu.memory_space<hbm>>
        %dma_wait3A_40 = arith.constant 31997952 : i32
        %dma_wait3A_41 = tpu.memref_slice %arg4[%dma_wait3A_40] : memref<32000000xf32, #tpu.memory_space<hbm>> -> memref<2048xf32, #tpu.memory_space<hbm>>
        tpu.wait_dma2 semaphore(%run_scoped3A : memref<!tpu.dma_semaphore, #tpu.memory_space<semaphore_mem>>) src(%arg9 : memref<2048xf32, #tpu.memory_space<vmem>>) dst(%dma_wait3A_41 : memref<2048xf32, #tpu.memory_space<hbm>>)
        tpu.yield
      }) : () -> ()
    } else {
    }
    return
  }
}

#map = affine_map<(d0, d1) -> (0)>
#map1 = affine_map<(d0, d1) -> (0, 0)>
#map2 = affine_map<(d0, d1) -> (0, 0, 0, 0, 0)>
module attributes {stable_mosaic.version = 14 : i64} {
  func.func @gather_kernel(%arg0: i32, %arg1: i32, %arg2: memref<819200xi32, #tpu.memory_space<hbm>>, %arg3: memref<1000000x32xf32, #tpu.memory_space<hbm>>, %arg4: memref<50x4x128x8x128xf32, #tpu.memory_space<hbm>>, %arg5: memref<6400xi32, #tpu.memory_space<vmem>>, %arg6: memref<50x128xi32, #tpu.memory_space<vmem>>, %arg7: memref<3x128x32xf32, #tpu.memory_space<vmem>>, %arg8: memref<2x4x8x128xf32, #tpu.memory_space<vmem>>, %arg9: memref<!tpu.dma_semaphore, #tpu.memory_space<semaphore_mem>>, %arg10: memref<!tpu.dma_semaphore, #tpu.memory_space<semaphore_mem>>) attributes {dimension_semantics = [#tpu.dimension_semantics<core_parallel>, #tpu.dimension_semantics<subcore_parallel>], iteration_bounds = array<i64: 2, 16>, scalar_prefetch = 0 : i64, scratch_operands = 6 : i64, tpu.core_type = #tpu.core_type<sc_vector_subcore>, window_params = [{transform_indices = #map}, {transform_indices = #map1}, {transform_indices = #map2}]} {
    %mul3A = arith.constant 2 : i32
    %mul3A_0 = arith.muli %arg1, %mul3A : i32
    %add3A = arith.addi %mul3A_0, %arg0 : i32
    %iota3A = tpu.iota {dimensions = array<i32: 0>} : vector<16xi32>
    %scan3A = arith.constant 0 : i32
    %scan3A_1 = arith.constant 4 : i32
    %scan3A_2 = arith.addi %scan3A, %scan3A_1 : i32
    %scan3A_3 = arith.constant 1 : i32
    scf.for %scan3A_5 = %scan3A to %scan3A_2 step %scan3A_3  : i32 {
      %mul3A_6 = arith.constant 1 : i32
      %mul3A_7 = arith.muli %scan3A_5, %mul3A_6 : i32
      %add3A_8 = arith.constant 0 : i32
      %add3A_9 = arith.addi %add3A_8, %mul3A_7 : i32
      %mul3A_10 = arith.constant 4 : i32
      %mul3A_11 = arith.muli %add3A, %mul3A_10 : i32
      %add3A_12 = arith.addi %mul3A_11, %add3A_9 : i32
      %mul3A_13 = arith.constant 128 : i32
      %mul3A_14 = arith.muli %add3A_12, %mul3A_13 : i32
      %mul3A_15 = arith.constant 50 : i32
      %mul3A_16 = arith.muli %mul3A_14, %mul3A_15 : i32
      "tpu.region"() ({
        %run_scoped3A = tpu.sem_alloc : memref<!tpu.dma_semaphore, #tpu.memory_space<semaphore_mem>>
        %dma_start3A_93 = tpu.memref_slice %arg2[%mul3A_16] : memref<819200xi32, #tpu.memory_space<hbm>> -> memref<6400xi32, #tpu.memory_space<hbm>>
        %dma_start3A_94 = tpu.memref_slice %arg2[%mul3A_16] : memref<819200xi32, #tpu.memory_space<hbm>> -> memref<6400xi32, #tpu.memory_space<hbm>>
        tpu.enqueue_dma source(%dma_start3A_94 : memref<6400xi32, #tpu.memory_space<hbm>>) target(%arg5 : memref<6400xi32, #tpu.memory_space<vmem>>) target_semaphore(%run_scoped3A : memref<!tpu.dma_semaphore, #tpu.memory_space<semaphore_mem>>)
        %dma_wait3A_95 = tpu.memref_slice %arg2[%mul3A_16] : memref<819200xi32, #tpu.memory_space<hbm>> -> memref<6400xi32, #tpu.memory_space<hbm>>
        %dma_wait3A_96 = tpu.memref_slice %arg2[%mul3A_16] : memref<819200xi32, #tpu.memory_space<hbm>> -> memref<6400xi32, #tpu.memory_space<hbm>>
        tpu.wait_dma2 semaphore(%run_scoped3A : memref<!tpu.dma_semaphore, #tpu.memory_space<semaphore_mem>>) src(%dma_wait3A_96 : memref<6400xi32, #tpu.memory_space<hbm>>) dst(%arg5 : memref<6400xi32, #tpu.memory_space<vmem>>)
        tpu.yield
      }) : () -> ()
      %scan3A_17 = arith.constant 0 : i32
      %scan3A_18 = arith.constant 50 : i32
      %scan3A_19 = arith.addi %scan3A_17, %scan3A_18 : i32
      %scan3A_20 = arith.constant 1 : i32
      scf.for %scan3A_93 = %scan3A_17 to %scan3A_19 step %scan3A_20  : i32 {
        %mul3A_94 = arith.constant 1 : i32
        %mul3A_95 = arith.muli %scan3A_93, %mul3A_94 : i32
        %add3A_96 = arith.constant 0 : i32
        %add3A_97 = arith.addi %add3A_96, %mul3A_95 : i32
        %mul3A_98 = arith.constant 50 : i32
        %mul3A_99 = vector.broadcast %mul3A_98 : i32 to vector<16xi32>
        %mul3A_100 = arith.muli %iota3A, %mul3A_99 : vector<16xi32>
        %add3A_101 = arith.constant 0 : i32
        %add3A_102 = arith.addi %add3A_101, %add3A_97 : i32
        %add3A_103 = vector.broadcast %add3A_102 : i32 to vector<16xi32>
        %add3A_104 = arith.addi %mul3A_100, %add3A_103 : vector<16xi32>
        %gather3A = tpu.vector_load_idx %arg5[%add3A_104] : memref<6400xi32, #tpu.memory_space<vmem>>[vector<16xi32>], vector<16xi32>,
        %swap3A = arith.index_cast %add3A_97 : i32 to index
        %swap3A_105 = arith.constant 0 : index
        %swap3A_106 = tpu.vector_load %arg6[%swap3A, %swap3A_105] {strides = array<i32>} : memref<50x128xi32, #tpu.memory_space<vmem>>, vector<16xi32>,
        tpu.vector_store %arg6[%swap3A, %swap3A_105], %gather3A {strides = array<i32>} : memref<50x128xi32, #tpu.memory_space<vmem>>, vector<16xi32>,
        %mul3A_107 = arith.constant 50 : i32
        %mul3A_108 = vector.broadcast %mul3A_107 : i32 to vector<16xi32>
        %mul3A_109 = arith.muli %iota3A, %mul3A_108 : vector<16xi32>
        %add3A_110 = arith.constant 800 : i32
        %add3A_111 = arith.addi %add3A_110, %add3A_97 : i32
        %add3A_112 = vector.broadcast %add3A_111 : i32 to vector<16xi32>
        %add3A_113 = arith.addi %mul3A_109, %add3A_112 : vector<16xi32>
        %gather3A_114 = tpu.vector_load_idx %arg5[%add3A_113] : memref<6400xi32, #tpu.memory_space<vmem>>[vector<16xi32>], vector<16xi32>,
        %swap3A_115 = arith.index_cast %add3A_97 : i32 to index
        %swap3A_116 = arith.constant 16 : index
        %swap3A_117 = tpu.vector_load %arg6[%swap3A_115, %swap3A_116] {strides = array<i32>} : memref<50x128xi32, #tpu.memory_space<vmem>>, vector<16xi32>,
        tpu.vector_store %arg6[%swap3A_115, %swap3A_116], %gather3A_114 {strides = array<i32>} : memref<50x128xi32, #tpu.memory_space<vmem>>, vector<16xi32>,
        %mul3A_118 = arith.constant 50 : i32
        %mul3A_119 = vector.broadcast %mul3A_118 : i32 to vector<16xi32>
        %mul3A_120 = arith.muli %iota3A, %mul3A_119 : vector<16xi32>
        %add3A_121 = arith.constant 1600 : i32
        %add3A_122 = arith.addi %add3A_121, %add3A_97 : i32
        %add3A_123 = vector.broadcast %add3A_122 : i32 to vector<16xi32>
        %add3A_124 = arith.addi %mul3A_120, %add3A_123 : vector<16xi32>
        %gather3A_125 = tpu.vector_load_idx %arg5[%add3A_124] : memref<6400xi32, #tpu.memory_space<vmem>>[vector<16xi32>], vector<16xi32>,
        %swap3A_126 = arith.index_cast %add3A_97 : i32 to index
        %swap3A_127 = arith.constant 32 : index
        %swap3A_128 = tpu.vector_load %arg6[%swap3A_126, %swap3A_127] {strides = array<i32>} : memref<50x128xi32, #tpu.memory_space<vmem>>, vector<16xi32>,
        tpu.vector_store %arg6[%swap3A_126, %swap3A_127], %gather3A_125 {strides = array<i32>} : memref<50x128xi32, #tpu.memory_space<vmem>>, vector<16xi32>,
        %mul3A_129 = arith.constant 50 : i32
        %mul3A_130 = vector.broadcast %mul3A_129 : i32 to vector<16xi32>
        %mul3A_131 = arith.muli %iota3A, %mul3A_130 : vector<16xi32>
        %add3A_132 = arith.constant 2400 : i32
        %add3A_133 = arith.addi %add3A_132, %add3A_97 : i32
        %add3A_134 = vector.broadcast %add3A_133 : i32 to vector<16xi32>
        %add3A_135 = arith.addi %mul3A_131, %add3A_134 : vector<16xi32>
        %gather3A_136 = tpu.vector_load_idx %arg5[%add3A_135] : memref<6400xi32, #tpu.memory_space<vmem>>[vector<16xi32>], vector<16xi32>,
        %swap3A_137 = arith.index_cast %add3A_97 : i32 to index
        %swap3A_138 = arith.constant 48 : index
        %swap3A_139 = tpu.vector_load %arg6[%swap3A_137, %swap3A_138] {strides = array<i32>} : memref<50x128xi32, #tpu.memory_space<vmem>>, vector<16xi32>,
        tpu.vector_store %arg6[%swap3A_137, %swap3A_138], %gather3A_136 {strides = array<i32>} : memref<50x128xi32, #tpu.memory_space<vmem>>, vector<16xi32>,
        %mul3A_140 = arith.constant 50 : i32
        %mul3A_141 = vector.broadcast %mul3A_140 : i32 to vector<16xi32>
        %mul3A_142 = arith.muli %iota3A, %mul3A_141 : vector<16xi32>
        %add3A_143 = arith.constant 3200 : i32
        %add3A_144 = arith.addi %add3A_143, %add3A_97 : i32
        %add3A_145 = vector.broadcast %add3A_144 : i32 to vector<16xi32>
        %add3A_146 = arith.addi %mul3A_142, %add3A_145 : vector<16xi32>
        %gather3A_147 = tpu.vector_load_idx %arg5[%add3A_146] : memref<6400xi32, #tpu.memory_space<vmem>>[vector<16xi32>], vector<16xi32>,
        %swap3A_148 = arith.index_cast %add3A_97 : i32 to index
        %swap3A_149 = arith.constant 64 : index
        %swap3A_150 = tpu.vector_load %arg6[%swap3A_148, %swap3A_149] {strides = array<i32>} : memref<50x128xi32, #tpu.memory_space<vmem>>, vector<16xi32>,
        tpu.vector_store %arg6[%swap3A_148, %swap3A_149], %gather3A_147 {strides = array<i32>} : memref<50x128xi32, #tpu.memory_space<vmem>>, vector<16xi32>,
        %mul3A_151 = arith.constant 50 : i32
        %mul3A_152 = vector.broadcast %mul3A_151 : i32 to vector<16xi32>
        %mul3A_153 = arith.muli %iota3A, %mul3A_152 : vector<16xi32>
        %add3A_154 = arith.constant 4000 : i32
        %add3A_155 = arith.addi %add3A_154, %add3A_97 : i32
        %add3A_156 = vector.broadcast %add3A_155 : i32 to vector<16xi32>
        %add3A_157 = arith.addi %mul3A_153, %add3A_156 : vector<16xi32>
        %gather3A_158 = tpu.vector_load_idx %arg5[%add3A_157] : memref<6400xi32, #tpu.memory_space<vmem>>[vector<16xi32>], vector<16xi32>,
        %swap3A_159 = arith.index_cast %add3A_97 : i32 to index
        %swap3A_160 = arith.constant 80 : index
        %swap3A_161 = tpu.vector_load %arg6[%swap3A_159, %swap3A_160] {strides = array<i32>} : memref<50x128xi32, #tpu.memory_space<vmem>>, vector<16xi32>,
        tpu.vector_store %arg6[%swap3A_159, %swap3A_160], %gather3A_158 {strides = array<i32>} : memref<50x128xi32, #tpu.memory_space<vmem>>, vector<16xi32>,
        %mul3A_162 = arith.constant 50 : i32
        %mul3A_163 = vector.broadcast %mul3A_162 : i32 to vector<16xi32>
        %mul3A_164 = arith.muli %iota3A, %mul3A_163 : vector<16xi32>
        %add3A_165 = arith.constant 4800 : i32
        %add3A_166 = arith.addi %add3A_165, %add3A_97 : i32
        %add3A_167 = vector.broadcast %add3A_166 : i32 to vector<16xi32>
        %add3A_168 = arith.addi %mul3A_164, %add3A_167 : vector<16xi32>
        %gather3A_169 = tpu.vector_load_idx %arg5[%add3A_168] : memref<6400xi32, #tpu.memory_space<vmem>>[vector<16xi32>], vector<16xi32>,
        %swap3A_170 = arith.index_cast %add3A_97 : i32 to index
        %swap3A_171 = arith.constant 96 : index
        %swap3A_172 = tpu.vector_load %arg6[%swap3A_170, %swap3A_171] {strides = array<i32>} : memref<50x128xi32, #tpu.memory_space<vmem>>, vector<16xi32>,
        tpu.vector_store %arg6[%swap3A_170, %swap3A_171], %gather3A_169 {strides = array<i32>} : memref<50x128xi32, #tpu.memory_space<vmem>>, vector<16xi32>,
        %mul3A_173 = arith.constant 50 : i32
        %mul3A_174 = vector.broadcast %mul3A_173 : i32 to vector<16xi32>
        %mul3A_175 = arith.muli %iota3A, %mul3A_174 : vector<16xi32>
        %add3A_176 = arith.constant 5600 : i32
        %add3A_177 = arith.addi %add3A_176, %add3A_97 : i32
        %add3A_178 = vector.broadcast %add3A_177 : i32 to vector<16xi32>
        %add3A_179 = arith.addi %mul3A_175, %add3A_178 : vector<16xi32>
        %gather3A_180 = tpu.vector_load_idx %arg5[%add3A_179] : memref<6400xi32, #tpu.memory_space<vmem>>[vector<16xi32>], vector<16xi32>,
        %swap3A_181 = arith.index_cast %add3A_97 : i32 to index
        %swap3A_182 = arith.constant 112 : index
        %swap3A_183 = tpu.vector_load %arg6[%swap3A_181, %swap3A_182] {strides = array<i32>} : memref<50x128xi32, #tpu.memory_space<vmem>>, vector<16xi32>,
        tpu.vector_store %arg6[%swap3A_181, %swap3A_182], %gather3A_180 {strides = array<i32>} : memref<50x128xi32, #tpu.memory_space<vmem>>, vector<16xi32>,
      }
      %scan3A_21 = arith.constant 50 : i32
      %dma_start3A = arith.constant 0 : i32
      %dma_start3A_22 = arith.constant 0 : i32
      %dma_start3A_23 = arith.constant 0 : i32
      %dma_start3A_24 = arith.constant 0 : i32
      %dma_start3A_25 = tpu.memref_slice %arg7[%dma_start3A_22, %dma_start3A_23, %dma_start3A_24] : memref<3x128x32xf32, #tpu.memory_space<vmem>> -> memref<1x128x32xf32, #tpu.memory_space<vmem>>
      %dma_start3A_26 = tpu.memref_squeeze %dma_start3A_25 : memref<1x128x32xf32, #tpu.memory_space<vmem>> -> memref<128x32xf32, #tpu.memory_space<vmem>>
      %dma_start3A_27 = arith.constant 0 : i32
      %dma_start3A_28 = tpu.memref_slice %arg6[%dma_start3A, %dma_start3A_27] : memref<50x128xi32, #tpu.memory_space<vmem>> -> memref<1x128xi32, #tpu.memory_space<vmem>>
      %dma_start3A_29 = tpu.memref_squeeze %dma_start3A_28 : memref<1x128xi32, #tpu.memory_space<vmem>> -> memref<128xi32, #tpu.memory_space<vmem>>
      %dma_start3A_30 = arith.constant 0 : i32
      %dma_start3A_31 = arith.constant 0 : i32
      %dma_start3A_32 = tpu.memref_slice %arg3[%dma_start3A_30, %dma_start3A_31] : memref<1000000x32xf32, #tpu.memory_space<hbm>> -> memref<1000000x32xf32, #tpu.memory_space<hbm>>
      tpu.enqueue_indirect_dma source(%dma_start3A_32 : memref<1000000x32xf32, #tpu.memory_space<hbm>>) target(%dma_start3A_26 : memref<128x32xf32, #tpu.memory_space<vmem>>) offsets(%dma_start3A_29 : memref<128xi32, #tpu.memory_space<vmem>>) semaphore(%arg9 : memref<!tpu.dma_semaphore, #tpu.memory_space<semaphore_mem>>)
      %dma_start3A_33 = arith.constant 1 : i32
      %dma_start3A_34 = arith.constant 1 : i32
      %dma_start3A_35 = arith.constant 0 : i32
      %dma_start3A_36 = arith.constant 0 : i32
      %dma_start3A_37 = tpu.memref_slice %arg7[%dma_start3A_34, %dma_start3A_35, %dma_start3A_36] : memref<3x128x32xf32, #tpu.memory_space<vmem>> -> memref<1x128x32xf32, #tpu.memory_space<vmem>>
      %dma_start3A_38 = tpu.memref_squeeze %dma_start3A_37 : memref<1x128x32xf32, #tpu.memory_space<vmem>> -> memref<128x32xf32, #tpu.memory_space<vmem>>
      %dma_start3A_39 = arith.constant 0 : i32
      %dma_start3A_40 = tpu.memref_slice %arg6[%dma_start3A_33, %dma_start3A_39] : memref<50x128xi32, #tpu.memory_space<vmem>> -> memref<1x128xi32, #tpu.memory_space<vmem>>
      %dma_start3A_41 = tpu.memref_squeeze %dma_start3A_40 : memref<1x128xi32, #tpu.memory_space<vmem>> -> memref<128xi32, #tpu.memory_space<vmem>>
      %dma_start3A_42 = arith.constant 0 : i32
      %dma_start3A_43 = arith.constant 0 : i32
      %dma_start3A_44 = tpu.memref_slice %arg3[%dma_start3A_42, %dma_start3A_43] : memref<1000000x32xf32, #tpu.memory_space<hbm>> -> memref<1000000x32xf32, #tpu.memory_space<hbm>>
      tpu.enqueue_indirect_dma source(%dma_start3A_44 : memref<1000000x32xf32, #tpu.memory_space<hbm>>) target(%dma_start3A_38 : memref<128x32xf32, #tpu.memory_space<vmem>>) offsets(%dma_start3A_41 : memref<128xi32, #tpu.memory_space<vmem>>) semaphore(%arg9 : memref<!tpu.dma_semaphore, #tpu.memory_space<semaphore_mem>>)
      %scan3A_45 = arith.constant 0 : i32
      %scan3A_46 = arith.constant 50 : i32
      %scan3A_47 = arith.addi %scan3A_45, %scan3A_46 : i32
      %scan3A_48 = arith.constant 1 : i32
      scf.for %scan3A_93 = %scan3A_45 to %scan3A_47 step %scan3A_48  : i32 {
        %mul3A_94 = arith.constant 1 : i32
        %mul3A_95 = arith.muli %scan3A_93, %mul3A_94 : i32
        %add3A_96 = arith.constant 0 : i32
        %add3A_97 = arith.addi %add3A_96, %mul3A_95 : i32
        %rem3A = arith.constant 3 : i32
        %rem3A_98 = arith.remsi %add3A_97, %rem3A : i32
        %rem3A_99 = arith.constant 2 : i32
        %rem3A_100 = arith.remsi %add3A_97, %rem3A_99 : i32
        %add3A_101 = arith.constant 2 : i32
        %add3A_102 = arith.addi %add3A_97, %add3A_101 : i32
        %lt3A = arith.constant 50 : i32
        %lt3A_103 = arith.cmpi slt, %add3A_102, %lt3A : i32
        %convert_element_type3A = arith.extui %lt3A_103 : i1 to i32
        %cond3A = arith.constant 0 : i32
        %cond3A_104 = arith.cmpi ne, %convert_element_type3A, %cond3A : i32
        scf.if %cond3A_104 {
          %add3A_144 = arith.constant 2 : i32
          %add3A_145 = arith.addi %add3A_97, %add3A_144 : i32
          %add3A_146 = arith.constant 2 : i32
          %add3A_147 = arith.addi %add3A_97, %add3A_146 : i32
          %rem3A_148 = arith.constant 3 : i32
          %rem3A_149 = arith.remsi %add3A_147, %rem3A_148 : i32
          %dma_start3A_150 = arith.constant 0 : i32
          %dma_start3A_151 = arith.constant 0 : i32
          %dma_start3A_152 = tpu.memref_slice %arg7[%rem3A_149, %dma_start3A_150, %dma_start3A_151] : memref<3x128x32xf32, #tpu.memory_space<vmem>> -> memref<1x128x32xf32, #tpu.memory_space<vmem>>
          %dma_start3A_153 = tpu.memref_squeeze %dma_start3A_152 : memref<1x128x32xf32, #tpu.memory_space<vmem>> -> memref<128x32xf32, #tpu.memory_space<vmem>>
          %dma_start3A_154 = arith.constant 0 : i32
          %dma_start3A_155 = tpu.memref_slice %arg6[%add3A_145, %dma_start3A_154] : memref<50x128xi32, #tpu.memory_space<vmem>> -> memref<1x128xi32, #tpu.memory_space<vmem>>
          %dma_start3A_156 = tpu.memref_squeeze %dma_start3A_155 : memref<1x128xi32, #tpu.memory_space<vmem>> -> memref<128xi32, #tpu.memory_space<vmem>>
          %dma_start3A_157 = arith.constant 0 : i32
          %dma_start3A_158 = arith.constant 0 : i32
          %dma_start3A_159 = tpu.memref_slice %arg3[%dma_start3A_157, %dma_start3A_158] : memref<1000000x32xf32, #tpu.memory_space<hbm>> -> memref<1000000x32xf32, #tpu.memory_space<hbm>>
          tpu.enqueue_indirect_dma source(%dma_start3A_159 : memref<1000000x32xf32, #tpu.memory_space<hbm>>) target(%dma_start3A_153 : memref<128x32xf32, #tpu.memory_space<vmem>>) offsets(%dma_start3A_156 : memref<128xi32, #tpu.memory_space<vmem>>) semaphore(%arg9 : memref<!tpu.dma_semaphore, #tpu.memory_space<semaphore_mem>>)
        } else {
        }
        %dma_wait3A_105 = arith.constant 0 : i32
        %dma_wait3A_106 = arith.constant 0 : i32
        %dma_wait3A_107 = tpu.memref_slice %arg7[%rem3A_98, %dma_wait3A_105, %dma_wait3A_106] : memref<3x128x32xf32, #tpu.memory_space<vmem>> -> memref<1x128x32xf32, #tpu.memory_space<vmem>>
        %dma_wait3A_108 = tpu.memref_squeeze %dma_wait3A_107 : memref<1x128x32xf32, #tpu.memory_space<vmem>> -> memref<128x32xf32, #tpu.memory_space<vmem>>
        %dma_wait3A_109 = arith.constant 0 : i32
        %dma_wait3A_110 = tpu.memref_slice %arg6[%add3A_97, %dma_wait3A_109] : memref<50x128xi32, #tpu.memory_space<vmem>> -> memref<1x128xi32, #tpu.memory_space<vmem>>
        %dma_wait3A_111 = tpu.memref_squeeze %dma_wait3A_110 : memref<1x128xi32, #tpu.memory_space<vmem>> -> memref<128xi32, #tpu.memory_space<vmem>>
        %dma_wait3A_112 = arith.constant 0 : i32
        %dma_wait3A_113 = arith.constant 0 : i32
        %dma_wait3A_114 = tpu.memref_slice %arg3[%dma_wait3A_112, %dma_wait3A_113] : memref<1000000x32xf32, #tpu.memory_space<hbm>> -> memref<1000000x32xf32, #tpu.memory_space<hbm>>
        tpu.wait_indirect_dma semaphore(%arg9 : memref<!tpu.dma_semaphore, #tpu.memory_space<semaphore_mem>>) src(%dma_wait3A_114 : memref<1000000x32xf32, #tpu.memory_space<hbm>>) dst(%dma_wait3A_108 : memref<128x32xf32, #tpu.memory_space<vmem>>)
        %ge3A = arith.constant 2 : i32
        %ge3A_115 = arith.cmpi sge, %add3A_97, %ge3A : i32
        %convert_element_type3A_116 = arith.extui %ge3A_115 : i1 to i32
        %cond3A_117 = arith.constant 0 : i32
        %cond3A_118 = arith.cmpi ne, %convert_element_type3A_116, %cond3A_117 : i32
        scf.if %cond3A_118 {
          %sub3A = arith.constant 2 : i32
          %sub3A_144 = arith.subi %add3A_97, %sub3A : i32
          %dma_wait3A_145 = arith.constant 0 : i32
          %dma_wait3A_146 = arith.constant 0 : i32
          %dma_wait3A_147 = arith.constant 0 : i32
          %dma_wait3A_148 = tpu.memref_slice %arg8[%rem3A_100, %dma_wait3A_145, %dma_wait3A_146, %dma_wait3A_147] : memref<2x4x8x128xf32, #tpu.memory_space<vmem>> -> memref<1x4x8x128xf32, #tpu.memory_space<vmem>>
          %dma_wait3A_149 = tpu.memref_squeeze %dma_wait3A_148 : memref<1x4x8x128xf32, #tpu.memory_space<vmem>> -> memref<4x8x128xf32, #tpu.memory_space<vmem>>
          %dma_wait3A_150 = arith.constant 0 : i32
          %dma_wait3A_151 = arith.constant 0 : i32
          %dma_wait3A_152 = arith.constant 0 : i32
          %dma_wait3A_153 = tpu.memref_slice %arg4[%sub3A_144, %dma_wait3A_150, %add3A_12, %dma_wait3A_151, %dma_wait3A_152] : memref<50x4x128x8x128xf32, #tpu.memory_space<hbm>> -> memref<1x4x1x8x128xf32, #tpu.memory_space<hbm>>
          %dma_wait3A_154 = tpu.memref_squeeze %dma_wait3A_153 : memref<1x4x1x8x128xf32, #tpu.memory_space<hbm>> -> memref<4x8x128xf32, #tpu.memory_space<hbm>>
          %dma_wait3A_155 = arith.constant 0 : i32
          %dma_wait3A_156 = arith.constant 0 : i32
          %dma_wait3A_157 = arith.constant 0 : i32
          %dma_wait3A_158 = tpu.memref_slice %arg4[%sub3A_144, %dma_wait3A_155, %add3A_12, %dma_wait3A_156, %dma_wait3A_157] : memref<50x4x128x8x128xf32, #tpu.memory_space<hbm>> -> memref<1x4x1x8x128xf32, #tpu.memory_space<hbm>>
          %dma_wait3A_159 = tpu.memref_squeeze %dma_wait3A_158 : memref<1x4x1x8x128xf32, #tpu.memory_space<hbm>> -> memref<4x8x128xf32, #tpu.memory_space<hbm>>
          %dma_wait3A_160 = arith.constant 0 : i32
          %dma_wait3A_161 = arith.constant 0 : i32
          %dma_wait3A_162 = arith.constant 0 : i32
          %dma_wait3A_163 = tpu.memref_slice %arg8[%rem3A_100, %dma_wait3A_160, %dma_wait3A_161, %dma_wait3A_162] : memref<2x4x8x128xf32, #tpu.memory_space<vmem>> -> memref<1x4x8x128xf32, #tpu.memory_space<vmem>>
          %dma_wait3A_164 = tpu.memref_squeeze %dma_wait3A_163 : memref<1x4x8x128xf32, #tpu.memory_space<vmem>> -> memref<4x8x128xf32, #tpu.memory_space<vmem>>
          tpu.wait_dma2 semaphore(%arg10 : memref<!tpu.dma_semaphore, #tpu.memory_space<semaphore_mem>>) src(%dma_wait3A_164 : memref<4x8x128xf32, #tpu.memory_space<vmem>>) dst(%dma_wait3A_159 : memref<4x8x128xf32, #tpu.memory_space<hbm>>)
        } else {
        }
        %scan3A_119 = arith.constant 0 : i32
        %scan3A_120 = arith.constant 32 : i32
        %scan3A_121 = arith.addi %scan3A_119, %scan3A_120 : i32
        %scan3A_122 = arith.constant 4 : i32
        scf.for %scan3A_144 = %scan3A_119 to %scan3A_121 step %scan3A_122  : i32 {
          %mul3A_145 = arith.constant 1 : i32
          %mul3A_146 = arith.muli %scan3A_144, %mul3A_145 : i32
          %add3A_147 = arith.constant 0 : i32
          %add3A_148 = arith.addi %add3A_147, %mul3A_146 : i32
          %add3A_149 = vector.broadcast %add3A_148 : i32 to vector<16xi32>
          %add3A_150 = arith.addi %add3A_149, %iota3A : vector<16xi32>
          %and3A = arith.constant 31 : i32
          %and3A_151 = vector.broadcast %and3A : i32 to vector<16xi32>
          %and3A_152 = arith.andi %add3A_150, %and3A_151 : vector<16xi32>
          %shift_right_arithmetic3A = arith.constant 3 : i32
          %shift_right_arithmetic3A_153 = vector.broadcast %shift_right_arithmetic3A : i32 to vector<16xi32>
          %shift_right_arithmetic3A_154 = arith.shrsi %and3A_152, %shift_right_arithmetic3A_153 : vector<16xi32>
          %and3A_155 = arith.constant 7 : i32
          %and3A_156 = vector.broadcast %and3A_155 : i32 to vector<16xi32>
          %and3A_157 = arith.andi %and3A_152, %and3A_156 : vector<16xi32>
          %add3A_158 = arith.constant 0 : i32
          %add3A_159 = vector.broadcast %add3A_158 : i32 to vector<16xi32>
          %add3A_160 = arith.addi %iota3A, %add3A_159 : vector<16xi32>
          %gather3A = arith.constant 0 : i32
          %gather3A_161 = arith.constant 0 : i32
          %gather3A_162 = tpu.memref_slice %arg7[%rem3A_98, %gather3A, %gather3A_161] : memref<3x128x32xf32, #tpu.memory_space<vmem>> -> memref<1x128x32xf32, #tpu.memory_space<vmem>>
          %gather3A_163 = tpu.memref_squeeze %gather3A_162 : memref<1x128x32xf32, #tpu.memory_space<vmem>> -> memref<128x32xf32, #tpu.memory_space<vmem>>
          %gather3A_164 = tpu.vector_load_idx %gather3A_163[%add3A_160, %and3A_152] : memref<128x32xf32, #tpu.memory_space<vmem>>[vector<16xi32>, vector<16xi32>], vector<16xf32>,
          %scatter3A = arith.constant 0 : i32
          %scatter3A_165 = arith.constant 0 : i32
          %scatter3A_166 = arith.constant 0 : i32
          %scatter3A_167 = tpu.memref_slice %arg8[%rem3A_100, %scatter3A, %scatter3A_165, %scatter3A_166] : memref<2x4x8x128xf32, #tpu.memory_space<vmem>> -> memref<1x4x8x128xf32, #tpu.memory_space<vmem>>
          %scatter3A_168 = tpu.memref_squeeze %scatter3A_167 : memref<1x4x8x128xf32, #tpu.memory_space<vmem>> -> memref<4x8x128xf32, #tpu.memory_space<vmem>>
          tpu.vector_store_idx %scatter3A_168[%shift_right_arithmetic3A_154, %and3A_157, %add3A_160], %gather3A_164 : memref<4x8x128xf32, #tpu.memory_space<vmem>>[vector<16xi32>, vector<16xi32>, vector<16xi32>], vector<16xf32>,
          %add3A_169 = arith.constant 16 : i32
          %add3A_170 = vector.broadcast %add3A_169 : i32 to vector<16xi32>
          %add3A_171 = arith.addi %iota3A, %add3A_170 : vector<16xi32>
          %gather3A_172 = arith.constant 0 : i32
          %gather3A_173 = arith.constant 0 : i32
          %gather3A_174 = tpu.memref_slice %arg7[%rem3A_98, %gather3A_172, %gather3A_173] : memref<3x128x32xf32, #tpu.memory_space<vmem>> -> memref<1x128x32xf32, #tpu.memory_space<vmem>>
          %gather3A_175 = tpu.memref_squeeze %gather3A_174 : memref<1x128x32xf32, #tpu.memory_space<vmem>> -> memref<128x32xf32, #tpu.memory_space<vmem>>
          %gather3A_176 = tpu.vector_load_idx %gather3A_175[%add3A_171, %and3A_152] : memref<128x32xf32, #tpu.memory_space<vmem>>[vector<16xi32>, vector<16xi32>], vector<16xf32>,
          %scatter3A_177 = arith.constant 0 : i32
          %scatter3A_178 = arith.constant 0 : i32
          %scatter3A_179 = arith.constant 0 : i32
          %scatter3A_180 = tpu.memref_slice %arg8[%rem3A_100, %scatter3A_177, %scatter3A_178, %scatter3A_179] : memref<2x4x8x128xf32, #tpu.memory_space<vmem>> -> memref<1x4x8x128xf32, #tpu.memory_space<vmem>>
          %scatter3A_181 = tpu.memref_squeeze %scatter3A_180 : memref<1x4x8x128xf32, #tpu.memory_space<vmem>> -> memref<4x8x128xf32, #tpu.memory_space<vmem>>
          tpu.vector_store_idx %scatter3A_181[%shift_right_arithmetic3A_154, %and3A_157, %add3A_171], %gather3A_176 : memref<4x8x128xf32, #tpu.memory_space<vmem>>[vector<16xi32>, vector<16xi32>, vector<16xi32>], vector<16xf32>,
          %add3A_182 = arith.constant 32 : i32
          %add3A_183 = vector.broadcast %add3A_182 : i32 to vector<16xi32>
          %add3A_184 = arith.addi %iota3A, %add3A_183 : vector<16xi32>
          %gather3A_185 = arith.constant 0 : i32
          %gather3A_186 = arith.constant 0 : i32
          %gather3A_187 = tpu.memref_slice %arg7[%rem3A_98, %gather3A_185, %gather3A_186] : memref<3x128x32xf32, #tpu.memory_space<vmem>> -> memref<1x128x32xf32, #tpu.memory_space<vmem>>
          %gather3A_188 = tpu.memref_squeeze %gather3A_187 : memref<1x128x32xf32, #tpu.memory_space<vmem>> -> memref<128x32xf32, #tpu.memory_space<vmem>>
          %gather3A_189 = tpu.vector_load_idx %gather3A_188[%add3A_184, %and3A_152] : memref<128x32xf32, #tpu.memory_space<vmem>>[vector<16xi32>, vector<16xi32>], vector<16xf32>,
          %scatter3A_190 = arith.constant 0 : i32
          %scatter3A_191 = arith.constant 0 : i32
          %scatter3A_192 = arith.constant 0 : i32
          %scatter3A_193 = tpu.memref_slice %arg8[%rem3A_100, %scatter3A_190, %scatter3A_191, %scatter3A_192] : memref<2x4x8x128xf32, #tpu.memory_space<vmem>> -> memref<1x4x8x128xf32, #tpu.memory_space<vmem>>
          %scatter3A_194 = tpu.memref_squeeze %scatter3A_193 : memref<1x4x8x128xf32, #tpu.memory_space<vmem>> -> memref<4x8x128xf32, #tpu.memory_space<vmem>>
          tpu.vector_store_idx %scatter3A_194[%shift_right_arithmetic3A_154, %and3A_157, %add3A_184], %gather3A_189 : memref<4x8x128xf32, #tpu.memory_space<vmem>>[vector<16xi32>, vector<16xi32>, vector<16xi32>], vector<16xf32>,
          %add3A_195 = arith.constant 48 : i32
          %add3A_196 = vector.broadcast %add3A_195 : i32 to vector<16xi32>
          %add3A_197 = arith.addi %iota3A, %add3A_196 : vector<16xi32>
          %gather3A_198 = arith.constant 0 : i32
          %gather3A_199 = arith.constant 0 : i32
          %gather3A_200 = tpu.memref_slice %arg7[%rem3A_98, %gather3A_198, %gather3A_199] : memref<3x128x32xf32, #tpu.memory_space<vmem>> -> memref<1x128x32xf32, #tpu.memory_space<vmem>>
          %gather3A_201 = tpu.memref_squeeze %gather3A_200 : memref<1x128x32xf32, #tpu.memory_space<vmem>> -> memref<128x32xf32, #tpu.memory_space<vmem>>
          %gather3A_202 = tpu.vector_load_idx %gather3A_201[%add3A_197, %and3A_152] : memref<128x32xf32, #tpu.memory_space<vmem>>[vector<16xi32>, vector<16xi32>], vector<16xf32>,
          %scatter3A_203 = arith.constant 0 : i32
          %scatter3A_204 = arith.constant 0 : i32
          %scatter3A_205 = arith.constant 0 : i32
          %scatter3A_206 = tpu.memref_slice %arg8[%rem3A_100, %scatter3A_203, %scatter3A_204, %scatter3A_205] : memref<2x4x8x128xf32, #tpu.memory_space<vmem>> -> memref<1x4x8x128xf32, #tpu.memory_space<vmem>>
          %scatter3A_207 = tpu.memref_squeeze %scatter3A_206 : memref<1x4x8x128xf32, #tpu.memory_space<vmem>> -> memref<4x8x128xf32, #tpu.memory_space<vmem>>
          tpu.vector_store_idx %scatter3A_207[%shift_right_arithmetic3A_154, %and3A_157, %add3A_197], %gather3A_202 : memref<4x8x128xf32, #tpu.memory_space<vmem>>[vector<16xi32>, vector<16xi32>, vector<16xi32>], vector<16xf32>,
          %add3A_208 = arith.constant 64 : i32
          %add3A_209 = vector.broadcast %add3A_208 : i32 to vector<16xi32>
          %add3A_210 = arith.addi %iota3A, %add3A_209 : vector<16xi32>
          %gather3A_211 = arith.constant 0 : i32
          %gather3A_212 = arith.constant 0 : i32
          %gather3A_213 = tpu.memref_slice %arg7[%rem3A_98, %gather3A_211, %gather3A_212] : memref<3x128x32xf32, #tpu.memory_space<vmem>> -> memref<1x128x32xf32, #tpu.memory_space<vmem>>
          %gather3A_214 = tpu.memref_squeeze %gather3A_213 : memref<1x128x32xf32, #tpu.memory_space<vmem>> -> memref<128x32xf32, #tpu.memory_space<vmem>>
          %gather3A_215 = tpu.vector_load_idx %gather3A_214[%add3A_210, %and3A_152] : memref<128x32xf32, #tpu.memory_space<vmem>>[vector<16xi32>, vector<16xi32>], vector<16xf32>,
          %scatter3A_216 = arith.constant 0 : i32
          %scatter3A_217 = arith.constant 0 : i32
          %scatter3A_218 = arith.constant 0 : i32
          %scatter3A_219 = tpu.memref_slice %arg8[%rem3A_100, %scatter3A_216, %scatter3A_217, %scatter3A_218] : memref<2x4x8x128xf32, #tpu.memory_space<vmem>> -> memref<1x4x8x128xf32, #tpu.memory_space<vmem>>
          %scatter3A_220 = tpu.memref_squeeze %scatter3A_219 : memref<1x4x8x128xf32, #tpu.memory_space<vmem>> -> memref<4x8x128xf32, #tpu.memory_space<vmem>>
          tpu.vector_store_idx %scatter3A_220[%shift_right_arithmetic3A_154, %and3A_157, %add3A_210], %gather3A_215 : memref<4x8x128xf32, #tpu.memory_space<vmem>>[vector<16xi32>, vector<16xi32>, vector<16xi32>], vector<16xf32>,
          %add3A_221 = arith.constant 80 : i32
          %add3A_222 = vector.broadcast %add3A_221 : i32 to vector<16xi32>
          %add3A_223 = arith.addi %iota3A, %add3A_222 : vector<16xi32>
          %gather3A_224 = arith.constant 0 : i32
          %gather3A_225 = arith.constant 0 : i32
          %gather3A_226 = tpu.memref_slice %arg7[%rem3A_98, %gather3A_224, %gather3A_225] : memref<3x128x32xf32, #tpu.memory_space<vmem>> -> memref<1x128x32xf32, #tpu.memory_space<vmem>>
          %gather3A_227 = tpu.memref_squeeze %gather3A_226 : memref<1x128x32xf32, #tpu.memory_space<vmem>> -> memref<128x32xf32, #tpu.memory_space<vmem>>
          %gather3A_228 = tpu.vector_load_idx %gather3A_227[%add3A_223, %and3A_152] : memref<128x32xf32, #tpu.memory_space<vmem>>[vector<16xi32>, vector<16xi32>], vector<16xf32>,
          %scatter3A_229 = arith.constant 0 : i32
          %scatter3A_230 = arith.constant 0 : i32
          %scatter3A_231 = arith.constant 0 : i32
          %scatter3A_232 = tpu.memref_slice %arg8[%rem3A_100, %scatter3A_229, %scatter3A_230, %scatter3A_231] : memref<2x4x8x128xf32, #tpu.memory_space<vmem>> -> memref<1x4x8x128xf32, #tpu.memory_space<vmem>>
          %scatter3A_233 = tpu.memref_squeeze %scatter3A_232 : memref<1x4x8x128xf32, #tpu.memory_space<vmem>> -> memref<4x8x128xf32, #tpu.memory_space<vmem>>
          tpu.vector_store_idx %scatter3A_233[%shift_right_arithmetic3A_154, %and3A_157, %add3A_223], %gather3A_228 : memref<4x8x128xf32, #tpu.memory_space<vmem>>[vector<16xi32>, vector<16xi32>, vector<16xi32>], vector<16xf32>,
          %add3A_234 = arith.constant 96 : i32
          %add3A_235 = vector.broadcast %add3A_234 : i32 to vector<16xi32>
          %add3A_236 = arith.addi %iota3A, %add3A_235 : vector<16xi32>
          %gather3A_237 = arith.constant 0 : i32
          %gather3A_238 = arith.constant 0 : i32
          %gather3A_239 = tpu.memref_slice %arg7[%rem3A_98, %gather3A_237, %gather3A_238] : memref<3x128x32xf32, #tpu.memory_space<vmem>> -> memref<1x128x32xf32, #tpu.memory_space<vmem>>
          %gather3A_240 = tpu.memref_squeeze %gather3A_239 : memref<1x128x32xf32, #tpu.memory_space<vmem>> -> memref<128x32xf32, #tpu.memory_space<vmem>>
          %gather3A_241 = tpu.vector_load_idx %gather3A_240[%add3A_236, %and3A_152] : memref<128x32xf32, #tpu.memory_space<vmem>>[vector<16xi32>, vector<16xi32>], vector<16xf32>,
          %scatter3A_242 = arith.constant 0 : i32
          %scatter3A_243 = arith.constant 0 : i32
          %scatter3A_244 = arith.constant 0 : i32
          %scatter3A_245 = tpu.memref_slice %arg8[%rem3A_100, %scatter3A_242, %scatter3A_243, %scatter3A_244] : memref<2x4x8x128xf32, #tpu.memory_space<vmem>> -> memref<1x4x8x128xf32, #tpu.memory_space<vmem>>
          %scatter3A_246 = tpu.memref_squeeze %scatter3A_245 : memref<1x4x8x128xf32, #tpu.memory_space<vmem>> -> memref<4x8x128xf32, #tpu.memory_space<vmem>>
          tpu.vector_store_idx %scatter3A_246[%shift_right_arithmetic3A_154, %and3A_157, %add3A_236], %gather3A_241 : memref<4x8x128xf32, #tpu.memory_space<vmem>>[vector<16xi32>, vector<16xi32>, vector<16xi32>], vector<16xf32>,
          %add3A_247 = arith.constant 112 : i32
          %add3A_248 = vector.broadcast %add3A_247 : i32 to vector<16xi32>
          %add3A_249 = arith.addi %iota3A, %add3A_248 : vector<16xi32>
          %gather3A_250 = arith.constant 0 : i32
          %gather3A_251 = arith.constant 0 : i32
          %gather3A_252 = tpu.memref_slice %arg7[%rem3A_98, %gather3A_250, %gather3A_251] : memref<3x128x32xf32, #tpu.memory_space<vmem>> -> memref<1x128x32xf32, #tpu.memory_space<vmem>>
          %gather3A_253 = tpu.memref_squeeze %gather3A_252 : memref<1x128x32xf32, #tpu.memory_space<vmem>> -> memref<128x32xf32, #tpu.memory_space<vmem>>
          %gather3A_254 = tpu.vector_load_idx %gather3A_253[%add3A_249, %and3A_152] : memref<128x32xf32, #tpu.memory_space<vmem>>[vector<16xi32>, vector<16xi32>], vector<16xf32>,
          %scatter3A_255 = arith.constant 0 : i32
          %scatter3A_256 = arith.constant 0 : i32
          %scatter3A_257 = arith.constant 0 : i32
          %scatter3A_258 = tpu.memref_slice %arg8[%rem3A_100, %scatter3A_255, %scatter3A_256, %scatter3A_257] : memref<2x4x8x128xf32, #tpu.memory_space<vmem>> -> memref<1x4x8x128xf32, #tpu.memory_space<vmem>>
          %scatter3A_259 = tpu.memref_squeeze %scatter3A_258 : memref<1x4x8x128xf32, #tpu.memory_space<vmem>> -> memref<4x8x128xf32, #tpu.memory_space<vmem>>
          tpu.vector_store_idx %scatter3A_259[%shift_right_arithmetic3A_154, %and3A_157, %add3A_249], %gather3A_254 : memref<4x8x128xf32, #tpu.memory_space<vmem>>[vector<16xi32>, vector<16xi32>, vector<16xi32>], vector<16xf32>,
          %scan3A_260 = arith.constant 1 : i32
          %scan3A_261 = arith.addi %scan3A_144, %scan3A_260 : i32
          %mul3A_262 = arith.constant 1 : i32
          %mul3A_263 = arith.muli %scan3A_261, %mul3A_262 : i32
          %add3A_264 = arith.constant 0 : i32
          %add3A_265 = arith.addi %add3A_264, %mul3A_263 : i32
          %add3A_266 = vector.broadcast %add3A_265 : i32 to vector<16xi32>
          %add3A_267 = arith.addi %add3A_266, %iota3A : vector<16xi32>
          %and3A_268 = arith.constant 31 : i32
          %and3A_269 = vector.broadcast %and3A_268 : i32 to vector<16xi32>
          %and3A_270 = arith.andi %add3A_267, %and3A_269 : vector<16xi32>
          %shift_right_arithmetic3A_271 = arith.constant 3 : i32
          %shift_right_arithmetic3A_272 = vector.broadcast %shift_right_arithmetic3A_271 : i32 to vector<16xi32>
          %shift_right_arithmetic3A_273 = arith.shrsi %and3A_270, %shift_right_arithmetic3A_272 : vector<16xi32>
          %and3A_274 = arith.constant 7 : i32
          %and3A_275 = vector.broadcast %and3A_274 : i32 to vector<16xi32>
          %and3A_276 = arith.andi %and3A_270, %and3A_275 : vector<16xi32>
          %add3A_277 = arith.constant 0 : i32
          %add3A_278 = vector.broadcast %add3A_277 : i32 to vector<16xi32>
          %add3A_279 = arith.addi %iota3A, %add3A_278 : vector<16xi32>
          %gather3A_280 = arith.constant 0 : i32
          %gather3A_281 = arith.constant 0 : i32
          %gather3A_282 = tpu.memref_slice %arg7[%rem3A_98, %gather3A_280, %gather3A_281] : memref<3x128x32xf32, #tpu.memory_space<vmem>> -> memref<1x128x32xf32, #tpu.memory_space<vmem>>
          %gather3A_283 = tpu.memref_squeeze %gather3A_282 : memref<1x128x32xf32, #tpu.memory_space<vmem>> -> memref<128x32xf32, #tpu.memory_space<vmem>>
          %gather3A_284 = tpu.vector_load_idx %gather3A_283[%add3A_279, %and3A_270] : memref<128x32xf32, #tpu.memory_space<vmem>>[vector<16xi32>, vector<16xi32>], vector<16xf32>,
          %scatter3A_285 = arith.constant 0 : i32
          %scatter3A_286 = arith.constant 0 : i32
          %scatter3A_287 = arith.constant 0 : i32
          %scatter3A_288 = tpu.memref_slice %arg8[%rem3A_100, %scatter3A_285, %scatter3A_286, %scatter3A_287] : memref<2x4x8x128xf32, #tpu.memory_space<vmem>> -> memref<1x4x8x128xf32, #tpu.memory_space<vmem>>
          %scatter3A_289 = tpu.memref_squeeze %scatter3A_288 : memref<1x4x8x128xf32, #tpu.memory_space<vmem>> -> memref<4x8x128xf32, #tpu.memory_space<vmem>>
          tpu.vector_store_idx %scatter3A_289[%shift_right_arithmetic3A_273, %and3A_276, %add3A_279], %gather3A_284 : memref<4x8x128xf32, #tpu.memory_space<vmem>>[vector<16xi32>, vector<16xi32>, vector<16xi32>], vector<16xf32>,
          %add3A_290 = arith.constant 16 : i32
          %add3A_291 = vector.broadcast %add3A_290 : i32 to vector<16xi32>
          %add3A_292 = arith.addi %iota3A, %add3A_291 : vector<16xi32>
          %gather3A_293 = arith.constant 0 : i32
          %gather3A_294 = arith.constant 0 : i32
          %gather3A_295 = tpu.memref_slice %arg7[%rem3A_98, %gather3A_293, %gather3A_294] : memref<3x128x32xf32, #tpu.memory_space<vmem>> -> memref<1x128x32xf32, #tpu.memory_space<vmem>>
          %gather3A_296 = tpu.memref_squeeze %gather3A_295 : memref<1x128x32xf32, #tpu.memory_space<vmem>> -> memref<128x32xf32, #tpu.memory_space<vmem>>
          %gather3A_297 = tpu.vector_load_idx %gather3A_296[%add3A_292, %and3A_270] : memref<128x32xf32, #tpu.memory_space<vmem>>[vector<16xi32>, vector<16xi32>], vector<16xf32>,
          %scatter3A_298 = arith.constant 0 : i32
          %scatter3A_299 = arith.constant 0 : i32
          %scatter3A_300 = arith.constant 0 : i32
          %scatter3A_301 = tpu.memref_slice %arg8[%rem3A_100, %scatter3A_298, %scatter3A_299, %scatter3A_300] : memref<2x4x8x128xf32, #tpu.memory_space<vmem>> -> memref<1x4x8x128xf32, #tpu.memory_space<vmem>>
          %scatter3A_302 = tpu.memref_squeeze %scatter3A_301 : memref<1x4x8x128xf32, #tpu.memory_space<vmem>> -> memref<4x8x128xf32, #tpu.memory_space<vmem>>
          tpu.vector_store_idx %scatter3A_302[%shift_right_arithmetic3A_273, %and3A_276, %add3A_292], %gather3A_297 : memref<4x8x128xf32, #tpu.memory_space<vmem>>[vector<16xi32>, vector<16xi32>, vector<16xi32>], vector<16xf32>,
          %add3A_303 = arith.constant 32 : i32
          %add3A_304 = vector.broadcast %add3A_303 : i32 to vector<16xi32>
          %add3A_305 = arith.addi %iota3A, %add3A_304 : vector<16xi32>
          %gather3A_306 = arith.constant 0 : i32
          %gather3A_307 = arith.constant 0 : i32
          %gather3A_308 = tpu.memref_slice %arg7[%rem3A_98, %gather3A_306, %gather3A_307] : memref<3x128x32xf32, #tpu.memory_space<vmem>> -> memref<1x128x32xf32, #tpu.memory_space<vmem>>
          %gather3A_309 = tpu.memref_squeeze %gather3A_308 : memref<1x128x32xf32, #tpu.memory_space<vmem>> -> memref<128x32xf32, #tpu.memory_space<vmem>>
          %gather3A_310 = tpu.vector_load_idx %gather3A_309[%add3A_305, %and3A_270] : memref<128x32xf32, #tpu.memory_space<vmem>>[vector<16xi32>, vector<16xi32>], vector<16xf32>,
          %scatter3A_311 = arith.constant 0 : i32
          %scatter3A_312 = arith.constant 0 : i32
          %scatter3A_313 = arith.constant 0 : i32
          %scatter3A_314 = tpu.memref_slice %arg8[%rem3A_100, %scatter3A_311, %scatter3A_312, %scatter3A_313] : memref<2x4x8x128xf32, #tpu.memory_space<vmem>> -> memref<1x4x8x128xf32, #tpu.memory_space<vmem>>
          %scatter3A_315 = tpu.memref_squeeze %scatter3A_314 : memref<1x4x8x128xf32, #tpu.memory_space<vmem>> -> memref<4x8x128xf32, #tpu.memory_space<vmem>>
          tpu.vector_store_idx %scatter3A_315[%shift_right_arithmetic3A_273, %and3A_276, %add3A_305], %gather3A_310 : memref<4x8x128xf32, #tpu.memory_space<vmem>>[vector<16xi32>, vector<16xi32>, vector<16xi32>], vector<16xf32>,
          %add3A_316 = arith.constant 48 : i32
          %add3A_317 = vector.broadcast %add3A_316 : i32 to vector<16xi32>
          %add3A_318 = arith.addi %iota3A, %add3A_317 : vector<16xi32>
          %gather3A_319 = arith.constant 0 : i32
          %gather3A_320 = arith.constant 0 : i32
          %gather3A_321 = tpu.memref_slice %arg7[%rem3A_98, %gather3A_319, %gather3A_320] : memref<3x128x32xf32, #tpu.memory_space<vmem>> -> memref<1x128x32xf32, #tpu.memory_space<vmem>>
          %gather3A_322 = tpu.memref_squeeze %gather3A_321 : memref<1x128x32xf32, #tpu.memory_space<vmem>> -> memref<128x32xf32, #tpu.memory_space<vmem>>
          %gather3A_323 = tpu.vector_load_idx %gather3A_322[%add3A_318, %and3A_270] : memref<128x32xf32, #tpu.memory_space<vmem>>[vector<16xi32>, vector<16xi32>], vector<16xf32>,
          %scatter3A_324 = arith.constant 0 : i32
          %scatter3A_325 = arith.constant 0 : i32
          %scatter3A_326 = arith.constant 0 : i32
          %scatter3A_327 = tpu.memref_slice %arg8[%rem3A_100, %scatter3A_324, %scatter3A_325, %scatter3A_326] : memref<2x4x8x128xf32, #tpu.memory_space<vmem>> -> memref<1x4x8x128xf32, #tpu.memory_space<vmem>>
          %scatter3A_328 = tpu.memref_squeeze %scatter3A_327 : memref<1x4x8x128xf32, #tpu.memory_space<vmem>> -> memref<4x8x128xf32, #tpu.memory_space<vmem>>
          tpu.vector_store_idx %scatter3A_328[%shift_right_arithmetic3A_273, %and3A_276, %add3A_318], %gather3A_323 : memref<4x8x128xf32, #tpu.memory_space<vmem>>[vector<16xi32>, vector<16xi32>, vector<16xi32>], vector<16xf32>,
          %add3A_329 = arith.constant 64 : i32
          %add3A_330 = vector.broadcast %add3A_329 : i32 to vector<16xi32>
          %add3A_331 = arith.addi %iota3A, %add3A_330 : vector<16xi32>
          %gather3A_332 = arith.constant 0 : i32
          %gather3A_333 = arith.constant 0 : i32
          %gather3A_334 = tpu.memref_slice %arg7[%rem3A_98, %gather3A_332, %gather3A_333] : memref<3x128x32xf32, #tpu.memory_space<vmem>> -> memref<1x128x32xf32, #tpu.memory_space<vmem>>
          %gather3A_335 = tpu.memref_squeeze %gather3A_334 : memref<1x128x32xf32, #tpu.memory_space<vmem>> -> memref<128x32xf32, #tpu.memory_space<vmem>>
          %gather3A_336 = tpu.vector_load_idx %gather3A_335[%add3A_331, %and3A_270] : memref<128x32xf32, #tpu.memory_space<vmem>>[vector<16xi32>, vector<16xi32>], vector<16xf32>,
          %scatter3A_337 = arith.constant 0 : i32
          %scatter3A_338 = arith.constant 0 : i32
          %scatter3A_339 = arith.constant 0 : i32
          %scatter3A_340 = tpu.memref_slice %arg8[%rem3A_100, %scatter3A_337, %scatter3A_338, %scatter3A_339] : memref<2x4x8x128xf32, #tpu.memory_space<vmem>> -> memref<1x4x8x128xf32, #tpu.memory_space<vmem>>
          %scatter3A_341 = tpu.memref_squeeze %scatter3A_340 : memref<1x4x8x128xf32, #tpu.memory_space<vmem>> -> memref<4x8x128xf32, #tpu.memory_space<vmem>>
          tpu.vector_store_idx %scatter3A_341[%shift_right_arithmetic3A_273, %and3A_276, %add3A_331], %gather3A_336 : memref<4x8x128xf32, #tpu.memory_space<vmem>>[vector<16xi32>, vector<16xi32>, vector<16xi32>], vector<16xf32>,
          %add3A_342 = arith.constant 80 : i32
          %add3A_343 = vector.broadcast %add3A_342 : i32 to vector<16xi32>
          %add3A_344 = arith.addi %iota3A, %add3A_343 : vector<16xi32>
          %gather3A_345 = arith.constant 0 : i32
          %gather3A_346 = arith.constant 0 : i32
          %gather3A_347 = tpu.memref_slice %arg7[%rem3A_98, %gather3A_345, %gather3A_346] : memref<3x128x32xf32, #tpu.memory_space<vmem>> -> memref<1x128x32xf32, #tpu.memory_space<vmem>>
          %gather3A_348 = tpu.memref_squeeze %gather3A_347 : memref<1x128x32xf32, #tpu.memory_space<vmem>> -> memref<128x32xf32, #tpu.memory_space<vmem>>
          %gather3A_349 = tpu.vector_load_idx %gather3A_348[%add3A_344, %and3A_270] : memref<128x32xf32, #tpu.memory_space<vmem>>[vector<16xi32>, vector<16xi32>], vector<16xf32>,
          %scatter3A_350 = arith.constant 0 : i32
          %scatter3A_351 = arith.constant 0 : i32
          %scatter3A_352 = arith.constant 0 : i32
          %scatter3A_353 = tpu.memref_slice %arg8[%rem3A_100, %scatter3A_350, %scatter3A_351, %scatter3A_352] : memref<2x4x8x128xf32, #tpu.memory_space<vmem>> -> memref<1x4x8x128xf32, #tpu.memory_space<vmem>>
          %scatter3A_354 = tpu.memref_squeeze %scatter3A_353 : memref<1x4x8x128xf32, #tpu.memory_space<vmem>> -> memref<4x8x128xf32, #tpu.memory_space<vmem>>
          tpu.vector_store_idx %scatter3A_354[%shift_right_arithmetic3A_273, %and3A_276, %add3A_344], %gather3A_349 : memref<4x8x128xf32, #tpu.memory_space<vmem>>[vector<16xi32>, vector<16xi32>, vector<16xi32>], vector<16xf32>,
          %add3A_355 = arith.constant 96 : i32
          %add3A_356 = vector.broadcast %add3A_355 : i32 to vector<16xi32>
          %add3A_357 = arith.addi %iota3A, %add3A_356 : vector<16xi32>
          %gather3A_358 = arith.constant 0 : i32
          %gather3A_359 = arith.constant 0 : i32
          %gather3A_360 = tpu.memref_slice %arg7[%rem3A_98, %gather3A_358, %gather3A_359] : memref<3x128x32xf32, #tpu.memory_space<vmem>> -> memref<1x128x32xf32, #tpu.memory_space<vmem>>
          %gather3A_361 = tpu.memref_squeeze %gather3A_360 : memref<1x128x32xf32, #tpu.memory_space<vmem>> -> memref<128x32xf32, #tpu.memory_space<vmem>>
          %gather3A_362 = tpu.vector_load_idx %gather3A_361[%add3A_357, %and3A_270] : memref<128x32xf32, #tpu.memory_space<vmem>>[vector<16xi32>, vector<16xi32>], vector<16xf32>,
          %scatter3A_363 = arith.constant 0 : i32
          %scatter3A_364 = arith.constant 0 : i32
          %scatter3A_365 = arith.constant 0 : i32
          %scatter3A_366 = tpu.memref_slice %arg8[%rem3A_100, %scatter3A_363, %scatter3A_364, %scatter3A_365] : memref<2x4x8x128xf32, #tpu.memory_space<vmem>> -> memref<1x4x8x128xf32, #tpu.memory_space<vmem>>
          %scatter3A_367 = tpu.memref_squeeze %scatter3A_366 : memref<1x4x8x128xf32, #tpu.memory_space<vmem>> -> memref<4x8x128xf32, #tpu.memory_space<vmem>>
          tpu.vector_store_idx %scatter3A_367[%shift_right_arithmetic3A_273, %and3A_276, %add3A_357], %gather3A_362 : memref<4x8x128xf32, #tpu.memory_space<vmem>>[vector<16xi32>, vector<16xi32>, vector<16xi32>], vector<16xf32>,
          %add3A_368 = arith.constant 112 : i32
          %add3A_369 = vector.broadcast %add3A_368 : i32 to vector<16xi32>
          %add3A_370 = arith.addi %iota3A, %add3A_369 : vector<16xi32>
          %gather3A_371 = arith.constant 0 : i32
          %gather3A_372 = arith.constant 0 : i32
          %gather3A_373 = tpu.memref_slice %arg7[%rem3A_98, %gather3A_371, %gather3A_372] : memref<3x128x32xf32, #tpu.memory_space<vmem>> -> memref<1x128x32xf32, #tpu.memory_space<vmem>>
          %gather3A_374 = tpu.memref_squeeze %gather3A_373 : memref<1x128x32xf32, #tpu.memory_space<vmem>> -> memref<128x32xf32, #tpu.memory_space<vmem>>
          %gather3A_375 = tpu.vector_load_idx %gather3A_374[%add3A_370, %and3A_270] : memref<128x32xf32, #tpu.memory_space<vmem>>[vector<16xi32>, vector<16xi32>], vector<16xf32>,
          %scatter3A_376 = arith.constant 0 : i32
          %scatter3A_377 = arith.constant 0 : i32
          %scatter3A_378 = arith.constant 0 : i32
          %scatter3A_379 = tpu.memref_slice %arg8[%rem3A_100, %scatter3A_376, %scatter3A_377, %scatter3A_378] : memref<2x4x8x128xf32, #tpu.memory_space<vmem>> -> memref<1x4x8x128xf32, #tpu.memory_space<vmem>>
          %scatter3A_380 = tpu.memref_squeeze %scatter3A_379 : memref<1x4x8x128xf32, #tpu.memory_space<vmem>> -> memref<4x8x128xf32, #tpu.memory_space<vmem>>
          tpu.vector_store_idx %scatter3A_380[%shift_right_arithmetic3A_273, %and3A_276, %add3A_370], %gather3A_375 : memref<4x8x128xf32, #tpu.memory_space<vmem>>[vector<16xi32>, vector<16xi32>, vector<16xi32>], vector<16xf32>,
          %scan3A_381 = arith.constant 2 : i32
          %scan3A_382 = arith.addi %scan3A_144, %scan3A_381 : i32
          %mul3A_383 = arith.constant 1 : i32
          %mul3A_384 = arith.muli %scan3A_382, %mul3A_383 : i32
          %add3A_385 = arith.constant 0 : i32
          %add3A_386 = arith.addi %add3A_385, %mul3A_384 : i32
          %add3A_387 = vector.broadcast %add3A_386 : i32 to vector<16xi32>
          %add3A_388 = arith.addi %add3A_387, %iota3A : vector<16xi32>
          %and3A_389 = arith.constant 31 : i32
          %and3A_390 = vector.broadcast %and3A_389 : i32 to vector<16xi32>
          %and3A_391 = arith.andi %add3A_388, %and3A_390 : vector<16xi32>
          %shift_right_arithmetic3A_392 = arith.constant 3 : i32
          %shift_right_arithmetic3A_393 = vector.broadcast %shift_right_arithmetic3A_392 : i32 to vector<16xi32>
          %shift_right_arithmetic3A_394 = arith.shrsi %and3A_391, %shift_right_arithmetic3A_393 : vector<16xi32>
          %and3A_395 = arith.constant 7 : i32
          %and3A_396 = vector.broadcast %and3A_395 : i32 to vector<16xi32>
          %and3A_397 = arith.andi %and3A_391, %and3A_396 : vector<16xi32>
          %add3A_398 = arith.constant 0 : i32
          %add3A_399 = vector.broadcast %add3A_398 : i32 to vector<16xi32>
          %add3A_400 = arith.addi %iota3A, %add3A_399 : vector<16xi32>
          %gather3A_401 = arith.constant 0 : i32
          %gather3A_402 = arith.constant 0 : i32
          %gather3A_403 = tpu.memref_slice %arg7[%rem3A_98, %gather3A_401, %gather3A_402] : memref<3x128x32xf32, #tpu.memory_space<vmem>> -> memref<1x128x32xf32, #tpu.memory_space<vmem>>
          %gather3A_404 = tpu.memref_squeeze %gather3A_403 : memref<1x128x32xf32, #tpu.memory_space<vmem>> -> memref<128x32xf32, #tpu.memory_space<vmem>>
          %gather3A_405 = tpu.vector_load_idx %gather3A_404[%add3A_400, %and3A_391] : memref<128x32xf32, #tpu.memory_space<vmem>>[vector<16xi32>, vector<16xi32>], vector<16xf32>,
          %scatter3A_406 = arith.constant 0 : i32
          %scatter3A_407 = arith.constant 0 : i32
          %scatter3A_408 = arith.constant 0 : i32
          %scatter3A_409 = tpu.memref_slice %arg8[%rem3A_100, %scatter3A_406, %scatter3A_407, %scatter3A_408] : memref<2x4x8x128xf32, #tpu.memory_space<vmem>> -> memref<1x4x8x128xf32, #tpu.memory_space<vmem>>
          %scatter3A_410 = tpu.memref_squeeze %scatter3A_409 : memref<1x4x8x128xf32, #tpu.memory_space<vmem>> -> memref<4x8x128xf32, #tpu.memory_space<vmem>>
          tpu.vector_store_idx %scatter3A_410[%shift_right_arithmetic3A_394, %and3A_397, %add3A_400], %gather3A_405 : memref<4x8x128xf32, #tpu.memory_space<vmem>>[vector<16xi32>, vector<16xi32>, vector<16xi32>], vector<16xf32>,
          %add3A_411 = arith.constant 16 : i32
          %add3A_412 = vector.broadcast %add3A_411 : i32 to vector<16xi32>
          %add3A_413 = arith.addi %iota3A, %add3A_412 : vector<16xi32>
          %gather3A_414 = arith.constant 0 : i32
          %gather3A_415 = arith.constant 0 : i32
          %gather3A_416 = tpu.memref_slice %arg7[%rem3A_98, %gather3A_414, %gather3A_415] : memref<3x128x32xf32, #tpu.memory_space<vmem>> -> memref<1x128x32xf32, #tpu.memory_space<vmem>>
          %gather3A_417 = tpu.memref_squeeze %gather3A_416 : memref<1x128x32xf32, #tpu.memory_space<vmem>> -> memref<128x32xf32, #tpu.memory_space<vmem>>
          %gather3A_418 = tpu.vector_load_idx %gather3A_417[%add3A_413, %and3A_391] : memref<128x32xf32, #tpu.memory_space<vmem>>[vector<16xi32>, vector<16xi32>], vector<16xf32>,
          %scatter3A_419 = arith.constant 0 : i32
          %scatter3A_420 = arith.constant 0 : i32
          %scatter3A_421 = arith.constant 0 : i32
          %scatter3A_422 = tpu.memref_slice %arg8[%rem3A_100, %scatter3A_419, %scatter3A_420, %scatter3A_421] : memref<2x4x8x128xf32, #tpu.memory_space<vmem>> -> memref<1x4x8x128xf32, #tpu.memory_space<vmem>>
          %scatter3A_423 = tpu.memref_squeeze %scatter3A_422 : memref<1x4x8x128xf32, #tpu.memory_space<vmem>> -> memref<4x8x128xf32, #tpu.memory_space<vmem>>
          tpu.vector_store_idx %scatter3A_423[%shift_right_arithmetic3A_394, %and3A_397, %add3A_413], %gather3A_418 : memref<4x8x128xf32, #tpu.memory_space<vmem>>[vector<16xi32>, vector<16xi32>, vector<16xi32>], vector<16xf32>,
          %add3A_424 = arith.constant 32 : i32
          %add3A_425 = vector.broadcast %add3A_424 : i32 to vector<16xi32>
          %add3A_426 = arith.addi %iota3A, %add3A_425 : vector<16xi32>
          %gather3A_427 = arith.constant 0 : i32
          %gather3A_428 = arith.constant 0 : i32
          %gather3A_429 = tpu.memref_slice %arg7[%rem3A_98, %gather3A_427, %gather3A_428] : memref<3x128x32xf32, #tpu.memory_space<vmem>> -> memref<1x128x32xf32, #tpu.memory_space<vmem>>
          %gather3A_430 = tpu.memref_squeeze %gather3A_429 : memref<1x128x32xf32, #tpu.memory_space<vmem>> -> memref<128x32xf32, #tpu.memory_space<vmem>>
          %gather3A_431 = tpu.vector_load_idx %gather3A_430[%add3A_426, %and3A_391] : memref<128x32xf32, #tpu.memory_space<vmem>>[vector<16xi32>, vector<16xi32>], vector<16xf32>,
          %scatter3A_432 = arith.constant 0 : i32
          %scatter3A_433 = arith.constant 0 : i32
          %scatter3A_434 = arith.constant 0 : i32
          %scatter3A_435 = tpu.memref_slice %arg8[%rem3A_100, %scatter3A_432, %scatter3A_433, %scatter3A_434] : memref<2x4x8x128xf32, #tpu.memory_space<vmem>> -> memref<1x4x8x128xf32, #tpu.memory_space<vmem>>
          %scatter3A_436 = tpu.memref_squeeze %scatter3A_435 : memref<1x4x8x128xf32, #tpu.memory_space<vmem>> -> memref<4x8x128xf32, #tpu.memory_space<vmem>>
          tpu.vector_store_idx %scatter3A_436[%shift_right_arithmetic3A_394, %and3A_397, %add3A_426], %gather3A_431 : memref<4x8x128xf32, #tpu.memory_space<vmem>>[vector<16xi32>, vector<16xi32>, vector<16xi32>], vector<16xf32>,
          %add3A_437 = arith.constant 48 : i32
          %add3A_438 = vector.broadcast %add3A_437 : i32 to vector<16xi32>
          %add3A_439 = arith.addi %iota3A, %add3A_438 : vector<16xi32>
          %gather3A_440 = arith.constant 0 : i32
          %gather3A_441 = arith.constant 0 : i32
          %gather3A_442 = tpu.memref_slice %arg7[%rem3A_98, %gather3A_440, %gather3A_441] : memref<3x128x32xf32, #tpu.memory_space<vmem>> -> memref<1x128x32xf32, #tpu.memory_space<vmem>>
          %gather3A_443 = tpu.memref_squeeze %gather3A_442 : memref<1x128x32xf32, #tpu.memory_space<vmem>> -> memref<128x32xf32, #tpu.memory_space<vmem>>
          %gather3A_444 = tpu.vector_load_idx %gather3A_443[%add3A_439, %and3A_391] : memref<128x32xf32, #tpu.memory_space<vmem>>[vector<16xi32>, vector<16xi32>], vector<16xf32>,
          %scatter3A_445 = arith.constant 0 : i32
          %scatter3A_446 = arith.constant 0 : i32
          %scatter3A_447 = arith.constant 0 : i32
          %scatter3A_448 = tpu.memref_slice %arg8[%rem3A_100, %scatter3A_445, %scatter3A_446, %scatter3A_447] : memref<2x4x8x128xf32, #tpu.memory_space<vmem>> -> memref<1x4x8x128xf32, #tpu.memory_space<vmem>>
          %scatter3A_449 = tpu.memref_squeeze %scatter3A_448 : memref<1x4x8x128xf32, #tpu.memory_space<vmem>> -> memref<4x8x128xf32, #tpu.memory_space<vmem>>
          tpu.vector_store_idx %scatter3A_449[%shift_right_arithmetic3A_394, %and3A_397, %add3A_439], %gather3A_444 : memref<4x8x128xf32, #tpu.memory_space<vmem>>[vector<16xi32>, vector<16xi32>, vector<16xi32>], vector<16xf32>,
          %add3A_450 = arith.constant 64 : i32
          %add3A_451 = vector.broadcast %add3A_450 : i32 to vector<16xi32>
          %add3A_452 = arith.addi %iota3A, %add3A_451 : vector<16xi32>
          %gather3A_453 = arith.constant 0 : i32
          %gather3A_454 = arith.constant 0 : i32
          %gather3A_455 = tpu.memref_slice %arg7[%rem3A_98, %gather3A_453, %gather3A_454] : memref<3x128x32xf32, #tpu.memory_space<vmem>> -> memref<1x128x32xf32, #tpu.memory_space<vmem>>
          %gather3A_456 = tpu.memref_squeeze %gather3A_455 : memref<1x128x32xf32, #tpu.memory_space<vmem>> -> memref<128x32xf32, #tpu.memory_space<vmem>>
          %gather3A_457 = tpu.vector_load_idx %gather3A_456[%add3A_452, %and3A_391] : memref<128x32xf32, #tpu.memory_space<vmem>>[vector<16xi32>, vector<16xi32>], vector<16xf32>,
          %scatter3A_458 = arith.constant 0 : i32
          %scatter3A_459 = arith.constant 0 : i32
          %scatter3A_460 = arith.constant 0 : i32
          %scatter3A_461 = tpu.memref_slice %arg8[%rem3A_100, %scatter3A_458, %scatter3A_459, %scatter3A_460] : memref<2x4x8x128xf32, #tpu.memory_space<vmem>> -> memref<1x4x8x128xf32, #tpu.memory_space<vmem>>
          %scatter3A_462 = tpu.memref_squeeze %scatter3A_461 : memref<1x4x8x128xf32, #tpu.memory_space<vmem>> -> memref<4x8x128xf32, #tpu.memory_space<vmem>>
          tpu.vector_store_idx %scatter3A_462[%shift_right_arithmetic3A_394, %and3A_397, %add3A_452], %gather3A_457 : memref<4x8x128xf32, #tpu.memory_space<vmem>>[vector<16xi32>, vector<16xi32>, vector<16xi32>], vector<16xf32>,
          %add3A_463 = arith.constant 80 : i32
          %add3A_464 = vector.broadcast %add3A_463 : i32 to vector<16xi32>
          %add3A_465 = arith.addi %iota3A, %add3A_464 : vector<16xi32>
          %gather3A_466 = arith.constant 0 : i32
          %gather3A_467 = arith.constant 0 : i32
          %gather3A_468 = tpu.memref_slice %arg7[%rem3A_98, %gather3A_466, %gather3A_467] : memref<3x128x32xf32, #tpu.memory_space<vmem>> -> memref<1x128x32xf32, #tpu.memory_space<vmem>>
          %gather3A_469 = tpu.memref_squeeze %gather3A_468 : memref<1x128x32xf32, #tpu.memory_space<vmem>> -> memref<128x32xf32, #tpu.memory_space<vmem>>
          %gather3A_470 = tpu.vector_load_idx %gather3A_469[%add3A_465, %and3A_391] : memref<128x32xf32, #tpu.memory_space<vmem>>[vector<16xi32>, vector<16xi32>], vector<16xf32>,
          %scatter3A_471 = arith.constant 0 : i32
          %scatter3A_472 = arith.constant 0 : i32
          %scatter3A_473 = arith.constant 0 : i32
          %scatter3A_474 = tpu.memref_slice %arg8[%rem3A_100, %scatter3A_471, %scatter3A_472, %scatter3A_473] : memref<2x4x8x128xf32, #tpu.memory_space<vmem>> -> memref<1x4x8x128xf32, #tpu.memory_space<vmem>>
          %scatter3A_475 = tpu.memref_squeeze %scatter3A_474 : memref<1x4x8x128xf32, #tpu.memory_space<vmem>> -> memref<4x8x128xf32, #tpu.memory_space<vmem>>
          tpu.vector_store_idx %scatter3A_475[%shift_right_arithmetic3A_394, %and3A_397, %add3A_465], %gather3A_470 : memref<4x8x128xf32, #tpu.memory_space<vmem>>[vector<16xi32>, vector<16xi32>, vector<16xi32>], vector<16xf32>,
          %add3A_476 = arith.constant 96 : i32
          %add3A_477 = vector.broadcast %add3A_476 : i32 to vector<16xi32>
          %add3A_478 = arith.addi %iota3A, %add3A_477 : vector<16xi32>
          %gather3A_479 = arith.constant 0 : i32
          %gather3A_480 = arith.constant 0 : i32
          %gather3A_481 = tpu.memref_slice %arg7[%rem3A_98, %gather3A_479, %gather3A_480] : memref<3x128x32xf32, #tpu.memory_space<vmem>> -> memref<1x128x32xf32, #tpu.memory_space<vmem>>
          %gather3A_482 = tpu.memref_squeeze %gather3A_481 : memref<1x128x32xf32, #tpu.memory_space<vmem>> -> memref<128x32xf32, #tpu.memory_space<vmem>>
          %gather3A_483 = tpu.vector_load_idx %gather3A_482[%add3A_478, %and3A_391] : memref<128x32xf32, #tpu.memory_space<vmem>>[vector<16xi32>, vector<16xi32>], vector<16xf32>,
          %scatter3A_484 = arith.constant 0 : i32
          %scatter3A_485 = arith.constant 0 : i32
          %scatter3A_486 = arith.constant 0 : i32
          %scatter3A_487 = tpu.memref_slice %arg8[%rem3A_100, %scatter3A_484, %scatter3A_485, %scatter3A_486] : memref<2x4x8x128xf32, #tpu.memory_space<vmem>> -> memref<1x4x8x128xf32, #tpu.memory_space<vmem>>
          %scatter3A_488 = tpu.memref_squeeze %scatter3A_487 : memref<1x4x8x128xf32, #tpu.memory_space<vmem>> -> memref<4x8x128xf32, #tpu.memory_space<vmem>>
          tpu.vector_store_idx %scatter3A_488[%shift_right_arithmetic3A_394, %and3A_397, %add3A_478], %gather3A_483 : memref<4x8x128xf32, #tpu.memory_space<vmem>>[vector<16xi32>, vector<16xi32>, vector<16xi32>], vector<16xf32>,
          %add3A_489 = arith.constant 112 : i32
          %add3A_490 = vector.broadcast %add3A_489 : i32 to vector<16xi32>
          %add3A_491 = arith.addi %iota3A, %add3A_490 : vector<16xi32>
          %gather3A_492 = arith.constant 0 : i32
          %gather3A_493 = arith.constant 0 : i32
          %gather3A_494 = tpu.memref_slice %arg7[%rem3A_98, %gather3A_492, %gather3A_493] : memref<3x128x32xf32, #tpu.memory_space<vmem>> -> memref<1x128x32xf32, #tpu.memory_space<vmem>>
          %gather3A_495 = tpu.memref_squeeze %gather3A_494 : memref<1x128x32xf32, #tpu.memory_space<vmem>> -> memref<128x32xf32, #tpu.memory_space<vmem>>
          %gather3A_496 = tpu.vector_load_idx %gather3A_495[%add3A_491, %and3A_391] : memref<128x32xf32, #tpu.memory_space<vmem>>[vector<16xi32>, vector<16xi32>], vector<16xf32>,
          %scatter3A_497 = arith.constant 0 : i32
          %scatter3A_498 = arith.constant 0 : i32
          %scatter3A_499 = arith.constant 0 : i32
          %scatter3A_500 = tpu.memref_slice %arg8[%rem3A_100, %scatter3A_497, %scatter3A_498, %scatter3A_499] : memref<2x4x8x128xf32, #tpu.memory_space<vmem>> -> memref<1x4x8x128xf32, #tpu.memory_space<vmem>>
          %scatter3A_501 = tpu.memref_squeeze %scatter3A_500 : memref<1x4x8x128xf32, #tpu.memory_space<vmem>> -> memref<4x8x128xf32, #tpu.memory_space<vmem>>
          tpu.vector_store_idx %scatter3A_501[%shift_right_arithmetic3A_394, %and3A_397, %add3A_491], %gather3A_496 : memref<4x8x128xf32, #tpu.memory_space<vmem>>[vector<16xi32>, vector<16xi32>, vector<16xi32>], vector<16xf32>,
          %scan3A_502 = arith.constant 3 : i32
          %scan3A_503 = arith.addi %scan3A_144, %scan3A_502 : i32
          %mul3A_504 = arith.constant 1 : i32
          %mul3A_505 = arith.muli %scan3A_503, %mul3A_504 : i32
          %add3A_506 = arith.constant 0 : i32
          %add3A_507 = arith.addi %add3A_506, %mul3A_505 : i32
          %add3A_508 = vector.broadcast %add3A_507 : i32 to vector<16xi32>
          %add3A_509 = arith.addi %add3A_508, %iota3A : vector<16xi32>
          %and3A_510 = arith.constant 31 : i32
          %and3A_511 = vector.broadcast %and3A_510 : i32 to vector<16xi32>
          %and3A_512 = arith.andi %add3A_509, %and3A_511 : vector<16xi32>
          %shift_right_arithmetic3A_513 = arith.constant 3 : i32
          %shift_right_arithmetic3A_514 = vector.broadcast %shift_right_arithmetic3A_513 : i32 to vector<16xi32>
          %shift_right_arithmetic3A_515 = arith.shrsi %and3A_512, %shift_right_arithmetic3A_514 : vector<16xi32>
          %and3A_516 = arith.constant 7 : i32
          %and3A_517 = vector.broadcast %and3A_516 : i32 to vector<16xi32>
          %and3A_518 = arith.andi %and3A_512, %and3A_517 : vector<16xi32>
          %add3A_519 = arith.constant 0 : i32
          %add3A_520 = vector.broadcast %add3A_519 : i32 to vector<16xi32>
          %add3A_521 = arith.addi %iota3A, %add3A_520 : vector<16xi32>
          %gather3A_522 = arith.constant 0 : i32
          %gather3A_523 = arith.constant 0 : i32
          %gather3A_524 = tpu.memref_slice %arg7[%rem3A_98, %gather3A_522, %gather3A_523] : memref<3x128x32xf32, #tpu.memory_space<vmem>> -> memref<1x128x32xf32, #tpu.memory_space<vmem>>
          %gather3A_525 = tpu.memref_squeeze %gather3A_524 : memref<1x128x32xf32, #tpu.memory_space<vmem>> -> memref<128x32xf32, #tpu.memory_space<vmem>>
          %gather3A_526 = tpu.vector_load_idx %gather3A_525[%add3A_521, %and3A_512] : memref<128x32xf32, #tpu.memory_space<vmem>>[vector<16xi32>, vector<16xi32>], vector<16xf32>,
          %scatter3A_527 = arith.constant 0 : i32
          %scatter3A_528 = arith.constant 0 : i32
          %scatter3A_529 = arith.constant 0 : i32
          %scatter3A_530 = tpu.memref_slice %arg8[%rem3A_100, %scatter3A_527, %scatter3A_528, %scatter3A_529] : memref<2x4x8x128xf32, #tpu.memory_space<vmem>> -> memref<1x4x8x128xf32, #tpu.memory_space<vmem>>
          %scatter3A_531 = tpu.memref_squeeze %scatter3A_530 : memref<1x4x8x128xf32, #tpu.memory_space<vmem>> -> memref<4x8x128xf32, #tpu.memory_space<vmem>>
          tpu.vector_store_idx %scatter3A_531[%shift_right_arithmetic3A_515, %and3A_518, %add3A_521], %gather3A_526 : memref<4x8x128xf32, #tpu.memory_space<vmem>>[vector<16xi32>, vector<16xi32>, vector<16xi32>], vector<16xf32>,
          %add3A_532 = arith.constant 16 : i32
          %add3A_533 = vector.broadcast %add3A_532 : i32 to vector<16xi32>
          %add3A_534 = arith.addi %iota3A, %add3A_533 : vector<16xi32>
          %gather3A_535 = arith.constant 0 : i32
          %gather3A_536 = arith.constant 0 : i32
          %gather3A_537 = tpu.memref_slice %arg7[%rem3A_98, %gather3A_535, %gather3A_536] : memref<3x128x32xf32, #tpu.memory_space<vmem>> -> memref<1x128x32xf32, #tpu.memory_space<vmem>>
          %gather3A_538 = tpu.memref_squeeze %gather3A_537 : memref<1x128x32xf32, #tpu.memory_space<vmem>> -> memref<128x32xf32, #tpu.memory_space<vmem>>
          %gather3A_539 = tpu.vector_load_idx %gather3A_538[%add3A_534, %and3A_512] : memref<128x32xf32, #tpu.memory_space<vmem>>[vector<16xi32>, vector<16xi32>], vector<16xf32>,
          %scatter3A_540 = arith.constant 0 : i32
          %scatter3A_541 = arith.constant 0 : i32
          %scatter3A_542 = arith.constant 0 : i32
          %scatter3A_543 = tpu.memref_slice %arg8[%rem3A_100, %scatter3A_540, %scatter3A_541, %scatter3A_542] : memref<2x4x8x128xf32, #tpu.memory_space<vmem>> -> memref<1x4x8x128xf32, #tpu.memory_space<vmem>>
          %scatter3A_544 = tpu.memref_squeeze %scatter3A_543 : memref<1x4x8x128xf32, #tpu.memory_space<vmem>> -> memref<4x8x128xf32, #tpu.memory_space<vmem>>
          tpu.vector_store_idx %scatter3A_544[%shift_right_arithmetic3A_515, %and3A_518, %add3A_534], %gather3A_539 : memref<4x8x128xf32, #tpu.memory_space<vmem>>[vector<16xi32>, vector<16xi32>, vector<16xi32>], vector<16xf32>,
          %add3A_545 = arith.constant 32 : i32
          %add3A_546 = vector.broadcast %add3A_545 : i32 to vector<16xi32>
          %add3A_547 = arith.addi %iota3A, %add3A_546 : vector<16xi32>
          %gather3A_548 = arith.constant 0 : i32
          %gather3A_549 = arith.constant 0 : i32
          %gather3A_550 = tpu.memref_slice %arg7[%rem3A_98, %gather3A_548, %gather3A_549] : memref<3x128x32xf32, #tpu.memory_space<vmem>> -> memref<1x128x32xf32, #tpu.memory_space<vmem>>
          %gather3A_551 = tpu.memref_squeeze %gather3A_550 : memref<1x128x32xf32, #tpu.memory_space<vmem>> -> memref<128x32xf32, #tpu.memory_space<vmem>>
          %gather3A_552 = tpu.vector_load_idx %gather3A_551[%add3A_547, %and3A_512] : memref<128x32xf32, #tpu.memory_space<vmem>>[vector<16xi32>, vector<16xi32>], vector<16xf32>,
          %scatter3A_553 = arith.constant 0 : i32
          %scatter3A_554 = arith.constant 0 : i32
          %scatter3A_555 = arith.constant 0 : i32
          %scatter3A_556 = tpu.memref_slice %arg8[%rem3A_100, %scatter3A_553, %scatter3A_554, %scatter3A_555] : memref<2x4x8x128xf32, #tpu.memory_space<vmem>> -> memref<1x4x8x128xf32, #tpu.memory_space<vmem>>
          %scatter3A_557 = tpu.memref_squeeze %scatter3A_556 : memref<1x4x8x128xf32, #tpu.memory_space<vmem>> -> memref<4x8x128xf32, #tpu.memory_space<vmem>>
          tpu.vector_store_idx %scatter3A_557[%shift_right_arithmetic3A_515, %and3A_518, %add3A_547], %gather3A_552 : memref<4x8x128xf32, #tpu.memory_space<vmem>>[vector<16xi32>, vector<16xi32>, vector<16xi32>], vector<16xf32>,
          %add3A_558 = arith.constant 48 : i32
          %add3A_559 = vector.broadcast %add3A_558 : i32 to vector<16xi32>
          %add3A_560 = arith.addi %iota3A, %add3A_559 : vector<16xi32>
          %gather3A_561 = arith.constant 0 : i32
          %gather3A_562 = arith.constant 0 : i32
          %gather3A_563 = tpu.memref_slice %arg7[%rem3A_98, %gather3A_561, %gather3A_562] : memref<3x128x32xf32, #tpu.memory_space<vmem>> -> memref<1x128x32xf32, #tpu.memory_space<vmem>>
          %gather3A_564 = tpu.memref_squeeze %gather3A_563 : memref<1x128x32xf32, #tpu.memory_space<vmem>> -> memref<128x32xf32, #tpu.memory_space<vmem>>
          %gather3A_565 = tpu.vector_load_idx %gather3A_564[%add3A_560, %and3A_512] : memref<128x32xf32, #tpu.memory_space<vmem>>[vector<16xi32>, vector<16xi32>], vector<16xf32>,
          %scatter3A_566 = arith.constant 0 : i32
          %scatter3A_567 = arith.constant 0 : i32
          %scatter3A_568 = arith.constant 0 : i32
          %scatter3A_569 = tpu.memref_slice %arg8[%rem3A_100, %scatter3A_566, %scatter3A_567, %scatter3A_568] : memref<2x4x8x128xf32, #tpu.memory_space<vmem>> -> memref<1x4x8x128xf32, #tpu.memory_space<vmem>>
          %scatter3A_570 = tpu.memref_squeeze %scatter3A_569 : memref<1x4x8x128xf32, #tpu.memory_space<vmem>> -> memref<4x8x128xf32, #tpu.memory_space<vmem>>
          tpu.vector_store_idx %scatter3A_570[%shift_right_arithmetic3A_515, %and3A_518, %add3A_560], %gather3A_565 : memref<4x8x128xf32, #tpu.memory_space<vmem>>[vector<16xi32>, vector<16xi32>, vector<16xi32>], vector<16xf32>,
          %add3A_571 = arith.constant 64 : i32
          %add3A_572 = vector.broadcast %add3A_571 : i32 to vector<16xi32>
          %add3A_573 = arith.addi %iota3A, %add3A_572 : vector<16xi32>
          %gather3A_574 = arith.constant 0 : i32
          %gather3A_575 = arith.constant 0 : i32
          %gather3A_576 = tpu.memref_slice %arg7[%rem3A_98, %gather3A_574, %gather3A_575] : memref<3x128x32xf32, #tpu.memory_space<vmem>> -> memref<1x128x32xf32, #tpu.memory_space<vmem>>
          %gather3A_577 = tpu.memref_squeeze %gather3A_576 : memref<1x128x32xf32, #tpu.memory_space<vmem>> -> memref<128x32xf32, #tpu.memory_space<vmem>>
          %gather3A_578 = tpu.vector_load_idx %gather3A_577[%add3A_573, %and3A_512] : memref<128x32xf32, #tpu.memory_space<vmem>>[vector<16xi32>, vector<16xi32>], vector<16xf32>,
          %scatter3A_579 = arith.constant 0 : i32
          %scatter3A_580 = arith.constant 0 : i32
          %scatter3A_581 = arith.constant 0 : i32
          %scatter3A_582 = tpu.memref_slice %arg8[%rem3A_100, %scatter3A_579, %scatter3A_580, %scatter3A_581] : memref<2x4x8x128xf32, #tpu.memory_space<vmem>> -> memref<1x4x8x128xf32, #tpu.memory_space<vmem>>
          %scatter3A_583 = tpu.memref_squeeze %scatter3A_582 : memref<1x4x8x128xf32, #tpu.memory_space<vmem>> -> memref<4x8x128xf32, #tpu.memory_space<vmem>>
          tpu.vector_store_idx %scatter3A_583[%shift_right_arithmetic3A_515, %and3A_518, %add3A_573], %gather3A_578 : memref<4x8x128xf32, #tpu.memory_space<vmem>>[vector<16xi32>, vector<16xi32>, vector<16xi32>], vector<16xf32>,
          %add3A_584 = arith.constant 80 : i32
          %add3A_585 = vector.broadcast %add3A_584 : i32 to vector<16xi32>
          %add3A_586 = arith.addi %iota3A, %add3A_585 : vector<16xi32>
          %gather3A_587 = arith.constant 0 : i32
          %gather3A_588 = arith.constant 0 : i32
          %gather3A_589 = tpu.memref_slice %arg7[%rem3A_98, %gather3A_587, %gather3A_588] : memref<3x128x32xf32, #tpu.memory_space<vmem>> -> memref<1x128x32xf32, #tpu.memory_space<vmem>>
          %gather3A_590 = tpu.memref_squeeze %gather3A_589 : memref<1x128x32xf32, #tpu.memory_space<vmem>> -> memref<128x32xf32, #tpu.memory_space<vmem>>
          %gather3A_591 = tpu.vector_load_idx %gather3A_590[%add3A_586, %and3A_512] : memref<128x32xf32, #tpu.memory_space<vmem>>[vector<16xi32>, vector<16xi32>], vector<16xf32>,
          %scatter3A_592 = arith.constant 0 : i32
          %scatter3A_593 = arith.constant 0 : i32
          %scatter3A_594 = arith.constant 0 : i32
          %scatter3A_595 = tpu.memref_slice %arg8[%rem3A_100, %scatter3A_592, %scatter3A_593, %scatter3A_594] : memref<2x4x8x128xf32, #tpu.memory_space<vmem>> -> memref<1x4x8x128xf32, #tpu.memory_space<vmem>>
          %scatter3A_596 = tpu.memref_squeeze %scatter3A_595 : memref<1x4x8x128xf32, #tpu.memory_space<vmem>> -> memref<4x8x128xf32, #tpu.memory_space<vmem>>
          tpu.vector_store_idx %scatter3A_596[%shift_right_arithmetic3A_515, %and3A_518, %add3A_586], %gather3A_591 : memref<4x8x128xf32, #tpu.memory_space<vmem>>[vector<16xi32>, vector<16xi32>, vector<16xi32>], vector<16xf32>,
          %add3A_597 = arith.constant 96 : i32
          %add3A_598 = vector.broadcast %add3A_597 : i32 to vector<16xi32>
          %add3A_599 = arith.addi %iota3A, %add3A_598 : vector<16xi32>
          %gather3A_600 = arith.constant 0 : i32
          %gather3A_601 = arith.constant 0 : i32
          %gather3A_602 = tpu.memref_slice %arg7[%rem3A_98, %gather3A_600, %gather3A_601] : memref<3x128x32xf32, #tpu.memory_space<vmem>> -> memref<1x128x32xf32, #tpu.memory_space<vmem>>
          %gather3A_603 = tpu.memref_squeeze %gather3A_602 : memref<1x128x32xf32, #tpu.memory_space<vmem>> -> memref<128x32xf32, #tpu.memory_space<vmem>>
          %gather3A_604 = tpu.vector_load_idx %gather3A_603[%add3A_599, %and3A_512] : memref<128x32xf32, #tpu.memory_space<vmem>>[vector<16xi32>, vector<16xi32>], vector<16xf32>,
          %scatter3A_605 = arith.constant 0 : i32
          %scatter3A_606 = arith.constant 0 : i32
          %scatter3A_607 = arith.constant 0 : i32
          %scatter3A_608 = tpu.memref_slice %arg8[%rem3A_100, %scatter3A_605, %scatter3A_606, %scatter3A_607] : memref<2x4x8x128xf32, #tpu.memory_space<vmem>> -> memref<1x4x8x128xf32, #tpu.memory_space<vmem>>
          %scatter3A_609 = tpu.memref_squeeze %scatter3A_608 : memref<1x4x8x128xf32, #tpu.memory_space<vmem>> -> memref<4x8x128xf32, #tpu.memory_space<vmem>>
          tpu.vector_store_idx %scatter3A_609[%shift_right_arithmetic3A_515, %and3A_518, %add3A_599], %gather3A_604 : memref<4x8x128xf32, #tpu.memory_space<vmem>>[vector<16xi32>, vector<16xi32>, vector<16xi32>], vector<16xf32>,
          %add3A_610 = arith.constant 112 : i32
          %add3A_611 = vector.broadcast %add3A_610 : i32 to vector<16xi32>
          %add3A_612 = arith.addi %iota3A, %add3A_611 : vector<16xi32>
          %gather3A_613 = arith.constant 0 : i32
          %gather3A_614 = arith.constant 0 : i32
          %gather3A_615 = tpu.memref_slice %arg7[%rem3A_98, %gather3A_613, %gather3A_614] : memref<3x128x32xf32, #tpu.memory_space<vmem>> -> memref<1x128x32xf32, #tpu.memory_space<vmem>>
          %gather3A_616 = tpu.memref_squeeze %gather3A_615 : memref<1x128x32xf32, #tpu.memory_space<vmem>> -> memref<128x32xf32, #tpu.memory_space<vmem>>
          %gather3A_617 = tpu.vector_load_idx %gather3A_616[%add3A_612, %and3A_512] : memref<128x32xf32, #tpu.memory_space<vmem>>[vector<16xi32>, vector<16xi32>], vector<16xf32>,
          %scatter3A_618 = arith.constant 0 : i32
          %scatter3A_619 = arith.constant 0 : i32
          %scatter3A_620 = arith.constant 0 : i32
          %scatter3A_621 = tpu.memref_slice %arg8[%rem3A_100, %scatter3A_618, %scatter3A_619, %scatter3A_620] : memref<2x4x8x128xf32, #tpu.memory_space<vmem>> -> memref<1x4x8x128xf32, #tpu.memory_space<vmem>>
          %scatter3A_622 = tpu.memref_squeeze %scatter3A_621 : memref<1x4x8x128xf32, #tpu.memory_space<vmem>> -> memref<4x8x128xf32, #tpu.memory_space<vmem>>
          tpu.vector_store_idx %scatter3A_622[%shift_right_arithmetic3A_515, %and3A_518, %add3A_612], %gather3A_617 : memref<4x8x128xf32, #tpu.memory_space<vmem>>[vector<16xi32>, vector<16xi32>, vector<16xi32>], vector<16xf32>,
        }
        %scan3A_123 = arith.constant 32 : i32
        %dma_start3A_124 = arith.constant 0 : i32
        %dma_start3A_125 = arith.constant 0 : i32
        %dma_start3A_126 = arith.constant 0 : i32
        %dma_start3A_127 = tpu.memref_slice %arg8[%rem3A_100, %dma_start3A_124, %dma_start3A_125, %dma_start3A_126] : memref<2x4x8x128xf32, #tpu.memory_space<vmem>> -> memref<1x4x8x128xf32, #tpu.memory_space<vmem>>
        %dma_start3A_128 = tpu.memref_squeeze %dma_start3A_127 : memref<1x4x8x128xf32, #tpu.memory_space<vmem>> -> memref<4x8x128xf32, #tpu.memory_space<vmem>>
        %dma_start3A_129 = arith.constant 0 : i32
        %dma_start3A_130 = arith.constant 0 : i32
        %dma_start3A_131 = arith.constant 0 : i32
        %dma_start3A_132 = tpu.memref_slice %arg4[%add3A_97, %dma_start3A_129, %add3A_12, %dma_start3A_130, %dma_start3A_131] : memref<50x4x128x8x128xf32, #tpu.memory_space<hbm>> -> memref<1x4x1x8x128xf32, #tpu.memory_space<hbm>>
        %dma_start3A_133 = tpu.memref_squeeze %dma_start3A_132 : memref<1x4x1x8x128xf32, #tpu.memory_space<hbm>> -> memref<4x8x128xf32, #tpu.memory_space<hbm>>
        %dma_start3A_134 = arith.constant 0 : i32
        %dma_start3A_135 = arith.constant 0 : i32
        %dma_start3A_136 = arith.constant 0 : i32
        %dma_start3A_137 = tpu.memref_slice %arg4[%add3A_97, %dma_start3A_134, %add3A_12, %dma_start3A_135, %dma_start3A_136] : memref<50x4x128x8x128xf32, #tpu.memory_space<hbm>> -> memref<1x4x1x8x128xf32, #tpu.memory_space<hbm>>
        %dma_start3A_138 = tpu.memref_squeeze %dma_start3A_137 : memref<1x4x1x8x128xf32, #tpu.memory_space<hbm>> -> memref<4x8x128xf32, #tpu.memory_space<hbm>>
        %dma_start3A_139 = arith.constant 0 : i32
        %dma_start3A_140 = arith.constant 0 : i32
        %dma_start3A_141 = arith.constant 0 : i32
        %dma_start3A_142 = tpu.memref_slice %arg8[%rem3A_100, %dma_start3A_139, %dma_start3A_140, %dma_start3A_141] : memref<2x4x8x128xf32, #tpu.memory_space<vmem>> -> memref<1x4x8x128xf32, #tpu.memory_space<vmem>>
        %dma_start3A_143 = tpu.memref_squeeze %dma_start3A_142 : memref<1x4x8x128xf32, #tpu.memory_space<vmem>> -> memref<4x8x128xf32, #tpu.memory_space<vmem>>
        tpu.enqueue_dma source(%dma_start3A_143 : memref<4x8x128xf32, #tpu.memory_space<vmem>>) target(%dma_start3A_138 : memref<4x8x128xf32, #tpu.memory_space<hbm>>) target_semaphore(%arg10 : memref<!tpu.dma_semaphore, #tpu.memory_space<semaphore_mem>>)
      }
      %scan3A_49 = arith.constant 50 : i32
      %dma_wait3A = arith.constant 0 : i32
      %dma_wait3A_50 = arith.constant 48 : i32
      %dma_wait3A_51 = arith.constant 0 : i32
      %dma_wait3A_52 = arith.constant 0 : i32
      %dma_wait3A_53 = arith.constant 0 : i32
      %dma_wait3A_54 = tpu.memref_slice %arg8[%dma_wait3A, %dma_wait3A_51, %dma_wait3A_52, %dma_wait3A_53] : memref<2x4x8x128xf32, #tpu.memory_space<vmem>> -> memref<1x4x8x128xf32, #tpu.memory_space<vmem>>
      %dma_wait3A_55 = tpu.memref_squeeze %dma_wait3A_54 : memref<1x4x8x128xf32, #tpu.memory_space<vmem>> -> memref<4x8x128xf32, #tpu.memory_space<vmem>>
      %dma_wait3A_56 = arith.constant 0 : i32
      %dma_wait3A_57 = arith.constant 0 : i32
      %dma_wait3A_58 = arith.constant 0 : i32
      %dma_wait3A_59 = tpu.memref_slice %arg4[%dma_wait3A_50, %dma_wait3A_56, %add3A_12, %dma_wait3A_57, %dma_wait3A_58] : memref<50x4x128x8x128xf32, #tpu.memory_space<hbm>> -> memref<1x4x1x8x128xf32, #tpu.memory_space<hbm>>
      %dma_wait3A_60 = tpu.memref_squeeze %dma_wait3A_59 : memref<1x4x1x8x128xf32, #tpu.memory_space<hbm>> -> memref<4x8x128xf32, #tpu.memory_space<hbm>>
      %dma_wait3A_61 = arith.constant 0 : i32
      %dma_wait3A_62 = arith.constant 0 : i32
      %dma_wait3A_63 = arith.constant 0 : i32
      %dma_wait3A_64 = tpu.memref_slice %arg4[%dma_wait3A_50, %dma_wait3A_61, %add3A_12, %dma_wait3A_62, %dma_wait3A_63] : memref<50x4x128x8x128xf32, #tpu.memory_space<hbm>> -> memref<1x4x1x8x128xf32, #tpu.memory_space<hbm>>
      %dma_wait3A_65 = tpu.memref_squeeze %dma_wait3A_64 : memref<1x4x1x8x128xf32, #tpu.memory_space<hbm>> -> memref<4x8x128xf32, #tpu.memory_space<hbm>>
      %dma_wait3A_66 = arith.constant 0 : i32
      %dma_wait3A_67 = arith.constant 0 : i32
      %dma_wait3A_68 = arith.constant 0 : i32
      %dma_wait3A_69 = tpu.memref_slice %arg8[%dma_wait3A, %dma_wait3A_66, %dma_wait3A_67, %dma_wait3A_68] : memref<2x4x8x128xf32, #tpu.memory_space<vmem>> -> memref<1x4x8x128xf32, #tpu.memory_space<vmem>>
      %dma_wait3A_70 = tpu.memref_squeeze %dma_wait3A_69 : memref<1x4x8x128xf32, #tpu.memory_space<vmem>> -> memref<4x8x128xf32, #tpu.memory_space<vmem>>
      tpu.wait_dma2 semaphore(%arg10 : memref<!tpu.dma_semaphore, #tpu.memory_space<semaphore_mem>>) src(%dma_wait3A_70 : memref<4x8x128xf32, #tpu.memory_space<vmem>>) dst(%dma_wait3A_65 : memref<4x8x128xf32, #tpu.memory_space<hbm>>)
      %dma_wait3A_71 = arith.constant 1 : i32
      %dma_wait3A_72 = arith.constant 49 : i32
      %dma_wait3A_73 = arith.constant 0 : i32
      %dma_wait3A_74 = arith.constant 0 : i32
      %dma_wait3A_75 = arith.constant 0 : i32
      %dma_wait3A_76 = tpu.memref_slice %arg8[%dma_wait3A_71, %dma_wait3A_73, %dma_wait3A_74, %dma_wait3A_75] : memref<2x4x8x128xf32, #tpu.memory_space<vmem>> -> memref<1x4x8x128xf32, #tpu.memory_space<vmem>>
      %dma_wait3A_77 = tpu.memref_squeeze %dma_wait3A_76 : memref<1x4x8x128xf32, #tpu.memory_space<vmem>> -> memref<4x8x128xf32, #tpu.memory_space<vmem>>
      %dma_wait3A_78 = arith.constant 0 : i32
      %dma_wait3A_79 = arith.constant 0 : i32
      %dma_wait3A_80 = arith.constant 0 : i32
      %dma_wait3A_81 = tpu.memref_slice %arg4[%dma_wait3A_72, %dma_wait3A_78, %add3A_12, %dma_wait3A_79, %dma_wait3A_80] : memref<50x4x128x8x128xf32, #tpu.memory_space<hbm>> -> memref<1x4x1x8x128xf32, #tpu.memory_space<hbm>>
      %dma_wait3A_82 = tpu.memref_squeeze %dma_wait3A_81 : memref<1x4x1x8x128xf32, #tpu.memory_space<hbm>> -> memref<4x8x128xf32, #tpu.memory_space<hbm>>
      %dma_wait3A_83 = arith.constant 0 : i32
      %dma_wait3A_84 = arith.constant 0 : i32
      %dma_wait3A_85 = arith.constant 0 : i32
      %dma_wait3A_86 = tpu.memref_slice %arg4[%dma_wait3A_72, %dma_wait3A_83, %add3A_12, %dma_wait3A_84, %dma_wait3A_85] : memref<50x4x128x8x128xf32, #tpu.memory_space<hbm>> -> memref<1x4x1x8x128xf32, #tpu.memory_space<hbm>>
      %dma_wait3A_87 = tpu.memref_squeeze %dma_wait3A_86 : memref<1x4x1x8x128xf32, #tpu.memory_space<hbm>> -> memref<4x8x128xf32, #tpu.memory_space<hbm>>
      %dma_wait3A_88 = arith.constant 0 : i32
      %dma_wait3A_89 = arith.constant 0 : i32
      %dma_wait3A_90 = arith.constant 0 : i32
      %dma_wait3A_91 = tpu.memref_slice %arg8[%dma_wait3A_71, %dma_wait3A_88, %dma_wait3A_89, %dma_wait3A_90] : memref<2x4x8x128xf32, #tpu.memory_space<vmem>> -> memref<1x4x8x128xf32, #tpu.memory_space<vmem>>
      %dma_wait3A_92 = tpu.memref_squeeze %dma_wait3A_91 : memref<1x4x8x128xf32, #tpu.memory_space<vmem>> -> memref<4x8x128xf32, #tpu.memory_space<vmem>>
      tpu.wait_dma2 semaphore(%arg10 : memref<!tpu.dma_semaphore, #tpu.memory_space<semaphore_mem>>) src(%dma_wait3A_92 : memref<4x8x128xf32, #tpu.memory_space<vmem>>) dst(%dma_wait3A_87 : memref<4x8x128xf32, #tpu.memory_space<hbm>>)
    }
    %scan3A_4 = arith.constant 4 : i32
    return
  }
}

</mosaic_0001>

<sc_bundles>
// kernel: kernel.4.cloned.1.call-start
scs
__scs_entry_jumppad:
0x0: {  	(pc) =	sbr.rel $0x88, $3  }
0x1: {  	(tag) =	ssettag $0x0;
	lr =	simm.s32 $0x1  }
0x2: {  	[smem:$0x3F9F] =	sst lr;
	_ =	strace $0xD0000000  }
0x3: {  	_ = 	snop  }
0x4: {  	_ = 	snop  }
0x5: {  	_ = 	snop  }
0x6: {  	_ = 	snop  }
0x7: {  	_ = 	snop  }
__scs_overlays_trampoline_lowered:
0x8: {  	[smem:$0x3FAE] =	sst s0  }
0x9: {  	[smem:$0x3FAF] =	sst s1  }
0xa: {  	[smem:$0x3FB0] =	sst s2  }
0xb: {  	[smem:$0x3FB1] =	sst s3  }
0xc: {  	[smem:$0x3FB2] =	sst s4  }
0xd: {  	[smem:$0x3FB3] =	sst s5  }
0xe: {  	[smem:$0x3FB4] =	sst s6  }
0xf: {  	[smem:$0x3FB5] =	sst s7  }
0x10: {  	[smem:$0x3FB6] =	sst s8  }
0x11: {  	[smem:$0x3FB7] =	sst s9;
	s0 =	simm.s32 @!p0 $0x0  }
0x12: {  	s1 =	sld [smem:$0x3F9D];
	s0 =	simm.s32 @p0 $0x1  }
0x13: {  	[smem:$0x3FB8] =	sst s0;
	s0 =	simm.s32 @!p1 $0x0  }
0x14: {  	s2 =	sld [smem:$0x3F9C];
	s0 =	simm.s32 @p1 $0x1  }
0x15: {  	[smem:$0x3FB9] =	sst s0;
	s0 =	simm.s32 @!p2 $0x0  }
0x16: {  	s3 =	sld [smem:$0x3FDB];
	s0 =	simm.s32 @p2 $0x1  }
0x17: {  	s4 =	simm.s32 $0x1BF5;
	[smem:$0x3FBB] =	sst s0  }
0x18: {  	s0 =	sld [smem:$0x3F9E];
	_ =	swait.ge [sflag:s4], $0x0  }
0x19: {  	s7 =	sld [smem:$0x3F9F]  }
0x1a: {  	s8 =	sadd.s32 $0xFFFFE003, lr  }
0x1b: {  	s9 =	sadd.s32 $0xFFFFFEF7, lr;
	s5 =	simm.s32 $0xFFFFFFFF;
	p2 =	slt.u32 s8, $0xFFFFF086  }
0x1c: {  	p1 =	slt.u32 s9, $0xF7A;
	s5 =	simm.s32 @!p2 $0x0  }
0x1d: {  	s5 =	simm.s32 @p1 $0x1;
	p0 =	seq.s32 s7, s2  }
0x1e: {  	s7 =	smul.u32 @!p0 $0xF7A, s2;
	p2 =	seq.s32 @!p0 s5, $0x0  }
0x1f: {  	s9 =	smul.u32 $0xF7A, s1;
	s8 =	simm.s32 @!p0 $0x1BF5;
	p2 =	por !p2, p0  }
0x20: {  	[sflag:s8] =	ssyncset.s32 @!p0 $0xFFFFF086;
	s6 =	sadd.s32 @!p0 s3, s7;
	s7 =	simm.s32 @!p0 $0x108  }
0x21: {  	s3 =	sadd.s32 s3, s9;
	s6 =	sadd.s32 @!p0 $0x88, s6;
	s7 =	simm.s32 @p2 $0x1082  }
0x22: {  	[simem:s7], [sflag:s8] =	dma.local @!p0 [hbm:s6], $0xF7A  }
0x23: {  	s9 =	sor.u32 $0xD0000000, s2;
	s6 =	simm.s32 $0x108;
	_ =	swait.ge @!p0 [sflag:s8], $0x0  }
0x24: {  	s3 =	sadd.s32 $0x88, s3;
	s6 =	simm.s32 @!p1 $0x1082;
	[sflag:s4] =	ssyncset.s32 $0xFFFFF086  }
0x25: {  	[simem:s6], [sflag:s4] =	dma.local [hbm:s3], $0xF7A  }
0x26: {  	[smem:$0x3F9F] =	sst s1;
	(tag) =	ssettag s2;
	_ =	strace s9  }
0x27: {  	s1 =	sld [smem:$0x3FAF]  }
0x28: {  	s2 =	sld [smem:$0x3FB0]  }
0x29: {  	s4 =	sld [smem:$0x3FB2]  }
0x2a: {  	p0 =	seq.s32 s5, $0x0;
	s5 =	sld [smem:$0x3FB3]  }
0x2b: {  	s6 =	sld [smem:$0x3FB4]  }
0x2c: {  	s7 =	sld [smem:$0x3FB5]  }
0x2d: {  	s3 =	simm.s32 $0x108;
	s8 =	sld [smem:$0x3FB6]  }
0x2e: {  	s3 =	simm.s32 @!p0 $0x1082;
	s9 =	sld [smem:$0x3FB7]  }
0x2f: {  	lr =	sadd.s32 s0, s3;
	s0 =	sld [smem:$0x3FAE]  }
0x30: {  	s3 =	sld [smem:$0x3FB1]  }
0x31: {  	[smem:$0x3FBA] =	sst s10  }
0x32: {  	s10 =	sld [smem:$0x3FB8];
	_ =	sdelay $0x3  }
0x33: {  	p0 =	seq.s32 s10, $0x1;
	s10 =	sld [smem:$0x3FBA];
	_ =	sdelay $0x3  }
0x34: {  	[smem:$0x3FBA] =	sst s10  }
0x35: {  	s10 =	sld [smem:$0x3FB9];
	_ =	sdelay $0x3  }
0x36: {  	p1 =	seq.s32 s10, $0x1;
	s10 =	sld [smem:$0x3FBA];
	_ =	sdelay $0x3  }
0x37: {  	[smem:$0x3FBA] =	sst s10  }
0x38: {  	s10 =	sld [smem:$0x3FBB]  }
0x39: {  	_ = 	snop;
	(pc) =	sbr.ind lr, $3  }
0x3a: {  	_ = 	snop  }
0x3b: {  	_ = 	snop  }
0x3c: {  	p2 =	seq.s32 s10, $0x1;
	s10 =	sld [smem:$0x3FBA]  }
0x3d: {  	_ =	shalt  }
0x3e: {  	_ =	shalt  }
0x3f: {  	_ =	shalt  }
0x40: {  	_ =	shalt  }
0x41: {  	_ =	shalt  }
0x42: {  	_ =	shalt  }
0x43: {  	_ =	shalt  }
0x44: {  	_ =	shalt  }
0x45: {  	_ =	shalt  }
0x46: {  	_ =	shalt  }
0x47: {  	_ =	shalt  }
0x48: {  	_ =	shalt  }
0x49: {  	_ =	shalt  }
0x4a: {  	_ =	shalt  }
0x4b: {  	_ =	shalt  }
0x4c: {  	_ =	shalt  }
0x4d: {  	_ =	shalt  }
0x4e: {  	_ =	shalt  }
0x4f: {  	_ =	shalt  }
0x50: {  	_ =	shalt  }
0x51: {  	_ =	shalt  }
0x52: {  	_ =	shalt  }
0x53: {  	_ =	shalt  }
0x54: {  	_ =	shalt  }
0x55: {  	_ =	shalt  }
0x56: {  	_ =	shalt  }
0x57: {  	_ =	shalt  }
0x58: {  	_ =	shalt  }
0x59: {  	_ =	shalt  }
0x5a: {  	_ =	shalt  }
0x5b: {  	_ =	shalt  }
0x5c: {  	_ =	shalt  }
0x5d: {  	_ =	shalt  }
0x5e: {  	_ =	shalt  }
0x5f: {  	_ =	shalt  }
0x60: {  	_ =	shalt  }
0x61: {  	_ =	shalt  }
0x62: {  	_ =	shalt  }
0x63: {  	_ =	shalt  }
0x64: {  	_ =	shalt  }
0x65: {  	_ =	shalt  }
0x66: {  	_ =	shalt  }
0x67: {  	_ =	shalt  }
0x68: {  	_ =	shalt  }
0x69: {  	_ =	shalt  }
0x6a: {  	_ =	shalt  }
0x6b: {  	_ =	shalt  }
0x6c: {  	_ =	shalt  }
0x6d: {  	_ =	shalt  }
0x6e: {  	_ =	shalt  }
0x6f: {  	_ =	shalt  }
0x70: {  	_ =	shalt  }
0x71: {  	_ =	shalt  }
0x72: {  	_ =	shalt  }
0x73: {  	_ =	shalt  }
0x74: {  	_ =	shalt  }
0x75: {  	_ =	shalt  }
0x76: {  	_ =	shalt  }
0x77: {  	_ =	shalt  }
0x78: {  	_ =	shalt  }
0x79: {  	_ =	shalt  }
0x7a: {  	_ =	shalt  }
0x7b: {  	_ =	shalt  }
0x7c: {  	_ =	shalt  }
0x7d: {  	_ =	shalt  }
0x7e: {  	_ =	shalt  }
0x7f: {  	_ =	shalt  }
0x80: {  	_ =	shalt  }
0x81: {  	_ =	shalt  }
0x82: {  	_ =	shalt  }
0x83: {  	_ =	shalt  }
0x84: {  	_ =	shalt  }
0x85: {  	_ =	shalt  }
0x86: {  	_ =	shalt  }
0x87: {  	_ =	shalt  }
.Lfunc_end0:
.L_simem_size_0:
called_computation_lowered:
.L_overlay_start_0:
0x88: {  	s2 =	sld [smem:$0x3FD9]  }
0x89: {  	s3 =	sld [smem:$0x3FFE];
	_ =	sdelay $0x1  }
0x8a: {  	s1 =	srdreg.scid  }
0x8b: {  	s0 =	sand.u32 $0x1, s1  }
0x8c: {  	s17 =	sshll.u32 s0, $0xA;
	s2 =	sadd.s32 s3, s2  }
0x8d: {  	s2 =	sadd.s32 s2, s17  }
0x8e: {  	[smem:$0x3FC6] =	sst s2  }
0x8f: {  	_ = 	snop  }
0x90: {  	s2 =	sld [smem:$0x3FC8]  }
0x91: {  	s18 =	sld [smem:$0x3FD0];
	(tm) =	ssettm $0x1  }
0x92: {  	s4 =	sld [smem:$0x3FFB];
	_ =	sdelay $0x3  }
0x93: {  	_ =	strace s4  }
0x94: {  	s4 =	sld [smem:$0x3FFC];
	_ =	sdelay $0x3  }
0x95: {  	_ =	strace s4  }
0x96: {  	s4 =	sld [smem:$0x3FFD];
	_ =	sdelay $0x3  }
0x97: {  	_ =	strace s4  }
0x98: {  	_ =	strace $0x8FFFFFFF  }
0x99: {  	s19 =	sld [smem:$0x3FDB];
	_ =	sdelay $0x1  }
0x9a: {  	s5 =	simm.s32 $_scs_section_size  }
0x9b: {  	s6 =	simm.s32 $_size__tile_overlayer_lowered;
	s7 =	simm.s32 $_tile_overlayer_lowered  }
0x9c: {  	s22 =	simm.s32 $0x1BFF;
	s21 =	sshll.u32 s7, $0x1;
	s4 =	sadd.s32 s5, s19  }
0x9d: {  	s8 =	simm.s32 $0x0;
	s20 =	sshll.u32 s6, $0x1;
	s6 =	sadd.s32 s21, s4  }
0x9e: {  	[timem:s8], [sflag:s22] =	dma.local [hbm:s6], s20  }
0x9f: {  	_ =	swait.ge [sflag:s22], s20  }
0xa0: {  	s5 =	ssub.s32 $0x0, s20;
	[sflag:s22] =	ssyncset.done $0x0  }
0xa1: {  	[sflag:s22] =	ssyncadd.s32 s5;
	_ =	sdelay $0x1  }
0xa2: {  	s23 =	simm.s32 $0x1B8B  }
0xa3: {  	_ =	swait.ge [sflag:s23], $0x1  }
0xa4: {  	[sflag:s23] =	ssyncset.done $0x0  }
0xa5: {  	s25 =	simm.s32 $0x1B8E;
	s24 =	sld [smem:$0x3FFE];
	[sflag:s23] =	ssyncadd.s32 $0xFFFFFFFF  }
0xa6: {  	s26 =	simm.s32 $execute0_lowered;
	[smem:$0x3FD2] =	sst s25  }
0xa7: {  	s6 =	sshll.u32 s26, $0x1;
	_ =	strace $0x80000046;
	[dreg:$0x1] =	wrdreg $0xFFFFFFFF  }
0xa8: {  	s28 =	simm.s32 $_size_execute0_lowered;
	s4 =	sadd.s32 s4, s6;
	[dreg:$0x0] =	wrdreg $0x0  }
0xa9: {  	s6 =	sshll.u32 s28, $0x1;
	[dreg:$0x2] =	wrdreg s4  }
0xaa: {  	[dreg:$0x3] =	wrdreg s6  }
0xab: {  	[dreg:$0x4] =	wrdreg $0xC0  }
0xac: {  	_ =	task [dreg:s8], $0x5FFFF  }
0xad: {  	[dreg:$0x1] =	wrdreg $0xFFFFFFFF  }
0xae: {  	[dreg:$0x0] =	wrdreg $0x60  }
0xaf: {  	[dreg:$0x2] =	wrdreg s2  }
0xb0: {  	[dreg:$0x3] =	wrdreg s18  }
0xb1: {  	[dreg:$0x4] =	wrdreg s24  }
0xb2: {  	[dreg:$0x5] =	wrdreg $0x9  }
0xb3: {  	_ =	task.clear_ibuf [dreg:s8], $0x6FFFF;
	_ =	strace $0x90000046  }
0xb4: {  	s29 =	simm.s32 $0x9;
	_ =	strace $0x80000048  }
0xb5: {  	_ =	swait.ge [sflag:s29], $0x1  }
0xb6: {  	[sflag:s29] =	ssyncadd.s32 $0xFFFFFFFF  }
0xb7: {  	_ =	strace $0x90000048  }
0xb8: {  	_ =	sfence  }
0xb9: {  	s30 =	sld [smem:$0x0];
	_ =	sdelay $0x2  }
0xba: {  	s31 =	sshll.u32 s1, $0xD;
	s1 =	sshrl.u32 s1, $0x2  }
0xbb: {  	s3 =	sand.u32 $0x4000, s31;
	s1 =	sadd.s32 s1, s30  }
0xbc: {  	s0 =	sor.u32 s3, s0;
	s1 =	sshll.u32 s1, $0x11  }
0xbd: {  	s0 =	sor.u32 s1, s0  }
0xbe: {  	s0 =	sadd.s32 $0x8F2B, s0  }
0xbf: {  	[sflag:s0] =	ssyncadd.remote.s32 $0x1  }
0xc0: {  	_ =	sfence.sel $0xFFFF  }
0xc1: {  	[dreg:$0x0] =	wrdreg $0xFFFFFFFF;
	(pc) =	sbr.abs _section_cstart, $3  }
0xc2: {  	[dreg:$0x1] =	wrdreg $0xFFFFFFFF  }
0xc3: {  	_ =	task.clear_ibuf [dreg:s8], $0x2FFFF;
	_ =	strace $0x9FFFFFFF  }
0xc4: {  	(tm) =	ssettm $0x7FFFFFFF  }
0xc5: {  	_ =	shalt  }
tec
execute0_lowered:
.L_overlay_start_1:
0x0: {  	(tag) =	ssettag $0x1  }
0x1: {  	s8 =	rddreg [dreg:$0x0]  }
0x2: {  	v0 =	vlaneseq.u32;
	s1 =	rddreg [dreg:$0x1]  }
0x3: {  	s9 =	rddreg [dreg:$0x2];
	v1 =	vmul.u32 $0x20, v0  }
0x4: {  	s3 =	srdreg.scid;
	s0 =	rddreg [dreg:$0x3];
	v2 =	vor.u32 $0x10, v0;
	v4 =	vor.u32 $0x20, v0;
	v6 =	vor.u32 $0x30, v0  }
0x5: {  	s2 =	simm.s32 $0x0;
	s12 =	simm.s32 $0x7A1400;
	s13 =	simm.s32 $0x1;
	v8 =	vor.u32 $0x40, v0;
	v10 =	vor.u32 $0x50, v0;
	v12 =	vor.u32 $0x60, v0  }
0x6: {  	s14 =	simm.s32 $0x2000;
	s15 =	simm.s32 $0x2;
	s16 =	simm.s32 $0x0;
	v14 =	vor.u32 $0x70, v0;
	v16 =	vor.u32 $0x400, v0;
	v18 =	vor.u32 $0x410, v0  }
0x7: {  	s5 =	sand.u32 $0x1, s3;
	[smem:$0x7FF] =	sst s2;
	s3 =	stileid.u32;
	v20 =	vor.u32 $0x420, v0;
	v22 =	vor.u32 $0x430, v0;
	v24 =	vor.u32 $0x440, v0  }
0x8: {  	s4 =	sadd.s32 $0xA00, s9;
	s9 =	sadd.s32 $0x3D1200, s9;
	v26 =	vor.u32 $0x450, v0;
	v28 =	vor.u32 $0x460, v0;
	v30 =	vor.u32 $0x470, v0;
	s6 =	ssub.s32 $0x2, s5  }
.Ltmp0:
0x9: {  	_ =	strace $0x80000047;
	s10 =	sshll.u32 s3, $0x1;
	v3 =	vor.u32 $0x200, v1;
	v5 =	vor.u32 $0x400, v1;
	v7 =	vor.u32 $0x600, v1;
	(pc) =	sbr.rel .LBB2_1-.Ltmp0, $4  }
0xa: {  	p0 =	seq.s32 s3, $0x0;
	v9 =	vor.u32 $0x800, v1;
	s7 =	sshrl.u32 s6, $0x1;
	v11 =	vor.u32 $0xA00, v1;
	v13 =	vor.u32 $0xC00, v1;
	s5 =	sor.u32 s5, s10  }
0xb: {  	v15 =	vor.u32 $0xE00, v1;
	v17 =	vor.u32 $0x1000, v1;
	v19 =	vor.u32 $0x1200, v1;
	s11 =	ssub.s32 s6, s7;
	s31 =	sshll.u32 s5, $0x8;
	s6 =	simm.s32 $0x7A  }
0xc: {  	v21 =	vor.u32 $0x1400, v1;
	v23 =	vor.u32 $0x1600, v1;
	v25 =	vor.u32 $0x1800, v1;
	s7 =	sadd.s32 s8, s31;
	s6 =	simm.s32 @!p0 $0x79;
	s8 =	sadd.s32 $0x2000, s8  }
0xd: {  	v27 =	vor.u32 $0x1A00, v1;
	v29 =	vor.u32 $0x1C00, v1;
	v31 =	vor.u32 $0x1E00, v1;
	s10 =	smax.u32 s11, $0x1;
	s11 =	simm.s32 $0x800;
	p0 =	sne.s32 s5, $0x0  }
.LBB2_13:
0xe: {  	_ =	swait.ge [sflag:s15], $0x2000  }
0xf: {  	[sflag:s15] =	ssyncset.done $0x0  }
0x10: {  	[sflag:s15] =	ssyncadd.s32 $0xFFFFE000  }
0x11: {  	_ =	swait.ge [sflag:s15], $0x2000  }
0x12: {  	s17 =	simm.s32 @!p0 $0x0;
	[sflag:s15] =	ssyncset.done $0x0  }
0x13: {  	s18 =	simm.s32 @!p0 $0x8000;
	s19 =	simm.s32 @!p0 $0x3;
	[sflag:s15] =	ssyncadd.s32 $0xFFFFE000  }
0x14: {  	[tilespmem:s18], [sflag:$0x3] =	stream.linear.gather @!p0 [hbm4b:s1+s17], $0x800, $0x38;
	[tilespmem:$0x8800] =	vst v63  }
0x15: {  	s16 =	sadd.s32 $0x1, s16;
	_ =	swait.ge @!p0 [sflag:s19], $0x800  }
0x16: {  	p1 =	sne.s32 s16, s10;
	[sflag:s19] =	ssyncset.done @!p0 $0x0  }
.Ltmp1:
0x17: {  	[sflag:s19] =	ssyncadd.s32 @!p0 $0xFFFFF800;
	(pc) =	sbr.rel @!p1 .LBB2_14-.Ltmp1, $4  }
0x18: {  	[hbm4b:s9+s17] =	stream.linear.scatter @!p0 [tilespmem:s18], [sflag:$0x3], $0x800, $0x38;
	[tilespmem:$0x8800] =	vst v63  }
0x19: {  	_ =	swait.ge @!p0 [sflag:s19], $0x800  }
0x1a: {  	[sflag:s19] =	ssyncset.done @!p0 $0x0  }
0x1b: {  	[sflag:s19] =	ssyncadd.s32 @!p0 $0xFFFFF800  }
.LBB2_1:
.Ltmp2:
0x1c: {  	(pc) =	sbr.rel .LBB2_2-.Ltmp2, $3  }
0x1d: {  	_ =	sdelay $0x1  }
0x1e: {  	[tilespmem:s2], [sflag:$0x1] =	stream.strided.gather [hbm4b:s7+s11], $0x2000, s12, s11, $0x38;
	[tilespmem:$0x8800] =	vst v63  }
0x1f: {  	s17 =	simm.s32 $0x0  }
.LBB2_6:
0x20: {  	_ =	sdelay $0x2  }
0x21: {  	v37 =	vshll.u32 v34, $0x8;
	v38 =	vshll.u32 v34, $0x7  }
0x22: {  	[tilespmem:v36+s19+$0x0] =	vst.idx.msk $0xffff, v35;
	v52 =	vand.u32 $0x1800, v37;
	v53 =	vand.u32 $0x380, v38  }
0x23: {  	v32 =	vor.u32 v31, v32;
	v33 =	vld.idx.msk [tilespmem:v33+s2+$0x0], $0xffff;
	v35 =	vor.u32 v53, v52  }
0x24: {  	v36 =	vor.u32 v0, v35;
	_ =	sdelay $0x3  }
0x25: {  	[tilespmem:v32+s19+$0x0] =	vst.idx.msk $0xffff, v33;
	v32 =	vand.u32 $0x1F, v34  }
0x26: {  	v34 =	vor.u32 v1, v32;
	v33 =	vld.idx.msk [tilespmem:v36+s2+$0x0], $0xffff  }
0x27: {  	v54 =	vor.u32 v2, v35;
	_ =	sdelay $0x2  }
0x28: {  	s19 =	simm.s32 $0x4000  }
0x29: {  	[tilespmem:v34+s19+$0x0] =	vst.idx.msk $0xffff, v33  }
0x2a: {  	v55 =	vor.u32 v3, v32;
	v33 =	vld.idx.msk [tilespmem:v54+s2+$0x0], $0xffff  }
0x2b: {  	v56 =	vor.u32 v4, v35;
	_ =	sdelay $0x3  }
0x2c: {  	[tilespmem:v55+s19+$0x0] =	vst.idx.msk $0xffff, v33  }
0x2d: {  	v57 =	vor.u32 v5, v32;
	v33 =	vld.idx.msk [tilespmem:v56+s2+$0x0], $0xffff  }
0x2e: {  	v58 =	vor.u32 v6, v35;
	_ =	sdelay $0x3  }
0x2f: {  	[tilespmem:v57+s19+$0x0] =	vst.idx.msk $0xffff, v33  }
0x30: {  	v59 =	vor.u32 v7, v32;
	v33 =	vld.idx.msk [tilespmem:v58+s2+$0x0], $0xffff  }
0x31: {  	v60 =	vor.u32 v8, v35;
	_ =	sdelay $0x3  }
0x32: {  	[tilespmem:v59+s19+$0x0] =	vst.idx.msk $0xffff, v33  }
0x33: {  	v61 =	vor.u32 v9, v32;
	v33 =	vld.idx.msk [tilespmem:v60+s2+$0x0], $0xffff  }
0x34: {  	v62 =	vor.u32 v10, v35;
	_ =	sdelay $0x3  }
0x35: {  	[tilespmem:v61+s19+$0x0] =	vst.idx.msk $0xffff, v33  }
0x36: {  	v63 =	vor.u32 v11, v32;
	v33 =	vld.idx.msk [tilespmem:v62+s2+$0x0], $0xffff  }
0x37: {  	v40 =	vor.u32 v12, v35;
	_ =	sdelay $0x3  }
0x38: {  	[tilespmem:v63+s19+$0x0] =	vst.idx.msk $0xffff, v33  }
0x39: {  	v41 =	vor.u32 v13, v32;
	v33 =	vld.idx.msk [tilespmem:v40+s2+$0x0], $0xffff  }
0x3a: {  	v42 =	vor.u32 v14, v35;
	_ =	sdelay $0x3  }
0x3b: {  	[tilespmem:v41+s19+$0x0] =	vst.idx.msk $0xffff, v33  }
0x3c: {  	v43 =	vor.u32 v15, v32;
	v33 =	vld.idx.msk [tilespmem:v42+s2+$0x0], $0xffff  }
0x3d: {  	v44 =	vor.u32 v16, v35;
	_ =	sdelay $0x3  }
0x3e: {  	[tilespmem:v43+s19+$0x0] =	vst.idx.msk $0xffff, v33  }
0x3f: {  	v45 =	vor.u32 v17, v32;
	v33 =	vld.idx.msk [tilespmem:v44+s2+$0x0], $0xffff  }
0x40: {  	v46 =	vor.u32 v18, v35;
	_ =	sdelay $0x3  }
0x41: {  	[tilespmem:v45+s19+$0x0] =	vst.idx.msk $0xffff, v33  }
0x42: {  	v47 =	vor.u32 v19, v32;
	v33 =	vld.idx.msk [tilespmem:v46+s2+$0x0], $0xffff  }
0x43: {  	v48 =	vor.u32 v20, v35;
	_ =	sdelay $0x3  }
0x44: {  	[tilespmem:v47+s19+$0x0] =	vst.idx.msk $0xffff, v33  }
0x45: {  	v49 =	vor.u32 v21, v32;
	v33 =	vld.idx.msk [tilespmem:v48+s2+$0x0], $0xffff  }
0x46: {  	v50 =	vor.u32 v22, v35;
	_ =	sdelay $0x3  }
0x47: {  	[tilespmem:v49+s19+$0x0] =	vst.idx.msk $0xffff, v33  }
0x48: {  	v51 =	vor.u32 v23, v32;
	v33 =	vld.idx.msk [tilespmem:v50+s2+$0x0], $0xffff  }
0x49: {  	v52 =	vor.u32 v24, v35;
	_ =	sdelay $0x3  }
0x4a: {  	[tilespmem:v51+s19+$0x0] =	vst.idx.msk $0xffff, v33  }
0x4b: {  	v53 =	vor.u32 v25, v32;
	v33 =	vld.idx.msk [tilespmem:v52+s2+$0x0], $0xffff  }
0x4c: {  	v54 =	vor.u32 v26, v35;
	_ =	sdelay $0x3  }
0x4d: {  	[tilespmem:v53+s19+$0x0] =	vst.idx.msk $0xffff, v33  }
0x4e: {  	v55 =	vor.u32 v27, v32;
	v33 =	vld.idx.msk [tilespmem:v54+s2+$0x0], $0xffff  }
0x4f: {  	v56 =	vor.u32 v28, v35;
	_ =	sdelay $0x3  }
0x50: {  	[tilespmem:v55+s19+$0x0] =	vst.idx.msk $0xffff, v33  }
0x51: {  	v57 =	vor.u32 v29, v32;
	v33 =	vld.idx.msk [tilespmem:v56+s2+$0x0], $0xffff  }
0x52: {  	v35 =	vor.u32 v30, v35  }
0x53: {  	s21 =	sadd.s32 $0x1, s20  }
0x54: {  	v58 =	vadd.s32 s21, v0  }
0x55: {  	v59 =	vshll.u32 v58, $0x8;
	v60 =	vshll.u32 v58, $0x7  }
0x56: {  	v61 =	vand.u32 $0x1800, v59;
	v62 =	vand.u32 $0x380, v60;
	[tilespmem:v57+s19+$0x0] =	vst.idx.msk $0xffff, v33  }
0x57: {  	v32 =	vor.u32 v31, v32;
	v33 =	vor.u32 v62, v61;
	v35 =	vld.idx.msk [tilespmem:v35+s2+$0x0], $0xffff  }
0x58: {  	v34 =	vor.u32 v0, v33;
	_ =	sdelay $0x3  }
0x59: {  	[tilespmem:v32+s19+$0x0] =	vst.idx.msk $0xffff, v35;
	v32 =	vand.u32 $0x1F, v58  }
0x5a: {  	v34 =	vld.idx.msk [tilespmem:v34+s2+$0x0], $0xffff;
	v63 =	vor.u32 v1, v32  }
0x5b: {  	v40 =	vor.u32 v2, v33;
	_ =	sdelay $0x3  }
0x5c: {  	[tilespmem:v63+s19+$0x0] =	vst.idx.msk $0xffff, v34  }
0x5d: {  	v41 =	vor.u32 v3, v32;
	v34 =	vld.idx.msk [tilespmem:v40+s2+$0x0], $0xffff  }
0x5e: {  	v42 =	vor.u32 v4, v33;
	_ =	sdelay $0x3  }
0x5f: {  	[tilespmem:v41+s19+$0x0] =	vst.idx.msk $0xffff, v34  }
0x60: {  	v43 =	vor.u32 v5, v32;
	v34 =	vld.idx.msk [tilespmem:v42+s2+$0x0], $0xffff  }
0x61: {  	v44 =	vor.u32 v6, v33;
	_ =	sdelay $0x3  }
0x62: {  	[tilespmem:v43+s19+$0x0] =	vst.idx.msk $0xffff, v34  }
0x63: {  	v45 =	vor.u32 v7, v32;
	v34 =	vld.idx.msk [tilespmem:v44+s2+$0x0], $0xffff  }
0x64: {  	v46 =	vor.u32 v8, v33;
	_ =	sdelay $0x3  }
0x65: {  	[tilespmem:v45+s19+$0x0] =	vst.idx.msk $0xffff, v34  }
0x66: {  	v47 =	vor.u32 v9, v32;
	v34 =	vld.idx.msk [tilespmem:v46+s2+$0x0], $0xffff  }
0x67: {  	v48 =	vor.u32 v10, v33;
	_ =	sdelay $0x3  }
0x68: {  	[tilespmem:v47+s19+$0x0] =	vst.idx.msk $0xffff, v34  }
0x69: {  	v49 =	vor.u32 v11, v32;
	v34 =	vld.idx.msk [tilespmem:v48+s2+$0x0], $0xffff  }
0x6a: {  	v50 =	vor.u32 v12, v33;
	_ =	sdelay $0x3  }
0x6b: {  	[tilespmem:v49+s19+$0x0] =	vst.idx.msk $0xffff, v34  }
0x6c: {  	v51 =	vor.u32 v13, v32;
	v34 =	vld.idx.msk [tilespmem:v50+s2+$0x0], $0xffff  }
0x6d: {  	v52 =	vor.u32 v14, v33;
	_ =	sdelay $0x3  }
0x6e: {  	[tilespmem:v51+s19+$0x0] =	vst.idx.msk $0xffff, v34  }
0x6f: {  	v53 =	vor.u32 v15, v32;
	v34 =	vld.idx.msk [tilespmem:v52+s2+$0x0], $0xffff  }
0x70: {  	v54 =	vor.u32 v16, v33;
	_ =	sdelay $0x3  }
0x71: {  	[tilespmem:v53+s19+$0x0] =	vst.idx.msk $0xffff, v34  }
0x72: {  	v55 =	vor.u32 v17, v32;
	v34 =	vld.idx.msk [tilespmem:v54+s2+$0x0], $0xffff  }
0x73: {  	v56 =	vor.u32 v18, v33;
	_ =	sdelay $0x3  }
0x74: {  	[tilespmem:v55+s19+$0x0] =	vst.idx.msk $0xffff, v34  }
0x75: {  	v57 =	vor.u32 v19, v32;
	v34 =	vld.idx.msk [tilespmem:v56+s2+$0x0], $0xffff  }
0x76: {  	v58 =	vor.u32 v20, v33;
	_ =	sdelay $0x3  }
0x77: {  	[tilespmem:v57+s19+$0x0] =	vst.idx.msk $0xffff, v34  }
0x78: {  	v59 =	vor.u32 v21, v32;
	v34 =	vld.idx.msk [tilespmem:v58+s2+$0x0], $0xffff  }
0x79: {  	v60 =	vor.u32 v22, v33;
	_ =	sdelay $0x3  }
0x7a: {  	[tilespmem:v59+s19+$0x0] =	vst.idx.msk $0xffff, v34  }
0x7b: {  	v61 =	vor.u32 v23, v32;
	v34 =	vld.idx.msk [tilespmem:v60+s2+$0x0], $0xffff  }
0x7c: {  	v62 =	vor.u32 v24, v33;
	_ =	sdelay $0x3  }
0x7d: {  	[tilespmem:v61+s19+$0x0] =	vst.idx.msk $0xffff, v34  }
0x7e: {  	v63 =	vor.u32 v25, v32;
	v34 =	vld.idx.msk [tilespmem:v62+s2+$0x0], $0xffff  }
0x7f: {  	v40 =	vor.u32 v26, v33;
	_ =	sdelay $0x3  }
0x80: {  	[tilespmem:v63+s19+$0x0] =	vst.idx.msk $0xffff, v34  }
0x81: {  	v41 =	vor.u32 v27, v32;
	v34 =	vld.idx.msk [tilespmem:v40+s2+$0x0], $0xffff  }
0x82: {  	v42 =	vor.u32 v28, v33;
	_ =	sdelay $0x3  }
0x83: {  	[tilespmem:v41+s19+$0x0] =	vst.idx.msk $0xffff, v34  }
0x84: {  	v43 =	vor.u32 v29, v32;
	v34 =	vld.idx.msk [tilespmem:v42+s2+$0x0], $0xffff  }
0x85: {  	v33 =	vor.u32 v30, v33  }
0x86: {  	s30 =	sadd.s32 $0x2, s20  }
0x87: {  	v44 =	vadd.s32 s30, v0  }
0x88: {  	v45 =	vshll.u32 v44, $0x8;
	v46 =	vshll.u32 v44, $0x7  }
0x89: {  	v47 =	vand.u32 $0x1800, v45;
	v48 =	vand.u32 $0x380, v46;
	[tilespmem:v43+s19+$0x0] =	vst.idx.msk $0xffff, v34  }
0x8a: {  	v32 =	vor.u32 v31, v32;
	v34 =	vor.u32 v48, v47;
	v33 =	vld.idx.msk [tilespmem:v33+s2+$0x0], $0xffff  }
0x8b: {  	v35 =	vor.u32 v0, v34;
	_ =	sdelay $0x3  }
0x8c: {  	[tilespmem:v32+s19+$0x0] =	vst.idx.msk $0xffff, v33;
	v32 =	vand.u32 $0x1F, v44  }
0x8d: {  	v33 =	vld.idx.msk [tilespmem:v35+s2+$0x0], $0xffff;
	v49 =	vor.u32 v1, v32  }
0x8e: {  	v50 =	vor.u32 v2, v34;
	_ =	sdelay $0x3  }
0x8f: {  	[tilespmem:v49+s19+$0x0] =	vst.idx.msk $0xffff, v33  }
0x90: {  	v51 =	vor.u32 v3, v32;
	v33 =	vld.idx.msk [tilespmem:v50+s2+$0x0], $0xffff  }
0x91: {  	v52 =	vor.u32 v4, v34;
	_ =	sdelay $0x3  }
0x92: {  	[tilespmem:v51+s19+$0x0] =	vst.idx.msk $0xffff, v33  }
0x93: {  	v53 =	vor.u32 v5, v32;
	v33 =	vld.idx.msk [tilespmem:v52+s2+$0x0], $0xffff  }
0x94: {  	v54 =	vor.u32 v6, v34;
	_ =	sdelay $0x3  }
0x95: {  	[tilespmem:v53+s19+$0x0] =	vst.idx.msk $0xffff, v33  }
0x96: {  	v55 =	vor.u32 v7, v32;
	v33 =	vld.idx.msk [tilespmem:v54+s2+$0x0], $0xffff  }
0x97: {  	v56 =	vor.u32 v8, v34;
	_ =	sdelay $0x3  }
0x98: {  	[tilespmem:v55+s19+$0x0] =	vst.idx.msk $0xffff, v33  }
0x99: {  	v57 =	vor.u32 v9, v32;
	v33 =	vld.idx.msk [tilespmem:v56+s2+$0x0], $0xffff  }
0x9a: {  	v58 =	vor.u32 v10, v34;
	_ =	sdelay $0x3  }
0x9b: {  	[tilespmem:v57+s19+$0x0] =	vst.idx.msk $0xffff, v33  }
0x9c: {  	v59 =	vor.u32 v11, v32;
	v33 =	vld.idx.msk [tilespmem:v58+s2+$0x0], $0xffff  }
0x9d: {  	v60 =	vor.u32 v12, v34;
	_ =	sdelay $0x3  }
0x9e: {  	[tilespmem:v59+s19+$0x0] =	vst.idx.msk $0xffff, v33  }
0x9f: {  	v61 =	vor.u32 v13, v32;
	v33 =	vld.idx.msk [tilespmem:v60+s2+$0x0], $0xffff  }
0xa0: {  	v62 =	vor.u32 v14, v34;
	_ =	sdelay $0x3  }
0xa1: {  	[tilespmem:v61+s19+$0x0] =	vst.idx.msk $0xffff, v33  }
0xa2: {  	v63 =	vor.u32 v15, v32;
	v33 =	vld.idx.msk [tilespmem:v62+s2+$0x0], $0xffff  }
0xa3: {  	v40 =	vor.u32 v16, v34;
	_ =	sdelay $0x3  }
0xa4: {  	[tilespmem:v63+s19+$0x0] =	vst.idx.msk $0xffff, v33  }
0xa5: {  	v41 =	vor.u32 v17, v32;
	v33 =	vld.idx.msk [tilespmem:v40+s2+$0x0], $0xffff  }
0xa6: {  	v42 =	vor.u32 v18, v34;
	_ =	sdelay $0x3  }
0xa7: {  	[tilespmem:v41+s19+$0x0] =	vst.idx.msk $0xffff, v33  }
0xa8: {  	v43 =	vor.u32 v19, v32;
	v33 =	vld.idx.msk [tilespmem:v42+s2+$0x0], $0xffff  }
0xa9: {  	v44 =	vor.u32 v20, v34;
	_ =	sdelay $0x3  }
0xaa: {  	[tilespmem:v43+s19+$0x0] =	vst.idx.msk $0xffff, v33  }
0xab: {  	v45 =	vor.u32 v21, v32;
	v33 =	vld.idx.msk [tilespmem:v44+s2+$0x0], $0xffff  }
0xac: {  	v46 =	vor.u32 v22, v34;
	_ =	sdelay $0x3  }
0xad: {  	[tilespmem:v45+s19+$0x0] =	vst.idx.msk $0xffff, v33  }
0xae: {  	v47 =	vor.u32 v23, v32;
	v33 =	vld.idx.msk [tilespmem:v46+s2+$0x0], $0xffff  }
0xaf: {  	v48 =	vor.u32 v24, v34;
	_ =	sdelay $0x3  }
0xb0: {  	[tilespmem:v47+s19+$0x0] =	vst.idx.msk $0xffff, v33  }
0xb1: {  	v49 =	vor.u32 v25, v32;
	v33 =	vld.idx.msk [tilespmem:v48+s2+$0x0], $0xffff  }
0xb2: {  	v50 =	vor.u32 v26, v34;
	_ =	sdelay $0x3  }
0xb3: {  	[tilespmem:v49+s19+$0x0] =	vst.idx.msk $0xffff, v33  }
0xb4: {  	v51 =	vor.u32 v27, v32;
	v33 =	vld.idx.msk [tilespmem:v50+s2+$0x0], $0xffff  }
0xb5: {  	v52 =	vor.u32 v28, v34;
	_ =	sdelay $0x3  }
0xb6: {  	[tilespmem:v51+s19+$0x0] =	vst.idx.msk $0xffff, v33  }
0xb7: {  	v53 =	vor.u32 v29, v32;
	v33 =	vld.idx.msk [tilespmem:v52+s2+$0x0], $0xffff  }
0xb8: {  	v34 =	vor.u32 v30, v34  }
0xb9: {  	s31 =	sadd.s32 $0x3, s20  }
0xba: {  	v54 =	vadd.s32 s31, v0  }
0xbb: {  	v55 =	vshll.u32 v54, $0x8;
	v56 =	vshll.u32 v54, $0x7  }
0xbc: {  	v57 =	vand.u32 $0x1800, v55;
	v58 =	vand.u32 $0x380, v56;
	[tilespmem:v53+s19+$0x0] =	vst.idx.msk $0xffff, v33  }
0xbd: {  	v32 =	vor.u32 v31, v32;
	v33 =	vor.u32 v58, v57;
	v34 =	vld.idx.msk [tilespmem:v34+s2+$0x0], $0xffff  }
0xbe: {  	v35 =	vor.u32 v0, v33;
	_ =	sdelay $0x3  }
0xbf: {  	[tilespmem:v32+s19+$0x0] =	vst.idx.msk $0xffff, v34;
	v32 =	vand.u32 $0x1F, v54  }
0xc0: {  	v34 =	vld.idx.msk [tilespmem:v35+s2+$0x0], $0xffff;
	v59 =	vor.u32 v1, v32  }
0xc1: {  	v60 =	vor.u32 v2, v33;
	_ =	sdelay $0x3  }
0xc2: {  	[tilespmem:v59+s19+$0x0] =	vst.idx.msk $0xffff, v34  }
0xc3: {  	v61 =	vor.u32 v3, v32;
	v34 =	vld.idx.msk [tilespmem:v60+s2+$0x0], $0xffff  }
0xc4: {  	v62 =	vor.u32 v4, v33;
	_ =	sdelay $0x3  }
0xc5: {  	[tilespmem:v61+s19+$0x0] =	vst.idx.msk $0xffff, v34  }
0xc6: {  	v63 =	vor.u32 v5, v32;
	v34 =	vld.idx.msk [tilespmem:v62+s2+$0x0], $0xffff  }
0xc7: {  	v40 =	vor.u32 v6, v33;
	_ =	sdelay $0x3  }
0xc8: {  	[tilespmem:v63+s19+$0x0] =	vst.idx.msk $0xffff, v34  }
0xc9: {  	v41 =	vor.u32 v7, v32;
	v34 =	vld.idx.msk [tilespmem:v40+s2+$0x0], $0xffff  }
0xca: {  	v42 =	vor.u32 v8, v33;
	_ =	sdelay $0x3  }
0xcb: {  	[tilespmem:v41+s19+$0x0] =	vst.idx.msk $0xffff, v34  }
0xcc: {  	v43 =	vor.u32 v9, v32;
	v34 =	vld.idx.msk [tilespmem:v42+s2+$0x0], $0xffff  }
0xcd: {  	v44 =	vor.u32 v10, v33;
	_ =	sdelay $0x3  }
0xce: {  	[tilespmem:v43+s19+$0x0] =	vst.idx.msk $0xffff, v34  }
0xcf: {  	v45 =	vor.u32 v11, v32;
	v34 =	vld.idx.msk [tilespmem:v44+s2+$0x0], $0xffff  }
0xd0: {  	v46 =	vor.u32 v12, v33;
	_ =	sdelay $0x3  }
0xd1: {  	[tilespmem:v45+s19+$0x0] =	vst.idx.msk $0xffff, v34  }
0xd2: {  	v47 =	vor.u32 v13, v32;
	v34 =	vld.idx.msk [tilespmem:v46+s2+$0x0], $0xffff  }
0xd3: {  	v48 =	vor.u32 v14, v33;
	_ =	sdelay $0x3  }
0xd4: {  	[tilespmem:v47+s19+$0x0] =	vst.idx.msk $0xffff, v34  }
0xd5: {  	v49 =	vor.u32 v15, v32;
	v34 =	vld.idx.msk [tilespmem:v48+s2+$0x0], $0xffff  }
0xd6: {  	v50 =	vor.u32 v16, v33;
	_ =	sdelay $0x3  }
0xd7: {  	[tilespmem:v49+s19+$0x0] =	vst.idx.msk $0xffff, v34  }
0xd8: {  	v51 =	vor.u32 v17, v32;
	v34 =	vld.idx.msk [tilespmem:v50+s2+$0x0], $0xffff  }
0xd9: {  	v52 =	vor.u32 v18, v33;
	_ =	sdelay $0x3  }
0xda: {  	[tilespmem:v51+s19+$0x0] =	vst.idx.msk $0xffff, v34  }
0xdb: {  	v53 =	vor.u32 v19, v32;
	v34 =	vld.idx.msk [tilespmem:v52+s2+$0x0], $0xffff  }
0xdc: {  	v54 =	vor.u32 v20, v33;
	_ =	sdelay $0x3  }
0xdd: {  	[tilespmem:v53+s19+$0x0] =	vst.idx.msk $0xffff, v34  }
0xde: {  	v55 =	vor.u32 v21, v32;
	v34 =	vld.idx.msk [tilespmem:v54+s2+$0x0], $0xffff  }
0xdf: {  	v56 =	vor.u32 v22, v33;
	_ =	sdelay $0x3  }
0xe0: {  	[tilespmem:v55+s19+$0x0] =	vst.idx.msk $0xffff, v34  }
0xe1: {  	v57 =	vor.u32 v23, v32;
	v34 =	vld.idx.msk [tilespmem:v56+s2+$0x0], $0xffff  }
0xe2: {  	v58 =	vor.u32 v24, v33;
	_ =	sdelay $0x3  }
0xe3: {  	[tilespmem:v57+s19+$0x0] =	vst.idx.msk $0xffff, v34  }
0xe4: {  	v59 =	vor.u32 v25, v32;
	v34 =	vld.idx.msk [tilespmem:v58+s2+$0x0], $0xffff  }
0xe5: {  	v60 =	vor.u32 v26, v33;
	_ =	sdelay $0x3  }
0xe6: {  	[tilespmem:v59+s19+$0x0] =	vst.idx.msk $0xffff, v34  }
0xe7: {  	v61 =	vor.u32 v27, v32;
	v34 =	vld.idx.msk [tilespmem:v60+s2+$0x0], $0xffff  }
0xe8: {  	v62 =	vor.u32 v28, v33;
	_ =	sdelay $0x3  }
0xe9: {  	[tilespmem:v61+s19+$0x0] =	vst.idx.msk $0xffff, v34  }
0xea: {  	v63 =	vor.u32 v29, v32;
	v34 =	vld.idx.msk [tilespmem:v62+s2+$0x0], $0xffff  }
0xeb: {  	v33 =	vor.u32 v30, v33;
	_ =	sdelay $0x3  }
0xec: {  	[tilespmem:v63+s19+$0x0] =	vst.idx.msk $0xffff, v34  }
0xed: {  	v32 =	vor.u32 v31, v32;
	v33 =	vld.idx.msk [tilespmem:v33+s2+$0x0], $0xffff;
	_ =	sdelay $0x4  }
0xee: {  	[tilespmem:v32+s19+$0x0] =	vst.idx.msk $0xffff, v33  }
.LBB2_11:
0xef: {  	s18 =	sshll.u32 s18, $0xA  }
0xf0: {  	s18 =	sadd.s32 s4, s18  }
0xf1: {  	[hbm4b:s18+s2] =	stream.linear.scatter [tilespmem:s19], [sflag:$0x2], $0x2000, $0x38;
	[tilespmem:$0x8800] =	vst v63  }
.LBB2_12:
0xf2: {  	s17 =	sadd.s32 $0x1, s17  }
0xf3: {  	p1 =	sne.s32 s17, $0x7B  }
.Ltmp3:
0xf4: {  	_ = 	snop;
	(pc) =	sbr.rel @!p1 .LBB2_13-.Ltmp3, $1  }
0xf5: {  	_ =	sdelay $0x3  }
.LBB2_2:
0xf6: {  	s18 =	sand.u32 $0x1, s17  }
0xf7: {  	p2 =	seq.s32 s18, $0x1  }
.Ltmp4:
0xf8: {  	_ = 	snop;
	(pc) =	sbr.rel @!p2 .LBB2_3-.Ltmp4, $4  }
0xf9: {  	_ = 	snop  }
0xfa: {  	s19 =	sshll.u32 s17, $0x5  }
0xfb: {  	s18 =	sor.u32 s5, s19  }
0xfc: {  	p1 =	sgt.u32 s18, $0xF41  }
.Ltmp5:
0xfd: {  	(pc) =	sbr.rel @p1 .LBB2_12-.Ltmp5, $1  }
0xfe: {  	_ =	sdelay $0x3  }
0xff: {  	p1 =	sge.u32 s17, s6;
	s20 =	simm.s32 $0x0  }
0x100: {  	s19 =	sshll.u32 @!p1 s18, $0x8;
	v32 =	vadd.s32 s20, v0;
	s20 =	simm.s32 @!p1 $0x800  }
0x101: {  	s21 =	simm.s32 @!p1 $0x7A1400;
	s22 =	simm.s32 @!p1 $0x0;
	s19 =	sadd.s32 @!p1 s19, s8;
	v33 =	vshll.u32 v32, $0x8;
	v34 =	vshll.u32 v32, $0x7  }
0x102: {  	[tilespmem:s22], [sflag:$0x1] =	stream.strided.gather @!p1 [hbm4b:s19+s20], $0x2000, s21, s20, $0x38;
	v33 =	vand.u32 $0x1800, v33;
	v34 =	vand.u32 $0x380, v34;
	[tilespmem:$0x8800] =	vst v63  }
0x103: {  	_ =	swait.ge [sflag:s13], $0x2000;
	v33 =	vor.u32 v34, v33  }
0x104: {  	p1 =	slt.u32 s17, $0x2;
	[sflag:s13] =	ssyncset.done $0x0;
	v34 =	vor.u32 v0, v33  }
0x105: {  	s19 =	simm.s32 @!p1 $0x2;
	[sflag:s13] =	ssyncadd.s32 $0xFFFFE000  }
0x106: {  	_ =	swait.ge @!p1 [sflag:s19], $0x2000  }
0x107: {  	[sflag:s19] =	ssyncset.done @!p1 $0x0  }
0x108: {  	v32 =	vand.u32 $0x1F, v32;
	[sflag:s19] =	ssyncadd.s32 @!p1 $0xFFFFE000  }
0x109: {  	v35 =	vor.u32 v1, v32;
	v34 =	vld.idx.msk [tilespmem:v34+s14+$0x0], $0xffff  }
0x10a: {  	v36 =	vor.u32 v2, v33;
	_ =	sdelay $0x2  }
0x10b: {  	s19 =	simm.s32 $0x6000  }
0x10c: {  	[tilespmem:v35+s19+$0x0] =	vst.idx.msk $0xffff, v34  }
0x10d: {  	v60 =	vor.u32 v3, v32;
	v34 =	vld.idx.msk [tilespmem:v36+s14+$0x0], $0xffff  }
0x10e: {  	v61 =	vor.u32 v4, v33;
	_ =	sdelay $0x3  }
0x10f: {  	[tilespmem:v60+s19+$0x0] =	vst.idx.msk $0xffff, v34  }
0x110: {  	v62 =	vor.u32 v5, v32;
	v34 =	vld.idx.msk [tilespmem:v61+s14+$0x0], $0xffff  }
0x111: {  	v63 =	vor.u32 v6, v33;
	_ =	sdelay $0x3  }
0x112: {  	[tilespmem:v62+s19+$0x0] =	vst.idx.msk $0xffff, v34  }
0x113: {  	v40 =	vor.u32 v7, v32;
	v34 =	vld.idx.msk [tilespmem:v63+s14+$0x0], $0xffff  }
0x114: {  	v41 =	vor.u32 v8, v33;
	_ =	sdelay $0x3  }
0x115: {  	[tilespmem:v40+s19+$0x0] =	vst.idx.msk $0xffff, v34  }
0x116: {  	v42 =	vor.u32 v9, v32;
	v34 =	vld.idx.msk [tilespmem:v41+s14+$0x0], $0xffff  }
0x117: {  	v43 =	vor.u32 v10, v33;
	_ =	sdelay $0x3  }
0x118: {  	[tilespmem:v42+s19+$0x0] =	vst.idx.msk $0xffff, v34  }
0x119: {  	v44 =	vor.u32 v11, v32;
	v34 =	vld.idx.msk [tilespmem:v43+s14+$0x0], $0xffff  }
0x11a: {  	v45 =	vor.u32 v12, v33;
	_ =	sdelay $0x3  }
0x11b: {  	[tilespmem:v44+s19+$0x0] =	vst.idx.msk $0xffff, v34  }
0x11c: {  	v46 =	vor.u32 v13, v32;
	v34 =	vld.idx.msk [tilespmem:v45+s14+$0x0], $0xffff  }
0x11d: {  	v47 =	vor.u32 v14, v33;
	_ =	sdelay $0x3  }
0x11e: {  	[tilespmem:v46+s19+$0x0] =	vst.idx.msk $0xffff, v34  }
0x11f: {  	v48 =	vor.u32 v15, v32;
	v34 =	vld.idx.msk [tilespmem:v47+s14+$0x0], $0xffff  }
0x120: {  	v49 =	vor.u32 v16, v33;
	_ =	sdelay $0x3  }
0x121: {  	[tilespmem:v48+s19+$0x0] =	vst.idx.msk $0xffff, v34  }
0x122: {  	v50 =	vor.u32 v17, v32;
	v34 =	vld.idx.msk [tilespmem:v49+s14+$0x0], $0xffff  }
0x123: {  	v51 =	vor.u32 v18, v33;
	_ =	sdelay $0x3  }
0x124: {  	[tilespmem:v50+s19+$0x0] =	vst.idx.msk $0xffff, v34  }
0x125: {  	v52 =	vor.u32 v19, v32;
	v34 =	vld.idx.msk [tilespmem:v51+s14+$0x0], $0xffff  }
0x126: {  	v53 =	vor.u32 v20, v33;
	_ =	sdelay $0x3  }
0x127: {  	[tilespmem:v52+s19+$0x0] =	vst.idx.msk $0xffff, v34  }
0x128: {  	v54 =	vor.u32 v21, v32;
	v34 =	vld.idx.msk [tilespmem:v53+s14+$0x0], $0xffff  }
0x129: {  	v55 =	vor.u32 v22, v33;
	_ =	sdelay $0x3  }
0x12a: {  	[tilespmem:v54+s19+$0x0] =	vst.idx.msk $0xffff, v34  }
0x12b: {  	v56 =	vor.u32 v23, v32;
	v34 =	vld.idx.msk [tilespmem:v55+s14+$0x0], $0xffff  }
0x12c: {  	v57 =	vor.u32 v24, v33;
	_ =	sdelay $0x3  }
0x12d: {  	[tilespmem:v56+s19+$0x0] =	vst.idx.msk $0xffff, v34  }
0x12e: {  	v58 =	vor.u32 v25, v32;
	v34 =	vld.idx.msk [tilespmem:v57+s14+$0x0], $0xffff  }
0x12f: {  	v59 =	vor.u32 v26, v33;
	_ =	sdelay $0x3  }
0x130: {  	[tilespmem:v58+s19+$0x0] =	vst.idx.msk $0xffff, v34  }
0x131: {  	v60 =	vor.u32 v27, v32;
	v34 =	vld.idx.msk [tilespmem:v59+s14+$0x0], $0xffff  }
0x132: {  	v61 =	vor.u32 v28, v33;
	_ =	sdelay $0x3  }
0x133: {  	[tilespmem:v60+s19+$0x0] =	vst.idx.msk $0xffff, v34  }
0x134: {  	v62 =	vor.u32 v29, v32;
	v34 =	vld.idx.msk [tilespmem:v61+s14+$0x0], $0xffff  }
0x135: {  	v33 =	vor.u32 v30, v33  }
0x136: {  	s29 =	simm.s32 $0x1  }
0x137: {  	v63 =	vadd.s32 s29, v0  }
0x138: {  	v37 =	vshll.u32 v63, $0x8;
	v38 =	vshll.u32 v63, $0x7  }
0x139: {  	v37 =	vand.u32 $0x1800, v37;
	v39 =	vand.u32 $0x380, v38;
	[tilespmem:v62+s19+$0x0] =	vst.idx.msk $0xffff, v34  }
0x13a: {  	v32 =	vor.u32 v31, v32;
	v34 =	vor.u32 v39, v37;
	v33 =	vld.idx.msk [tilespmem:v33+s14+$0x0], $0xffff  }
0x13b: {  	v35 =	vor.u32 v0, v34;
	_ =	sdelay $0x3  }
0x13c: {  	[tilespmem:v32+s19+$0x0] =	vst.idx.msk $0xffff, v33;
	v32 =	vand.u32 $0x1F, v63  }
0x13d: {  	v33 =	vld.idx.msk [tilespmem:v35+s14+$0x0], $0xffff;
	v40 =	vor.u32 v1, v32  }
0x13e: {  	v41 =	vor.u32 v2, v34;
	_ =	sdelay $0x3  }
0x13f: {  	[tilespmem:v40+s19+$0x0] =	vst.idx.msk $0xffff, v33  }
0x140: {  	v42 =	vor.u32 v3, v32;
	v33 =	vld.idx.msk [tilespmem:v41+s14+$0x0], $0xffff  }
0x141: {  	v43 =	vor.u32 v4, v34;
	_ =	sdelay $0x3  }
0x142: {  	[tilespmem:v42+s19+$0x0] =	vst.idx.msk $0xffff, v33  }
0x143: {  	v44 =	vor.u32 v5, v32;
	v33 =	vld.idx.msk [tilespmem:v43+s14+$0x0], $0xffff  }
0x144: {  	v45 =	vor.u32 v6, v34;
	_ =	sdelay $0x3  }
0x145: {  	[tilespmem:v44+s19+$0x0] =	vst.idx.msk $0xffff, v33  }
0x146: {  	v46 =	vor.u32 v7, v32;
	v33 =	vld.idx.msk [tilespmem:v45+s14+$0x0], $0xffff  }
0x147: {  	v47 =	vor.u32 v8, v34;
	_ =	sdelay $0x3  }
0x148: {  	[tilespmem:v46+s19+$0x0] =	vst.idx.msk $0xffff, v33  }
0x149: {  	v48 =	vor.u32 v9, v32;
	v33 =	vld.idx.msk [tilespmem:v47+s14+$0x0], $0xffff  }
0x14a: {  	v49 =	vor.u32 v10, v34;
	_ =	sdelay $0x3  }
0x14b: {  	[tilespmem:v48+s19+$0x0] =	vst.idx.msk $0xffff, v33  }
0x14c: {  	v50 =	vor.u32 v11, v32;
	v33 =	vld.idx.msk [tilespmem:v49+s14+$0x0], $0xffff  }
0x14d: {  	v51 =	vor.u32 v12, v34;
	_ =	sdelay $0x3  }
0x14e: {  	[tilespmem:v50+s19+$0x0] =	vst.idx.msk $0xffff, v33  }
0x14f: {  	v52 =	vor.u32 v13, v32;
	v33 =	vld.idx.msk [tilespmem:v51+s14+$0x0], $0xffff  }
0x150: {  	v53 =	vor.u32 v14, v34;
	_ =	sdelay $0x3  }
0x151: {  	[tilespmem:v52+s19+$0x0] =	vst.idx.msk $0xffff, v33  }
0x152: {  	v54 =	vor.u32 v15, v32;
	v33 =	vld.idx.msk [tilespmem:v53+s14+$0x0], $0xffff  }
0x153: {  	v55 =	vor.u32 v16, v34;
	_ =	sdelay $0x3  }
0x154: {  	[tilespmem:v54+s19+$0x0] =	vst.idx.msk $0xffff, v33  }
0x155: {  	v56 =	vor.u32 v17, v32;
	v33 =	vld.idx.msk [tilespmem:v55+s14+$0x0], $0xffff  }
0x156: {  	v57 =	vor.u32 v18, v34;
	_ =	sdelay $0x3  }
0x157: {  	[tilespmem:v56+s19+$0x0] =	vst.idx.msk $0xffff, v33  }
0x158: {  	v58 =	vor.u32 v19, v32;
	v33 =	vld.idx.msk [tilespmem:v57+s14+$0x0], $0xffff  }
0x159: {  	v59 =	vor.u32 v20, v34;
	_ =	sdelay $0x3  }
0x15a: {  	[tilespmem:v58+s19+$0x0] =	vst.idx.msk $0xffff, v33  }
0x15b: {  	v60 =	vor.u32 v21, v32;
	v33 =	vld.idx.msk [tilespmem:v59+s14+$0x0], $0xffff  }
0x15c: {  	v61 =	vor.u32 v22, v34;
	_ =	sdelay $0x3  }
0x15d: {  	[tilespmem:v60+s19+$0x0] =	vst.idx.msk $0xffff, v33  }
0x15e: {  	v62 =	vor.u32 v23, v32;
	v33 =	vld.idx.msk [tilespmem:v61+s14+$0x0], $0xffff  }
0x15f: {  	v63 =	vor.u32 v24, v34;
	_ =	sdelay $0x3  }
0x160: {  	[tilespmem:v62+s19+$0x0] =	vst.idx.msk $0xffff, v33  }
0x161: {  	v40 =	vor.u32 v25, v32;
	v33 =	vld.idx.msk [tilespmem:v63+s14+$0x0], $0xffff  }
0x162: {  	v41 =	vor.u32 v26, v34;
	_ =	sdelay $0x3  }
0x163: {  	[tilespmem:v40+s19+$0x0] =	vst.idx.msk $0xffff, v33  }
0x164: {  	v42 =	vor.u32 v27, v32;
	v33 =	vld.idx.msk [tilespmem:v41+s14+$0x0], $0xffff  }
0x165: {  	v43 =	vor.u32 v28, v34;
	_ =	sdelay $0x3  }
0x166: {  	[tilespmem:v42+s19+$0x0] =	vst.idx.msk $0xffff, v33  }
0x167: {  	v44 =	vor.u32 v29, v32;
	v33 =	vld.idx.msk [tilespmem:v43+s14+$0x0], $0xffff  }
0x168: {  	v34 =	vor.u32 v30, v34  }
0x169: {  	s30 =	simm.s32 $0x2  }
0x16a: {  	v45 =	vadd.s32 s30, v0  }
0x16b: {  	v46 =	vshll.u32 v45, $0x8;
	v47 =	vshll.u32 v45, $0x7  }
0x16c: {  	v48 =	vand.u32 $0x1800, v46;
	v49 =	vand.u32 $0x380, v47;
	[tilespmem:v44+s19+$0x0] =	vst.idx.msk $0xffff, v33  }
0x16d: {  	v32 =	vor.u32 v31, v32;
	v33 =	vor.u32 v49, v48;
	v34 =	vld.idx.msk [tilespmem:v34+s14+$0x0], $0xffff  }
0x16e: {  	v35 =	vor.u32 v0, v33;
	_ =	sdelay $0x3  }
0x16f: {  	[tilespmem:v32+s19+$0x0] =	vst.idx.msk $0xffff, v34;
	v32 =	vand.u32 $0x1F, v45  }
0x170: {  	v34 =	vld.idx.msk [tilespmem:v35+s14+$0x0], $0xffff;
	v50 =	vor.u32 v1, v32  }
0x171: {  	v51 =	vor.u32 v2, v33;
	_ =	sdelay $0x3  }
0x172: {  	[tilespmem:v50+s19+$0x0] =	vst.idx.msk $0xffff, v34  }
0x173: {  	v52 =	vor.u32 v3, v32;
	v34 =	vld.idx.msk [tilespmem:v51+s14+$0x0], $0xffff  }
0x174: {  	v53 =	vor.u32 v4, v33;
	_ =	sdelay $0x3  }
0x175: {  	[tilespmem:v52+s19+$0x0] =	vst.idx.msk $0xffff, v34  }
0x176: {  	v54 =	vor.u32 v5, v32;
	v34 =	vld.idx.msk [tilespmem:v53+s14+$0x0], $0xffff  }
0x177: {  	v55 =	vor.u32 v6, v33;
	_ =	sdelay $0x3  }
0x178: {  	[tilespmem:v54+s19+$0x0] =	vst.idx.msk $0xffff, v34  }
0x179: {  	v56 =	vor.u32 v7, v32;
	v34 =	vld.idx.msk [tilespmem:v55+s14+$0x0], $0xffff  }
0x17a: {  	v57 =	vor.u32 v8, v33;
	_ =	sdelay $0x3  }
0x17b: {  	[tilespmem:v56+s19+$0x0] =	vst.idx.msk $0xffff, v34  }
0x17c: {  	v58 =	vor.u32 v9, v32;
	v34 =	vld.idx.msk [tilespmem:v57+s14+$0x0], $0xffff  }
0x17d: {  	v59 =	vor.u32 v10, v33;
	_ =	sdelay $0x3  }
0x17e: {  	[tilespmem:v58+s19+$0x0] =	vst.idx.msk $0xffff, v34  }
0x17f: {  	v60 =	vor.u32 v11, v32;
	v34 =	vld.idx.msk [tilespmem:v59+s14+$0x0], $0xffff  }
0x180: {  	v61 =	vor.u32 v12, v33;
	_ =	sdelay $0x3  }
0x181: {  	[tilespmem:v60+s19+$0x0] =	vst.idx.msk $0xffff, v34  }
0x182: {  	v62 =	vor.u32 v13, v32;
	v34 =	vld.idx.msk [tilespmem:v61+s14+$0x0], $0xffff  }
0x183: {  	v63 =	vor.u32 v14, v33;
	_ =	sdelay $0x3  }
0x184: {  	[tilespmem:v62+s19+$0x0] =	vst.idx.msk $0xffff, v34  }
0x185: {  	v40 =	vor.u32 v15, v32;
	v34 =	vld.idx.msk [tilespmem:v63+s14+$0x0], $0xffff  }
0x186: {  	v41 =	vor.u32 v16, v33;
	_ =	sdelay $0x3  }
0x187: {  	[tilespmem:v40+s19+$0x0] =	vst.idx.msk $0xffff, v34  }
0x188: {  	v42 =	vor.u32 v17, v32;
	v34 =	vld.idx.msk [tilespmem:v41+s14+$0x0], $0xffff  }
0x189: {  	v43 =	vor.u32 v18, v33;
	_ =	sdelay $0x3  }
0x18a: {  	[tilespmem:v42+s19+$0x0] =	vst.idx.msk $0xffff, v34  }
0x18b: {  	v44 =	vor.u32 v19, v32;
	v34 =	vld.idx.msk [tilespmem:v43+s14+$0x0], $0xffff  }
0x18c: {  	v45 =	vor.u32 v20, v33;
	_ =	sdelay $0x3  }
0x18d: {  	[tilespmem:v44+s19+$0x0] =	vst.idx.msk $0xffff, v34  }
0x18e: {  	v46 =	vor.u32 v21, v32;
	v34 =	vld.idx.msk [tilespmem:v45+s14+$0x0], $0xffff  }
0x18f: {  	v47 =	vor.u32 v22, v33;
	_ =	sdelay $0x3  }
0x190: {  	[tilespmem:v46+s19+$0x0] =	vst.idx.msk $0xffff, v34  }
0x191: {  	v48 =	vor.u32 v23, v32;
	v34 =	vld.idx.msk [tilespmem:v47+s14+$0x0], $0xffff  }
0x192: {  	v49 =	vor.u32 v24, v33;
	_ =	sdelay $0x3  }
0x193: {  	[tilespmem:v48+s19+$0x0] =	vst.idx.msk $0xffff, v34  }
0x194: {  	v50 =	vor.u32 v25, v32;
	v34 =	vld.idx.msk [tilespmem:v49+s14+$0x0], $0xffff  }
0x195: {  	v51 =	vor.u32 v26, v33;
	_ =	sdelay $0x3  }
0x196: {  	[tilespmem:v50+s19+$0x0] =	vst.idx.msk $0xffff, v34  }
0x197: {  	v52 =	vor.u32 v27, v32;
	v34 =	vld.idx.msk [tilespmem:v51+s14+$0x0], $0xffff  }
0x198: {  	v53 =	vor.u32 v28, v33;
	_ =	sdelay $0x3  }
0x199: {  	[tilespmem:v52+s19+$0x0] =	vst.idx.msk $0xffff, v34  }
0x19a: {  	v54 =	vor.u32 v29, v32;
	v34 =	vld.idx.msk [tilespmem:v53+s14+$0x0], $0xffff  }
0x19b: {  	v33 =	vor.u32 v30, v33  }
0x19c: {  	s31 =	simm.s32 $0x3  }
0x19d: {  	v55 =	vadd.s32 s31, v0  }
0x19e: {  	v56 =	vshll.u32 v55, $0x8;
	v57 =	vshll.u32 v55, $0x7  }
0x19f: {  	v58 =	vand.u32 $0x1800, v56;
	v59 =	vand.u32 $0x380, v57;
	[tilespmem:v54+s19+$0x0] =	vst.idx.msk $0xffff, v34  }
0x1a0: {  	v32 =	vor.u32 v31, v32;
	v34 =	vor.u32 v59, v58;
	v33 =	vld.idx.msk [tilespmem:v33+s14+$0x0], $0xffff  }
0x1a1: {  	v35 =	vor.u32 v0, v34;
	_ =	sdelay $0x3  }
0x1a2: {  	[tilespmem:v32+s19+$0x0] =	vst.idx.msk $0xffff, v33;
	v32 =	vand.u32 $0x1F, v55  }
0x1a3: {  	v33 =	vld.idx.msk [tilespmem:v35+s14+$0x0], $0xffff;
	v60 =	vor.u32 v1, v32  }
0x1a4: {  	v61 =	vor.u32 v2, v34;
	_ =	sdelay $0x3  }
0x1a5: {  	[tilespmem:v60+s19+$0x0] =	vst.idx.msk $0xffff, v33  }
0x1a6: {  	v62 =	vor.u32 v3, v32;
	v33 =	vld.idx.msk [tilespmem:v61+s14+$0x0], $0xffff  }
0x1a7: {  	v63 =	vor.u32 v4, v34;
	_ =	sdelay $0x3  }
0x1a8: {  	[tilespmem:v62+s19+$0x0] =	vst.idx.msk $0xffff, v33  }
0x1a9: {  	v40 =	vor.u32 v5, v32;
	v33 =	vld.idx.msk [tilespmem:v63+s14+$0x0], $0xffff  }
0x1aa: {  	v41 =	vor.u32 v6, v34;
	_ =	sdelay $0x3  }
0x1ab: {  	[tilespmem:v40+s19+$0x0] =	vst.idx.msk $0xffff, v33  }
0x1ac: {  	v42 =	vor.u32 v7, v32;
	v33 =	vld.idx.msk [tilespmem:v41+s14+$0x0], $0xffff  }
0x1ad: {  	v43 =	vor.u32 v8, v34;
	_ =	sdelay $0x3  }
0x1ae: {  	[tilespmem:v42+s19+$0x0] =	vst.idx.msk $0xffff, v33  }
0x1af: {  	v44 =	vor.u32 v9, v32;
	v33 =	vld.idx.msk [tilespmem:v43+s14+$0x0], $0xffff  }
0x1b0: {  	v45 =	vor.u32 v10, v34;
	_ =	sdelay $0x3  }
0x1b1: {  	[tilespmem:v44+s19+$0x0] =	vst.idx.msk $0xffff, v33  }
0x1b2: {  	v46 =	vor.u32 v11, v32;
	v33 =	vld.idx.msk [tilespmem:v45+s14+$0x0], $0xffff  }
0x1b3: {  	v47 =	vor.u32 v12, v34;
	_ =	sdelay $0x3  }
0x1b4: {  	[tilespmem:v46+s19+$0x0] =	vst.idx.msk $0xffff, v33  }
0x1b5: {  	v48 =	vor.u32 v13, v32;
	v33 =	vld.idx.msk [tilespmem:v47+s14+$0x0], $0xffff  }
0x1b6: {  	v49 =	vor.u32 v14, v34;
	_ =	sdelay $0x3  }
0x1b7: {  	[tilespmem:v48+s19+$0x0] =	vst.idx.msk $0xffff, v33  }
0x1b8: {  	v50 =	vor.u32 v15, v32;
	v33 =	vld.idx.msk [tilespmem:v49+s14+$0x0], $0xffff  }
0x1b9: {  	v51 =	vor.u32 v16, v34;
	_ =	sdelay $0x3  }
0x1ba: {  	[tilespmem:v50+s19+$0x0] =	vst.idx.msk $0xffff, v33  }
0x1bb: {  	v52 =	vor.u32 v17, v32;
	v33 =	vld.idx.msk [tilespmem:v51+s14+$0x0], $0xffff  }
0x1bc: {  	v53 =	vor.u32 v18, v34;
	_ =	sdelay $0x3  }
0x1bd: {  	[tilespmem:v52+s19+$0x0] =	vst.idx.msk $0xffff, v33  }
0x1be: {  	v54 =	vor.u32 v19, v32;
	v33 =	vld.idx.msk [tilespmem:v53+s14+$0x0], $0xffff  }
0x1bf: {  	v55 =	vor.u32 v20, v34;
	_ =	sdelay $0x3  }
0x1c0: {  	[tilespmem:v54+s19+$0x0] =	vst.idx.msk $0xffff, v33  }
0x1c1: {  	v56 =	vor.u32 v21, v32;
	v33 =	vld.idx.msk [tilespmem:v55+s14+$0x0], $0xffff  }
0x1c2: {  	v57 =	vor.u32 v22, v34;
	_ =	sdelay $0x3  }
0x1c3: {  	[tilespmem:v56+s19+$0x0] =	vst.idx.msk $0xffff, v33  }
0x1c4: {  	v58 =	vor.u32 v23, v32;
	v33 =	vld.idx.msk [tilespmem:v57+s14+$0x0], $0xffff  }
0x1c5: {  	v59 =	vor.u32 v24, v34;
	_ =	sdelay $0x3  }
0x1c6: {  	[tilespmem:v58+s19+$0x0] =	vst.idx.msk $0xffff, v33  }
0x1c7: {  	v60 =	vor.u32 v25, v32;
	v33 =	vld.idx.msk [tilespmem:v59+s14+$0x0], $0xffff  }
0x1c8: {  	v61 =	vor.u32 v26, v34;
	_ =	sdelay $0x3  }
0x1c9: {  	[tilespmem:v60+s19+$0x0] =	vst.idx.msk $0xffff, v33  }
0x1ca: {  	v62 =	vor.u32 v27, v32;
	v33 =	vld.idx.msk [tilespmem:v61+s14+$0x0], $0xffff  }
0x1cb: {  	v63 =	vor.u32 v28, v34;
	_ =	sdelay $0x3  }
0x1cc: {  	[tilespmem:v62+s19+$0x0] =	vst.idx.msk $0xffff, v33  }
0x1cd: {  	v36 =	vor.u32 v29, v32;
	v35 =	vld.idx.msk [tilespmem:v63+s14+$0x0], $0xffff  }
0x1ce: {  	v33 =	vor.u32 v30, v34;
	_ =	sdelay $0x1  }
0x1cf: {  	s20 =	simm.s32 $0x4  }
0x1d0: {  	s21 =	simm.s32 $0x8;
	v34 =	vadd.s32 s20, v0  }
.LBB2_9:
0x1d1: {  	p1 =	slt.u32 s21, $0x1C;
	v37 =	vshll.u32 v34, $0x8;
	v38 =	vshll.u32 v34, $0x7;
	[tilespmem:v36+s19+$0x0] =	vst.idx.msk $0xffff, v35  }
0x1d2: {  	v35 =	vand.u32 $0x1800, v37;
	v36 =	vand.u32 $0x380, v38;
	v37 =	vld.idx.msk [tilespmem:v33+s14+$0x0], $0xffff  }
0x1d3: {  	v32 =	vor.u32 v31, v32;
	v33 =	vor.u32 v36, v35  }
0x1d4: {  	v35 =	vor.u32 v0, v33;
	_ =	sdelay $0x3  }
0x1d5: {  	[tilespmem:v32+s19+$0x0] =	vst.idx.msk $0xffff, v37  }
0x1d6: {  	v32 =	vand.u32 $0x1F, v34;
	v34 =	vld.idx.msk [tilespmem:v35+s14+$0x0], $0xffff  }
0x1d7: {  	v35 =	vor.u32 v1, v32  }
0x1d8: {  	v36 =	vor.u32 v2, v33;
	_ =	sdelay $0x3  }
0x1d9: {  	[tilespmem:v35+s19+$0x0] =	vst.idx.msk $0xffff, v34  }
0x1da: {  	v34 =	vld.idx.msk [tilespmem:v36+s14+$0x0], $0xffff  }
0x1db: {  	v35 =	vor.u32 v3, v32  }
0x1dc: {  	v36 =	vor.u32 v4, v33;
	_ =	sdelay $0x3  }
0x1dd: {  	[tilespmem:v35+s19+$0x0] =	vst.idx.msk $0xffff, v34  }
0x1de: {  	v34 =	vld.idx.msk [tilespmem:v36+s14+$0x0], $0xffff  }
0x1df: {  	v35 =	vor.u32 v5, v32  }
0x1e0: {  	v36 =	vor.u32 v6, v33;
	_ =	sdelay $0x3  }
0x1e1: {  	[tilespmem:v35+s19+$0x0] =	vst.idx.msk $0xffff, v34  }
0x1e2: {  	v34 =	vld.idx.msk [tilespmem:v36+s14+$0x0], $0xffff  }
0x1e3: {  	v35 =	vor.u32 v7, v32  }
0x1e4: {  	v36 =	vor.u32 v8, v33;
	_ =	sdelay $0x3  }
0x1e5: {  	[tilespmem:v35+s19+$0x0] =	vst.idx.msk $0xffff, v34  }
0x1e6: {  	v34 =	vld.idx.msk [tilespmem:v36+s14+$0x0], $0xffff  }
0x1e7: {  	v35 =	vor.u32 v9, v32  }
0x1e8: {  	v36 =	vor.u32 v10, v33;
	_ =	sdelay $0x3  }
0x1e9: {  	[tilespmem:v35+s19+$0x0] =	vst.idx.msk $0xffff, v34  }
0x1ea: {  	v34 =	vld.idx.msk [tilespmem:v36+s14+$0x0], $0xffff  }
0x1eb: {  	v35 =	vor.u32 v11, v32  }
0x1ec: {  	v36 =	vor.u32 v12, v33;
	_ =	sdelay $0x3  }
0x1ed: {  	[tilespmem:v35+s19+$0x0] =	vst.idx.msk $0xffff, v34  }
0x1ee: {  	v34 =	vld.idx.msk [tilespmem:v36+s14+$0x0], $0xffff  }
0x1ef: {  	v35 =	vor.u32 v13, v32  }
0x1f0: {  	v36 =	vor.u32 v14, v33;
	_ =	sdelay $0x3  }
0x1f1: {  	[tilespmem:v35+s19+$0x0] =	vst.idx.msk $0xffff, v34  }
0x1f2: {  	v34 =	vld.idx.msk [tilespmem:v36+s14+$0x0], $0xffff  }
0x1f3: {  	v35 =	vor.u32 v15, v32  }
0x1f4: {  	v36 =	vor.u32 v16, v33;
	_ =	sdelay $0x3  }
0x1f5: {  	[tilespmem:v35+s19+$0x0] =	vst.idx.msk $0xffff, v34  }
0x1f6: {  	v34 =	vld.idx.msk [tilespmem:v36+s14+$0x0], $0xffff  }
0x1f7: {  	v35 =	vor.u32 v17, v32  }
0x1f8: {  	v36 =	vor.u32 v18, v33;
	_ =	sdelay $0x3  }
0x1f9: {  	[tilespmem:v35+s19+$0x0] =	vst.idx.msk $0xffff, v34  }
0x1fa: {  	v34 =	vld.idx.msk [tilespmem:v36+s14+$0x0], $0xffff  }
0x1fb: {  	v35 =	vor.u32 v19, v32  }
0x1fc: {  	v36 =	vor.u32 v20, v33;
	_ =	sdelay $0x3  }
0x1fd: {  	[tilespmem:v35+s19+$0x0] =	vst.idx.msk $0xffff, v34  }
0x1fe: {  	v34 =	vld.idx.msk [tilespmem:v36+s14+$0x0], $0xffff  }
0x1ff: {  	v35 =	vor.u32 v21, v32  }
0x200: {  	v36 =	vor.u32 v22, v33;
	_ =	sdelay $0x3  }
0x201: {  	[tilespmem:v35+s19+$0x0] =	vst.idx.msk $0xffff, v34  }
0x202: {  	v34 =	vld.idx.msk [tilespmem:v36+s14+$0x0], $0xffff  }
0x203: {  	v35 =	vor.u32 v23, v32  }
0x204: {  	v36 =	vor.u32 v24, v33;
	_ =	sdelay $0x3  }
0x205: {  	[tilespmem:v35+s19+$0x0] =	vst.idx.msk $0xffff, v34  }
0x206: {  	v34 =	vld.idx.msk [tilespmem:v36+s14+$0x0], $0xffff  }
0x207: {  	v35 =	vor.u32 v25, v32  }
0x208: {  	v36 =	vor.u32 v26, v33;
	_ =	sdelay $0x3  }
0x209: {  	[tilespmem:v35+s19+$0x0] =	vst.idx.msk $0xffff, v34  }
0x20a: {  	v34 =	vld.idx.msk [tilespmem:v36+s14+$0x0], $0xffff  }
0x20b: {  	v35 =	vor.u32 v27, v32  }
0x20c: {  	v36 =	vor.u32 v28, v33;
	_ =	sdelay $0x3  }
0x20d: {  	[tilespmem:v35+s19+$0x0] =	vst.idx.msk $0xffff, v34  }
0x20e: {  	v34 =	vld.idx.msk [tilespmem:v36+s14+$0x0], $0xffff  }
0x20f: {  	v35 =	vor.u32 v29, v32  }
0x210: {  	v33 =	vor.u32 v30, v33;
	_ =	sdelay $0x1  }
0x211: {  	s22 =	sadd.s32 $0x1, s20  }
0x212: {  	v36 =	vadd.s32 s22, v0  }
0x213: {  	[tilespmem:v35+s19+$0x0] =	vst.idx.msk $0xffff, v34;
	v34 =	vshll.u32 v36, $0x8;
	v35 =	vshll.u32 v36, $0x7  }
0x214: {  	v37 =	vld.idx.msk [tilespmem:v33+s14+$0x0], $0xffff;
	v33 =	vand.u32 $0x1800, v34;
	v34 =	vand.u32 $0x380, v35  }
0x215: {  	v32 =	vor.u32 v31, v32;
	v33 =	vor.u32 v34, v33  }
0x216: {  	v34 =	vor.u32 v0, v33;
	_ =	sdelay $0x3  }
0x217: {  	[tilespmem:v32+s19+$0x0] =	vst.idx.msk $0xffff, v37  }
0x218: {  	v32 =	vand.u32 $0x1F, v36;
	v34 =	vld.idx.msk [tilespmem:v34+s14+$0x0], $0xffff  }
0x219: {  	v35 =	vor.u32 v1, v32  }
0x21a: {  	v36 =	vor.u32 v2, v33;
	_ =	sdelay $0x3  }
0x21b: {  	[tilespmem:v35+s19+$0x0] =	vst.idx.msk $0xffff, v34  }
0x21c: {  	v34 =	vld.idx.msk [tilespmem:v36+s14+$0x0], $0xffff  }
0x21d: {  	v35 =	vor.u32 v3, v32  }
0x21e: {  	v36 =	vor.u32 v4, v33;
	_ =	sdelay $0x3  }
0x21f: {  	[tilespmem:v35+s19+$0x0] =	vst.idx.msk $0xffff, v34  }
0x220: {  	v34 =	vld.idx.msk [tilespmem:v36+s14+$0x0], $0xffff  }
0x221: {  	v35 =	vor.u32 v5, v32  }
0x222: {  	v36 =	vor.u32 v6, v33;
	_ =	sdelay $0x3  }
0x223: {  	[tilespmem:v35+s19+$0x0] =	vst.idx.msk $0xffff, v34  }
0x224: {  	v34 =	vld.idx.msk [tilespmem:v36+s14+$0x0], $0xffff  }
0x225: {  	v35 =	vor.u32 v7, v32  }
0x226: {  	v36 =	vor.u32 v8, v33;
	_ =	sdelay $0x3  }
0x227: {  	[tilespmem:v35+s19+$0x0] =	vst.idx.msk $0xffff, v34  }
0x228: {  	v34 =	vld.idx.msk [tilespmem:v36+s14+$0x0], $0xffff  }
0x229: {  	v35 =	vor.u32 v9, v32  }
0x22a: {  	v36 =	vor.u32 v10, v33;
	_ =	sdelay $0x3  }
0x22b: {  	[tilespmem:v35+s19+$0x0] =	vst.idx.msk $0xffff, v34  }
0x22c: {  	v34 =	vld.idx.msk [tilespmem:v36+s14+$0x0], $0xffff  }
0x22d: {  	v35 =	vor.u32 v11, v32  }
0x22e: {  	v36 =	vor.u32 v12, v33;
	_ =	sdelay $0x3  }
0x22f: {  	[tilespmem:v35+s19+$0x0] =	vst.idx.msk $0xffff, v34  }
0x230: {  	v34 =	vld.idx.msk [tilespmem:v36+s14+$0x0], $0xffff  }
0x231: {  	v35 =	vor.u32 v13, v32  }
0x232: {  	v36 =	vor.u32 v14, v33;
	_ =	sdelay $0x3  }
0x233: {  	[tilespmem:v35+s19+$0x0] =	vst.idx.msk $0xffff, v34  }
0x234: {  	v34 =	vld.idx.msk [tilespmem:v36+s14+$0x0], $0xffff  }
0x235: {  	v35 =	vor.u32 v15, v32  }
0x236: {  	v36 =	vor.u32 v16, v33;
	_ =	sdelay $0x3  }
0x237: {  	[tilespmem:v35+s19+$0x0] =	vst.idx.msk $0xffff, v34  }
0x238: {  	v34 =	vld.idx.msk [tilespmem:v36+s14+$0x0], $0xffff  }
0x239: {  	v35 =	vor.u32 v17, v32  }
0x23a: {  	v36 =	vor.u32 v18, v33;
	_ =	sdelay $0x3  }
0x23b: {  	[tilespmem:v35+s19+$0x0] =	vst.idx.msk $0xffff, v34  }
0x23c: {  	v34 =	vld.idx.msk [tilespmem:v36+s14+$0x0], $0xffff  }
0x23d: {  	v35 =	vor.u32 v19, v32  }
0x23e: {  	v36 =	vor.u32 v20, v33;
	_ =	sdelay $0x3  }
0x23f: {  	[tilespmem:v35+s19+$0x0] =	vst.idx.msk $0xffff, v34  }
0x240: {  	v34 =	vld.idx.msk [tilespmem:v36+s14+$0x0], $0xffff  }
0x241: {  	v35 =	vor.u32 v21, v32  }
0x242: {  	v36 =	vor.u32 v22, v33;
	_ =	sdelay $0x3  }
0x243: {  	[tilespmem:v35+s19+$0x0] =	vst.idx.msk $0xffff, v34  }
0x244: {  	v34 =	vld.idx.msk [tilespmem:v36+s14+$0x0], $0xffff  }
0x245: {  	v35 =	vor.u32 v23, v32  }
0x246: {  	v36 =	vor.u32 v24, v33;
	_ =	sdelay $0x3  }
0x247: {  	[tilespmem:v35+s19+$0x0] =	vst.idx.msk $0xffff, v34  }
0x248: {  	v34 =	vld.idx.msk [tilespmem:v36+s14+$0x0], $0xffff  }
0x249: {  	v35 =	vor.u32 v25, v32  }
0x24a: {  	v36 =	vor.u32 v26, v33;
	_ =	sdelay $0x3  }
0x24b: {  	[tilespmem:v35+s19+$0x0] =	vst.idx.msk $0xffff, v34  }
0x24c: {  	v34 =	vld.idx.msk [tilespmem:v36+s14+$0x0], $0xffff  }
0x24d: {  	v35 =	vor.u32 v27, v32  }
0x24e: {  	v36 =	vor.u32 v28, v33;
	_ =	sdelay $0x3  }
0x24f: {  	[tilespmem:v35+s19+$0x0] =	vst.idx.msk $0xffff, v34  }
0x250: {  	v34 =	vld.idx.msk [tilespmem:v36+s14+$0x0], $0xffff  }
0x251: {  	v35 =	vor.u32 v29, v32  }
0x252: {  	v33 =	vor.u32 v30, v33;
	_ =	sdelay $0x1  }
0x253: {  	s22 =	sadd.s32 $0x2, s20  }
0x254: {  	v36 =	vadd.s32 s22, v0  }
0x255: {  	[tilespmem:v35+s19+$0x0] =	vst.idx.msk $0xffff, v34;
	v34 =	vshll.u32 v36, $0x8;
	v35 =	vshll.u32 v36, $0x7  }
0x256: {  	v37 =	vld.idx.msk [tilespmem:v33+s14+$0x0], $0xffff;
	v33 =	vand.u32 $0x1800, v34;
	v34 =	vand.u32 $0x380, v35  }
0x257: {  	v32 =	vor.u32 v31, v32;
	v33 =	vor.u32 v34, v33  }
0x258: {  	v34 =	vor.u32 v0, v33;
	_ =	sdelay $0x3  }
0x259: {  	[tilespmem:v32+s19+$0x0] =	vst.idx.msk $0xffff, v37  }
0x25a: {  	v32 =	vand.u32 $0x1F, v36;
	v34 =	vld.idx.msk [tilespmem:v34+s14+$0x0], $0xffff  }
0x25b: {  	v35 =	vor.u32 v1, v32  }
0x25c: {  	v36 =	vor.u32 v2, v33;
	_ =	sdelay $0x3  }
0x25d: {  	[tilespmem:v35+s19+$0x0] =	vst.idx.msk $0xffff, v34  }
0x25e: {  	v34 =	vld.idx.msk [tilespmem:v36+s14+$0x0], $0xffff  }
0x25f: {  	v35 =	vor.u32 v3, v32  }
0x260: {  	v36 =	vor.u32 v4, v33;
	_ =	sdelay $0x3  }
0x261: {  	[tilespmem:v35+s19+$0x0] =	vst.idx.msk $0xffff, v34  }
0x262: {  	v34 =	vld.idx.msk [tilespmem:v36+s14+$0x0], $0xffff  }
0x263: {  	v35 =	vor.u32 v5, v32  }
0x264: {  	v36 =	vor.u32 v6, v33;
	_ =	sdelay $0x3  }
0x265: {  	[tilespmem:v35+s19+$0x0] =	vst.idx.msk $0xffff, v34  }
0x266: {  	v34 =	vld.idx.msk [tilespmem:v36+s14+$0x0], $0xffff  }
0x267: {  	v35 =	vor.u32 v7, v32  }
0x268: {  	v36 =	vor.u32 v8, v33;
	_ =	sdelay $0x3  }
0x269: {  	[tilespmem:v35+s19+$0x0] =	vst.idx.msk $0xffff, v34  }
0x26a: {  	v34 =	vld.idx.msk [tilespmem:v36+s14+$0x0], $0xffff  }
0x26b: {  	v35 =	vor.u32 v9, v32  }
0x26c: {  	v36 =	vor.u32 v10, v33;
	_ =	sdelay $0x3  }
0x26d: {  	[tilespmem:v35+s19+$0x0] =	vst.idx.msk $0xffff, v34  }
0x26e: {  	v34 =	vld.idx.msk [tilespmem:v36+s14+$0x0], $0xffff  }
0x26f: {  	v35 =	vor.u32 v11, v32  }
0x270: {  	v36 =	vor.u32 v12, v33;
	_ =	sdelay $0x3  }
0x271: {  	[tilespmem:v35+s19+$0x0] =	vst.idx.msk $0xffff, v34  }
0x272: {  	v34 =	vld.idx.msk [tilespmem:v36+s14+$0x0], $0xffff  }
0x273: {  	v35 =	vor.u32 v13, v32  }
0x274: {  	v36 =	vor.u32 v14, v33;
	_ =	sdelay $0x3  }
0x275: {  	[tilespmem:v35+s19+$0x0] =	vst.idx.msk $0xffff, v34  }
0x276: {  	v34 =	vld.idx.msk [tilespmem:v36+s14+$0x0], $0xffff  }
0x277: {  	v35 =	vor.u32 v15, v32  }
0x278: {  	v36 =	vor.u32 v16, v33;
	_ =	sdelay $0x3  }
0x279: {  	[tilespmem:v35+s19+$0x0] =	vst.idx.msk $0xffff, v34  }
0x27a: {  	v34 =	vld.idx.msk [tilespmem:v36+s14+$0x0], $0xffff  }
0x27b: {  	v35 =	vor.u32 v17, v32  }
0x27c: {  	v36 =	vor.u32 v18, v33;
	_ =	sdelay $0x3  }
0x27d: {  	[tilespmem:v35+s19+$0x0] =	vst.idx.msk $0xffff, v34  }
0x27e: {  	v34 =	vld.idx.msk [tilespmem:v36+s14+$0x0], $0xffff  }
0x27f: {  	v35 =	vor.u32 v19, v32  }
0x280: {  	v36 =	vor.u32 v20, v33;
	_ =	sdelay $0x3  }
0x281: {  	[tilespmem:v35+s19+$0x0] =	vst.idx.msk $0xffff, v34  }
0x282: {  	v34 =	vld.idx.msk [tilespmem:v36+s14+$0x0], $0xffff  }
0x283: {  	v35 =	vor.u32 v21, v32  }
0x284: {  	v36 =	vor.u32 v22, v33;
	_ =	sdelay $0x3  }
0x285: {  	[tilespmem:v35+s19+$0x0] =	vst.idx.msk $0xffff, v34  }
0x286: {  	v34 =	vld.idx.msk [tilespmem:v36+s14+$0x0], $0xffff  }
0x287: {  	v35 =	vor.u32 v23, v32  }
0x288: {  	v36 =	vor.u32 v24, v33;
	_ =	sdelay $0x3  }
0x289: {  	[tilespmem:v35+s19+$0x0] =	vst.idx.msk $0xffff, v34  }
0x28a: {  	v34 =	vld.idx.msk [tilespmem:v36+s14+$0x0], $0xffff  }
0x28b: {  	v35 =	vor.u32 v25, v32  }
0x28c: {  	v36 =	vor.u32 v26, v33;
	_ =	sdelay $0x3  }
0x28d: {  	[tilespmem:v35+s19+$0x0] =	vst.idx.msk $0xffff, v34  }
0x28e: {  	v34 =	vld.idx.msk [tilespmem:v36+s14+$0x0], $0xffff  }
0x28f: {  	v35 =	vor.u32 v27, v32  }
0x290: {  	v36 =	vor.u32 v28, v33;
	_ =	sdelay $0x3  }
0x291: {  	[tilespmem:v35+s19+$0x0] =	vst.idx.msk $0xffff, v34  }
0x292: {  	v34 =	vld.idx.msk [tilespmem:v36+s14+$0x0], $0xffff  }
0x293: {  	v35 =	vor.u32 v29, v32  }
0x294: {  	v33 =	vor.u32 v30, v33;
	_ =	sdelay $0x1  }
0x295: {  	s22 =	sadd.s32 $0x3, s20;
	s20 =	smov.u32 s21  }
0x296: {  	v36 =	vadd.s32 s22, v0  }
0x297: {  	[tilespmem:v35+s19+$0x0] =	vst.idx.msk $0xffff, v34;
	v34 =	vshll.u32 v36, $0x8;
	v35 =	vshll.u32 v36, $0x7  }
0x298: {  	v37 =	vld.idx.msk [tilespmem:v33+s14+$0x0], $0xffff;
	v33 =	vand.u32 $0x1800, v34;
	v34 =	vand.u32 $0x380, v35  }
0x299: {  	v32 =	vor.u32 v31, v32;
	v33 =	vor.u32 v34, v33  }
0x29a: {  	v34 =	vor.u32 v0, v33;
	_ =	sdelay $0x3  }
0x29b: {  	[tilespmem:v32+s19+$0x0] =	vst.idx.msk $0xffff, v37  }
0x29c: {  	v32 =	vand.u32 $0x1F, v36;
	v34 =	vld.idx.msk [tilespmem:v34+s14+$0x0], $0xffff  }
0x29d: {  	v35 =	vor.u32 v1, v32  }
0x29e: {  	v36 =	vor.u32 v2, v33;
	_ =	sdelay $0x3  }
0x29f: {  	[tilespmem:v35+s19+$0x0] =	vst.idx.msk $0xffff, v34  }
0x2a0: {  	v34 =	vld.idx.msk [tilespmem:v36+s14+$0x0], $0xffff  }
0x2a1: {  	v35 =	vor.u32 v3, v32  }
0x2a2: {  	v36 =	vor.u32 v4, v33;
	_ =	sdelay $0x3  }
0x2a3: {  	[tilespmem:v35+s19+$0x0] =	vst.idx.msk $0xffff, v34  }
0x2a4: {  	v34 =	vld.idx.msk [tilespmem:v36+s14+$0x0], $0xffff  }
0x2a5: {  	v35 =	vor.u32 v5, v32  }
0x2a6: {  	v36 =	vor.u32 v6, v33;
	_ =	sdelay $0x3  }
0x2a7: {  	[tilespmem:v35+s19+$0x0] =	vst.idx.msk $0xffff, v34  }
0x2a8: {  	v34 =	vld.idx.msk [tilespmem:v36+s14+$0x0], $0xffff  }
0x2a9: {  	v35 =	vor.u32 v7, v32  }
0x2aa: {  	v36 =	vor.u32 v8, v33;
	_ =	sdelay $0x3  }
0x2ab: {  	[tilespmem:v35+s19+$0x0] =	vst.idx.msk $0xffff, v34  }
0x2ac: {  	v34 =	vld.idx.msk [tilespmem:v36+s14+$0x0], $0xffff  }
0x2ad: {  	v35 =	vor.u32 v9, v32  }
0x2ae: {  	v36 =	vor.u32 v10, v33;
	_ =	sdelay $0x3  }
0x2af: {  	[tilespmem:v35+s19+$0x0] =	vst.idx.msk $0xffff, v34  }
0x2b0: {  	v34 =	vld.idx.msk [tilespmem:v36+s14+$0x0], $0xffff  }
0x2b1: {  	v35 =	vor.u32 v11, v32  }
0x2b2: {  	v36 =	vor.u32 v12, v33;
	_ =	sdelay $0x3  }
0x2b3: {  	[tilespmem:v35+s19+$0x0] =	vst.idx.msk $0xffff, v34  }
0x2b4: {  	v34 =	vld.idx.msk [tilespmem:v36+s14+$0x0], $0xffff  }
0x2b5: {  	v35 =	vor.u32 v13, v32  }
0x2b6: {  	v36 =	vor.u32 v14, v33;
	_ =	sdelay $0x3  }
0x2b7: {  	[tilespmem:v35+s19+$0x0] =	vst.idx.msk $0xffff, v34  }
0x2b8: {  	v34 =	vld.idx.msk [tilespmem:v36+s14+$0x0], $0xffff  }
0x2b9: {  	v35 =	vor.u32 v15, v32  }
0x2ba: {  	v36 =	vor.u32 v16, v33;
	_ =	sdelay $0x3  }
0x2bb: {  	[tilespmem:v35+s19+$0x0] =	vst.idx.msk $0xffff, v34  }
0x2bc: {  	v34 =	vld.idx.msk [tilespmem:v36+s14+$0x0], $0xffff  }
0x2bd: {  	v35 =	vor.u32 v17, v32  }
0x2be: {  	v36 =	vor.u32 v18, v33;
	_ =	sdelay $0x3  }
0x2bf: {  	[tilespmem:v35+s19+$0x0] =	vst.idx.msk $0xffff, v34  }
0x2c0: {  	v34 =	vld.idx.msk [tilespmem:v36+s14+$0x0], $0xffff  }
0x2c1: {  	v35 =	vor.u32 v19, v32  }
0x2c2: {  	v36 =	vor.u32 v20, v33;
	_ =	sdelay $0x3  }
0x2c3: {  	[tilespmem:v35+s19+$0x0] =	vst.idx.msk $0xffff, v34  }
0x2c4: {  	v34 =	vld.idx.msk [tilespmem:v36+s14+$0x0], $0xffff  }
0x2c5: {  	v35 =	vor.u32 v21, v32  }
0x2c6: {  	v36 =	vor.u32 v22, v33;
	_ =	sdelay $0x3  }
0x2c7: {  	[tilespmem:v35+s19+$0x0] =	vst.idx.msk $0xffff, v34  }
0x2c8: {  	v34 =	vld.idx.msk [tilespmem:v36+s14+$0x0], $0xffff  }
0x2c9: {  	v35 =	vor.u32 v23, v32  }
0x2ca: {  	v36 =	vor.u32 v24, v33;
	_ =	sdelay $0x3  }
0x2cb: {  	[tilespmem:v35+s19+$0x0] =	vst.idx.msk $0xffff, v34  }
0x2cc: {  	v34 =	vld.idx.msk [tilespmem:v36+s14+$0x0], $0xffff  }
0x2cd: {  	v35 =	vor.u32 v25, v32  }
0x2ce: {  	v36 =	vor.u32 v26, v33;
	_ =	sdelay $0x3  }
0x2cf: {  	[tilespmem:v35+s19+$0x0] =	vst.idx.msk $0xffff, v34  }
0x2d0: {  	v34 =	vld.idx.msk [tilespmem:v36+s14+$0x0], $0xffff  }
0x2d1: {  	v35 =	vor.u32 v27, v32  }
0x2d2: {  	v36 =	vor.u32 v28, v33;
	_ =	sdelay $0x3  }
0x2d3: {  	[tilespmem:v35+s19+$0x0] =	vst.idx.msk $0xffff, v34  }
0x2d4: {  	v35 =	vld.idx.msk [tilespmem:v36+s14+$0x0], $0xffff  }
.Ltmp6:
0x2d5: {  	v36 =	vor.u32 v29, v32;
	(pc) =	sbr.rel @p1 .LBB2_9-.Ltmp6, $2  }
0x2d6: {  	v33 =	vor.u32 v30, v33;
	_ =	sdelay $0x2  }
0x2d7: {  	s21 =	sadd.s32 $0x4, s21;
	v34 =	vadd.s32 s20, v0  }
0x2d8: {  	_ =	sdelay $0x2  }
0x2d9: {  	v37 =	vshll.u32 v34, $0x8;
	v38 =	vshll.u32 v34, $0x7  }
0x2da: {  	[tilespmem:v36+s19+$0x0] =	vst.idx.msk $0xffff, v35;
	v52 =	vand.u32 $0x1800, v37;
	v53 =	vand.u32 $0x380, v38  }
0x2db: {  	v32 =	vor.u32 v31, v32;
	v33 =	vld.idx.msk [tilespmem:v33+s14+$0x0], $0xffff;
	v35 =	vor.u32 v53, v52  }
0x2dc: {  	v36 =	vor.u32 v0, v35;
	_ =	sdelay $0x3  }
0x2dd: {  	[tilespmem:v32+s19+$0x0] =	vst.idx.msk $0xffff, v33;
	v32 =	vand.u32 $0x1F, v34  }
0x2de: {  	v34 =	vor.u32 v1, v32;
	v33 =	vld.idx.msk [tilespmem:v36+s14+$0x0], $0xffff  }
0x2df: {  	v54 =	vor.u32 v2, v35;
	_ =	sdelay $0x2  }
0x2e0: {  	s19 =	simm.s32 $0x6000  }
0x2e1: {  	[tilespmem:v34+s19+$0x0] =	vst.idx.msk $0xffff, v33  }
0x2e2: {  	v55 =	vor.u32 v3, v32;
	v33 =	vld.idx.msk [tilespmem:v54+s14+$0x0], $0xffff  }
0x2e3: {  	v56 =	vor.u32 v4, v35;
	_ =	sdelay $0x3  }
0x2e4: {  	[tilespmem:v55+s19+$0x0] =	vst.idx.msk $0xffff, v33  }
0x2e5: {  	v57 =	vor.u32 v5, v32;
	v33 =	vld.idx.msk [tilespmem:v56+s14+$0x0], $0xffff  }
0x2e6: {  	v58 =	vor.u32 v6, v35;
	_ =	sdelay $0x3  }
0x2e7: {  	[tilespmem:v57+s19+$0x0] =	vst.idx.msk $0xffff, v33  }
0x2e8: {  	v59 =	vor.u32 v7, v32;
	v33 =	vld.idx.msk [tilespmem:v58+s14+$0x0], $0xffff  }
0x2e9: {  	v60 =	vor.u32 v8, v35;
	_ =	sdelay $0x3  }
0x2ea: {  	[tilespmem:v59+s19+$0x0] =	vst.idx.msk $0xffff, v33  }
0x2eb: {  	v61 =	vor.u32 v9, v32;
	v33 =	vld.idx.msk [tilespmem:v60+s14+$0x0], $0xffff  }
0x2ec: {  	v62 =	vor.u32 v10, v35;
	_ =	sdelay $0x3  }
0x2ed: {  	[tilespmem:v61+s19+$0x0] =	vst.idx.msk $0xffff, v33  }
0x2ee: {  	v63 =	vor.u32 v11, v32;
	v33 =	vld.idx.msk [tilespmem:v62+s14+$0x0], $0xffff  }
0x2ef: {  	v40 =	vor.u32 v12, v35;
	_ =	sdelay $0x3  }
0x2f0: {  	[tilespmem:v63+s19+$0x0] =	vst.idx.msk $0xffff, v33  }
0x2f1: {  	v41 =	vor.u32 v13, v32;
	v33 =	vld.idx.msk [tilespmem:v40+s14+$0x0], $0xffff  }
0x2f2: {  	v42 =	vor.u32 v14, v35;
	_ =	sdelay $0x3  }
0x2f3: {  	[tilespmem:v41+s19+$0x0] =	vst.idx.msk $0xffff, v33  }
0x2f4: {  	v43 =	vor.u32 v15, v32;
	v33 =	vld.idx.msk [tilespmem:v42+s14+$0x0], $0xffff  }
0x2f5: {  	v44 =	vor.u32 v16, v35;
	_ =	sdelay $0x3  }
0x2f6: {  	[tilespmem:v43+s19+$0x0] =	vst.idx.msk $0xffff, v33  }
0x2f7: {  	v45 =	vor.u32 v17, v32;
	v33 =	vld.idx.msk [tilespmem:v44+s14+$0x0], $0xffff  }
0x2f8: {  	v46 =	vor.u32 v18, v35;
	_ =	sdelay $0x3  }
0x2f9: {  	[tilespmem:v45+s19+$0x0] =	vst.idx.msk $0xffff, v33  }
0x2fa: {  	v47 =	vor.u32 v19, v32;
	v33 =	vld.idx.msk [tilespmem:v46+s14+$0x0], $0xffff  }
0x2fb: {  	v48 =	vor.u32 v20, v35;
	_ =	sdelay $0x3  }
0x2fc: {  	[tilespmem:v47+s19+$0x0] =	vst.idx.msk $0xffff, v33  }
0x2fd: {  	v49 =	vor.u32 v21, v32;
	v33 =	vld.idx.msk [tilespmem:v48+s14+$0x0], $0xffff  }
0x2fe: {  	v50 =	vor.u32 v22, v35;
	_ =	sdelay $0x3  }
0x2ff: {  	[tilespmem:v49+s19+$0x0] =	vst.idx.msk $0xffff, v33  }
0x300: {  	v51 =	vor.u32 v23, v32;
	v33 =	vld.idx.msk [tilespmem:v50+s14+$0x0], $0xffff  }
0x301: {  	v52 =	vor.u32 v24, v35;
	_ =	sdelay $0x3  }
0x302: {  	[tilespmem:v51+s19+$0x0] =	vst.idx.msk $0xffff, v33  }
0x303: {  	v53 =	vor.u32 v25, v32;
	v33 =	vld.idx.msk [tilespmem:v52+s14+$0x0], $0xffff  }
0x304: {  	v54 =	vor.u32 v26, v35;
	_ =	sdelay $0x3  }
0x305: {  	[tilespmem:v53+s19+$0x0] =	vst.idx.msk $0xffff, v33  }
0x306: {  	v55 =	vor.u32 v27, v32;
	v33 =	vld.idx.msk [tilespmem:v54+s14+$0x0], $0xffff  }
0x307: {  	v56 =	vor.u32 v28, v35;
	_ =	sdelay $0x3  }
0x308: {  	[tilespmem:v55+s19+$0x0] =	vst.idx.msk $0xffff, v33  }
0x309: {  	v57 =	vor.u32 v29, v32;
	v33 =	vld.idx.msk [tilespmem:v56+s14+$0x0], $0xffff  }
0x30a: {  	v35 =	vor.u32 v30, v35  }
0x30b: {  	s21 =	sadd.s32 $0x1, s20  }
0x30c: {  	v58 =	vadd.s32 s21, v0  }
0x30d: {  	v59 =	vshll.u32 v58, $0x8;
	v60 =	vshll.u32 v58, $0x7  }
0x30e: {  	v61 =	vand.u32 $0x1800, v59;
	v62 =	vand.u32 $0x380, v60;
	[tilespmem:v57+s19+$0x0] =	vst.idx.msk $0xffff, v33  }
0x30f: {  	v32 =	vor.u32 v31, v32;
	v33 =	vor.u32 v62, v61;
	v35 =	vld.idx.msk [tilespmem:v35+s14+$0x0], $0xffff  }
0x310: {  	v34 =	vor.u32 v0, v33;
	_ =	sdelay $0x3  }
0x311: {  	[tilespmem:v32+s19+$0x0] =	vst.idx.msk $0xffff, v35;
	v32 =	vand.u32 $0x1F, v58  }
0x312: {  	v34 =	vld.idx.msk [tilespmem:v34+s14+$0x0], $0xffff;
	v63 =	vor.u32 v1, v32  }
0x313: {  	v40 =	vor.u32 v2, v33;
	_ =	sdelay $0x3  }
0x314: {  	[tilespmem:v63+s19+$0x0] =	vst.idx.msk $0xffff, v34  }
0x315: {  	v41 =	vor.u32 v3, v32;
	v34 =	vld.idx.msk [tilespmem:v40+s14+$0x0], $0xffff  }
0x316: {  	v42 =	vor.u32 v4, v33;
	_ =	sdelay $0x3  }
0x317: {  	[tilespmem:v41+s19+$0x0] =	vst.idx.msk $0xffff, v34  }
0x318: {  	v43 =	vor.u32 v5, v32;
	v34 =	vld.idx.msk [tilespmem:v42+s14+$0x0], $0xffff  }
0x319: {  	v44 =	vor.u32 v6, v33;
	_ =	sdelay $0x3  }
0x31a: {  	[tilespmem:v43+s19+$0x0] =	vst.idx.msk $0xffff, v34  }
0x31b: {  	v45 =	vor.u32 v7, v32;
	v34 =	vld.idx.msk [tilespmem:v44+s14+$0x0], $0xffff  }
0x31c: {  	v46 =	vor.u32 v8, v33;
	_ =	sdelay $0x3  }
0x31d: {  	[tilespmem:v45+s19+$0x0] =	vst.idx.msk $0xffff, v34  }
0x31e: {  	v47 =	vor.u32 v9, v32;
	v34 =	vld.idx.msk [tilespmem:v46+s14+$0x0], $0xffff  }
0x31f: {  	v48 =	vor.u32 v10, v33;
	_ =	sdelay $0x3  }
0x320: {  	[tilespmem:v47+s19+$0x0] =	vst.idx.msk $0xffff, v34  }
0x321: {  	v49 =	vor.u32 v11, v32;
	v34 =	vld.idx.msk [tilespmem:v48+s14+$0x0], $0xffff  }
0x322: {  	v50 =	vor.u32 v12, v33;
	_ =	sdelay $0x3  }
0x323: {  	[tilespmem:v49+s19+$0x0] =	vst.idx.msk $0xffff, v34  }
0x324: {  	v51 =	vor.u32 v13, v32;
	v34 =	vld.idx.msk [tilespmem:v50+s14+$0x0], $0xffff  }
0x325: {  	v52 =	vor.u32 v14, v33;
	_ =	sdelay $0x3  }
0x326: {  	[tilespmem:v51+s19+$0x0] =	vst.idx.msk $0xffff, v34  }
0x327: {  	v53 =	vor.u32 v15, v32;
	v34 =	vld.idx.msk [tilespmem:v52+s14+$0x0], $0xffff  }
0x328: {  	v54 =	vor.u32 v16, v33;
	_ =	sdelay $0x3  }
0x329: {  	[tilespmem:v53+s19+$0x0] =	vst.idx.msk $0xffff, v34  }
0x32a: {  	v55 =	vor.u32 v17, v32;
	v34 =	vld.idx.msk [tilespmem:v54+s14+$0x0], $0xffff  }
0x32b: {  	v56 =	vor.u32 v18, v33;
	_ =	sdelay $0x3  }
0x32c: {  	[tilespmem:v55+s19+$0x0] =	vst.idx.msk $0xffff, v34  }
0x32d: {  	v57 =	vor.u32 v19, v32;
	v34 =	vld.idx.msk [tilespmem:v56+s14+$0x0], $0xffff  }
0x32e: {  	v58 =	vor.u32 v20, v33;
	_ =	sdelay $0x3  }
0x32f: {  	[tilespmem:v57+s19+$0x0] =	vst.idx.msk $0xffff, v34  }
0x330: {  	v59 =	vor.u32 v21, v32;
	v34 =	vld.idx.msk [tilespmem:v58+s14+$0x0], $0xffff  }
0x331: {  	v60 =	vor.u32 v22, v33;
	_ =	sdelay $0x3  }
0x332: {  	[tilespmem:v59+s19+$0x0] =	vst.idx.msk $0xffff, v34  }
0x333: {  	v61 =	vor.u32 v23, v32;
	v34 =	vld.idx.msk [tilespmem:v60+s14+$0x0], $0xffff  }
0x334: {  	v62 =	vor.u32 v24, v33;
	_ =	sdelay $0x3  }
0x335: {  	[tilespmem:v61+s19+$0x0] =	vst.idx.msk $0xffff, v34  }
0x336: {  	v63 =	vor.u32 v25, v32;
	v34 =	vld.idx.msk [tilespmem:v62+s14+$0x0], $0xffff  }
0x337: {  	v40 =	vor.u32 v26, v33;
	_ =	sdelay $0x3  }
0x338: {  	[tilespmem:v63+s19+$0x0] =	vst.idx.msk $0xffff, v34  }
0x339: {  	v41 =	vor.u32 v27, v32;
	v34 =	vld.idx.msk [tilespmem:v40+s14+$0x0], $0xffff  }
0x33a: {  	v42 =	vor.u32 v28, v33;
	_ =	sdelay $0x3  }
0x33b: {  	[tilespmem:v41+s19+$0x0] =	vst.idx.msk $0xffff, v34  }
0x33c: {  	v43 =	vor.u32 v29, v32;
	v34 =	vld.idx.msk [tilespmem:v42+s14+$0x0], $0xffff  }
0x33d: {  	v33 =	vor.u32 v30, v33  }
0x33e: {  	s30 =	sadd.s32 $0x2, s20  }
0x33f: {  	v44 =	vadd.s32 s30, v0  }
0x340: {  	v45 =	vshll.u32 v44, $0x8;
	v46 =	vshll.u32 v44, $0x7  }
0x341: {  	v47 =	vand.u32 $0x1800, v45;
	v48 =	vand.u32 $0x380, v46;
	[tilespmem:v43+s19+$0x0] =	vst.idx.msk $0xffff, v34  }
0x342: {  	v32 =	vor.u32 v31, v32;
	v34 =	vor.u32 v48, v47;
	v33 =	vld.idx.msk [tilespmem:v33+s14+$0x0], $0xffff  }
0x343: {  	v35 =	vor.u32 v0, v34;
	_ =	sdelay $0x3  }
0x344: {  	[tilespmem:v32+s19+$0x0] =	vst.idx.msk $0xffff, v33;
	v32 =	vand.u32 $0x1F, v44  }
0x345: {  	v33 =	vld.idx.msk [tilespmem:v35+s14+$0x0], $0xffff;
	v49 =	vor.u32 v1, v32  }
0x346: {  	v50 =	vor.u32 v2, v34;
	_ =	sdelay $0x3  }
0x347: {  	[tilespmem:v49+s19+$0x0] =	vst.idx.msk $0xffff, v33  }
0x348: {  	v51 =	vor.u32 v3, v32;
	v33 =	vld.idx.msk [tilespmem:v50+s14+$0x0], $0xffff  }
0x349: {  	v52 =	vor.u32 v4, v34;
	_ =	sdelay $0x3  }
0x34a: {  	[tilespmem:v51+s19+$0x0] =	vst.idx.msk $0xffff, v33  }
0x34b: {  	v53 =	vor.u32 v5, v32;
	v33 =	vld.idx.msk [tilespmem:v52+s14+$0x0], $0xffff  }
0x34c: {  	v54 =	vor.u32 v6, v34;
	_ =	sdelay $0x3  }
0x34d: {  	[tilespmem:v53+s19+$0x0] =	vst.idx.msk $0xffff, v33  }
0x34e: {  	v55 =	vor.u32 v7, v32;
	v33 =	vld.idx.msk [tilespmem:v54+s14+$0x0], $0xffff  }
0x34f: {  	v56 =	vor.u32 v8, v34;
	_ =	sdelay $0x3  }
0x350: {  	[tilespmem:v55+s19+$0x0] =	vst.idx.msk $0xffff, v33  }
0x351: {  	v57 =	vor.u32 v9, v32;
	v33 =	vld.idx.msk [tilespmem:v56+s14+$0x0], $0xffff  }
0x352: {  	v58 =	vor.u32 v10, v34;
	_ =	sdelay $0x3  }
0x353: {  	[tilespmem:v57+s19+$0x0] =	vst.idx.msk $0xffff, v33  }
0x354: {  	v59 =	vor.u32 v11, v32;
	v33 =	vld.idx.msk [tilespmem:v58+s14+$0x0], $0xffff  }
0x355: {  	v60 =	vor.u32 v12, v34;
	_ =	sdelay $0x3  }
0x356: {  	[tilespmem:v59+s19+$0x0] =	vst.idx.msk $0xffff, v33  }
0x357: {  	v61 =	vor.u32 v13, v32;
	v33 =	vld.idx.msk [tilespmem:v60+s14+$0x0], $0xffff  }
0x358: {  	v62 =	vor.u32 v14, v34;
	_ =	sdelay $0x3  }
0x359: {  	[tilespmem:v61+s19+$0x0] =	vst.idx.msk $0xffff, v33  }
0x35a: {  	v63 =	vor.u32 v15, v32;
	v33 =	vld.idx.msk [tilespmem:v62+s14+$0x0], $0xffff  }
0x35b: {  	v40 =	vor.u32 v16, v34;
	_ =	sdelay $0x3  }
0x35c: {  	[tilespmem:v63+s19+$0x0] =	vst.idx.msk $0xffff, v33  }
0x35d: {  	v41 =	vor.u32 v17, v32;
	v33 =	vld.idx.msk [tilespmem:v40+s14+$0x0], $0xffff  }
0x35e: {  	v42 =	vor.u32 v18, v34;
	_ =	sdelay $0x3  }
0x35f: {  	[tilespmem:v41+s19+$0x0] =	vst.idx.msk $0xffff, v33  }
0x360: {  	v43 =	vor.u32 v19, v32;
	v33 =	vld.idx.msk [tilespmem:v42+s14+$0x0], $0xffff  }
0x361: {  	v44 =	vor.u32 v20, v34;
	_ =	sdelay $0x3  }
0x362: {  	[tilespmem:v43+s19+$0x0] =	vst.idx.msk $0xffff, v33  }
0x363: {  	v45 =	vor.u32 v21, v32;
	v33 =	vld.idx.msk [tilespmem:v44+s14+$0x0], $0xffff  }
0x364: {  	v46 =	vor.u32 v22, v34;
	_ =	sdelay $0x3  }
0x365: {  	[tilespmem:v45+s19+$0x0] =	vst.idx.msk $0xffff, v33  }
0x366: {  	v47 =	vor.u32 v23, v32;
	v33 =	vld.idx.msk [tilespmem:v46+s14+$0x0], $0xffff  }
0x367: {  	v48 =	vor.u32 v24, v34;
	_ =	sdelay $0x3  }
0x368: {  	[tilespmem:v47+s19+$0x0] =	vst.idx.msk $0xffff, v33  }
0x369: {  	v49 =	vor.u32 v25, v32;
	v33 =	vld.idx.msk [tilespmem:v48+s14+$0x0], $0xffff  }
0x36a: {  	v50 =	vor.u32 v26, v34;
	_ =	sdelay $0x3  }
0x36b: {  	[tilespmem:v49+s19+$0x0] =	vst.idx.msk $0xffff, v33  }
0x36c: {  	v51 =	vor.u32 v27, v32;
	v33 =	vld.idx.msk [tilespmem:v50+s14+$0x0], $0xffff  }
0x36d: {  	v52 =	vor.u32 v28, v34;
	_ =	sdelay $0x3  }
0x36e: {  	[tilespmem:v51+s19+$0x0] =	vst.idx.msk $0xffff, v33  }
0x36f: {  	v53 =	vor.u32 v29, v32;
	v33 =	vld.idx.msk [tilespmem:v52+s14+$0x0], $0xffff  }
0x370: {  	v34 =	vor.u32 v30, v34  }
0x371: {  	s31 =	sadd.s32 $0x3, s20  }
0x372: {  	v54 =	vadd.s32 s31, v0  }
0x373: {  	v55 =	vshll.u32 v54, $0x8;
	v56 =	vshll.u32 v54, $0x7  }
0x374: {  	v57 =	vand.u32 $0x1800, v55;
	v58 =	vand.u32 $0x380, v56;
	[tilespmem:v53+s19+$0x0] =	vst.idx.msk $0xffff, v33  }
0x375: {  	v32 =	vor.u32 v31, v32;
	v33 =	vor.u32 v58, v57;
	v34 =	vld.idx.msk [tilespmem:v34+s14+$0x0], $0xffff  }
0x376: {  	v35 =	vor.u32 v0, v33;
	_ =	sdelay $0x3  }
0x377: {  	[tilespmem:v32+s19+$0x0] =	vst.idx.msk $0xffff, v34;
	v32 =	vand.u32 $0x1F, v54  }
0x378: {  	v34 =	vld.idx.msk [tilespmem:v35+s14+$0x0], $0xffff;
	v59 =	vor.u32 v1, v32  }
0x379: {  	v60 =	vor.u32 v2, v33;
	_ =	sdelay $0x3  }
0x37a: {  	[tilespmem:v59+s19+$0x0] =	vst.idx.msk $0xffff, v34  }
0x37b: {  	v61 =	vor.u32 v3, v32;
	v34 =	vld.idx.msk [tilespmem:v60+s14+$0x0], $0xffff  }
0x37c: {  	v62 =	vor.u32 v4, v33;
	_ =	sdelay $0x3  }
0x37d: {  	[tilespmem:v61+s19+$0x0] =	vst.idx.msk $0xffff, v34  }
0x37e: {  	v63 =	vor.u32 v5, v32;
	v34 =	vld.idx.msk [tilespmem:v62+s14+$0x0], $0xffff  }
0x37f: {  	v40 =	vor.u32 v6, v33;
	_ =	sdelay $0x3  }
0x380: {  	[tilespmem:v63+s19+$0x0] =	vst.idx.msk $0xffff, v34  }
0x381: {  	v41 =	vor.u32 v7, v32;
	v34 =	vld.idx.msk [tilespmem:v40+s14+$0x0], $0xffff  }
0x382: {  	v42 =	vor.u32 v8, v33;
	_ =	sdelay $0x3  }
0x383: {  	[tilespmem:v41+s19+$0x0] =	vst.idx.msk $0xffff, v34  }
0x384: {  	v43 =	vor.u32 v9, v32;
	v34 =	vld.idx.msk [tilespmem:v42+s14+$0x0], $0xffff  }
0x385: {  	v44 =	vor.u32 v10, v33;
	_ =	sdelay $0x3  }
0x386: {  	[tilespmem:v43+s19+$0x0] =	vst.idx.msk $0xffff, v34  }
0x387: {  	v45 =	vor.u32 v11, v32;
	v34 =	vld.idx.msk [tilespmem:v44+s14+$0x0], $0xffff  }
0x388: {  	v46 =	vor.u32 v12, v33;
	_ =	sdelay $0x3  }
0x389: {  	[tilespmem:v45+s19+$0x0] =	vst.idx.msk $0xffff, v34  }
0x38a: {  	v47 =	vor.u32 v13, v32;
	v34 =	vld.idx.msk [tilespmem:v46+s14+$0x0], $0xffff  }
0x38b: {  	v48 =	vor.u32 v14, v33;
	_ =	sdelay $0x3  }
0x38c: {  	[tilespmem:v47+s19+$0x0] =	vst.idx.msk $0xffff, v34  }
0x38d: {  	v49 =	vor.u32 v15, v32;
	v34 =	vld.idx.msk [tilespmem:v48+s14+$0x0], $0xffff  }
0x38e: {  	v50 =	vor.u32 v16, v33;
	_ =	sdelay $0x3  }
0x38f: {  	[tilespmem:v49+s19+$0x0] =	vst.idx.msk $0xffff, v34  }
0x390: {  	v51 =	vor.u32 v17, v32;
	v34 =	vld.idx.msk [tilespmem:v50+s14+$0x0], $0xffff  }
0x391: {  	v52 =	vor.u32 v18, v33;
	_ =	sdelay $0x3  }
0x392: {  	[tilespmem:v51+s19+$0x0] =	vst.idx.msk $0xffff, v34  }
0x393: {  	v53 =	vor.u32 v19, v32;
	v34 =	vld.idx.msk [tilespmem:v52+s14+$0x0], $0xffff  }
0x394: {  	v54 =	vor.u32 v20, v33;
	_ =	sdelay $0x3  }
0x395: {  	[tilespmem:v53+s19+$0x0] =	vst.idx.msk $0xffff, v34  }
0x396: {  	v55 =	vor.u32 v21, v32;
	v34 =	vld.idx.msk [tilespmem:v54+s14+$0x0], $0xffff  }
0x397: {  	v56 =	vor.u32 v22, v33;
	_ =	sdelay $0x3  }
0x398: {  	[tilespmem:v55+s19+$0x0] =	vst.idx.msk $0xffff, v34  }
0x399: {  	v57 =	vor.u32 v23, v32;
	v34 =	vld.idx.msk [tilespmem:v56+s14+$0x0], $0xffff  }
0x39a: {  	v58 =	vor.u32 v24, v33;
	_ =	sdelay $0x3  }
0x39b: {  	[tilespmem:v57+s19+$0x0] =	vst.idx.msk $0xffff, v34  }
0x39c: {  	v59 =	vor.u32 v25, v32;
	v34 =	vld.idx.msk [tilespmem:v58+s14+$0x0], $0xffff  }
0x39d: {  	v60 =	vor.u32 v26, v33;
	_ =	sdelay $0x3  }
0x39e: {  	[tilespmem:v59+s19+$0x0] =	vst.idx.msk $0xffff, v34  }
0x39f: {  	v61 =	vor.u32 v27, v32;
	v34 =	vld.idx.msk [tilespmem:v60+s14+$0x0], $0xffff  }
0x3a0: {  	v62 =	vor.u32 v28, v33;
	_ =	sdelay $0x3  }
0x3a1: {  	[tilespmem:v61+s19+$0x0] =	vst.idx.msk $0xffff, v34  }
0x3a2: {  	v63 =	vor.u32 v29, v32;
	v34 =	vld.idx.msk [tilespmem:v62+s14+$0x0], $0xffff  }
0x3a3: {  	v33 =	vor.u32 v30, v33;
	_ =	sdelay $0x3  }
0x3a4: {  	[tilespmem:v63+s19+$0x0] =	vst.idx.msk $0xffff, v34  }
0x3a5: {  	v32 =	vor.u32 v31, v32;
	v33 =	vld.idx.msk [tilespmem:v33+s14+$0x0], $0xffff  }
.Ltmp7:
0x3a6: {  	_ = 	snop;
	(pc) =	sbr.rel .LBB2_11-.Ltmp7, $2  }
0x3a7: {  	_ =	sdelay $0x2  }
0x3a8: {  	[tilespmem:v32+s19+$0x0] =	vst.idx.msk $0xffff, v33  }
.LBB2_3:
.Ltmp8:
0x3a9: {  	(pc) =	sbr.rel @p1 .LBB2_12-.Ltmp8, $1  }
0x3aa: {  	_ =	sdelay $0x3  }
0x3ab: {  	p1 =	sge.u32 s17, s6;
	s20 =	simm.s32 $0x0  }
0x3ac: {  	s19 =	sshll.u32 @!p1 s18, $0x8;
	v32 =	vadd.s32 s20, v0;
	s20 =	simm.s32 @!p1 $0x800  }
0x3ad: {  	s21 =	simm.s32 @!p1 $0x7A1400;
	s22 =	simm.s32 @!p1 $0x2000;
	s19 =	sadd.s32 @!p1 s19, s8;
	v33 =	vshll.u32 v32, $0x8;
	v34 =	vshll.u32 v32, $0x7  }
0x3ae: {  	[tilespmem:s22], [sflag:$0x1] =	stream.strided.gather @!p1 [hbm4b:s19+s20], $0x2000, s21, s20, $0x38;
	v33 =	vand.u32 $0x1800, v33;
	v34 =	vand.u32 $0x380, v34;
	[tilespmem:$0x8800] =	vst v63  }
0x3af: {  	_ =	swait.ge [sflag:s13], $0x2000;
	v33 =	vor.u32 v34, v33  }
0x3b0: {  	p1 =	slt.u32 s17, $0x2;
	[sflag:s13] =	ssyncset.done $0x0;
	v34 =	vor.u32 v0, v33  }
0x3b1: {  	s19 =	simm.s32 @!p1 $0x2;
	[sflag:s13] =	ssyncadd.s32 $0xFFFFE000  }
0x3b2: {  	_ =	swait.ge @!p1 [sflag:s19], $0x2000  }
0x3b3: {  	[sflag:s19] =	ssyncset.done @!p1 $0x0  }
0x3b4: {  	v32 =	vand.u32 $0x1F, v32;
	[sflag:s19] =	ssyncadd.s32 @!p1 $0xFFFFE000  }
0x3b5: {  	v35 =	vor.u32 v1, v32;
	v34 =	vld.idx.msk [tilespmem:v34+s2+$0x0], $0xffff  }
0x3b6: {  	v36 =	vor.u32 v2, v33;
	_ =	sdelay $0x2  }
0x3b7: {  	s19 =	simm.s32 $0x4000  }
0x3b8: {  	[tilespmem:v35+s19+$0x0] =	vst.idx.msk $0xffff, v34  }
0x3b9: {  	v60 =	vor.u32 v3, v32;
	v34 =	vld.idx.msk [tilespmem:v36+s2+$0x0], $0xffff  }
0x3ba: {  	v61 =	vor.u32 v4, v33;
	_ =	sdelay $0x3  }
0x3bb: {  	[tilespmem:v60+s19+$0x0] =	vst.idx.msk $0xffff, v34  }
0x3bc: {  	v62 =	vor.u32 v5, v32;
	v34 =	vld.idx.msk [tilespmem:v61+s2+$0x0], $0xffff  }
0x3bd: {  	v63 =	vor.u32 v6, v33;
	_ =	sdelay $0x3  }
0x3be: {  	[tilespmem:v62+s19+$0x0] =	vst.idx.msk $0xffff, v34  }
0x3bf: {  	v40 =	vor.u32 v7, v32;
	v34 =	vld.idx.msk [tilespmem:v63+s2+$0x0], $0xffff  }
0x3c0: {  	v41 =	vor.u32 v8, v33;
	_ =	sdelay $0x3  }
0x3c1: {  	[tilespmem:v40+s19+$0x0] =	vst.idx.msk $0xffff, v34  }
0x3c2: {  	v42 =	vor.u32 v9, v32;
	v34 =	vld.idx.msk [tilespmem:v41+s2+$0x0], $0xffff  }
0x3c3: {  	v43 =	vor.u32 v10, v33;
	_ =	sdelay $0x3  }
0x3c4: {  	[tilespmem:v42+s19+$0x0] =	vst.idx.msk $0xffff, v34  }
0x3c5: {  	v44 =	vor.u32 v11, v32;
	v34 =	vld.idx.msk [tilespmem:v43+s2+$0x0], $0xffff  }
0x3c6: {  	v45 =	vor.u32 v12, v33;
	_ =	sdelay $0x3  }
0x3c7: {  	[tilespmem:v44+s19+$0x0] =	vst.idx.msk $0xffff, v34  }
0x3c8: {  	v46 =	vor.u32 v13, v32;
	v34 =	vld.idx.msk [tilespmem:v45+s2+$0x0], $0xffff  }
0x3c9: {  	v47 =	vor.u32 v14, v33;
	_ =	sdelay $0x3  }
0x3ca: {  	[tilespmem:v46+s19+$0x0] =	vst.idx.msk $0xffff, v34  }
0x3cb: {  	v48 =	vor.u32 v15, v32;
	v34 =	vld.idx.msk [tilespmem:v47+s2+$0x0], $0xffff  }
0x3cc: {  	v49 =	vor.u32 v16, v33;
	_ =	sdelay $0x3  }
0x3cd: {  	[tilespmem:v48+s19+$0x0] =	vst.idx.msk $0xffff, v34  }
0x3ce: {  	v50 =	vor.u32 v17, v32;
	v34 =	vld.idx.msk [tilespmem:v49+s2+$0x0], $0xffff  }
0x3cf: {  	v51 =	vor.u32 v18, v33;
	_ =	sdelay $0x3  }
0x3d0: {  	[tilespmem:v50+s19+$0x0] =	vst.idx.msk $0xffff, v34  }
0x3d1: {  	v52 =	vor.u32 v19, v32;
	v34 =	vld.idx.msk [tilespmem:v51+s2+$0x0], $0xffff  }
0x3d2: {  	v53 =	vor.u32 v20, v33;
	_ =	sdelay $0x3  }
0x3d3: {  	[tilespmem:v52+s19+$0x0] =	vst.idx.msk $0xffff, v34  }
0x3d4: {  	v54 =	vor.u32 v21, v32;
	v34 =	vld.idx.msk [tilespmem:v53+s2+$0x0], $0xffff  }
0x3d5: {  	v55 =	vor.u32 v22, v33;
	_ =	sdelay $0x3  }
0x3d6: {  	[tilespmem:v54+s19+$0x0] =	vst.idx.msk $0xffff, v34  }
0x3d7: {  	v56 =	vor.u32 v23, v32;
	v34 =	vld.idx.msk [tilespmem:v55+s2+$0x0], $0xffff  }
0x3d8: {  	v57 =	vor.u32 v24, v33;
	_ =	sdelay $0x3  }
0x3d9: {  	[tilespmem:v56+s19+$0x0] =	vst.idx.msk $0xffff, v34  }
0x3da: {  	v58 =	vor.u32 v25, v32;
	v34 =	vld.idx.msk [tilespmem:v57+s2+$0x0], $0xffff  }
0x3db: {  	v59 =	vor.u32 v26, v33;
	_ =	sdelay $0x3  }
0x3dc: {  	[tilespmem:v58+s19+$0x0] =	vst.idx.msk $0xffff, v34  }
0x3dd: {  	v60 =	vor.u32 v27, v32;
	v34 =	vld.idx.msk [tilespmem:v59+s2+$0x0], $0xffff  }
0x3de: {  	v61 =	vor.u32 v28, v33;
	_ =	sdelay $0x3  }
0x3df: {  	[tilespmem:v60+s19+$0x0] =	vst.idx.msk $0xffff, v34  }
0x3e0: {  	v62 =	vor.u32 v29, v32;
	v34 =	vld.idx.msk [tilespmem:v61+s2+$0x0], $0xffff  }
0x3e1: {  	v33 =	vor.u32 v30, v33  }
0x3e2: {  	s29 =	simm.s32 $0x1  }
0x3e3: {  	v63 =	vadd.s32 s29, v0  }
0x3e4: {  	v37 =	vshll.u32 v63, $0x8;
	v38 =	vshll.u32 v63, $0x7  }
0x3e5: {  	v37 =	vand.u32 $0x1800, v37;
	v39 =	vand.u32 $0x380, v38;
	[tilespmem:v62+s19+$0x0] =	vst.idx.msk $0xffff, v34  }
0x3e6: {  	v32 =	vor.u32 v31, v32;
	v34 =	vor.u32 v39, v37;
	v33 =	vld.idx.msk [tilespmem:v33+s2+$0x0], $0xffff  }
0x3e7: {  	v35 =	vor.u32 v0, v34;
	_ =	sdelay $0x3  }
0x3e8: {  	[tilespmem:v32+s19+$0x0] =	vst.idx.msk $0xffff, v33;
	v32 =	vand.u32 $0x1F, v63  }
0x3e9: {  	v33 =	vld.idx.msk [tilespmem:v35+s2+$0x0], $0xffff;
	v40 =	vor.u32 v1, v32  }
0x3ea: {  	v41 =	vor.u32 v2, v34;
	_ =	sdelay $0x3  }
0x3eb: {  	[tilespmem:v40+s19+$0x0] =	vst.idx.msk $0xffff, v33  }
0x3ec: {  	v42 =	vor.u32 v3, v32;
	v33 =	vld.idx.msk [tilespmem:v41+s2+$0x0], $0xffff  }
0x3ed: {  	v43 =	vor.u32 v4, v34;
	_ =	sdelay $0x3  }
0x3ee: {  	[tilespmem:v42+s19+$0x0] =	vst.idx.msk $0xffff, v33  }
0x3ef: {  	v44 =	vor.u32 v5, v32;
	v33 =	vld.idx.msk [tilespmem:v43+s2+$0x0], $0xffff  }
0x3f0: {  	v45 =	vor.u32 v6, v34;
	_ =	sdelay $0x3  }
0x3f1: {  	[tilespmem:v44+s19+$0x0] =	vst.idx.msk $0xffff, v33  }
0x3f2: {  	v46 =	vor.u32 v7, v32;
	v33 =	vld.idx.msk [tilespmem:v45+s2+$0x0], $0xffff  }
0x3f3: {  	v47 =	vor.u32 v8, v34;
	_ =	sdelay $0x3  }
0x3f4: {  	[tilespmem:v46+s19+$0x0] =	vst.idx.msk $0xffff, v33  }
0x3f5: {  	v48 =	vor.u32 v9, v32;
	v33 =	vld.idx.msk [tilespmem:v47+s2+$0x0], $0xffff  }
0x3f6: {  	v49 =	vor.u32 v10, v34;
	_ =	sdelay $0x3  }
0x3f7: {  	[tilespmem:v48+s19+$0x0] =	vst.idx.msk $0xffff, v33  }
0x3f8: {  	v50 =	vor.u32 v11, v32;
	v33 =	vld.idx.msk [tilespmem:v49+s2+$0x0], $0xffff  }
0x3f9: {  	v51 =	vor.u32 v12, v34;
	_ =	sdelay $0x3  }
0x3fa: {  	[tilespmem:v50+s19+$0x0] =	vst.idx.msk $0xffff, v33  }
0x3fb: {  	v52 =	vor.u32 v13, v32;
	v33 =	vld.idx.msk [tilespmem:v51+s2+$0x0], $0xffff  }
0x3fc: {  	v53 =	vor.u32 v14, v34;
	_ =	sdelay $0x3  }
0x3fd: {  	[tilespmem:v52+s19+$0x0] =	vst.idx.msk $0xffff, v33  }
0x3fe: {  	v54 =	vor.u32 v15, v32;
	v33 =	vld.idx.msk [tilespmem:v53+s2+$0x0], $0xffff  }
0x3ff: {  	v55 =	vor.u32 v16, v34;
	_ =	sdelay $0x3  }
0x400: {  	[tilespmem:v54+s19+$0x0] =	vst.idx.msk $0xffff, v33  }
0x401: {  	v56 =	vor.u32 v17, v32;
	v33 =	vld.idx.msk [tilespmem:v55+s2+$0x0], $0xffff  }
0x402: {  	v57 =	vor.u32 v18, v34;
	_ =	sdelay $0x3  }
0x403: {  	[tilespmem:v56+s19+$0x0] =	vst.idx.msk $0xffff, v33  }
0x404: {  	v58 =	vor.u32 v19, v32;
	v33 =	vld.idx.msk [tilespmem:v57+s2+$0x0], $0xffff  }
0x405: {  	v59 =	vor.u32 v20, v34;
	_ =	sdelay $0x3  }
0x406: {  	[tilespmem:v58+s19+$0x0] =	vst.idx.msk $0xffff, v33  }
0x407: {  	v60 =	vor.u32 v21, v32;
	v33 =	vld.idx.msk [tilespmem:v59+s2+$0x0], $0xffff  }
0x408: {  	v61 =	vor.u32 v22, v34;
	_ =	sdelay $0x3  }
0x409: {  	[tilespmem:v60+s19+$0x0] =	vst.idx.msk $0xffff, v33  }
0x40a: {  	v62 =	vor.u32 v23, v32;
	v33 =	vld.idx.msk [tilespmem:v61+s2+$0x0], $0xffff  }
0x40b: {  	v63 =	vor.u32 v24, v34;
	_ =	sdelay $0x3  }
0x40c: {  	[tilespmem:v62+s19+$0x0] =	vst.idx.msk $0xffff, v33  }
0x40d: {  	v40 =	vor.u32 v25, v32;
	v33 =	vld.idx.msk [tilespmem:v63+s2+$0x0], $0xffff  }
0x40e: {  	v41 =	vor.u32 v26, v34;
	_ =	sdelay $0x3  }
0x40f: {  	[tilespmem:v40+s19+$0x0] =	vst.idx.msk $0xffff, v33  }
0x410: {  	v42 =	vor.u32 v27, v32;
	v33 =	vld.idx.msk [tilespmem:v41+s2+$0x0], $0xffff  }
0x411: {  	v43 =	vor.u32 v28, v34;
	_ =	sdelay $0x3  }
0x412: {  	[tilespmem:v42+s19+$0x0] =	vst.idx.msk $0xffff, v33  }
0x413: {  	v44 =	vor.u32 v29, v32;
	v33 =	vld.idx.msk [tilespmem:v43+s2+$0x0], $0xffff  }
0x414: {  	v34 =	vor.u32 v30, v34  }
0x415: {  	s30 =	simm.s32 $0x2  }
0x416: {  	v45 =	vadd.s32 s30, v0  }
0x417: {  	v46 =	vshll.u32 v45, $0x8;
	v47 =	vshll.u32 v45, $0x7  }
0x418: {  	v48 =	vand.u32 $0x1800, v46;
	v49 =	vand.u32 $0x380, v47;
	[tilespmem:v44+s19+$0x0] =	vst.idx.msk $0xffff, v33  }
0x419: {  	v32 =	vor.u32 v31, v32;
	v33 =	vor.u32 v49, v48;
	v34 =	vld.idx.msk [tilespmem:v34+s2+$0x0], $0xffff  }
0x41a: {  	v35 =	vor.u32 v0, v33;
	_ =	sdelay $0x3  }
0x41b: {  	[tilespmem:v32+s19+$0x0] =	vst.idx.msk $0xffff, v34;
	v32 =	vand.u32 $0x1F, v45  }
0x41c: {  	v34 =	vld.idx.msk [tilespmem:v35+s2+$0x0], $0xffff;
	v50 =	vor.u32 v1, v32  }
0x41d: {  	v51 =	vor.u32 v2, v33;
	_ =	sdelay $0x3  }
0x41e: {  	[tilespmem:v50+s19+$0x0] =	vst.idx.msk $0xffff, v34  }
0x41f: {  	v52 =	vor.u32 v3, v32;
	v34 =	vld.idx.msk [tilespmem:v51+s2+$0x0], $0xffff  }
0x420: {  	v53 =	vor.u32 v4, v33;
	_ =	sdelay $0x3  }
0x421: {  	[tilespmem:v52+s19+$0x0] =	vst.idx.msk $0xffff, v34  }
0x422: {  	v54 =	vor.u32 v5, v32;
	v34 =	vld.idx.msk [tilespmem:v53+s2+$0x0], $0xffff  }
0x423: {  	v55 =	vor.u32 v6, v33;
	_ =	sdelay $0x3  }
0x424: {  	[tilespmem:v54+s19+$0x0] =	vst.idx.msk $0xffff, v34  }
0x425: {  	v56 =	vor.u32 v7, v32;
	v34 =	vld.idx.msk [tilespmem:v55+s2+$0x0], $0xffff  }
0x426: {  	v57 =	vor.u32 v8, v33;
	_ =	sdelay $0x3  }
0x427: {  	[tilespmem:v56+s19+$0x0] =	vst.idx.msk $0xffff, v34  }
0x428: {  	v58 =	vor.u32 v9, v32;
	v34 =	vld.idx.msk [tilespmem:v57+s2+$0x0], $0xffff  }
0x429: {  	v59 =	vor.u32 v10, v33;
	_ =	sdelay $0x3  }
0x42a: {  	[tilespmem:v58+s19+$0x0] =	vst.idx.msk $0xffff, v34  }
0x42b: {  	v60 =	vor.u32 v11, v32;
	v34 =	vld.idx.msk [tilespmem:v59+s2+$0x0], $0xffff  }
0x42c: {  	v61 =	vor.u32 v12, v33;
	_ =	sdelay $0x3  }
0x42d: {  	[tilespmem:v60+s19+$0x0] =	vst.idx.msk $0xffff, v34  }
0x42e: {  	v62 =	vor.u32 v13, v32;
	v34 =	vld.idx.msk [tilespmem:v61+s2+$0x0], $0xffff  }
0x42f: {  	v63 =	vor.u32 v14, v33;
	_ =	sdelay $0x3  }
0x430: {  	[tilespmem:v62+s19+$0x0] =	vst.idx.msk $0xffff, v34  }
0x431: {  	v40 =	vor.u32 v15, v32;
	v34 =	vld.idx.msk [tilespmem:v63+s2+$0x0], $0xffff  }
0x432: {  	v41 =	vor.u32 v16, v33;
	_ =	sdelay $0x3  }
0x433: {  	[tilespmem:v40+s19+$0x0] =	vst.idx.msk $0xffff, v34  }
0x434: {  	v42 =	vor.u32 v17, v32;
	v34 =	vld.idx.msk [tilespmem:v41+s2+$0x0], $0xffff  }
0x435: {  	v43 =	vor.u32 v18, v33;
	_ =	sdelay $0x3  }
0x436: {  	[tilespmem:v42+s19+$0x0] =	vst.idx.msk $0xffff, v34  }
0x437: {  	v44 =	vor.u32 v19, v32;
	v34 =	vld.idx.msk [tilespmem:v43+s2+$0x0], $0xffff  }
0x438: {  	v45 =	vor.u32 v20, v33;
	_ =	sdelay $0x3  }
0x439: {  	[tilespmem:v44+s19+$0x0] =	vst.idx.msk $0xffff, v34  }
0x43a: {  	v46 =	vor.u32 v21, v32;
	v34 =	vld.idx.msk [tilespmem:v45+s2+$0x0], $0xffff  }
0x43b: {  	v47 =	vor.u32 v22, v33;
	_ =	sdelay $0x3  }
0x43c: {  	[tilespmem:v46+s19+$0x0] =	vst.idx.msk $0xffff, v34  }
0x43d: {  	v48 =	vor.u32 v23, v32;
	v34 =	vld.idx.msk [tilespmem:v47+s2+$0x0], $0xffff  }
0x43e: {  	v49 =	vor.u32 v24, v33;
	_ =	sdelay $0x3  }
0x43f: {  	[tilespmem:v48+s19+$0x0] =	vst.idx.msk $0xffff, v34  }
0x440: {  	v50 =	vor.u32 v25, v32;
	v34 =	vld.idx.msk [tilespmem:v49+s2+$0x0], $0xffff  }
0x441: {  	v51 =	vor.u32 v26, v33;
	_ =	sdelay $0x3  }
0x442: {  	[tilespmem:v50+s19+$0x0] =	vst.idx.msk $0xffff, v34  }
0x443: {  	v52 =	vor.u32 v27, v32;
	v34 =	vld.idx.msk [tilespmem:v51+s2+$0x0], $0xffff  }
0x444: {  	v53 =	vor.u32 v28, v33;
	_ =	sdelay $0x3  }
0x445: {  	[tilespmem:v52+s19+$0x0] =	vst.idx.msk $0xffff, v34  }
0x446: {  	v54 =	vor.u32 v29, v32;
	v34 =	vld.idx.msk [tilespmem:v53+s2+$0x0], $0xffff  }
0x447: {  	v33 =	vor.u32 v30, v33  }
0x448: {  	s31 =	simm.s32 $0x3  }
0x449: {  	v55 =	vadd.s32 s31, v0  }
0x44a: {  	v56 =	vshll.u32 v55, $0x8;
	v57 =	vshll.u32 v55, $0x7  }
0x44b: {  	v58 =	vand.u32 $0x1800, v56;
	v59 =	vand.u32 $0x380, v57;
	[tilespmem:v54+s19+$0x0] =	vst.idx.msk $0xffff, v34  }
0x44c: {  	v32 =	vor.u32 v31, v32;
	v34 =	vor.u32 v59, v58;
	v33 =	vld.idx.msk [tilespmem:v33+s2+$0x0], $0xffff  }
0x44d: {  	v35 =	vor.u32 v0, v34;
	_ =	sdelay $0x3  }
0x44e: {  	[tilespmem:v32+s19+$0x0] =	vst.idx.msk $0xffff, v33;
	v32 =	vand.u32 $0x1F, v55  }
0x44f: {  	v33 =	vld.idx.msk [tilespmem:v35+s2+$0x0], $0xffff;
	v60 =	vor.u32 v1, v32  }
0x450: {  	v61 =	vor.u32 v2, v34;
	_ =	sdelay $0x3  }
0x451: {  	[tilespmem:v60+s19+$0x0] =	vst.idx.msk $0xffff, v33  }
0x452: {  	v62 =	vor.u32 v3, v32;
	v33 =	vld.idx.msk [tilespmem:v61+s2+$0x0], $0xffff  }
0x453: {  	v63 =	vor.u32 v4, v34;
	_ =	sdelay $0x3  }
0x454: {  	[tilespmem:v62+s19+$0x0] =	vst.idx.msk $0xffff, v33  }
0x455: {  	v40 =	vor.u32 v5, v32;
	v33 =	vld.idx.msk [tilespmem:v63+s2+$0x0], $0xffff  }
0x456: {  	v41 =	vor.u32 v6, v34;
	_ =	sdelay $0x3  }
0x457: {  	[tilespmem:v40+s19+$0x0] =	vst.idx.msk $0xffff, v33  }
0x458: {  	v42 =	vor.u32 v7, v32;
	v33 =	vld.idx.msk [tilespmem:v41+s2+$0x0], $0xffff  }
0x459: {  	v43 =	vor.u32 v8, v34;
	_ =	sdelay $0x3  }
0x45a: {  	[tilespmem:v42+s19+$0x0] =	vst.idx.msk $0xffff, v33  }
0x45b: {  	v44 =	vor.u32 v9, v32;
	v33 =	vld.idx.msk [tilespmem:v43+s2+$0x0], $0xffff  }
0x45c: {  	v45 =	vor.u32 v10, v34;
	_ =	sdelay $0x3  }
0x45d: {  	[tilespmem:v44+s19+$0x0] =	vst.idx.msk $0xffff, v33  }
0x45e: {  	v46 =	vor.u32 v11, v32;
	v33 =	vld.idx.msk [tilespmem:v45+s2+$0x0], $0xffff  }
0x45f: {  	v47 =	vor.u32 v12, v34;
	_ =	sdelay $0x3  }
0x460: {  	[tilespmem:v46+s19+$0x0] =	vst.idx.msk $0xffff, v33  }
0x461: {  	v48 =	vor.u32 v13, v32;
	v33 =	vld.idx.msk [tilespmem:v47+s2+$0x0], $0xffff  }
0x462: {  	v49 =	vor.u32 v14, v34;
	_ =	sdelay $0x3  }
0x463: {  	[tilespmem:v48+s19+$0x0] =	vst.idx.msk $0xffff, v33  }
0x464: {  	v50 =	vor.u32 v15, v32;
	v33 =	vld.idx.msk [tilespmem:v49+s2+$0x0], $0xffff  }
0x465: {  	v51 =	vor.u32 v16, v34;
	_ =	sdelay $0x3  }
0x466: {  	[tilespmem:v50+s19+$0x0] =	vst.idx.msk $0xffff, v33  }
0x467: {  	v52 =	vor.u32 v17, v32;
	v33 =	vld.idx.msk [tilespmem:v51+s2+$0x0], $0xffff  }
0x468: {  	v53 =	vor.u32 v18, v34;
	_ =	sdelay $0x3  }
0x469: {  	[tilespmem:v52+s19+$0x0] =	vst.idx.msk $0xffff, v33  }
0x46a: {  	v54 =	vor.u32 v19, v32;
	v33 =	vld.idx.msk [tilespmem:v53+s2+$0x0], $0xffff  }
0x46b: {  	v55 =	vor.u32 v20, v34;
	_ =	sdelay $0x3  }
0x46c: {  	[tilespmem:v54+s19+$0x0] =	vst.idx.msk $0xffff, v33  }
0x46d: {  	v56 =	vor.u32 v21, v32;
	v33 =	vld.idx.msk [tilespmem:v55+s2+$0x0], $0xffff  }
0x46e: {  	v57 =	vor.u32 v22, v34;
	_ =	sdelay $0x3  }
0x46f: {  	[tilespmem:v56+s19+$0x0] =	vst.idx.msk $0xffff, v33  }
0x470: {  	v58 =	vor.u32 v23, v32;
	v33 =	vld.idx.msk [tilespmem:v57+s2+$0x0], $0xffff  }
0x471: {  	v59 =	vor.u32 v24, v34;
	_ =	sdelay $0x3  }
0x472: {  	[tilespmem:v58+s19+$0x0] =	vst.idx.msk $0xffff, v33  }
0x473: {  	v60 =	vor.u32 v25, v32;
	v33 =	vld.idx.msk [tilespmem:v59+s2+$0x0], $0xffff  }
0x474: {  	v61 =	vor.u32 v26, v34;
	_ =	sdelay $0x3  }
0x475: {  	[tilespmem:v60+s19+$0x0] =	vst.idx.msk $0xffff, v33  }
0x476: {  	v62 =	vor.u32 v27, v32;
	v33 =	vld.idx.msk [tilespmem:v61+s2+$0x0], $0xffff  }
0x477: {  	v63 =	vor.u32 v28, v34;
	_ =	sdelay $0x3  }
0x478: {  	[tilespmem:v62+s19+$0x0] =	vst.idx.msk $0xffff, v33  }
0x479: {  	v36 =	vor.u32 v29, v32;
	v35 =	vld.idx.msk [tilespmem:v63+s2+$0x0], $0xffff  }
0x47a: {  	v33 =	vor.u32 v30, v34;
	_ =	sdelay $0x1  }
0x47b: {  	s20 =	simm.s32 $0x4  }
0x47c: {  	s21 =	simm.s32 $0x8;
	v34 =	vadd.s32 s20, v0  }
.LBB2_5:
0x47d: {  	p1 =	slt.u32 s21, $0x1C;
	v37 =	vshll.u32 v34, $0x8;
	v38 =	vshll.u32 v34, $0x7;
	[tilespmem:v36+s19+$0x0] =	vst.idx.msk $0xffff, v35  }
0x47e: {  	v35 =	vand.u32 $0x1800, v37;
	v36 =	vand.u32 $0x380, v38;
	v37 =	vld.idx.msk [tilespmem:v33+s2+$0x0], $0xffff  }
0x47f: {  	v32 =	vor.u32 v31, v32;
	v33 =	vor.u32 v36, v35  }
0x480: {  	v35 =	vor.u32 v0, v33;
	_ =	sdelay $0x3  }
0x481: {  	[tilespmem:v32+s19+$0x0] =	vst.idx.msk $0xffff, v37  }
0x482: {  	v32 =	vand.u32 $0x1F, v34;
	v34 =	vld.idx.msk [tilespmem:v35+s2+$0x0], $0xffff  }
0x483: {  	v35 =	vor.u32 v1, v32  }
0x484: {  	v36 =	vor.u32 v2, v33;
	_ =	sdelay $0x3  }
0x485: {  	[tilespmem:v35+s19+$0x0] =	vst.idx.msk $0xffff, v34  }
0x486: {  	v34 =	vld.idx.msk [tilespmem:v36+s2+$0x0], $0xffff  }
0x487: {  	v35 =	vor.u32 v3, v32  }
0x488: {  	v36 =	vor.u32 v4, v33;
	_ =	sdelay $0x3  }
0x489: {  	[tilespmem:v35+s19+$0x0] =	vst.idx.msk $0xffff, v34  }
0x48a: {  	v34 =	vld.idx.msk [tilespmem:v36+s2+$0x0], $0xffff  }
0x48b: {  	v35 =	vor.u32 v5, v32  }
0x48c: {  	v36 =	vor.u32 v6, v33;
	_ =	sdelay $0x3  }
0x48d: {  	[tilespmem:v35+s19+$0x0] =	vst.idx.msk $0xffff, v34  }
0x48e: {  	v34 =	vld.idx.msk [tilespmem:v36+s2+$0x0], $0xffff  }
0x48f: {  	v35 =	vor.u32 v7, v32  }
0x490: {  	v36 =	vor.u32 v8, v33;
	_ =	sdelay $0x3  }
0x491: {  	[tilespmem:v35+s19+$0x0] =	vst.idx.msk $0xffff, v34  }
0x492: {  	v34 =	vld.idx.msk [tilespmem:v36+s2+$0x0], $0xffff  }
0x493: {  	v35 =	vor.u32 v9, v32  }
0x494: {  	v36 =	vor.u32 v10, v33;
	_ =	sdelay $0x3  }
0x495: {  	[tilespmem:v35+s19+$0x0] =	vst.idx.msk $0xffff, v34  }
0x496: {  	v34 =	vld.idx.msk [tilespmem:v36+s2+$0x0], $0xffff  }
0x497: {  	v35 =	vor.u32 v11, v32  }
0x498: {  	v36 =	vor.u32 v12, v33;
	_ =	sdelay $0x3  }
0x499: {  	[tilespmem:v35+s19+$0x0] =	vst.idx.msk $0xffff, v34  }
0x49a: {  	v34 =	vld.idx.msk [tilespmem:v36+s2+$0x0], $0xffff  }
0x49b: {  	v35 =	vor.u32 v13, v32  }
0x49c: {  	v36 =	vor.u32 v14, v33;
	_ =	sdelay $0x3  }
0x49d: {  	[tilespmem:v35+s19+$0x0] =	vst.idx.msk $0xffff, v34  }
0x49e: {  	v34 =	vld.idx.msk [tilespmem:v36+s2+$0x0], $0xffff  }
0x49f: {  	v35 =	vor.u32 v15, v32  }
0x4a0: {  	v36 =	vor.u32 v16, v33;
	_ =	sdelay $0x3  }
0x4a1: {  	[tilespmem:v35+s19+$0x0] =	vst.idx.msk $0xffff, v34  }
0x4a2: {  	v34 =	vld.idx.msk [tilespmem:v36+s2+$0x0], $0xffff  }
0x4a3: {  	v35 =	vor.u32 v17, v32  }
0x4a4: {  	v36 =	vor.u32 v18, v33;
	_ =	sdelay $0x3  }
0x4a5: {  	[tilespmem:v35+s19+$0x0] =	vst.idx.msk $0xffff, v34  }
0x4a6: {  	v34 =	vld.idx.msk [tilespmem:v36+s2+$0x0], $0xffff  }
0x4a7: {  	v35 =	vor.u32 v19, v32  }
0x4a8: {  	v36 =	vor.u32 v20, v33;
	_ =	sdelay $0x3  }
0x4a9: {  	[tilespmem:v35+s19+$0x0] =	vst.idx.msk $0xffff, v34  }
0x4aa: {  	v34 =	vld.idx.msk [tilespmem:v36+s2+$0x0], $0xffff  }
0x4ab: {  	v35 =	vor.u32 v21, v32  }
0x4ac: {  	v36 =	vor.u32 v22, v33;
	_ =	sdelay $0x3  }
0x4ad: {  	[tilespmem:v35+s19+$0x0] =	vst.idx.msk $0xffff, v34  }
0x4ae: {  	v34 =	vld.idx.msk [tilespmem:v36+s2+$0x0], $0xffff  }
0x4af: {  	v35 =	vor.u32 v23, v32  }
0x4b0: {  	v36 =	vor.u32 v24, v33;
	_ =	sdelay $0x3  }
0x4b1: {  	[tilespmem:v35+s19+$0x0] =	vst.idx.msk $0xffff, v34  }
0x4b2: {  	v34 =	vld.idx.msk [tilespmem:v36+s2+$0x0], $0xffff  }
0x4b3: {  	v35 =	vor.u32 v25, v32  }
0x4b4: {  	v36 =	vor.u32 v26, v33;
	_ =	sdelay $0x3  }
0x4b5: {  	[tilespmem:v35+s19+$0x0] =	vst.idx.msk $0xffff, v34  }
0x4b6: {  	v34 =	vld.idx.msk [tilespmem:v36+s2+$0x0], $0xffff  }
0x4b7: {  	v35 =	vor.u32 v27, v32  }
0x4b8: {  	v36 =	vor.u32 v28, v33;
	_ =	sdelay $0x3  }
0x4b9: {  	[tilespmem:v35+s19+$0x0] =	vst.idx.msk $0xffff, v34  }
0x4ba: {  	v34 =	vld.idx.msk [tilespmem:v36+s2+$0x0], $0xffff  }
0x4bb: {  	v35 =	vor.u32 v29, v32  }
0x4bc: {  	v33 =	vor.u32 v30, v33;
	_ =	sdelay $0x1  }
0x4bd: {  	s22 =	sadd.s32 $0x1, s20  }
0x4be: {  	v36 =	vadd.s32 s22, v0  }
0x4bf: {  	[tilespmem:v35+s19+$0x0] =	vst.idx.msk $0xffff, v34;
	v34 =	vshll.u32 v36, $0x8;
	v35 =	vshll.u32 v36, $0x7  }
0x4c0: {  	v37 =	vld.idx.msk [tilespmem:v33+s2+$0x0], $0xffff;
	v33 =	vand.u32 $0x1800, v34;
	v34 =	vand.u32 $0x380, v35  }
0x4c1: {  	v32 =	vor.u32 v31, v32;
	v33 =	vor.u32 v34, v33  }
0x4c2: {  	v34 =	vor.u32 v0, v33;
	_ =	sdelay $0x3  }
0x4c3: {  	[tilespmem:v32+s19+$0x0] =	vst.idx.msk $0xffff, v37  }
0x4c4: {  	v32 =	vand.u32 $0x1F, v36;
	v34 =	vld.idx.msk [tilespmem:v34+s2+$0x0], $0xffff  }
0x4c5: {  	v35 =	vor.u32 v1, v32  }
0x4c6: {  	v36 =	vor.u32 v2, v33;
	_ =	sdelay $0x3  }
0x4c7: {  	[tilespmem:v35+s19+$0x0] =	vst.idx.msk $0xffff, v34  }
0x4c8: {  	v34 =	vld.idx.msk [tilespmem:v36+s2+$0x0], $0xffff  }
0x4c9: {  	v35 =	vor.u32 v3, v32  }
0x4ca: {  	v36 =	vor.u32 v4, v33;
	_ =	sdelay $0x3  }
0x4cb: {  	[tilespmem:v35+s19+$0x0] =	vst.idx.msk $0xffff, v34  }
0x4cc: {  	v34 =	vld.idx.msk [tilespmem:v36+s2+$0x0], $0xffff  }
0x4cd: {  	v35 =	vor.u32 v5, v32  }
0x4ce: {  	v36 =	vor.u32 v6, v33;
	_ =	sdelay $0x3  }
0x4cf: {  	[tilespmem:v35+s19+$0x0] =	vst.idx.msk $0xffff, v34  }
0x4d0: {  	v34 =	vld.idx.msk [tilespmem:v36+s2+$0x0], $0xffff  }
0x4d1: {  	v35 =	vor.u32 v7, v32  }
0x4d2: {  	v36 =	vor.u32 v8, v33;
	_ =	sdelay $0x3  }
0x4d3: {  	[tilespmem:v35+s19+$0x0] =	vst.idx.msk $0xffff, v34  }
0x4d4: {  	v34 =	vld.idx.msk [tilespmem:v36+s2+$0x0], $0xffff  }
0x4d5: {  	v35 =	vor.u32 v9, v32  }
0x4d6: {  	v36 =	vor.u32 v10, v33;
	_ =	sdelay $0x3  }
0x4d7: {  	[tilespmem:v35+s19+$0x0] =	vst.idx.msk $0xffff, v34  }
0x4d8: {  	v34 =	vld.idx.msk [tilespmem:v36+s2+$0x0], $0xffff  }
0x4d9: {  	v35 =	vor.u32 v11, v32  }
0x4da: {  	v36 =	vor.u32 v12, v33;
	_ =	sdelay $0x3  }
0x4db: {  	[tilespmem:v35+s19+$0x0] =	vst.idx.msk $0xffff, v34  }
0x4dc: {  	v34 =	vld.idx.msk [tilespmem:v36+s2+$0x0], $0xffff  }
0x4dd: {  	v35 =	vor.u32 v13, v32  }
0x4de: {  	v36 =	vor.u32 v14, v33;
	_ =	sdelay $0x3  }
0x4df: {  	[tilespmem:v35+s19+$0x0] =	vst.idx.msk $0xffff, v34  }
0x4e0: {  	v34 =	vld.idx.msk [tilespmem:v36+s2+$0x0], $0xffff  }
0x4e1: {  	v35 =	vor.u32 v15, v32  }
0x4e2: {  	v36 =	vor.u32 v16, v33;
	_ =	sdelay $0x3  }
0x4e3: {  	[tilespmem:v35+s19+$0x0] =	vst.idx.msk $0xffff, v34  }
0x4e4: {  	v34 =	vld.idx.msk [tilespmem:v36+s2+$0x0], $0xffff  }
0x4e5: {  	v35 =	vor.u32 v17, v32  }
0x4e6: {  	v36 =	vor.u32 v18, v33;
	_ =	sdelay $0x3  }
0x4e7: {  	[tilespmem:v35+s19+$0x0] =	vst.idx.msk $0xffff, v34  }
0x4e8: {  	v34 =	vld.idx.msk [tilespmem:v36+s2+$0x0], $0xffff  }
0x4e9: {  	v35 =	vor.u32 v19, v32  }
0x4ea: {  	v36 =	vor.u32 v20, v33;
	_ =	sdelay $0x3  }
0x4eb: {  	[tilespmem:v35+s19+$0x0] =	vst.idx.msk $0xffff, v34  }
0x4ec: {  	v34 =	vld.idx.msk [tilespmem:v36+s2+$0x0], $0xffff  }
0x4ed: {  	v35 =	vor.u32 v21, v32  }
0x4ee: {  	v36 =	vor.u32 v22, v33;
	_ =	sdelay $0x3  }
0x4ef: {  	[tilespmem:v35+s19+$0x0] =	vst.idx.msk $0xffff, v34  }
0x4f0: {  	v34 =	vld.idx.msk [tilespmem:v36+s2+$0x0], $0xffff  }
0x4f1: {  	v35 =	vor.u32 v23, v32  }
0x4f2: {  	v36 =	vor.u32 v24, v33;
	_ =	sdelay $0x3  }
0x4f3: {  	[tilespmem:v35+s19+$0x0] =	vst.idx.msk $0xffff, v34  }
0x4f4: {  	v34 =	vld.idx.msk [tilespmem:v36+s2+$0x0], $0xffff  }
0x4f5: {  	v35 =	vor.u32 v25, v32  }
0x4f6: {  	v36 =	vor.u32 v26, v33;
	_ =	sdelay $0x3  }
0x4f7: {  	[tilespmem:v35+s19+$0x0] =	vst.idx.msk $0xffff, v34  }
0x4f8: {  	v34 =	vld.idx.msk [tilespmem:v36+s2+$0x0], $0xffff  }
0x4f9: {  	v35 =	vor.u32 v27, v32  }
0x4fa: {  	v36 =	vor.u32 v28, v33;
	_ =	sdelay $0x3  }
0x4fb: {  	[tilespmem:v35+s19+$0x0] =	vst.idx.msk $0xffff, v34  }
0x4fc: {  	v34 =	vld.idx.msk [tilespmem:v36+s2+$0x0], $0xffff  }
0x4fd: {  	v35 =	vor.u32 v29, v32  }
0x4fe: {  	v33 =	vor.u32 v30, v33;
	_ =	sdelay $0x1  }
0x4ff: {  	s22 =	sadd.s32 $0x2, s20  }
0x500: {  	v36 =	vadd.s32 s22, v0  }
0x501: {  	[tilespmem:v35+s19+$0x0] =	vst.idx.msk $0xffff, v34;
	v34 =	vshll.u32 v36, $0x8;
	v35 =	vshll.u32 v36, $0x7  }
0x502: {  	v37 =	vld.idx.msk [tilespmem:v33+s2+$0x0], $0xffff;
	v33 =	vand.u32 $0x1800, v34;
	v34 =	vand.u32 $0x380, v35  }
0x503: {  	v32 =	vor.u32 v31, v32;
	v33 =	vor.u32 v34, v33  }
0x504: {  	v34 =	vor.u32 v0, v33;
	_ =	sdelay $0x3  }
0x505: {  	[tilespmem:v32+s19+$0x0] =	vst.idx.msk $0xffff, v37  }
0x506: {  	v32 =	vand.u32 $0x1F, v36;
	v34 =	vld.idx.msk [tilespmem:v34+s2+$0x0], $0xffff  }
0x507: {  	v35 =	vor.u32 v1, v32  }
0x508: {  	v36 =	vor.u32 v2, v33;
	_ =	sdelay $0x3  }
0x509: {  	[tilespmem:v35+s19+$0x0] =	vst.idx.msk $0xffff, v34  }
0x50a: {  	v34 =	vld.idx.msk [tilespmem:v36+s2+$0x0], $0xffff  }
0x50b: {  	v35 =	vor.u32 v3, v32  }
0x50c: {  	v36 =	vor.u32 v4, v33;
	_ =	sdelay $0x3  }
0x50d: {  	[tilespmem:v35+s19+$0x0] =	vst.idx.msk $0xffff, v34  }
0x50e: {  	v34 =	vld.idx.msk [tilespmem:v36+s2+$0x0], $0xffff  }
0x50f: {  	v35 =	vor.u32 v5, v32  }
0x510: {  	v36 =	vor.u32 v6, v33;
	_ =	sdelay $0x3  }
0x511: {  	[tilespmem:v35+s19+$0x0] =	vst.idx.msk $0xffff, v34  }
0x512: {  	v34 =	vld.idx.msk [tilespmem:v36+s2+$0x0], $0xffff  }
0x513: {  	v35 =	vor.u32 v7, v32  }
0x514: {  	v36 =	vor.u32 v8, v33;
	_ =	sdelay $0x3  }
0x515: {  	[tilespmem:v35+s19+$0x0] =	vst.idx.msk $0xffff, v34  }
0x516: {  	v34 =	vld.idx.msk [tilespmem:v36+s2+$0x0], $0xffff  }
0x517: {  	v35 =	vor.u32 v9, v32  }
0x518: {  	v36 =	vor.u32 v10, v33;
	_ =	sdelay $0x3  }
0x519: {  	[tilespmem:v35+s19+$0x0] =	vst.idx.msk $0xffff, v34  }
0x51a: {  	v34 =	vld.idx.msk [tilespmem:v36+s2+$0x0], $0xffff  }
0x51b: {  	v35 =	vor.u32 v11, v32  }
0x51c: {  	v36 =	vor.u32 v12, v33;
	_ =	sdelay $0x3  }
0x51d: {  	[tilespmem:v35+s19+$0x0] =	vst.idx.msk $0xffff, v34  }
0x51e: {  	v34 =	vld.idx.msk [tilespmem:v36+s2+$0x0], $0xffff  }
0x51f: {  	v35 =	vor.u32 v13, v32  }
0x520: {  	v36 =	vor.u32 v14, v33;
	_ =	sdelay $0x3  }
0x521: {  	[tilespmem:v35+s19+$0x0] =	vst.idx.msk $0xffff, v34  }
0x522: {  	v34 =	vld.idx.msk [tilespmem:v36+s2+$0x0], $0xffff  }
0x523: {  	v35 =	vor.u32 v15, v32  }
0x524: {  	v36 =	vor.u32 v16, v33;
	_ =	sdelay $0x3  }
0x525: {  	[tilespmem:v35+s19+$0x0] =	vst.idx.msk $0xffff, v34  }
0x526: {  	v34 =	vld.idx.msk [tilespmem:v36+s2+$0x0], $0xffff  }
0x527: {  	v35 =	vor.u32 v17, v32  }
0x528: {  	v36 =	vor.u32 v18, v33;
	_ =	sdelay $0x3  }
0x529: {  	[tilespmem:v35+s19+$0x0] =	vst.idx.msk $0xffff, v34  }
0x52a: {  	v34 =	vld.idx.msk [tilespmem:v36+s2+$0x0], $0xffff  }
0x52b: {  	v35 =	vor.u32 v19, v32  }
0x52c: {  	v36 =	vor.u32 v20, v33;
	_ =	sdelay $0x3  }
0x52d: {  	[tilespmem:v35+s19+$0x0] =	vst.idx.msk $0xffff, v34  }
0x52e: {  	v34 =	vld.idx.msk [tilespmem:v36+s2+$0x0], $0xffff  }
0x52f: {  	v35 =	vor.u32 v21, v32  }
0x530: {  	v36 =	vor.u32 v22, v33;
	_ =	sdelay $0x3  }
0x531: {  	[tilespmem:v35+s19+$0x0] =	vst.idx.msk $0xffff, v34  }
0x532: {  	v34 =	vld.idx.msk [tilespmem:v36+s2+$0x0], $0xffff  }
0x533: {  	v35 =	vor.u32 v23, v32  }
0x534: {  	v36 =	vor.u32 v24, v33;
	_ =	sdelay $0x3  }
0x535: {  	[tilespmem:v35+s19+$0x0] =	vst.idx.msk $0xffff, v34  }
0x536: {  	v34 =	vld.idx.msk [tilespmem:v36+s2+$0x0], $0xffff  }
0x537: {  	v35 =	vor.u32 v25, v32  }
0x538: {  	v36 =	vor.u32 v26, v33;
	_ =	sdelay $0x3  }
0x539: {  	[tilespmem:v35+s19+$0x0] =	vst.idx.msk $0xffff, v34  }
0x53a: {  	v34 =	vld.idx.msk [tilespmem:v36+s2+$0x0], $0xffff  }
0x53b: {  	v35 =	vor.u32 v27, v32  }
0x53c: {  	v36 =	vor.u32 v28, v33;
	_ =	sdelay $0x3  }
0x53d: {  	[tilespmem:v35+s19+$0x0] =	vst.idx.msk $0xffff, v34  }
0x53e: {  	v34 =	vld.idx.msk [tilespmem:v36+s2+$0x0], $0xffff  }
0x53f: {  	v35 =	vor.u32 v29, v32  }
0x540: {  	v33 =	vor.u32 v30, v33;
	_ =	sdelay $0x1  }
0x541: {  	s22 =	sadd.s32 $0x3, s20;
	s20 =	smov.u32 s21  }
0x542: {  	v36 =	vadd.s32 s22, v0  }
0x543: {  	[tilespmem:v35+s19+$0x0] =	vst.idx.msk $0xffff, v34;
	v34 =	vshll.u32 v36, $0x8;
	v35 =	vshll.u32 v36, $0x7  }
0x544: {  	v37 =	vld.idx.msk [tilespmem:v33+s2+$0x0], $0xffff;
	v33 =	vand.u32 $0x1800, v34;
	v34 =	vand.u32 $0x380, v35  }
0x545: {  	v32 =	vor.u32 v31, v32;
	v33 =	vor.u32 v34, v33  }
0x546: {  	v34 =	vor.u32 v0, v33;
	_ =	sdelay $0x3  }
0x547: {  	[tilespmem:v32+s19+$0x0] =	vst.idx.msk $0xffff, v37  }
0x548: {  	v32 =	vand.u32 $0x1F, v36;
	v34 =	vld.idx.msk [tilespmem:v34+s2+$0x0], $0xffff  }
0x549: {  	v35 =	vor.u32 v1, v32  }
0x54a: {  	v36 =	vor.u32 v2, v33;
	_ =	sdelay $0x3  }
0x54b: {  	[tilespmem:v35+s19+$0x0] =	vst.idx.msk $0xffff, v34  }
0x54c: {  	v34 =	vld.idx.msk [tilespmem:v36+s2+$0x0], $0xffff  }
0x54d: {  	v35 =	vor.u32 v3, v32  }
0x54e: {  	v36 =	vor.u32 v4, v33;
	_ =	sdelay $0x3  }
0x54f: {  	[tilespmem:v35+s19+$0x0] =	vst.idx.msk $0xffff, v34  }
0x550: {  	v34 =	vld.idx.msk [tilespmem:v36+s2+$0x0], $0xffff  }
0x551: {  	v35 =	vor.u32 v5, v32  }
0x552: {  	v36 =	vor.u32 v6, v33;
	_ =	sdelay $0x3  }
0x553: {  	[tilespmem:v35+s19+$0x0] =	vst.idx.msk $0xffff, v34  }
0x554: {  	v34 =	vld.idx.msk [tilespmem:v36+s2+$0x0], $0xffff  }
0x555: {  	v35 =	vor.u32 v7, v32  }
0x556: {  	v36 =	vor.u32 v8, v33;
	_ =	sdelay $0x3  }
0x557: {  	[tilespmem:v35+s19+$0x0] =	vst.idx.msk $0xffff, v34  }
0x558: {  	v34 =	vld.idx.msk [tilespmem:v36+s2+$0x0], $0xffff  }
0x559: {  	v35 =	vor.u32 v9, v32  }
0x55a: {  	v36 =	vor.u32 v10, v33;
	_ =	sdelay $0x3  }
0x55b: {  	[tilespmem:v35+s19+$0x0] =	vst.idx.msk $0xffff, v34  }
0x55c: {  	v34 =	vld.idx.msk [tilespmem:v36+s2+$0x0], $0xffff  }
0x55d: {  	v35 =	vor.u32 v11, v32  }
0x55e: {  	v36 =	vor.u32 v12, v33;
	_ =	sdelay $0x3  }
0x55f: {  	[tilespmem:v35+s19+$0x0] =	vst.idx.msk $0xffff, v34  }
0x560: {  	v34 =	vld.idx.msk [tilespmem:v36+s2+$0x0], $0xffff  }
0x561: {  	v35 =	vor.u32 v13, v32  }
0x562: {  	v36 =	vor.u32 v14, v33;
	_ =	sdelay $0x3  }
0x563: {  	[tilespmem:v35+s19+$0x0] =	vst.idx.msk $0xffff, v34  }
0x564: {  	v34 =	vld.idx.msk [tilespmem:v36+s2+$0x0], $0xffff  }
0x565: {  	v35 =	vor.u32 v15, v32  }
0x566: {  	v36 =	vor.u32 v16, v33;
	_ =	sdelay $0x3  }
0x567: {  	[tilespmem:v35+s19+$0x0] =	vst.idx.msk $0xffff, v34  }
0x568: {  	v34 =	vld.idx.msk [tilespmem:v36+s2+$0x0], $0xffff  }
0x569: {  	v35 =	vor.u32 v17, v32  }
0x56a: {  	v36 =	vor.u32 v18, v33;
	_ =	sdelay $0x3  }
0x56b: {  	[tilespmem:v35+s19+$0x0] =	vst.idx.msk $0xffff, v34  }
0x56c: {  	v34 =	vld.idx.msk [tilespmem:v36+s2+$0x0], $0xffff  }
0x56d: {  	v35 =	vor.u32 v19, v32  }
0x56e: {  	v36 =	vor.u32 v20, v33;
	_ =	sdelay $0x3  }
0x56f: {  	[tilespmem:v35+s19+$0x0] =	vst.idx.msk $0xffff, v34  }
0x570: {  	v34 =	vld.idx.msk [tilespmem:v36+s2+$0x0], $0xffff  }
0x571: {  	v35 =	vor.u32 v21, v32  }
0x572: {  	v36 =	vor.u32 v22, v33;
	_ =	sdelay $0x3  }
0x573: {  	[tilespmem:v35+s19+$0x0] =	vst.idx.msk $0xffff, v34  }
0x574: {  	v34 =	vld.idx.msk [tilespmem:v36+s2+$0x0], $0xffff  }
0x575: {  	v35 =	vor.u32 v23, v32  }
0x576: {  	v36 =	vor.u32 v24, v33;
	_ =	sdelay $0x3  }
0x577: {  	[tilespmem:v35+s19+$0x0] =	vst.idx.msk $0xffff, v34  }
0x578: {  	v34 =	vld.idx.msk [tilespmem:v36+s2+$0x0], $0xffff  }
0x579: {  	v35 =	vor.u32 v25, v32  }
0x57a: {  	v36 =	vor.u32 v26, v33;
	_ =	sdelay $0x3  }
0x57b: {  	[tilespmem:v35+s19+$0x0] =	vst.idx.msk $0xffff, v34  }
0x57c: {  	v34 =	vld.idx.msk [tilespmem:v36+s2+$0x0], $0xffff  }
0x57d: {  	v35 =	vor.u32 v27, v32  }
0x57e: {  	v36 =	vor.u32 v28, v33;
	_ =	sdelay $0x3  }
0x57f: {  	[tilespmem:v35+s19+$0x0] =	vst.idx.msk $0xffff, v34  }
0x580: {  	v35 =	vld.idx.msk [tilespmem:v36+s2+$0x0], $0xffff  }
.Ltmp9:
0x581: {  	v36 =	vor.u32 v29, v32;
	(pc) =	sbr.rel @p1 .LBB2_5-.Ltmp9, $2  }
0x582: {  	v33 =	vor.u32 v30, v33;
	_ =	sdelay $0x2  }
0x583: {  	s21 =	sadd.s32 $0x4, s21;
	v34 =	vadd.s32 s20, v0  }
.Ltmp10:
0x584: {  	_ = 	snop;
	(pc) =	sbr.rel .LBB2_6-.Ltmp10, $1  }
0x585: {  	_ =	sdelay $0x3  }
.LBB2_14:
0x586: {  	_ =	sfence.sel $0x180000  }
0x587: {  	[bflag:$0x0] =	sbarrier.arrive $0xFFFF  }
0x588: {  	p0 =	sne.s32 s3, $0x0;
	_ =	strace $0x90000047  }
0x589: {  	s0 =	sadd.s32 @!p0 $0x100000, s0;
	[bflag:$0x2] =	sbarrier.arrive $0xFFFF  }
0x58a: {  	[sflag:s0] =	ssyncadd.tile.s32 @!p0 $0x1;
	_ =	shalt  }
.Lfunc_end2:
_tile_overlayer_lowered:
.L_overlay_start_2:
0x58b: {  	(tag) =	ssettag $0x2  }
0x58c: {  	s0 =	rddreg [dreg:$0x0];
	s2 =	stileid.u32  }
0x58d: {  	s1 =	rddreg [dreg:$0x1];
	p0 =	sne.s32 s2, $0x0  }
0x58e: {  	s3 =	rddreg [dreg:$0x2];
	[bflag:$0x3] =	sbarrier.arrive $0xFFFF;
	s2 =	simm.s32 @!p0 $0x1C03  }
0x58f: {  	[timem:s3], [sflag:s2] =	dma.local @!p0 [hbm:s0], s1  }
0x590: {  	s0 =	simm.s32 @!p0 $0x3  }
0x591: {  	_ =	swait.ge @!p0 [sflag:s0], s1  }
0x592: {  	s1 =	ssub.s32 @!p0 $0x0, s1;
	[sflag:s0] =	ssyncset.done @!p0 $0x0  }
0x593: {  	[sflag:s0] =	ssyncadd.s32 @!p0 s1  }
0x594: {  	[bflag:$0x3] =	sbarrier.arrive $0xFFFF  }
0x595: {  	_ =	shalt  }

// kernel: kernel.7.cloned.1.call-start
scs
__scs_entry_jumppad:
0x0: {  	(pc) =	sbr.rel $0x88, $3  }
0x1: {  	(tag) =	ssettag $0x0;
	lr =	simm.s32 $0x1  }
0x2: {  	[smem:$0x3F9F] =	sst lr;
	_ =	strace $0xD0000000  }
0x3: {  	_ = 	snop  }
0x4: {  	_ = 	snop  }
0x5: {  	_ = 	snop  }
0x6: {  	_ = 	snop  }
0x7: {  	_ = 	snop  }
__scs_overlays_trampoline_lowered:
0x8: {  	[smem:$0x3FAE] =	sst s0  }
0x9: {  	[smem:$0x3FAF] =	sst s1  }
0xa: {  	[smem:$0x3FB0] =	sst s2  }
0xb: {  	[smem:$0x3FB1] =	sst s3  }
0xc: {  	[smem:$0x3FB2] =	sst s4  }
0xd: {  	[smem:$0x3FB3] =	sst s5  }
0xe: {  	[smem:$0x3FB4] =	sst s6  }
0xf: {  	[smem:$0x3FB5] =	sst s7  }
0x10: {  	[smem:$0x3FB6] =	sst s8  }
0x11: {  	[smem:$0x3FB7] =	sst s9;
	s0 =	simm.s32 @!p0 $0x0  }
0x12: {  	s1 =	sld [smem:$0x3F9D];
	s0 =	simm.s32 @p0 $0x1  }
0x13: {  	[smem:$0x3FB8] =	sst s0;
	s0 =	simm.s32 @!p1 $0x0  }
0x14: {  	s2 =	sld [smem:$0x3F9C];
	s0 =	simm.s32 @p1 $0x1  }
0x15: {  	[smem:$0x3FB9] =	sst s0;
	s0 =	simm.s32 @!p2 $0x0  }
0x16: {  	s3 =	sld [smem:$0x3FDB];
	s0 =	simm.s32 @p2 $0x1  }
0x17: {  	s4 =	simm.s32 $0x1BF5;
	[smem:$0x3FBB] =	sst s0  }
0x18: {  	s0 =	sld [smem:$0x3F9E];
	_ =	swait.ge [sflag:s4], $0x0  }
0x19: {  	s7 =	sld [smem:$0x3F9F]  }
0x1a: {  	s8 =	sadd.s32 $0xFFFFE003, lr  }
0x1b: {  	s9 =	sadd.s32 $0xFFFFFEF7, lr;
	s5 =	simm.s32 $0xFFFFFFFF;
	p2 =	slt.u32 s8, $0xFFFFF086  }
0x1c: {  	p1 =	slt.u32 s9, $0xF7A;
	s5 =	simm.s32 @!p2 $0x0  }
0x1d: {  	s5 =	simm.s32 @p1 $0x1;
	p0 =	seq.s32 s7, s2  }
0x1e: {  	s7 =	smul.u32 @!p0 $0xF7A, s2;
	p2 =	seq.s32 @!p0 s5, $0x0  }
0x1f: {  	s9 =	smul.u32 $0xF7A, s1;
	s8 =	simm.s32 @!p0 $0x1BF5;
	p2 =	por !p2, p0  }
0x20: {  	[sflag:s8] =	ssyncset.s32 @!p0 $0xFFFFF086;
	s6 =	sadd.s32 @!p0 s3, s7;
	s7 =	simm.s32 @!p0 $0x108  }
0x21: {  	s3 =	sadd.s32 s3, s9;
	s6 =	sadd.s32 @!p0 $0x88, s6;
	s7 =	simm.s32 @p2 $0x1082  }
0x22: {  	[simem:s7], [sflag:s8] =	dma.local @!p0 [hbm:s6], $0xF7A  }
0x23: {  	s9 =	sor.u32 $0xD0000000, s2;
	s6 =	simm.s32 $0x108;
	_ =	swait.ge @!p0 [sflag:s8], $0x0  }
0x24: {  	s3 =	sadd.s32 $0x88, s3;
	s6 =	simm.s32 @!p1 $0x1082;
	[sflag:s4] =	ssyncset.s32 $0xFFFFF086  }
0x25: {  	[simem:s6], [sflag:s4] =	dma.local [hbm:s3], $0xF7A  }
0x26: {  	[smem:$0x3F9F] =	sst s1;
	(tag) =	ssettag s2;
	_ =	strace s9  }
0x27: {  	s1 =	sld [smem:$0x3FAF]  }
0x28: {  	s2 =	sld [smem:$0x3FB0]  }
0x29: {  	s4 =	sld [smem:$0x3FB2]  }
0x2a: {  	p0 =	seq.s32 s5, $0x0;
	s5 =	sld [smem:$0x3FB3]  }
0x2b: {  	s6 =	sld [smem:$0x3FB4]  }
0x2c: {  	s7 =	sld [smem:$0x3FB5]  }
0x2d: {  	s3 =	simm.s32 $0x108;
	s8 =	sld [smem:$0x3FB6]  }
0x2e: {  	s3 =	simm.s32 @!p0 $0x1082;
	s9 =	sld [smem:$0x3FB7]  }
0x2f: {  	lr =	sadd.s32 s0, s3;
	s0 =	sld [smem:$0x3FAE]  }
0x30: {  	s3 =	sld [smem:$0x3FB1]  }
0x31: {  	[smem:$0x3FBA] =	sst s10  }
0x32: {  	s10 =	sld [smem:$0x3FB8];
	_ =	sdelay $0x3  }
0x33: {  	p0 =	seq.s32 s10, $0x1;
	s10 =	sld [smem:$0x3FBA];
	_ =	sdelay $0x3  }
0x34: {  	[smem:$0x3FBA] =	sst s10  }
0x35: {  	s10 =	sld [smem:$0x3FB9];
	_ =	sdelay $0x3  }
0x36: {  	p1 =	seq.s32 s10, $0x1;
	s10 =	sld [smem:$0x3FBA];
	_ =	sdelay $0x3  }
0x37: {  	[smem:$0x3FBA] =	sst s10  }
0x38: {  	s10 =	sld [smem:$0x3FBB]  }
0x39: {  	_ = 	snop;
	(pc) =	sbr.ind lr, $3  }
0x3a: {  	_ = 	snop  }
0x3b: {  	_ = 	snop  }
0x3c: {  	p2 =	seq.s32 s10, $0x1;
	s10 =	sld [smem:$0x3FBA]  }
0x3d: {  	_ =	shalt  }
0x3e: {  	_ =	shalt  }
0x3f: {  	_ =	shalt  }
0x40: {  	_ =	shalt  }
0x41: {  	_ =	shalt  }
0x42: {  	_ =	shalt  }
0x43: {  	_ =	shalt  }
0x44: {  	_ =	shalt  }
0x45: {  	_ =	shalt  }
0x46: {  	_ =	shalt  }
0x47: {  	_ =	shalt  }
0x48: {  	_ =	shalt  }
0x49: {  	_ =	shalt  }
0x4a: {  	_ =	shalt  }
0x4b: {  	_ =	shalt  }
0x4c: {  	_ =	shalt  }
0x4d: {  	_ =	shalt  }
0x4e: {  	_ =	shalt  }
0x4f: {  	_ =	shalt  }
0x50: {  	_ =	shalt  }
0x51: {  	_ =	shalt  }
0x52: {  	_ =	shalt  }
0x53: {  	_ =	shalt  }
0x54: {  	_ =	shalt  }
0x55: {  	_ =	shalt  }
0x56: {  	_ =	shalt  }
0x57: {  	_ =	shalt  }
0x58: {  	_ =	shalt  }
0x59: {  	_ =	shalt  }
0x5a: {  	_ =	shalt  }
0x5b: {  	_ =	shalt  }
0x5c: {  	_ =	shalt  }
0x5d: {  	_ =	shalt  }
0x5e: {  	_ =	shalt  }
0x5f: {  	_ =	shalt  }
0x60: {  	_ =	shalt  }
0x61: {  	_ =	shalt  }
0x62: {  	_ =	shalt  }
0x63: {  	_ =	shalt  }
0x64: {  	_ =	shalt  }
0x65: {  	_ =	shalt  }
0x66: {  	_ =	shalt  }
0x67: {  	_ =	shalt  }
0x68: {  	_ =	shalt  }
0x69: {  	_ =	shalt  }
0x6a: {  	_ =	shalt  }
0x6b: {  	_ =	shalt  }
0x6c: {  	_ =	shalt  }
0x6d: {  	_ =	shalt  }
0x6e: {  	_ =	shalt  }
0x6f: {  	_ =	shalt  }
0x70: {  	_ =	shalt  }
0x71: {  	_ =	shalt  }
0x72: {  	_ =	shalt  }
0x73: {  	_ =	shalt  }
0x74: {  	_ =	shalt  }
0x75: {  	_ =	shalt  }
0x76: {  	_ =	shalt  }
0x77: {  	_ =	shalt  }
0x78: {  	_ =	shalt  }
0x79: {  	_ =	shalt  }
0x7a: {  	_ =	shalt  }
0x7b: {  	_ =	shalt  }
0x7c: {  	_ =	shalt  }
0x7d: {  	_ =	shalt  }
0x7e: {  	_ =	shalt  }
0x7f: {  	_ =	shalt  }
0x80: {  	_ =	shalt  }
0x81: {  	_ =	shalt  }
0x82: {  	_ =	shalt  }
0x83: {  	_ =	shalt  }
0x84: {  	_ =	shalt  }
0x85: {  	_ =	shalt  }
0x86: {  	_ =	shalt  }
0x87: {  	_ =	shalt  }
.Lfunc_end0:
.L_simem_size_0:
called_computation.1_lowered:
.L_overlay_start_0:
0x88: {  	s2 =	sld [smem:$0x3FD9]  }
0x89: {  	s3 =	sld [smem:$0x3FFE];
	_ =	sdelay $0x1  }
0x8a: {  	s1 =	srdreg.scid  }
0x8b: {  	s0 =	sand.u32 $0x1, s1  }
0x8c: {  	s17 =	sshll.u32 s0, $0xA;
	s2 =	sadd.s32 s3, s2  }
0x8d: {  	s2 =	sadd.s32 s2, s17  }
0x8e: {  	[smem:$0x3FC6] =	sst s2  }
0x8f: {  	_ = 	snop  }
0x90: {  	s2 =	sld [smem:$0x3FD0];
	(tm) =	ssettm $0x1  }
0x91: {  	s18 =	sld [smem:$0x3FFB];
	_ =	sdelay $0x3  }
0x92: {  	_ =	strace s18  }
0x93: {  	s3 =	sld [smem:$0x3FFC];
	_ =	sdelay $0x3  }
0x94: {  	_ =	strace s3  }
0x95: {  	s3 =	sld [smem:$0x3FFD];
	_ =	sdelay $0x3  }
0x96: {  	_ =	strace s3  }
0x97: {  	_ =	strace $0x8FFFFFFF  }
0x98: {  	s19 =	sld [smem:$0x3FDB];
	_ =	sdelay $0x1  }
0x99: {  	s4 =	simm.s32 $_scs_section_size  }
0x9a: {  	s5 =	simm.s32 $_size__tile_overlayer_lowered;
	s6 =	simm.s32 $_tile_overlayer_lowered  }
0x9b: {  	s22 =	simm.s32 $0x1BFF;
	s21 =	sshll.u32 s6, $0x1;
	s3 =	sadd.s32 s4, s19  }
0x9c: {  	s7 =	simm.s32 $0x0;
	s20 =	sshll.u32 s5, $0x1;
	s5 =	sadd.s32 s21, s3  }
0x9d: {  	[timem:s7], [sflag:s22] =	dma.local [hbm:s5], s20  }
0x9e: {  	_ =	swait.ge [sflag:s22], s20  }
0x9f: {  	s4 =	ssub.s32 $0x0, s20;
	[sflag:s22] =	ssyncset.done $0x0  }
0xa0: {  	[sflag:s22] =	ssyncadd.s32 s4;
	_ =	sdelay $0x1  }
0xa1: {  	s23 =	simm.s32 $0x1B8B  }
0xa2: {  	_ =	swait.ge [sflag:s23], $0x1  }
0xa3: {  	[sflag:s23] =	ssyncset.done $0x0  }
0xa4: {  	s25 =	simm.s32 $0x1B8E;
	s24 =	sld [smem:$0x3FFE];
	[sflag:s23] =	ssyncadd.s32 $0xFFFFFFFF  }
0xa5: {  	s26 =	simm.s32 $execute0_lowered;
	[smem:$0x3FD2] =	sst s25  }
0xa6: {  	s5 =	sshll.u32 s26, $0x1;
	_ =	strace $0x80000049;
	[dreg:$0x1] =	wrdreg $0xFFFFFFFF  }
0xa7: {  	s28 =	simm.s32 $_size_execute0_lowered;
	s3 =	sadd.s32 s3, s5;
	[dreg:$0x0] =	wrdreg $0x0  }
0xa8: {  	s5 =	sshll.u32 s28, $0x1;
	[dreg:$0x2] =	wrdreg s3  }
0xa9: {  	[dreg:$0x3] =	wrdreg s5  }
0xaa: {  	[dreg:$0x4] =	wrdreg $0xC0  }
0xab: {  	_ =	task [dreg:s7], $0x5FFFF  }
0xac: {  	[dreg:$0x1] =	wrdreg $0xFFFFFFFF  }
0xad: {  	[dreg:$0x0] =	wrdreg $0x60  }
0xae: {  	[dreg:$0x2] =	wrdreg s24  }
0xaf: {  	[dreg:$0x3] =	wrdreg s2  }
0xb0: {  	[dreg:$0x4] =	wrdreg $0x9  }
0xb1: {  	_ =	task.clear_ibuf [dreg:s7], $0x5FFFF;
	_ =	strace $0x90000049  }
0xb2: {  	s29 =	simm.s32 $0x9;
	_ =	strace $0x8000004B  }
0xb3: {  	_ =	swait.ge [sflag:s29], $0x1  }
0xb4: {  	[sflag:s29] =	ssyncadd.s32 $0xFFFFFFFF  }
0xb5: {  	_ =	strace $0x9000004B  }
0xb6: {  	_ =	sfence  }
0xb7: {  	s30 =	sld [smem:$0x0];
	_ =	sdelay $0x2  }
0xb8: {  	s31 =	sshll.u32 s1, $0xD;
	s1 =	sshrl.u32 s1, $0x2  }
0xb9: {  	s3 =	sand.u32 $0x4000, s31;
	s1 =	sadd.s32 s1, s30  }
0xba: {  	s0 =	sor.u32 s3, s0;
	s1 =	sshll.u32 s1, $0x11  }
0xbb: {  	s0 =	sor.u32 s1, s0  }
0xbc: {  	s0 =	sadd.s32 $0x8F2B, s0  }
0xbd: {  	[sflag:s0] =	ssyncadd.remote.s32 $0x1  }
0xbe: {  	_ =	sfence.sel $0xFFFF  }
0xbf: {  	[dreg:$0x0] =	wrdreg $0xFFFFFFFF;
	(pc) =	sbr.abs _section_cstart, $3  }
0xc0: {  	[dreg:$0x1] =	wrdreg $0xFFFFFFFF  }
0xc1: {  	_ =	task.clear_ibuf [dreg:s7], $0x2FFFF;
	_ =	strace $0x9FFFFFFF  }
0xc2: {  	(tm) =	ssettm $0x7FFFFFFF  }
0xc3: {  	_ =	shalt  }
tec
execute0_lowered:
.L_overlay_start_1:
0x0: {  	(tag) =	ssettag $0x1  }
0x1: {  	s5 =	rddreg [dreg:$0x0]  }
0x2: {  	s1 =	rddreg [dreg:$0x1]  }
0x3: {  	s0 =	rddreg [dreg:$0x2];
	s2 =	simm.s32 $0x0;
	s3 =	srdreg.scid  }
0x4: {  	s10 =	simm.s32 $0x1900;
	s11 =	simm.s32 $0x3200;
	s12 =	simm.s32 $0x1980  }
0x5: {  	v0 =	vlaneseq.u32;
	s13 =	simm.s32 $0x4200;
	s14 =	simm.s32 $0x1;
	s15 =	simm.s32 $0x400  }
0x6: {  	s16 =	simm.s32 $0x20000;
	s17 =	simm.s32 $0x2;
	s18 =	simm.s32 $0x0;
	v1 =	vmul.u32 $0x20, v0  }
0x7: {  	[smem:$0x7FF] =	sst s2;
	s6 =	sand.u32 $0x1, s3;
	s4 =	sadd.s32 $0x3D1400, s5;
	v2 =	vmul.u32 $0x32, v0;
	v4 =	vor.u32 $0x10, v0;
	v6 =	vor.u32 $0x20, v0  }
0x8: {  	s3 =	stileid.u32;
	s5 =	sadd.s32 $0xA00, s5;
	v8 =	vor.u32 $0x30, v0;
	v10 =	vor.u32 $0x40, v0;
	v12 =	vor.u32 $0x50, v0;
	s7 =	ssub.s32 $0x2, s6  }
0x9: {  	v14 =	vor.u32 $0x60, v0;
	v16 =	vor.u32 $0x70, v0;
	s9 =	sshll.u32 s3, $0x3;
	s6 =	sshll.u32 s6, $0x2;
	s8 =	sshrl.u32 s7, $0x1;
	v3 =	vor.u32 $0x200, v1  }
0xa: {  	_ =	strace $0x8000004A;
	s6 =	sor.u32 s6, s9;
	v5 =	vor.u32 $0x400, v1;
	v7 =	vor.u32 $0x600, v1;
	v9 =	vor.u32 $0x800, v1;
	s7 =	ssub.s32 s7, s8  }
0xb: {  	s9 =	simm.s32 $0x80;
	v11 =	vor.u32 $0xA00, v1;
	v13 =	vor.u32 $0xC00, v1;
	v15 =	vor.u32 $0xE00, v1;
	s8 =	simm.s32 $0x3;
	s7 =	smax.u32 s7, $0x1  }
.LBB2_1:
0xc: {  	s19 =	simm.s32 $0x0  }
.LBB2_2:
0xd: {  	s20 =	sadd.s32 s6, s19  }
0xe: {  	s21 =	smul.u32 $0x320, s20  }
0xf: {  	s22 =	simm.s32 $0x0  }
0x10: {  	v17 =	vadd.s32 s22, v2;
	s21 =	sadd.s32 s4, s21  }
0x11: {  	[tilespmem:s22], [sflag:$0x3] =	stream.linear.gather [hbm4b:s21+s22], $0x1900, $0x38;
	[tilespmem:$0x8200] =	vst v63  }
0x12: {  	_ =	swait.ge [sflag:s8], $0x1900  }
0x13: {  	[sflag:s8] =	ssyncset.done $0x0  }
0x14: {  	[sflag:s8] =	ssyncadd.s32 $0xFFFFE700  }
0x15: {  	s24 =	simm.s32 $0x320;
	v17 =	vld.idx.msk [tilespmem:v17+s2+$0x0], $0xffff  }
0x16: {  	v18 =	vadd.s32 s24, v2;
	_ =	sdelay $0x2  }
0x17: {  	s21 =	simm.s32 $0x1940  }
0x18: {  	[tilespmem:s21+$0xFFFFFFC0] =	vst v17  }
0x19: {  	s25 =	simm.s32 $0x640;
	v17 =	vld.idx.msk [tilespmem:v18+s2+$0x0], $0xffff  }
0x1a: {  	v18 =	vadd.s32 s25, v2;
	_ =	sdelay $0x3  }
0x1b: {  	[tilespmem:s21+$0xFFFFFFD0] =	vst v17  }
0x1c: {  	s26 =	simm.s32 $0x960;
	v17 =	vld.idx.msk [tilespmem:v18+s2+$0x0], $0xffff  }
0x1d: {  	v18 =	vadd.s32 s26, v2;
	_ =	sdelay $0x3  }
0x1e: {  	[tilespmem:s21+$0xFFFFFFE0] =	vst v17  }
0x1f: {  	s28 =	simm.s32 $0xC80;
	v17 =	vld.idx.msk [tilespmem:v18+s2+$0x0], $0xffff  }
0x20: {  	v18 =	vadd.s32 s28, v2;
	_ =	sdelay $0x3  }
0x21: {  	[tilespmem:s21+$0xFFFFFFF0] =	vst v17  }
0x22: {  	s29 =	simm.s32 $0xFA0;
	v17 =	vld.idx.msk [tilespmem:v18+s2+$0x0], $0xffff  }
0x23: {  	v18 =	vadd.s32 s29, v2;
	_ =	sdelay $0x3  }
0x24: {  	[tilespmem:s21+$0x0] =	vst v17  }
0x25: {  	s30 =	simm.s32 $0x12C0;
	v17 =	vld.idx.msk [tilespmem:v18+s2+$0x0], $0xffff  }
0x26: {  	v18 =	vadd.s32 s30, v2;
	_ =	sdelay $0x3  }
0x27: {  	[tilespmem:s21+$0x10] =	vst v17  }
0x28: {  	s31 =	simm.s32 $0x15E0;
	v17 =	vld.idx.msk [tilespmem:v18+s2+$0x0], $0xffff  }
0x29: {  	v18 =	vadd.s32 s31, v2;
	_ =	sdelay $0x3  }
0x2a: {  	[tilespmem:s21+$0x20] =	vst v17  }
0x2b: {  	s22 =	simm.s32 $0x1;
	v17 =	vld.idx.msk [tilespmem:v18+s2+$0x0], $0xffff  }
0x2c: {  	s23 =	simm.s32 $0x2;
	v18 =	vadd.s32 s22, v2  }
.LBB2_3:
0x2d: {  	p0 =	sne.s32 s23, $0x31;
	_ =	sdelay $0x2  }
0x2e: {  	[tilespmem:s21+$0x30] =	vst v17  }
0x2f: {  	v17 =	vld.idx.msk [tilespmem:v18+s2+$0x0], $0xffff  }
0x30: {  	s24 =	sadd.s32 $0x320, s22  }
0x31: {  	v18 =	vadd.s32 s24, v2;
	_ =	sdelay $0x2  }
0x32: {  	s21 =	sadd.s32 $0x80, s21  }
0x33: {  	[tilespmem:s21+$0xFFFFFFC0] =	vst v17  }
0x34: {  	v17 =	vld.idx.msk [tilespmem:v18+s2+$0x0], $0xffff  }
0x35: {  	s24 =	sadd.s32 $0x640, s22  }
0x36: {  	v18 =	vadd.s32 s24, v2;
	_ =	sdelay $0x3  }
0x37: {  	[tilespmem:s21+$0xFFFFFFD0] =	vst v17  }
0x38: {  	v17 =	vld.idx.msk [tilespmem:v18+s2+$0x0], $0xffff  }
0x39: {  	s24 =	sadd.s32 $0x960, s22  }
0x3a: {  	v18 =	vadd.s32 s24, v2;
	_ =	sdelay $0x3  }
0x3b: {  	[tilespmem:s21+$0xFFFFFFE0] =	vst v17  }
0x3c: {  	v17 =	vld.idx.msk [tilespmem:v18+s2+$0x0], $0xffff  }
0x3d: {  	s24 =	sadd.s32 $0xC80, s22  }
0x3e: {  	v18 =	vadd.s32 s24, v2;
	_ =	sdelay $0x3  }
0x3f: {  	[tilespmem:s21+$0xFFFFFFF0] =	vst v17  }
0x40: {  	v17 =	vld.idx.msk [tilespmem:v18+s2+$0x0], $0xffff  }
0x41: {  	s24 =	sadd.s32 $0xFA0, s22  }
0x42: {  	v18 =	vadd.s32 s24, v2;
	_ =	sdelay $0x3  }
0x43: {  	[tilespmem:s21+$0x0] =	vst v17  }
0x44: {  	v17 =	vld.idx.msk [tilespmem:v18+s2+$0x0], $0xffff  }
0x45: {  	s24 =	sadd.s32 $0x12C0, s22  }
0x46: {  	v18 =	vadd.s32 s24, v2;
	_ =	sdelay $0x3  }
0x47: {  	[tilespmem:s21+$0x10] =	vst v17  }
0x48: {  	v17 =	vld.idx.msk [tilespmem:v18+s2+$0x0], $0xffff  }
0x49: {  	s24 =	sadd.s32 $0x15E0, s22;
	s22 =	smov.u32 s23  }
0x4a: {  	v18 =	vadd.s32 s24, v2;
	_ =	sdelay $0x2  }
.Ltmp0:
0x4b: {  	(pc) =	sbr.rel @p0 .LBB2_3-.Ltmp0, $3  }
0x4c: {  	[tilespmem:s21+$0x20] =	vst v17  }
0x4d: {  	v17 =	vld.idx.msk [tilespmem:v18+s2+$0x0], $0xffff;
	_ =	sdelay $0x1  }
0x4e: {  	s23 =	sadd.s32 $0x1, s23;
	v18 =	vadd.s32 s22, v2  }
0x4f: {  	_ =	sdelay $0x2  }
0x50: {  	[tilespmem:s21+$0x30] =	vst v17  }
0x51: {  	s23 =	sadd.s32 $0x320, s22;
	v17 =	vld.idx.msk [tilespmem:v18+s2+$0x0], $0xffff  }
0x52: {  	v18 =	vadd.s32 s23, v2;
	_ =	sdelay $0x2  }
0x53: {  	s24 =	sadd.s32 $0x80, s21  }
0x54: {  	[tilespmem:s24+$0xFFFFFFC0] =	vst v17  }
0x55: {  	s25 =	sadd.s32 $0x640, s22;
	v17 =	vld.idx.msk [tilespmem:v18+s2+$0x0], $0xffff  }
0x56: {  	v18 =	vadd.s32 s25, v2;
	_ =	sdelay $0x3  }
0x57: {  	[tilespmem:s24+$0xFFFFFFD0] =	vst v17  }
0x58: {  	s26 =	sadd.s32 $0x960, s22;
	v17 =	vld.idx.msk [tilespmem:v18+s2+$0x0], $0xffff  }
0x59: {  	v18 =	vadd.s32 s26, v2;
	_ =	sdelay $0x3  }
0x5a: {  	[tilespmem:s24+$0xFFFFFFE0] =	vst v17  }
0x5b: {  	s28 =	sadd.s32 $0xC80, s22;
	v17 =	vld.idx.msk [tilespmem:v18+s2+$0x0], $0xffff  }
0x5c: {  	v18 =	vadd.s32 s28, v2;
	_ =	sdelay $0x3  }
0x5d: {  	[tilespmem:s24+$0xFFFFFFF0] =	vst v17  }
0x5e: {  	s29 =	sadd.s32 $0xFA0, s22;
	v17 =	vld.idx.msk [tilespmem:v18+s2+$0x0], $0xffff  }
0x5f: {  	v18 =	vadd.s32 s29, v2;
	_ =	sdelay $0x3  }
0x60: {  	[tilespmem:s24+$0x0] =	vst v17  }
0x61: {  	s30 =	sadd.s32 $0x12C0, s22;
	v17 =	vld.idx.msk [tilespmem:v18+s2+$0x0], $0xffff  }
0x62: {  	v18 =	vadd.s32 s30, v2;
	_ =	sdelay $0x3  }
0x63: {  	[tilespmem:s24+$0x10] =	vst v17  }
0x64: {  	s31 =	sadd.s32 $0x15E0, s22;
	v17 =	vld.idx.msk [tilespmem:v18+s2+$0x0], $0xffff  }
0x65: {  	v18 =	vadd.s32 s31, v2;
	_ =	sdelay $0x3  }
0x66: {  	[tilespmem:s24+$0x20] =	vst v17  }
0x67: {  	v17 =	vld.idx.msk [tilespmem:v18+s2+$0x0], $0xffff;
	_ =	sdelay $0x4  }
0x68: {  	s20 =	sshll.u32 s20, $0x7;
	[tilespmem:s24+$0x30] =	vst v17  }
0x69: {  	[tilespmem:s11], [sflag:$0x1] =	stream.indirect.gather [hbm4b:s5+s9], $0x20, s10, s9, $0xb8;
	[tilespmem:$0x8200] =	vst v63  }
0x6a: {  	s22 =	simm.s32 $0x0;
	s20 =	sadd.s32 s1, s20;
	s21 =	simm.s32 $0x0  }
0x6b: {  	[tilespmem:s13], [sflag:$0x1] =	stream.indirect.gather [hbm4b:s5+s9], $0x20, s12, s9, $0xb8;
	[tilespmem:$0x8200] =	vst v63  }
.LBB2_5:
0x6c: {  	p0 =	sgt.u32 s22, $0x2F  }
0x6d: {  	s23 =	sadd.s32 @!p0 $0x2, s22  }
0x6e: {  	s24 =	smul.u32 @!p0 $0xAB, s23;
	_ =	sdelay $0x1  }
0x6f: {  	s24 =	sshrl.u32 @!p0 s24, $0x9  }
0x70: {  	s24 =	sand.u32 @!p0 $0x7F, s24  }
0x71: {  	s24 =	smul.u32 @!p0 $0x3, s24;
	_ =	sdelay $0x1  }
0x72: {  	s25 =	smul.u32 $0xAB, s22;
	s24 =	ssub.s32 @!p0 s23, s24  }
0x73: {  	s26 =	simm.s32 @!p0 $0x80;
	s23 =	sshll.u32 @!p0 s23, $0x7;
	s24 =	sand.u32 @!p0 $0xFF, s24  }
0x74: {  	s25 =	sshrl.u32 s25, $0x9;
	s23 =	sand.u32 @!p0 $0x3FFFFF80, s23;
	s24 =	sshll.u32 @!p0 s24, $0xC  }
0x75: {  	s25 =	sand.u32 $0x7F, s25;
	s23 =	sadd.s32 @!p0 $0x1900, s23;
	s24 =	sadd.s32 @!p0 $0x3200, s24  }
0x76: {  	v17 =	vadd.s32 s21, v0;
	[tilespmem:s24], [sflag:$0x1] =	stream.indirect.gather @!p0 [hbm4b:s5+s26], $0x20, s23, s26, $0xb8;
	[tilespmem:$0x8200] =	vst v63  }
0x77: {  	v18 =	vand.u32 $0x1F, v17;
	s26 =	smul.u32 $0x3, s25;
	_ =	swait.ge [sflag:s14], $0x1000  }
0x78: {  	v19 =	vor.u32 v1, v18;
	p0 =	slt.u32 s22, $0x2;
	[sflag:s14] =	ssyncset.done $0x0  }
0x79: {  	s24 =	simm.s32 @!p0 $0x2;
	s23 =	ssub.s32 s22, s26;
	[sflag:s14] =	ssyncadd.s32 $0xFFFFF000  }
0x7a: {  	s23 =	sand.u32 $0xFF, s23;
	_ =	swait.ge @!p0 [sflag:s24], $0x1000  }
0x7b: {  	v17 =	vshll.u32 v17, $0x7;
	s23 =	sshll.u32 s23, $0xC;
	[sflag:s24] =	ssyncset.done @!p0 $0x0  }
0x7c: {  	v17 =	vand.u32 $0xF80, v17;
	s23 =	sadd.s32 $0x3200, s23;
	[sflag:s24] =	ssyncadd.s32 @!p0 $0xFFFFF000  }
0x7d: {  	v20 =	vor.u32 v0, v17;
	v19 =	vld.idx.msk [tilespmem:v19+s23+$0x0], $0xffff  }
0x7e: {  	v21 =	vor.u32 v3, v18  }
0x7f: {  	s28 =	sshll.u32 s22, $0xC  }
0x80: {  	s24 =	sand.u32 $0x1000, s28  }
0x81: {  	s24 =	sor.u32 $0x6200, s24  }
0x82: {  	[tilespmem:v20+s24+$0x0] =	vst.idx.msk $0xffff, v19  }
0x83: {  	v20 =	vor.u32 v4, v17;
	v19 =	vld.idx.msk [tilespmem:v21+s23+$0x0], $0xffff  }
0x84: {  	v38 =	vor.u32 v5, v18;
	_ =	sdelay $0x3  }
0x85: {  	[tilespmem:v20+s24+$0x0] =	vst.idx.msk $0xffff, v19  }
0x86: {  	v20 =	vor.u32 v6, v17;
	v19 =	vld.idx.msk [tilespmem:v38+s23+$0x0], $0xffff  }
0x87: {  	v39 =	vor.u32 v7, v18;
	_ =	sdelay $0x3  }
0x88: {  	[tilespmem:v20+s24+$0x0] =	vst.idx.msk $0xffff, v19  }
0x89: {  	v20 =	vor.u32 v8, v17;
	v19 =	vld.idx.msk [tilespmem:v39+s23+$0x0], $0xffff  }
0x8a: {  	v40 =	vor.u32 v9, v18;
	_ =	sdelay $0x3  }
0x8b: {  	[tilespmem:v20+s24+$0x0] =	vst.idx.msk $0xffff, v19  }
0x8c: {  	v20 =	vor.u32 v10, v17;
	v19 =	vld.idx.msk [tilespmem:v40+s23+$0x0], $0xffff  }
0x8d: {  	v41 =	vor.u32 v11, v18;
	_ =	sdelay $0x3  }
0x8e: {  	[tilespmem:v20+s24+$0x0] =	vst.idx.msk $0xffff, v19  }
0x8f: {  	v20 =	vor.u32 v12, v17;
	v19 =	vld.idx.msk [tilespmem:v41+s23+$0x0], $0xffff  }
0x90: {  	v42 =	vor.u32 v13, v18;
	_ =	sdelay $0x3  }
0x91: {  	[tilespmem:v20+s24+$0x0] =	vst.idx.msk $0xffff, v19  }
0x92: {  	v20 =	vor.u32 v14, v17;
	v19 =	vld.idx.msk [tilespmem:v42+s23+$0x0], $0xffff  }
0x93: {  	v18 =	vor.u32 v15, v18;
	_ =	sdelay $0x2  }
0x94: {  	s29 =	simm.s32 $0x1  }
0x95: {  	[tilespmem:v20+s24+$0x0] =	vst.idx.msk $0xffff, v19;
	v19 =	vadd.s32 s29, v0  }
0x96: {  	v17 =	vor.u32 v16, v17;
	v18 =	vld.idx.msk [tilespmem:v18+s23+$0x0], $0xffff;
	v20 =	vand.u32 $0x1F, v19  }
0x97: {  	v43 =	vor.u32 v1, v20;
	_ =	sdelay $0x2  }
0x98: {  	v19 =	vshll.u32 v19, $0x7  }
0x99: {  	[tilespmem:v17+s24+$0x0] =	vst.idx.msk $0xffff, v18;
	v17 =	vand.u32 $0xF80, v19  }
0x9a: {  	v18 =	vld.idx.msk [tilespmem:v43+s23+$0x0], $0xffff;
	v19 =	vor.u32 v0, v17  }
0x9b: {  	v44 =	vor.u32 v3, v20;
	_ =	sdelay $0x3  }
0x9c: {  	[tilespmem:v19+s24+$0x0] =	vst.idx.msk $0xffff, v18  }
0x9d: {  	v19 =	vor.u32 v4, v17;
	v18 =	vld.idx.msk [tilespmem:v44+s23+$0x0], $0xffff  }
0x9e: {  	v45 =	vor.u32 v5, v20;
	_ =	sdelay $0x3  }
0x9f: {  	[tilespmem:v19+s24+$0x0] =	vst.idx.msk $0xffff, v18  }
0xa0: {  	v19 =	vor.u32 v6, v17;
	v18 =	vld.idx.msk [tilespmem:v45+s23+$0x0], $0xffff  }
0xa1: {  	v46 =	vor.u32 v7, v20;
	_ =	sdelay $0x3  }
0xa2: {  	[tilespmem:v19+s24+$0x0] =	vst.idx.msk $0xffff, v18  }
0xa3: {  	v19 =	vor.u32 v8, v17;
	v18 =	vld.idx.msk [tilespmem:v46+s23+$0x0], $0xffff  }
0xa4: {  	v47 =	vor.u32 v9, v20;
	_ =	sdelay $0x3  }
0xa5: {  	[tilespmem:v19+s24+$0x0] =	vst.idx.msk $0xffff, v18  }
0xa6: {  	v19 =	vor.u32 v10, v17;
	v18 =	vld.idx.msk [tilespmem:v47+s23+$0x0], $0xffff  }
0xa7: {  	v48 =	vor.u32 v11, v20;
	_ =	sdelay $0x3  }
0xa8: {  	[tilespmem:v19+s24+$0x0] =	vst.idx.msk $0xffff, v18  }
0xa9: {  	v19 =	vor.u32 v12, v17;
	v18 =	vld.idx.msk [tilespmem:v48+s23+$0x0], $0xffff  }
0xaa: {  	v49 =	vor.u32 v13, v20;
	_ =	sdelay $0x3  }
0xab: {  	[tilespmem:v19+s24+$0x0] =	vst.idx.msk $0xffff, v18  }
0xac: {  	v19 =	vor.u32 v14, v17;
	v18 =	vld.idx.msk [tilespmem:v49+s23+$0x0], $0xffff  }
0xad: {  	v20 =	vor.u32 v15, v20;
	_ =	sdelay $0x2  }
0xae: {  	s30 =	simm.s32 $0x2  }
0xaf: {  	[tilespmem:v19+s24+$0x0] =	vst.idx.msk $0xffff, v18;
	v18 =	vadd.s32 s30, v0  }
0xb0: {  	v17 =	vor.u32 v16, v17;
	v19 =	vld.idx.msk [tilespmem:v20+s23+$0x0], $0xffff;
	v20 =	vand.u32 $0x1F, v18  }
0xb1: {  	v50 =	vor.u32 v1, v20;
	_ =	sdelay $0x2  }
0xb2: {  	v18 =	vshll.u32 v18, $0x7  }
0xb3: {  	[tilespmem:v17+s24+$0x0] =	vst.idx.msk $0xffff, v19;
	v17 =	vand.u32 $0xF80, v18  }
0xb4: {  	v18 =	vld.idx.msk [tilespmem:v50+s23+$0x0], $0xffff;
	v19 =	vor.u32 v0, v17  }
0xb5: {  	v51 =	vor.u32 v3, v20;
	_ =	sdelay $0x3  }
0xb6: {  	[tilespmem:v19+s24+$0x0] =	vst.idx.msk $0xffff, v18  }
0xb7: {  	v19 =	vor.u32 v4, v17;
	v18 =	vld.idx.msk [tilespmem:v51+s23+$0x0], $0xffff  }
0xb8: {  	v52 =	vor.u32 v5, v20;
	_ =	sdelay $0x3  }
0xb9: {  	[tilespmem:v19+s24+$0x0] =	vst.idx.msk $0xffff, v18  }
0xba: {  	v19 =	vor.u32 v6, v17;
	v18 =	vld.idx.msk [tilespmem:v52+s23+$0x0], $0xffff  }
0xbb: {  	v53 =	vor.u32 v7, v20;
	_ =	sdelay $0x3  }
0xbc: {  	[tilespmem:v19+s24+$0x0] =	vst.idx.msk $0xffff, v18  }
0xbd: {  	v19 =	vor.u32 v8, v17;
	v18 =	vld.idx.msk [tilespmem:v53+s23+$0x0], $0xffff  }
0xbe: {  	v54 =	vor.u32 v9, v20;
	_ =	sdelay $0x3  }
0xbf: {  	[tilespmem:v19+s24+$0x0] =	vst.idx.msk $0xffff, v18  }
0xc0: {  	v19 =	vor.u32 v10, v17;
	v18 =	vld.idx.msk [tilespmem:v54+s23+$0x0], $0xffff  }
0xc1: {  	v55 =	vor.u32 v11, v20;
	_ =	sdelay $0x3  }
0xc2: {  	[tilespmem:v19+s24+$0x0] =	vst.idx.msk $0xffff, v18  }
0xc3: {  	v19 =	vor.u32 v12, v17;
	v18 =	vld.idx.msk [tilespmem:v55+s23+$0x0], $0xffff  }
0xc4: {  	v56 =	vor.u32 v13, v20;
	_ =	sdelay $0x3  }
0xc5: {  	[tilespmem:v19+s24+$0x0] =	vst.idx.msk $0xffff, v18  }
0xc6: {  	v19 =	vor.u32 v14, v17;
	v18 =	vld.idx.msk [tilespmem:v56+s23+$0x0], $0xffff  }
0xc7: {  	v20 =	vor.u32 v15, v20;
	_ =	sdelay $0x2  }
0xc8: {  	s31 =	simm.s32 $0x3  }
0xc9: {  	[tilespmem:v19+s24+$0x0] =	vst.idx.msk $0xffff, v18;
	v18 =	vadd.s32 s31, v0  }
0xca: {  	v17 =	vor.u32 v16, v17;
	v19 =	vld.idx.msk [tilespmem:v20+s23+$0x0], $0xffff;
	v20 =	vand.u32 $0x1F, v18  }
0xcb: {  	v57 =	vor.u32 v1, v20;
	_ =	sdelay $0x2  }
0xcc: {  	v18 =	vshll.u32 v18, $0x7  }
0xcd: {  	[tilespmem:v17+s24+$0x0] =	vst.idx.msk $0xffff, v19;
	v17 =	vand.u32 $0xF80, v18  }
0xce: {  	v18 =	vld.idx.msk [tilespmem:v57+s23+$0x0], $0xffff;
	v19 =	vor.u32 v0, v17  }
0xcf: {  	v58 =	vor.u32 v3, v20;
	_ =	sdelay $0x3  }
0xd0: {  	[tilespmem:v19+s24+$0x0] =	vst.idx.msk $0xffff, v18  }
0xd1: {  	v19 =	vor.u32 v4, v17;
	v18 =	vld.idx.msk [tilespmem:v58+s23+$0x0], $0xffff  }
0xd2: {  	v59 =	vor.u32 v5, v20;
	_ =	sdelay $0x3  }
0xd3: {  	[tilespmem:v19+s24+$0x0] =	vst.idx.msk $0xffff, v18  }
0xd4: {  	v19 =	vor.u32 v6, v17;
	v18 =	vld.idx.msk [tilespmem:v59+s23+$0x0], $0xffff  }
0xd5: {  	v60 =	vor.u32 v7, v20;
	_ =	sdelay $0x3  }
0xd6: {  	[tilespmem:v19+s24+$0x0] =	vst.idx.msk $0xffff, v18  }
0xd7: {  	v19 =	vor.u32 v8, v17;
	v18 =	vld.idx.msk [tilespmem:v60+s23+$0x0], $0xffff  }
0xd8: {  	v61 =	vor.u32 v9, v20;
	_ =	sdelay $0x3  }
0xd9: {  	[tilespmem:v19+s24+$0x0] =	vst.idx.msk $0xffff, v18  }
0xda: {  	v19 =	vor.u32 v10, v17;
	v18 =	vld.idx.msk [tilespmem:v61+s23+$0x0], $0xffff  }
0xdb: {  	v62 =	vor.u32 v11, v20;
	_ =	sdelay $0x3  }
0xdc: {  	[tilespmem:v19+s24+$0x0] =	vst.idx.msk $0xffff, v18  }
0xdd: {  	v19 =	vor.u32 v12, v17;
	v18 =	vld.idx.msk [tilespmem:v62+s23+$0x0], $0xffff  }
0xde: {  	v63 =	vor.u32 v13, v20;
	_ =	sdelay $0x3  }
0xdf: {  	[tilespmem:v19+s24+$0x0] =	vst.idx.msk $0xffff, v18  }
0xe0: {  	v19 =	vor.u32 v14, v17;
	v18 =	vld.idx.msk [tilespmem:v63+s23+$0x0], $0xffff  }
0xe1: {  	v20 =	vor.u32 v15, v20;
	_ =	sdelay $0x3  }
0xe2: {  	s25 =	simm.s32 $0x4;
	[tilespmem:v19+s24+$0x0] =	vst.idx.msk $0xffff, v18  }
0xe3: {  	s26 =	simm.s32 $0x8;
	v18 =	vadd.s32 s25, v0;
	v19 =	vld.idx.msk [tilespmem:v20+s23+$0x0], $0xffff  }
.LBB2_6:
0xe4: {  	p0 =	slt.u32 s26, $0x1C;
	v20 =	vand.u32 $0x1F, v18;
	v17 =	vor.u32 v16, v17  }
0xe5: {  	v21 =	vor.u32 v1, v20;
	_ =	sdelay $0x3  }
0xe6: {  	v18 =	vshll.u32 v18, $0x7;
	[tilespmem:v17+s24+$0x0] =	vst.idx.msk $0xffff, v19  }
0xe7: {  	v18 =	vand.u32 $0xF80, v18;
	v17 =	vld.idx.msk [tilespmem:v21+s23+$0x0], $0xffff  }
0xe8: {  	v19 =	vor.u32 v0, v18  }
0xe9: {  	v21 =	vor.u32 v3, v20;
	_ =	sdelay $0x3  }
0xea: {  	[tilespmem:v19+s24+$0x0] =	vst.idx.msk $0xffff, v17  }
0xeb: {  	v17 =	vld.idx.msk [tilespmem:v21+s23+$0x0], $0xffff  }
0xec: {  	v19 =	vor.u32 v4, v18  }
0xed: {  	v21 =	vor.u32 v5, v20;
	_ =	sdelay $0x3  }
0xee: {  	[tilespmem:v19+s24+$0x0] =	vst.idx.msk $0xffff, v17  }
0xef: {  	v17 =	vld.idx.msk [tilespmem:v21+s23+$0x0], $0xffff  }
0xf0: {  	v19 =	vor.u32 v6, v18  }
0xf1: {  	v21 =	vor.u32 v7, v20;
	_ =	sdelay $0x3  }
0xf2: {  	[tilespmem:v19+s24+$0x0] =	vst.idx.msk $0xffff, v17  }
0xf3: {  	v17 =	vld.idx.msk [tilespmem:v21+s23+$0x0], $0xffff  }
0xf4: {  	v19 =	vor.u32 v8, v18  }
0xf5: {  	v21 =	vor.u32 v9, v20;
	_ =	sdelay $0x3  }
0xf6: {  	[tilespmem:v19+s24+$0x0] =	vst.idx.msk $0xffff, v17  }
0xf7: {  	v17 =	vld.idx.msk [tilespmem:v21+s23+$0x0], $0xffff  }
0xf8: {  	v19 =	vor.u32 v10, v18  }
0xf9: {  	v21 =	vor.u32 v11, v20;
	_ =	sdelay $0x3  }
0xfa: {  	[tilespmem:v19+s24+$0x0] =	vst.idx.msk $0xffff, v17  }
0xfb: {  	v17 =	vld.idx.msk [tilespmem:v21+s23+$0x0], $0xffff  }
0xfc: {  	v19 =	vor.u32 v12, v18  }
0xfd: {  	v21 =	vor.u32 v13, v20;
	_ =	sdelay $0x3  }
0xfe: {  	[tilespmem:v19+s24+$0x0] =	vst.idx.msk $0xffff, v17  }
0xff: {  	v17 =	vld.idx.msk [tilespmem:v21+s23+$0x0], $0xffff  }
0x100: {  	v19 =	vor.u32 v14, v18  }
0x101: {  	v20 =	vor.u32 v15, v20;
	_ =	sdelay $0x3  }
0x102: {  	s28 =	sadd.s32 $0x1, s25;
	[tilespmem:v19+s24+$0x0] =	vst.idx.msk $0xffff, v17  }
0x103: {  	v19 =	vadd.s32 s28, v0;
	v17 =	vld.idx.msk [tilespmem:v20+s23+$0x0], $0xffff  }
0x104: {  	v18 =	vor.u32 v16, v18;
	v20 =	vand.u32 $0x1F, v19  }
0x105: {  	v21 =	vor.u32 v1, v20;
	_ =	sdelay $0x3  }
0x106: {  	[tilespmem:v18+s24+$0x0] =	vst.idx.msk $0xffff, v17;
	v17 =	vshll.u32 v19, $0x7  }
0x107: {  	v18 =	vld.idx.msk [tilespmem:v21+s23+$0x0], $0xffff;
	v17 =	vand.u32 $0xF80, v17  }
0x108: {  	v19 =	vor.u32 v0, v17  }
0x109: {  	v21 =	vor.u32 v3, v20;
	_ =	sdelay $0x3  }
0x10a: {  	[tilespmem:v19+s24+$0x0] =	vst.idx.msk $0xffff, v18  }
0x10b: {  	v18 =	vld.idx.msk [tilespmem:v21+s23+$0x0], $0xffff  }
0x10c: {  	v19 =	vor.u32 v4, v17  }
0x10d: {  	v21 =	vor.u32 v5, v20;
	_ =	sdelay $0x3  }
0x10e: {  	[tilespmem:v19+s24+$0x0] =	vst.idx.msk $0xffff, v18  }
0x10f: {  	v18 =	vld.idx.msk [tilespmem:v21+s23+$0x0], $0xffff  }
0x110: {  	v19 =	vor.u32 v6, v17  }
0x111: {  	v21 =	vor.u32 v7, v20;
	_ =	sdelay $0x3  }
0x112: {  	[tilespmem:v19+s24+$0x0] =	vst.idx.msk $0xffff, v18  }
0x113: {  	v18 =	vld.idx.msk [tilespmem:v21+s23+$0x0], $0xffff  }
0x114: {  	v19 =	vor.u32 v8, v17  }
0x115: {  	v21 =	vor.u32 v9, v20;
	_ =	sdelay $0x3  }
0x116: {  	[tilespmem:v19+s24+$0x0] =	vst.idx.msk $0xffff, v18  }
0x117: {  	v18 =	vld.idx.msk [tilespmem:v21+s23+$0x0], $0xffff  }
0x118: {  	v19 =	vor.u32 v10, v17  }
0x119: {  	v21 =	vor.u32 v11, v20;
	_ =	sdelay $0x3  }
0x11a: {  	[tilespmem:v19+s24+$0x0] =	vst.idx.msk $0xffff, v18  }
0x11b: {  	v18 =	vld.idx.msk [tilespmem:v21+s23+$0x0], $0xffff  }
0x11c: {  	v19 =	vor.u32 v12, v17  }
0x11d: {  	v21 =	vor.u32 v13, v20;
	_ =	sdelay $0x3  }
0x11e: {  	[tilespmem:v19+s24+$0x0] =	vst.idx.msk $0xffff, v18  }
0x11f: {  	v18 =	vld.idx.msk [tilespmem:v21+s23+$0x0], $0xffff  }
0x120: {  	v19 =	vor.u32 v14, v17  }
0x121: {  	v20 =	vor.u32 v15, v20;
	_ =	sdelay $0x3  }
0x122: {  	s28 =	sadd.s32 $0x2, s25;
	[tilespmem:v19+s24+$0x0] =	vst.idx.msk $0xffff, v18  }
0x123: {  	v19 =	vadd.s32 s28, v0;
	v18 =	vld.idx.msk [tilespmem:v20+s23+$0x0], $0xffff  }
0x124: {  	v17 =	vor.u32 v16, v17;
	v20 =	vand.u32 $0x1F, v19  }
0x125: {  	v21 =	vor.u32 v1, v20;
	_ =	sdelay $0x3  }
0x126: {  	[tilespmem:v17+s24+$0x0] =	vst.idx.msk $0xffff, v18;
	v17 =	vshll.u32 v19, $0x7  }
0x127: {  	v18 =	vld.idx.msk [tilespmem:v21+s23+$0x0], $0xffff;
	v17 =	vand.u32 $0xF80, v17  }
0x128: {  	v19 =	vor.u32 v0, v17  }
0x129: {  	v21 =	vor.u32 v3, v20;
	_ =	sdelay $0x3  }
0x12a: {  	[tilespmem:v19+s24+$0x0] =	vst.idx.msk $0xffff, v18  }
0x12b: {  	v18 =	vld.idx.msk [tilespmem:v21+s23+$0x0], $0xffff  }
0x12c: {  	v19 =	vor.u32 v4, v17  }
0x12d: {  	v21 =	vor.u32 v5, v20;
	_ =	sdelay $0x3  }
0x12e: {  	[tilespmem:v19+s24+$0x0] =	vst.idx.msk $0xffff, v18  }
0x12f: {  	v18 =	vld.idx.msk [tilespmem:v21+s23+$0x0], $0xffff  }
0x130: {  	v19 =	vor.u32 v6, v17  }
0x131: {  	v21 =	vor.u32 v7, v20;
	_ =	sdelay $0x3  }
0x132: {  	[tilespmem:v19+s24+$0x0] =	vst.idx.msk $0xffff, v18  }
0x133: {  	v18 =	vld.idx.msk [tilespmem:v21+s23+$0x0], $0xffff  }
0x134: {  	v19 =	vor.u32 v8, v17  }
0x135: {  	v21 =	vor.u32 v9, v20;
	_ =	sdelay $0x3  }
0x136: {  	[tilespmem:v19+s24+$0x0] =	vst.idx.msk $0xffff, v18  }
0x137: {  	v18 =	vld.idx.msk [tilespmem:v21+s23+$0x0], $0xffff  }
0x138: {  	v19 =	vor.u32 v10, v17  }
0x139: {  	v21 =	vor.u32 v11, v20;
	_ =	sdelay $0x3  }
0x13a: {  	[tilespmem:v19+s24+$0x0] =	vst.idx.msk $0xffff, v18  }
0x13b: {  	v18 =	vld.idx.msk [tilespmem:v21+s23+$0x0], $0xffff  }
0x13c: {  	v19 =	vor.u32 v12, v17  }
0x13d: {  	v21 =	vor.u32 v13, v20;
	_ =	sdelay $0x3  }
0x13e: {  	[tilespmem:v19+s24+$0x0] =	vst.idx.msk $0xffff, v18  }
0x13f: {  	v18 =	vld.idx.msk [tilespmem:v21+s23+$0x0], $0xffff  }
0x140: {  	v19 =	vor.u32 v14, v17  }
0x141: {  	v20 =	vor.u32 v15, v20;
	_ =	sdelay $0x3  }
0x142: {  	s28 =	sadd.s32 $0x3, s25;
	s25 =	smov.u32 s26;
	[tilespmem:v19+s24+$0x0] =	vst.idx.msk $0xffff, v18  }
0x143: {  	v19 =	vadd.s32 s28, v0;
	v18 =	vld.idx.msk [tilespmem:v20+s23+$0x0], $0xffff  }
0x144: {  	v17 =	vor.u32 v16, v17;
	v20 =	vand.u32 $0x1F, v19  }
0x145: {  	v21 =	vor.u32 v1, v20;
	_ =	sdelay $0x3  }
0x146: {  	[tilespmem:v17+s24+$0x0] =	vst.idx.msk $0xffff, v18;
	v17 =	vshll.u32 v19, $0x7  }
0x147: {  	v18 =	vld.idx.msk [tilespmem:v21+s23+$0x0], $0xffff;
	v17 =	vand.u32 $0xF80, v17  }
0x148: {  	v19 =	vor.u32 v0, v17  }
0x149: {  	v21 =	vor.u32 v3, v20;
	_ =	sdelay $0x3  }
0x14a: {  	[tilespmem:v19+s24+$0x0] =	vst.idx.msk $0xffff, v18  }
0x14b: {  	v18 =	vld.idx.msk [tilespmem:v21+s23+$0x0], $0xffff  }
0x14c: {  	v19 =	vor.u32 v4, v17  }
0x14d: {  	v21 =	vor.u32 v5, v20;
	_ =	sdelay $0x3  }
0x14e: {  	[tilespmem:v19+s24+$0x0] =	vst.idx.msk $0xffff, v18  }
0x14f: {  	v18 =	vld.idx.msk [tilespmem:v21+s23+$0x0], $0xffff  }
0x150: {  	v19 =	vor.u32 v6, v17  }
0x151: {  	v21 =	vor.u32 v7, v20;
	_ =	sdelay $0x3  }
0x152: {  	[tilespmem:v19+s24+$0x0] =	vst.idx.msk $0xffff, v18  }
0x153: {  	v18 =	vld.idx.msk [tilespmem:v21+s23+$0x0], $0xffff  }
0x154: {  	v19 =	vor.u32 v8, v17  }
0x155: {  	v21 =	vor.u32 v9, v20;
	_ =	sdelay $0x3  }
0x156: {  	[tilespmem:v19+s24+$0x0] =	vst.idx.msk $0xffff, v18  }
0x157: {  	v18 =	vld.idx.msk [tilespmem:v21+s23+$0x0], $0xffff  }
0x158: {  	v19 =	vor.u32 v10, v17  }
0x159: {  	v21 =	vor.u32 v11, v20;
	_ =	sdelay $0x3  }
0x15a: {  	[tilespmem:v19+s24+$0x0] =	vst.idx.msk $0xffff, v18  }
0x15b: {  	v18 =	vld.idx.msk [tilespmem:v21+s23+$0x0], $0xffff  }
0x15c: {  	v19 =	vor.u32 v12, v17  }
0x15d: {  	v21 =	vor.u32 v13, v20;
	_ =	sdelay $0x3  }
0x15e: {  	[tilespmem:v19+s24+$0x0] =	vst.idx.msk $0xffff, v18  }
0x15f: {  	v18 =	vld.idx.msk [tilespmem:v21+s23+$0x0], $0xffff  }
0x160: {  	v19 =	vor.u32 v14, v17  }
0x161: {  	v20 =	vor.u32 v15, v20  }
.Ltmp1:
0x162: {  	(pc) =	sbr.rel @p0 .LBB2_6-.Ltmp1, $3  }
0x163: {  	_ =	sdelay $0x1  }
0x164: {  	[tilespmem:v19+s24+$0x0] =	vst.idx.msk $0xffff, v18  }
0x165: {  	s26 =	sadd.s32 $0x4, s26;
	v18 =	vadd.s32 s25, v0;
	v19 =	vld.idx.msk [tilespmem:v20+s23+$0x0], $0xffff  }
0x166: {  	v20 =	vand.u32 $0x1F, v18;
	v17 =	vor.u32 v16, v17  }
0x167: {  	v21 =	vor.u32 v1, v20;
	_ =	sdelay $0x2  }
0x168: {  	v18 =	vshll.u32 v18, $0x7  }
0x169: {  	[tilespmem:v17+s24+$0x0] =	vst.idx.msk $0xffff, v19;
	v17 =	vand.u32 $0xF80, v18  }
0x16a: {  	v18 =	vld.idx.msk [tilespmem:v21+s23+$0x0], $0xffff;
	v19 =	vor.u32 v0, v17  }
0x16b: {  	v34 =	vor.u32 v3, v20;
	_ =	sdelay $0x3  }
0x16c: {  	[tilespmem:v19+s24+$0x0] =	vst.idx.msk $0xffff, v18  }
0x16d: {  	v19 =	vor.u32 v4, v17;
	v18 =	vld.idx.msk [tilespmem:v34+s23+$0x0], $0xffff  }
0x16e: {  	v35 =	vor.u32 v5, v20;
	_ =	sdelay $0x3  }
0x16f: {  	[tilespmem:v19+s24+$0x0] =	vst.idx.msk $0xffff, v18  }
0x170: {  	v19 =	vor.u32 v6, v17;
	v18 =	vld.idx.msk [tilespmem:v35+s23+$0x0], $0xffff  }
0x171: {  	v36 =	vor.u32 v7, v20;
	_ =	sdelay $0x3  }
0x172: {  	[tilespmem:v19+s24+$0x0] =	vst.idx.msk $0xffff, v18  }
0x173: {  	v19 =	vor.u32 v8, v17;
	v18 =	vld.idx.msk [tilespmem:v36+s23+$0x0], $0xffff  }
0x174: {  	v37 =	vor.u32 v9, v20;
	_ =	sdelay $0x3  }
0x175: {  	[tilespmem:v19+s24+$0x0] =	vst.idx.msk $0xffff, v18  }
0x176: {  	v19 =	vor.u32 v10, v17;
	v18 =	vld.idx.msk [tilespmem:v37+s23+$0x0], $0xffff  }
0x177: {  	v38 =	vor.u32 v11, v20;
	_ =	sdelay $0x3  }
0x178: {  	[tilespmem:v19+s24+$0x0] =	vst.idx.msk $0xffff, v18  }
0x179: {  	v19 =	vor.u32 v12, v17;
	v18 =	vld.idx.msk [tilespmem:v38+s23+$0x0], $0xffff  }
0x17a: {  	v39 =	vor.u32 v13, v20;
	_ =	sdelay $0x3  }
0x17b: {  	[tilespmem:v19+s24+$0x0] =	vst.idx.msk $0xffff, v18  }
0x17c: {  	v19 =	vor.u32 v14, v17;
	v18 =	vld.idx.msk [tilespmem:v39+s23+$0x0], $0xffff  }
0x17d: {  	v20 =	vor.u32 v15, v20;
	_ =	sdelay $0x2  }
0x17e: {  	s26 =	sadd.s32 $0x1, s25  }
0x17f: {  	[tilespmem:v19+s24+$0x0] =	vst.idx.msk $0xffff, v18;
	v18 =	vadd.s32 s26, v0  }
0x180: {  	v17 =	vor.u32 v16, v17;
	v19 =	vld.idx.msk [tilespmem:v20+s23+$0x0], $0xffff;
	v40 =	vand.u32 $0x1F, v18  }
0x181: {  	v41 =	vor.u32 v1, v40;
	_ =	sdelay $0x2  }
0x182: {  	v18 =	vshll.u32 v18, $0x7  }
0x183: {  	[tilespmem:v17+s24+$0x0] =	vst.idx.msk $0xffff, v19;
	v17 =	vand.u32 $0xF80, v18  }
0x184: {  	v18 =	vld.idx.msk [tilespmem:v41+s23+$0x0], $0xffff;
	v19 =	vor.u32 v0, v17  }
0x185: {  	v42 =	vor.u32 v3, v40;
	_ =	sdelay $0x3  }
0x186: {  	[tilespmem:v19+s24+$0x0] =	vst.idx.msk $0xffff, v18  }
0x187: {  	v19 =	vor.u32 v4, v17;
	v18 =	vld.idx.msk [tilespmem:v42+s23+$0x0], $0xffff  }
0x188: {  	v43 =	vor.u32 v5, v40;
	_ =	sdelay $0x3  }
0x189: {  	[tilespmem:v19+s24+$0x0] =	vst.idx.msk $0xffff, v18  }
0x18a: {  	v19 =	vor.u32 v6, v17;
	v18 =	vld.idx.msk [tilespmem:v43+s23+$0x0], $0xffff  }
0x18b: {  	v44 =	vor.u32 v7, v40;
	_ =	sdelay $0x3  }
0x18c: {  	[tilespmem:v19+s24+$0x0] =	vst.idx.msk $0xffff, v18  }
0x18d: {  	v19 =	vor.u32 v8, v17;
	v18 =	vld.idx.msk [tilespmem:v44+s23+$0x0], $0xffff  }
0x18e: {  	v45 =	vor.u32 v9, v40;
	_ =	sdelay $0x3  }
0x18f: {  	[tilespmem:v19+s24+$0x0] =	vst.idx.msk $0xffff, v18  }
0x190: {  	v19 =	vor.u32 v10, v17;
	v18 =	vld.idx.msk [tilespmem:v45+s23+$0x0], $0xffff  }
0x191: {  	v46 =	vor.u32 v11, v40;
	_ =	sdelay $0x3  }
0x192: {  	[tilespmem:v19+s24+$0x0] =	vst.idx.msk $0xffff, v18  }
0x193: {  	v19 =	vor.u32 v12, v17;
	v18 =	vld.idx.msk [tilespmem:v46+s23+$0x0], $0xffff  }
0x194: {  	v47 =	vor.u32 v13, v40;
	_ =	sdelay $0x3  }
0x195: {  	[tilespmem:v19+s24+$0x0] =	vst.idx.msk $0xffff, v18  }
0x196: {  	v19 =	vor.u32 v14, v17;
	v18 =	vld.idx.msk [tilespmem:v47+s23+$0x0], $0xffff  }
0x197: {  	v20 =	vor.u32 v15, v40;
	_ =	sdelay $0x2  }
0x198: {  	s29 =	sadd.s32 $0x2, s25  }
0x199: {  	[tilespmem:v19+s24+$0x0] =	vst.idx.msk $0xffff, v18;
	v18 =	vadd.s32 s29, v0  }
0x19a: {  	v17 =	vor.u32 v16, v17;
	v19 =	vld.idx.msk [tilespmem:v20+s23+$0x0], $0xffff;
	v48 =	vand.u32 $0x1F, v18  }
0x19b: {  	v49 =	vor.u32 v1, v48;
	_ =	sdelay $0x2  }
0x19c: {  	v18 =	vshll.u32 v18, $0x7  }
0x19d: {  	[tilespmem:v17+s24+$0x0] =	vst.idx.msk $0xffff, v19;
	v17 =	vand.u32 $0xF80, v18  }
0x19e: {  	v18 =	vld.idx.msk [tilespmem:v49+s23+$0x0], $0xffff;
	v19 =	vor.u32 v0, v17  }
0x19f: {  	v50 =	vor.u32 v3, v48;
	_ =	sdelay $0x3  }
0x1a0: {  	[tilespmem:v19+s24+$0x0] =	vst.idx.msk $0xffff, v18  }
0x1a1: {  	v19 =	vor.u32 v4, v17;
	v18 =	vld.idx.msk [tilespmem:v50+s23+$0x0], $0xffff  }
0x1a2: {  	v51 =	vor.u32 v5, v48;
	_ =	sdelay $0x3  }
0x1a3: {  	[tilespmem:v19+s24+$0x0] =	vst.idx.msk $0xffff, v18  }
0x1a4: {  	v19 =	vor.u32 v6, v17;
	v18 =	vld.idx.msk [tilespmem:v51+s23+$0x0], $0xffff  }
0x1a5: {  	v52 =	vor.u32 v7, v48;
	_ =	sdelay $0x3  }
0x1a6: {  	[tilespmem:v19+s24+$0x0] =	vst.idx.msk $0xffff, v18  }
0x1a7: {  	v19 =	vor.u32 v8, v17;
	v18 =	vld.idx.msk [tilespmem:v52+s23+$0x0], $0xffff  }
0x1a8: {  	v53 =	vor.u32 v9, v48;
	_ =	sdelay $0x3  }
0x1a9: {  	[tilespmem:v19+s24+$0x0] =	vst.idx.msk $0xffff, v18  }
0x1aa: {  	v19 =	vor.u32 v10, v17;
	v18 =	vld.idx.msk [tilespmem:v53+s23+$0x0], $0xffff  }
0x1ab: {  	v54 =	vor.u32 v11, v48;
	_ =	sdelay $0x3  }
0x1ac: {  	[tilespmem:v19+s24+$0x0] =	vst.idx.msk $0xffff, v18  }
0x1ad: {  	v19 =	vor.u32 v12, v17;
	v18 =	vld.idx.msk [tilespmem:v54+s23+$0x0], $0xffff  }
0x1ae: {  	v55 =	vor.u32 v13, v48;
	_ =	sdelay $0x3  }
0x1af: {  	[tilespmem:v19+s24+$0x0] =	vst.idx.msk $0xffff, v18  }
0x1b0: {  	v19 =	vor.u32 v14, v17;
	v18 =	vld.idx.msk [tilespmem:v55+s23+$0x0], $0xffff  }
0x1b1: {  	v20 =	vor.u32 v15, v48;
	_ =	sdelay $0x2  }
0x1b2: {  	s30 =	sadd.s32 $0x3, s25  }
0x1b3: {  	[tilespmem:v19+s24+$0x0] =	vst.idx.msk $0xffff, v18;
	v18 =	vadd.s32 s30, v0  }
0x1b4: {  	v17 =	vor.u32 v16, v17;
	v19 =	vld.idx.msk [tilespmem:v20+s23+$0x0], $0xffff;
	v56 =	vand.u32 $0x1F, v18  }
0x1b5: {  	v57 =	vor.u32 v1, v56;
	_ =	sdelay $0x2  }
0x1b6: {  	v18 =	vshll.u32 v18, $0x7  }
0x1b7: {  	[tilespmem:v17+s24+$0x0] =	vst.idx.msk $0xffff, v19;
	v17 =	vand.u32 $0xF80, v18  }
0x1b8: {  	v18 =	vld.idx.msk [tilespmem:v57+s23+$0x0], $0xffff;
	v19 =	vor.u32 v0, v17  }
0x1b9: {  	v58 =	vor.u32 v3, v56;
	_ =	sdelay $0x3  }
0x1ba: {  	[tilespmem:v19+s24+$0x0] =	vst.idx.msk $0xffff, v18  }
0x1bb: {  	v19 =	vor.u32 v4, v17;
	v18 =	vld.idx.msk [tilespmem:v58+s23+$0x0], $0xffff  }
0x1bc: {  	v59 =	vor.u32 v5, v56;
	_ =	sdelay $0x3  }
0x1bd: {  	[tilespmem:v19+s24+$0x0] =	vst.idx.msk $0xffff, v18  }
0x1be: {  	v19 =	vor.u32 v6, v17;
	v18 =	vld.idx.msk [tilespmem:v59+s23+$0x0], $0xffff  }
0x1bf: {  	v60 =	vor.u32 v7, v56;
	_ =	sdelay $0x3  }
0x1c0: {  	[tilespmem:v19+s24+$0x0] =	vst.idx.msk $0xffff, v18  }
0x1c1: {  	v19 =	vor.u32 v8, v17;
	v18 =	vld.idx.msk [tilespmem:v60+s23+$0x0], $0xffff  }
0x1c2: {  	v61 =	vor.u32 v9, v56;
	_ =	sdelay $0x3  }
0x1c3: {  	[tilespmem:v19+s24+$0x0] =	vst.idx.msk $0xffff, v18  }
0x1c4: {  	v19 =	vor.u32 v10, v17;
	v18 =	vld.idx.msk [tilespmem:v61+s23+$0x0], $0xffff  }
0x1c5: {  	v62 =	vor.u32 v11, v56;
	_ =	sdelay $0x3  }
0x1c6: {  	[tilespmem:v19+s24+$0x0] =	vst.idx.msk $0xffff, v18  }
0x1c7: {  	v19 =	vor.u32 v12, v17;
	v18 =	vld.idx.msk [tilespmem:v62+s23+$0x0], $0xffff  }
0x1c8: {  	v63 =	vor.u32 v13, v56;
	_ =	sdelay $0x3  }
0x1c9: {  	[tilespmem:v19+s24+$0x0] =	vst.idx.msk $0xffff, v18  }
0x1ca: {  	v19 =	vor.u32 v14, v17;
	v18 =	vld.idx.msk [tilespmem:v63+s23+$0x0], $0xffff  }
0x1cb: {  	v20 =	vor.u32 v15, v56;
	_ =	sdelay $0x3  }
0x1cc: {  	[tilespmem:v19+s24+$0x0] =	vst.idx.msk $0xffff, v18  }
0x1cd: {  	s31 =	sshll.u32 s22, $0x10;
	s22 =	sadd.s32 $0x1, s22;
	v17 =	vor.u32 v16, v17;
	v18 =	vld.idx.msk [tilespmem:v20+s23+$0x0], $0xffff  }
0x1ce: {  	p0 =	sne.s32 s22, $0x32  }
.Ltmp2:
0x1cf: {  	_ = 	snop;
	(pc) =	sbr.rel @p0 .LBB2_5-.Ltmp2, $3  }
0x1d0: {  	_ =	sdelay $0x1  }
0x1d1: {  	s23 =	sadd.s32 s31, s20;
	[tilespmem:v17+s24+$0x0] =	vst.idx.msk $0xffff, v18  }
0x1d2: {  	[hbm4b:s23+s15] =	stream.strided.scatter [tilespmem:s24], [sflag:$0x2], $0x1000, s16, s15, $0x38;
	[tilespmem:$0x8200] =	vst v63  }
0x1d3: {  	s19 =	sadd.s32 $0x1, s19  }
0x1d4: {  	_ =	swait.ge [sflag:s17], $0x1000;
	p0 =	sne.s32 s19, $0x4  }
.Ltmp3:
0x1d5: {  	[sflag:s17] =	ssyncset.done $0x0;
	(pc) =	sbr.rel @p0 .LBB2_2-.Ltmp3, $4  }
0x1d6: {  	[sflag:s17] =	ssyncadd.s32 $0xFFFFF000  }
0x1d7: {  	_ =	swait.ge [sflag:s17], $0x1000  }
0x1d8: {  	[sflag:s17] =	ssyncset.done $0x0  }
0x1d9: {  	[sflag:s17] =	ssyncadd.s32 $0xFFFFF000  }
0x1da: {  	s18 =	sadd.s32 $0x1, s18  }
0x1db: {  	p0 =	sne.s32 s18, s7  }
.Ltmp4:
0x1dc: {  	_ = 	snop;
	(pc) =	sbr.rel @p0 .LBB2_1-.Ltmp4, $1  }
0x1dd: {  	_ =	sdelay $0x3  }
0x1de: {  	_ =	sfence.sel $0x180000  }
0x1df: {  	[bflag:$0x0] =	sbarrier.arrive $0xFFFF  }
0x1e0: {  	p0 =	sne.s32 s3, $0x0;
	_ =	strace $0x9000004A  }
0x1e1: {  	s0 =	sadd.s32 @!p0 $0x100000, s0;
	[bflag:$0x2] =	sbarrier.arrive $0xFFFF  }
0x1e2: {  	[sflag:s0] =	ssyncadd.tile.s32 @!p0 $0x1;
	_ =	shalt  }
.Lfunc_end2:
_tile_overlayer_lowered:
.L_overlay_start_2:
0x1e3: {  	(tag) =	ssettag $0x2  }
0x1e4: {  	s0 =	rddreg [dreg:$0x0];
	s2 =	stileid.u32  }
0x1e5: {  	s1 =	rddreg [dreg:$0x1];
	p0 =	sne.s32 s2, $0x0  }
0x1e6: {  	s3 =	rddreg [dreg:$0x2];
	[bflag:$0x3] =	sbarrier.arrive $0xFFFF;
	s2 =	simm.s32 @!p0 $0x1C03  }
0x1e7: {  	[timem:s3], [sflag:s2] =	dma.local @!p0 [hbm:s0], s1  }
0x1e8: {  	s0 =	simm.s32 @!p0 $0x3  }
0x1e9: {  	_ =	swait.ge @!p0 [sflag:s0], s1  }
0x1ea: {  	s1 =	ssub.s32 @!p0 $0x0, s1;
	[sflag:s0] =	ssyncset.done @!p0 $0x0  }
0x1eb: {  	[sflag:s0] =	ssyncadd.s32 @!p0 s1  }
0x1ec: {  	[bflag:$0x3] =	sbarrier.arrive $0xFFFF  }
0x1ed: {  	_ =	shalt  }

</sc_bundles>
